<compile_context>
chip_gen: v7x
topology: tpu7x:2x2x1
jax: 0.10.2.dev20260603
libtpu: 0.0.44.dev20260713+nightly
codegen_flags: <defaults>
</compile_context>

<pallas_src>
import functools

import jax
import jax.numpy as jnp
from jax import lax
from jax.experimental import pallas as pl
from jax.experimental.pallas import tpu as pltpu
from jax.experimental.pallas import tpu_sc as plsc

N = 8192
ROWS = 4096
WPR = 2048
NC, NS, L = 2, 16, 16
NTILES = NC * NS
RPT = ROWS // NTILES
CH = 8
NCH = RPT // CH
CW = 128
HBINS = 8320
DUMP = HBINS - 1
SLICE = HBINS // NS
OUTB = N // NS
WBC = 64
WEIGHT = 0.999

_mesh = plsc.VectorSubcoreMesh(core_axis_name="c", subcore_axis_name="s")


@functools.partial(
    pl.kernel,
    out_type=jax.ShapeDtypeStruct((NC * N,), jnp.float32),
    mesh=_mesh,
    compiler_params=pltpu.CompilerParams(use_tc_tiling_on_sc=True),
    scratch_types=[
        pltpu.VMEM((CH, WPR), jnp.int32),
        pltpu.VMEM((CH, WPR), jnp.int32),
        pltpu.VMEM((RPT, CW), jnp.float32),
        pltpu.VMEM((RPT,), jnp.int32),
        pltpu.VMEM((2 * L,), jnp.int32),
        pltpu.VMEM((WBC, CW), jnp.float32),
        pltpu.VMEM((OUTB,), jnp.float32),
        pltpu.VMEM_SHARED((HBINS, CW), jnp.float32),
        pltpu.SemaphoreType.DMA,
        pltpu.SemaphoreType.DMA,
    ],
)
def _sc_hist(m_hbm, zeros_hbm, ones_hbm, out_hbm,
             buf0, buf1, ones_v, idx_v, fold_v, wb_v, res_v, counts_sh,
             sem0, sem1):
    cid = lax.axis_index("c")
    sid = lax.axis_index("s")
    wid = cid * NS + sid
    row0 = wid * RPT

    pltpu.sync_copy(zeros_hbm.at[pl.ds(sid * SLICE, SLICE)],
                    counts_sh.at[pl.ds(sid * SLICE, SLICE)])
    pltpu.sync_copy(ones_hbm, ones_v)
    fold_v[pl.ds(L, L)] = jnp.zeros((L,), jnp.int32)

    bufs = (buf0, buf1)
    sems = (sem0, sem1)
    copies = [None, None]
    copies[0] = pltpu.async_copy(m_hbm.at[pl.ds(row0, CH)], buf0, sem0)
    mask_lo = jnp.int32(0x00FF00FF)
    lane = lax.broadcasted_iota(jnp.int32, (L,), 0)

    for c in range(NCH):
        cur_i = c % 2
        copies[cur_i].wait()
        if c + 1 < NCH:
            nxt = (c + 1) % 2
            copies[nxt] = pltpu.async_copy(
                m_hbm.at[pl.ds(row0 + (c + 1) * CH, CH)], bufs[nxt],
                sems[nxt])
        buf = bufs[cur_i]
        half = c % 2

        def row_body(rr, lv, buf=buf, half=half):
            def vec_body(j, accs):
                a0, a1, a2, a3 = accs
                base = j * (4 * L)
                return (a0 + buf[rr, pl.ds(base, L)],
                        a1 + buf[rr, pl.ds(base + L, L)],
                        a2 + buf[rr, pl.ds(base + 2 * L, L)],
                        a3 + buf[rr, pl.ds(base + 3 * L, L)])

            z = jnp.zeros((L,), jnp.int32)
            a0, a1, a2, a3 = lax.fori_loop(0, WPR // (4 * L), vec_body,
                                           (z, z, z, z), unroll=4)
            acc = (a0 + a1) + (a2 + a3)
            s = (acc & mask_lo) + (lax.shift_right_logical(acc, 8) & mask_lo)
            cur = (s & 0xFFFF) + lax.shift_right_logical(s, 16)
            for sh in (8, 4, 2):
                fold_v[pl.ds(0, L)] = cur
                cur = cur + fold_v[pl.ds(sh, L)]
            total = cur[0] + cur[1]
            return jnp.where(lane == rr + half * CH, total, lv)

        init = jnp.zeros((L,), jnp.int32) if half == 0 else lv_carry
        lv_carry = lax.fori_loop(0, CH, row_body, init)
        if half == 1:
            idx_v[pl.ds((c // 2) * L, L)] = jnp.where(
                lv_carry == 0, DUMP, lv_carry - 1)

    plsc.subcore_barrier()
    pltpu.sync_copy(ones_v, counts_sh.at[idx_v], add=True)
    plsc.subcore_barrier()

    for q in range(OUTB // WBC):
        pltpu.sync_copy(
            counts_sh.at[pl.ds(sid * OUTB + q * WBC, WBC)], wb_v)

        def group_body(g, _, q=q):
            def pick_body(k, v):
                row = wb_v[g * L + k, pl.ds(0, L)]
                return jnp.where(lane == k, row[0], v)
            v = lax.fori_loop(0, L, pick_body, jnp.zeros((L,), jnp.float32))
            res_v[pl.ds(q * WBC + g * L, L)] = v
            return 0

        lax.fori_loop(0, WBC // L, group_body, 0)

    pltpu.sync_copy(res_v, out_hbm.at[pl.ds(cid * N + sid * OUTB, OUTB)])


def _blend_kernel(parts_ref, p_ref, out_ref):
    c = parts_ref[pl.ds(0, N)] + parts_ref[pl.ds(N, N)]
    out_ref[...] = WEIGHT * p_ref[...] + ((1.0 - WEIGHT) / ROWS) * c


def kernel(mask, n_elements_prob):
    m32 = mask.view(jnp.int32)
    zeros = jnp.zeros((HBINS, CW), jnp.float32)
    ones = jnp.ones((RPT, CW), jnp.float32)
    parts = _sc_hist(m32, zeros, ones)
    out = pl.pallas_call(
        _blend_kernel,
        in_specs=[
            pl.BlockSpec((NC * N,), lambda: (0,)),
            pl.BlockSpec((N,), lambda: (0,)),
        ],
        out_specs=pl.BlockSpec((N,), lambda: (0,)),
        out_shape=jax.ShapeDtypeStruct((N,), jnp.float32),
    )(parts, n_elements_prob)
    return out

# --- scband reference (transcript-rebuilt; emitter-appended) ---
"""Pipeline reference for scband-seq-length-distribution-15650860827277 (READ-ONLY COPY).

The authoritative reference and input builder live on the scoring server;
editing this copy changes nothing except your own understanding.
"""

import jax, jax.numpy as jnp
import numpy as np

MAX_SEQ_LENGTH = 8192
WEIGHT = 0.999

def setup_inputs(seed: int = 0) -> dict:
    key = jax.random.key(seed)
    k1, k2 = jax.random.split(key)
    mask = jax.random.bernoulli(k1, 0.5, (4096, MAX_SEQ_LENGTH))
    n_elements_prob = jnp.full((MAX_SEQ_LENGTH,), 1.0 / MAX_SEQ_LENGTH, dtype=jnp.float32)
    return {"mask": mask, "n_elements_prob": n_elements_prob}

def reference(mask, n_elements_prob):
    N = MAX_SEQ_LENGTH
    lengths = mask.astype(jnp.int32).sum(axis=1)
    counts = jnp.bincount(lengths, minlength=N + 1, length=N + 1)
    batch_prob = counts[1:].astype(jnp.float32) / mask.shape[0]
    new_prob = WEIGHT * n_elements_prob + (1.0 - WEIGHT) * batch_prob
    return new_prob

if __name__ == "__main__":
    import jax
    _d = setup_inputs()
    print(jax.jit(kernel)(*tuple(_d.values())))

</pallas_src>

<mosaic_0001>
#map = affine_map<(d0, d1) -> (0, 0)>
#map1 = affine_map<(d0, d1) -> (0)>
module attributes {stable_mosaic.version = 14 : i64} {
  func.func @_sc_hist(%arg0: i32, %arg1: i32, %arg2: memref<4096x2048xi32, #tpu.memory_space<hbm>>, %arg3: memref<8320x128xf32, #tpu.memory_space<hbm>>, %arg4: memref<128x128xf32, #tpu.memory_space<hbm>>, %arg5: memref<16384xf32, #tpu.memory_space<hbm>>, %arg6: memref<8x2048xi32, #tpu.memory_space<vmem>>, %arg7: memref<8x2048xi32, #tpu.memory_space<vmem>>, %arg8: memref<128x128xf32, #tpu.memory_space<vmem>>, %arg9: memref<128xi32, #tpu.memory_space<vmem>>, %arg10: memref<32xi32, #tpu.memory_space<vmem>>, %arg11: memref<64x128xf32, #tpu.memory_space<vmem>>, %arg12: memref<512xf32, #tpu.memory_space<vmem>>, %arg13: memref<8320x128xf32, #tpu.memory_space<vmem_shared>>, %arg14: memref<!tpu.dma_semaphore, #tpu.memory_space<semaphore_mem>>, %arg15: memref<!tpu.dma_semaphore, #tpu.memory_space<semaphore_mem>>) attributes {dimension_semantics = [#tpu.dimension_semantics<core_parallel>, #tpu.dimension_semantics<subcore_parallel>], iteration_bounds = array<i64: 2, 16>, scalar_prefetch = 0 : i64, scratch_operands = 10 : i64, tpu.core_type = #tpu.core_type<sc_vector_subcore>, window_params = [{transform_indices = #map}, {transform_indices = #map}, {transform_indices = #map}, {transform_indices = #map1}]} {
    %mul3A = arith.constant 16 : i32
    %mul3A_0 = arith.muli %arg0, %mul3A : i32
    %add3A = arith.addi %mul3A_0, %arg1 : i32
    %mul3A_1 = arith.constant 128 : i32
    %mul3A_2 = arith.muli %add3A, %mul3A_1 : i32
    %mul3A_3 = arith.constant 520 : i32
    %mul3A_4 = arith.muli %arg1, %mul3A_3 : i32
    %mul3A_5 = arith.constant 520 : i32
    %mul3A_6 = arith.muli %arg1, %mul3A_5 : i32
    "tpu.region"() ({
      %run_scoped3A = tpu.sem_alloc : memref<!tpu.dma_semaphore, #tpu.memory_space<semaphore_mem>>
      %dma_start3A_488 = arith.constant 0 : i32
      %dma_start3A_489 = tpu.memref_slice %arg13[%mul3A_6, %dma_start3A_488] : memref<8320x128xf32, #tpu.memory_space<vmem_shared>> -> memref<520x128xf32, #tpu.memory_space<vmem_shared>>
      %dma_start3A_490 = arith.constant 0 : i32
      %dma_start3A_491 = tpu.memref_slice %arg3[%mul3A_4, %dma_start3A_490] : memref<8320x128xf32, #tpu.memory_space<hbm>> -> memref<520x128xf32, #tpu.memory_space<hbm>>
      tpu.enqueue_dma source(%dma_start3A_491 : memref<520x128xf32, #tpu.memory_space<hbm>>) target(%dma_start3A_489 : memref<520x128xf32, #tpu.memory_space<vmem_shared>>) target_semaphore(%run_scoped3A : memref<!tpu.dma_semaphore, #tpu.memory_space<semaphore_mem>>)
      %dma_wait3A_492 = arith.constant 0 : i32
      %dma_wait3A_493 = tpu.memref_slice %arg13[%mul3A_6, %dma_wait3A_492] : memref<8320x128xf32, #tpu.memory_space<vmem_shared>> -> memref<520x128xf32, #tpu.memory_space<vmem_shared>>
      %dma_wait3A_494 = arith.constant 0 : i32
      %dma_wait3A_495 = tpu.memref_slice %arg3[%mul3A_4, %dma_wait3A_494] : memref<8320x128xf32, #tpu.memory_space<hbm>> -> memref<520x128xf32, #tpu.memory_space<hbm>>
      tpu.wait_dma2 semaphore(%run_scoped3A : memref<!tpu.dma_semaphore, #tpu.memory_space<semaphore_mem>>) src(%dma_wait3A_495 : memref<520x128xf32, #tpu.memory_space<hbm>>) dst(%dma_wait3A_493 : memref<520x128xf32, #tpu.memory_space<vmem_shared>>)
      tpu.yield
    }) : () -> ()
    "tpu.region"() ({
      %run_scoped3A = tpu.sem_alloc : memref<!tpu.dma_semaphore, #tpu.memory_space<semaphore_mem>>
      tpu.enqueue_dma source(%arg4 : memref<128x128xf32, #tpu.memory_space<hbm>>) target(%arg8 : memref<128x128xf32, #tpu.memory_space<vmem>>) target_semaphore(%run_scoped3A : memref<!tpu.dma_semaphore, #tpu.memory_space<semaphore_mem>>)
      tpu.wait_dma2 semaphore(%run_scoped3A : memref<!tpu.dma_semaphore, #tpu.memory_space<semaphore_mem>>) src(%arg4 : memref<128x128xf32, #tpu.memory_space<hbm>>) dst(%arg8 : memref<128x128xf32, #tpu.memory_space<vmem>>)
      tpu.yield
    }) : () -> ()
    %broadcast_in_dim3A = arith.constant 0 : i32
    %broadcast_in_dim3A_7 = vector.broadcast %broadcast_in_dim3A : i32 to vector<16xi32>
    %swap3A = arith.constant 16 : index
    %swap3A_8 = tpu.vector_load %arg10[%swap3A] {strides = array<i32>} : memref<32xi32, #tpu.memory_space<vmem>>, vector<16xi32>,
    %swap3A_9 = vector.shape_cast %swap3A_8 : vector<16xi32> to vector<16xi32>
    %swap3A_10 = vector.shape_cast %broadcast_in_dim3A_7 : vector<16xi32> to vector<16xi32>
    tpu.vector_store %arg10[%swap3A], %swap3A_10 {strides = array<i32>} : memref<32xi32, #tpu.memory_space<vmem>>, vector<16xi32>,
    %dma_start3A = arith.constant 0 : i32
    %dma_start3A_11 = tpu.memref_slice %arg2[%mul3A_2, %dma_start3A] : memref<4096x2048xi32, #tpu.memory_space<hbm>> -> memref<8x2048xi32, #tpu.memory_space<hbm>>
    %dma_start3A_12 = arith.constant 0 : i32
    %dma_start3A_13 = tpu.memref_slice %arg2[%mul3A_2, %dma_start3A_12] : memref<4096x2048xi32, #tpu.memory_space<hbm>> -> memref<8x2048xi32, #tpu.memory_space<hbm>>
    tpu.enqueue_dma source(%dma_start3A_13 : memref<8x2048xi32, #tpu.memory_space<hbm>>) target(%arg6 : memref<8x2048xi32, #tpu.memory_space<vmem>>) target_semaphore(%arg14 : memref<!tpu.dma_semaphore, #tpu.memory_space<semaphore_mem>>)
    %iota3A = tpu.iota {dimensions = array<i32: 0>} : vector<16xi32>
    %dma_wait3A = arith.constant 0 : i32
    %dma_wait3A_14 = tpu.memref_slice %arg2[%mul3A_2, %dma_wait3A] : memref<4096x2048xi32, #tpu.memory_space<hbm>> -> memref<8x2048xi32, #tpu.memory_space<hbm>>
    %dma_wait3A_15 = arith.constant 0 : i32
    %dma_wait3A_16 = tpu.memref_slice %arg2[%mul3A_2, %dma_wait3A_15] : memref<4096x2048xi32, #tpu.memory_space<hbm>> -> memref<8x2048xi32, #tpu.memory_space<hbm>>
    tpu.wait_dma2 semaphore(%arg14 : memref<!tpu.dma_semaphore, #tpu.memory_space<semaphore_mem>>) src(%dma_wait3A_16 : memref<8x2048xi32, #tpu.memory_space<hbm>>) dst(%arg6 : memref<8x2048xi32, #tpu.memory_space<vmem>>)
    %add3A_17 = arith.constant 8 : i32
    %add3A_18 = arith.addi %mul3A_2, %add3A_17 : i32
    %dma_start3A_19 = arith.constant 0 : i32
    %dma_start3A_20 = tpu.memref_slice %arg2[%add3A_18, %dma_start3A_19] : memref<4096x2048xi32, #tpu.memory_space<hbm>> -> memref<8x2048xi32, #tpu.memory_space<hbm>>
    %dma_start3A_21 = arith.constant 0 : i32
    %dma_start3A_22 = tpu.memref_slice %arg2[%add3A_18, %dma_start3A_21] : memref<4096x2048xi32, #tpu.memory_space<hbm>> -> memref<8x2048xi32, #tpu.memory_space<hbm>>
    tpu.enqueue_dma source(%dma_start3A_22 : memref<8x2048xi32, #tpu.memory_space<hbm>>) target(%arg7 : memref<8x2048xi32, #tpu.memory_space<vmem>>) target_semaphore(%arg15 : memref<!tpu.dma_semaphore, #tpu.memory_space<semaphore_mem>>)
    %broadcast_in_dim3A_23 = arith.constant 0 : i32
    %broadcast_in_dim3A_24 = vector.broadcast %broadcast_in_dim3A_23 : i32 to vector<16xi32>
    %scan3A = arith.constant 16711935 : i32
    %scan3A_25 = arith.constant 0 : i32
    %scan3A_26 = arith.constant 8 : i32
    %scan3A_27 = arith.addi %scan3A_25, %scan3A_26 : i32
    %scan3A_28 = arith.constant 1 : i32
    %scan3A_29 = scf.for %scan3A_488 = %scan3A_25 to %scan3A_27 step %scan3A_28 iter_args(%scan3A_489 = %broadcast_in_dim3A_24) -> (vector<16xi32>)  : i32 {
      %broadcast_in_dim3A_490 = arith.constant 0 : i32
      %broadcast_in_dim3A_491 = vector.broadcast %broadcast_in_dim3A_490 : i32 to vector<16xi32>
      %scan3A_492 = arith.constant 0 : i32
      %scan3A_493 = arith.constant 32 : i32
      %scan3A_494 = arith.addi %scan3A_492, %scan3A_493 : i32
      %scan3A_495 = arith.constant 4 : i32
      %scan3A_496:4 = scf.for %scan3A_546 = %scan3A_492 to %scan3A_494 step %scan3A_495 iter_args(%scan3A_547 = %broadcast_in_dim3A_491, %scan3A_548 = %broadcast_in_dim3A_491, %scan3A_549 = %broadcast_in_dim3A_491, %scan3A_550 = %broadcast_in_dim3A_491) -> (vector<16xi32>, vector<16xi32>, vector<16xi32>, vector<16xi32>)  : i32 {
        %mul3A_551 = arith.constant 64 : i32
        %mul3A_552 = arith.muli %scan3A_546, %mul3A_551 : i32
        %get3A_553 = arith.index_cast %scan3A_488 : i32 to index
        %get3A_554 = arith.index_cast %mul3A_552 : i32 to index
        %get3A_555 = tpu.vector_load %arg6[%get3A_553, %get3A_554] {strides = array<i32>} : memref<8x2048xi32, #tpu.memory_space<vmem>>, vector<1x16xi32>,
        %get3A_556 = vector.shape_cast %get3A_555 : vector<1x16xi32> to vector<16xi32>
        %add3A_557 = arith.addi %scan3A_547, %get3A_556 : vector<16xi32>
        %add3A_558 = arith.constant 16 : i32
        %add3A_559 = arith.addi %mul3A_552, %add3A_558 : i32
        %get3A_560 = arith.index_cast %scan3A_488 : i32 to index
        %get3A_561 = arith.index_cast %add3A_559 : i32 to index
        %get3A_562 = tpu.vector_load %arg6[%get3A_560, %get3A_561] {strides = array<i32>} : memref<8x2048xi32, #tpu.memory_space<vmem>>, vector<1x16xi32>,
        %get3A_563 = vector.shape_cast %get3A_562 : vector<1x16xi32> to vector<16xi32>
        %add3A_564 = arith.addi %scan3A_548, %get3A_563 : vector<16xi32>
        %add3A_565 = arith.constant 32 : i32
        %add3A_566 = arith.addi %mul3A_552, %add3A_565 : i32
        %get3A_567 = arith.index_cast %scan3A_488 : i32 to index
        %get3A_568 = arith.index_cast %add3A_566 : i32 to index
        %get3A_569 = tpu.vector_load %arg6[%get3A_567, %get3A_568] {strides = array<i32>} : memref<8x2048xi32, #tpu.memory_space<vmem>>, vector<1x16xi32>,
        %get3A_570 = vector.shape_cast %get3A_569 : vector<1x16xi32> to vector<16xi32>
        %add3A_571 = arith.addi %scan3A_549, %get3A_570 : vector<16xi32>
        %add3A_572 = arith.constant 48 : i32
        %add3A_573 = arith.addi %mul3A_552, %add3A_572 : i32
        %get3A_574 = arith.index_cast %scan3A_488 : i32 to index
        %get3A_575 = arith.index_cast %add3A_573 : i32 to index
        %get3A_576 = tpu.vector_load %arg6[%get3A_574, %get3A_575] {strides = array<i32>} : memref<8x2048xi32, #tpu.memory_space<vmem>>, vector<1x16xi32>,
        %get3A_577 = vector.shape_cast %get3A_576 : vector<1x16xi32> to vector<16xi32>
        %add3A_578 = arith.addi %scan3A_550, %get3A_577 : vector<16xi32>
        %scan3A_579 = arith.constant 1 : i32
        %scan3A_580 = arith.addi %scan3A_546, %scan3A_579 : i32
        %mul3A_581 = arith.constant 64 : i32
        %mul3A_582 = arith.muli %scan3A_580, %mul3A_581 : i32
        %get3A_583 = arith.index_cast %scan3A_488 : i32 to index
        %get3A_584 = arith.index_cast %mul3A_582 : i32 to index
        %get3A_585 = tpu.vector_load %arg6[%get3A_583, %get3A_584] {strides = array<i32>} : memref<8x2048xi32, #tpu.memory_space<vmem>>, vector<1x16xi32>,
        %get3A_586 = vector.shape_cast %get3A_585 : vector<1x16xi32> to vector<16xi32>
        %add3A_587 = arith.addi %add3A_557, %get3A_586 : vector<16xi32>
        %add3A_588 = arith.constant 16 : i32
        %add3A_589 = arith.addi %mul3A_582, %add3A_588 : i32
        %get3A_590 = arith.index_cast %scan3A_488 : i32 to index
        %get3A_591 = arith.index_cast %add3A_589 : i32 to index
        %get3A_592 = tpu.vector_load %arg6[%get3A_590, %get3A_591] {strides = array<i32>} : memref<8x2048xi32, #tpu.memory_space<vmem>>, vector<1x16xi32>,
        %get3A_593 = vector.shape_cast %get3A_592 : vector<1x16xi32> to vector<16xi32>
        %add3A_594 = arith.addi %add3A_564, %get3A_593 : vector<16xi32>
        %add3A_595 = arith.constant 32 : i32
        %add3A_596 = arith.addi %mul3A_582, %add3A_595 : i32
        %get3A_597 = arith.index_cast %scan3A_488 : i32 to index
        %get3A_598 = arith.index_cast %add3A_596 : i32 to index
        %get3A_599 = tpu.vector_load %arg6[%get3A_597, %get3A_598] {strides = array<i32>} : memref<8x2048xi32, #tpu.memory_space<vmem>>, vector<1x16xi32>,
        %get3A_600 = vector.shape_cast %get3A_599 : vector<1x16xi32> to vector<16xi32>
        %add3A_601 = arith.addi %add3A_571, %get3A_600 : vector<16xi32>
        %add3A_602 = arith.constant 48 : i32
        %add3A_603 = arith.addi %mul3A_582, %add3A_602 : i32
        %get3A_604 = arith.index_cast %scan3A_488 : i32 to index
        %get3A_605 = arith.index_cast %add3A_603 : i32 to index
        %get3A_606 = tpu.vector_load %arg6[%get3A_604, %get3A_605] {strides = array<i32>} : memref<8x2048xi32, #tpu.memory_space<vmem>>, vector<1x16xi32>,
        %get3A_607 = vector.shape_cast %get3A_606 : vector<1x16xi32> to vector<16xi32>
        %add3A_608 = arith.addi %add3A_578, %get3A_607 : vector<16xi32>
        %scan3A_609 = arith.constant 2 : i32
        %scan3A_610 = arith.addi %scan3A_546, %scan3A_609 : i32
        %mul3A_611 = arith.constant 64 : i32
        %mul3A_612 = arith.muli %scan3A_610, %mul3A_611 : i32
        %get3A_613 = arith.index_cast %scan3A_488 : i32 to index
        %get3A_614 = arith.index_cast %mul3A_612 : i32 to index
        %get3A_615 = tpu.vector_load %arg6[%get3A_613, %get3A_614] {strides = array<i32>} : memref<8x2048xi32, #tpu.memory_space<vmem>>, vector<1x16xi32>,
        %get3A_616 = vector.shape_cast %get3A_615 : vector<1x16xi32> to vector<16xi32>
        %add3A_617 = arith.addi %add3A_587, %get3A_616 : vector<16xi32>
        %add3A_618 = arith.constant 16 : i32
        %add3A_619 = arith.addi %mul3A_612, %add3A_618 : i32
        %get3A_620 = arith.index_cast %scan3A_488 : i32 to index
        %get3A_621 = arith.index_cast %add3A_619 : i32 to index
        %get3A_622 = tpu.vector_load %arg6[%get3A_620, %get3A_621] {strides = array<i32>} : memref<8x2048xi32, #tpu.memory_space<vmem>>, vector<1x16xi32>,
        %get3A_623 = vector.shape_cast %get3A_622 : vector<1x16xi32> to vector<16xi32>
        %add3A_624 = arith.addi %add3A_594, %get3A_623 : vector<16xi32>
        %add3A_625 = arith.constant 32 : i32
        %add3A_626 = arith.addi %mul3A_612, %add3A_625 : i32
        %get3A_627 = arith.index_cast %scan3A_488 : i32 to index
        %get3A_628 = arith.index_cast %add3A_626 : i32 to index
        %get3A_629 = tpu.vector_load %arg6[%get3A_627, %get3A_628] {strides = array<i32>} : memref<8x2048xi32, #tpu.memory_space<vmem>>, vector<1x16xi32>,
        %get3A_630 = vector.shape_cast %get3A_629 : vector<1x16xi32> to vector<16xi32>
        %add3A_631 = arith.addi %add3A_601, %get3A_630 : vector<16xi32>
        %add3A_632 = arith.constant 48 : i32
        %add3A_633 = arith.addi %mul3A_612, %add3A_632 : i32
        %get3A_634 = arith.index_cast %scan3A_488 : i32 to index
        %get3A_635 = arith.index_cast %add3A_633 : i32 to index
        %get3A_636 = tpu.vector_load %arg6[%get3A_634, %get3A_635] {strides = array<i32>} : memref<8x2048xi32, #tpu.memory_space<vmem>>, vector<1x16xi32>,
        %get3A_637 = vector.shape_cast %get3A_636 : vector<1x16xi32> to vector<16xi32>
        %add3A_638 = arith.addi %add3A_608, %get3A_637 : vector<16xi32>
        %scan3A_639 = arith.constant 3 : i32
        %scan3A_640 = arith.addi %scan3A_546, %scan3A_639 : i32
        %mul3A_641 = arith.constant 64 : i32
        %mul3A_642 = arith.muli %scan3A_640, %mul3A_641 : i32
        %get3A_643 = arith.index_cast %scan3A_488 : i32 to index
        %get3A_644 = arith.index_cast %mul3A_642 : i32 to index
        %get3A_645 = tpu.vector_load %arg6[%get3A_643, %get3A_644] {strides = array<i32>} : memref<8x2048xi32, #tpu.memory_space<vmem>>, vector<1x16xi32>,
        %get3A_646 = vector.shape_cast %get3A_645 : vector<1x16xi32> to vector<16xi32>
        %add3A_647 = arith.addi %add3A_617, %get3A_646 : vector<16xi32>
        %add3A_648 = arith.constant 16 : i32
        %add3A_649 = arith.addi %mul3A_642, %add3A_648 : i32
        %get3A_650 = arith.index_cast %scan3A_488 : i32 to index
        %get3A_651 = arith.index_cast %add3A_649 : i32 to index
        %get3A_652 = tpu.vector_load %arg6[%get3A_650, %get3A_651] {strides = array<i32>} : memref<8x2048xi32, #tpu.memory_space<vmem>>, vector<1x16xi32>,
        %get3A_653 = vector.shape_cast %get3A_652 : vector<1x16xi32> to vector<16xi32>
        %add3A_654 = arith.addi %add3A_624, %get3A_653 : vector<16xi32>
        %add3A_655 = arith.constant 32 : i32
        %add3A_656 = arith.addi %mul3A_642, %add3A_655 : i32
        %get3A_657 = arith.index_cast %scan3A_488 : i32 to index
        %get3A_658 = arith.index_cast %add3A_656 : i32 to index
        %get3A_659 = tpu.vector_load %arg6[%get3A_657, %get3A_658] {strides = array<i32>} : memref<8x2048xi32, #tpu.memory_space<vmem>>, vector<1x16xi32>,
        %get3A_660 = vector.shape_cast %get3A_659 : vector<1x16xi32> to vector<16xi32>
        %add3A_661 = arith.addi %add3A_631, %get3A_660 : vector<16xi32>
        %add3A_662 = arith.constant 48 : i32
        %add3A_663 = arith.addi %mul3A_642, %add3A_662 : i32
        %get3A_664 = arith.index_cast %scan3A_488 : i32 to index
        %get3A_665 = arith.index_cast %add3A_663 : i32 to index
        %get3A_666 = tpu.vector_load %arg6[%get3A_664, %get3A_665] {strides = array<i32>} : memref<8x2048xi32, #tpu.memory_space<vmem>>, vector<1x16xi32>,
        %get3A_667 = vector.shape_cast %get3A_666 : vector<1x16xi32> to vector<16xi32>
        %add3A_668 = arith.addi %add3A_638, %get3A_667 : vector<16xi32>
        scf.yield %add3A_647, %add3A_654, %add3A_661, %add3A_668 : vector<16xi32>, vector<16xi32>, vector<16xi32>, vector<16xi32>
      }
      %scan3A_497 = arith.constant 32 : i32
      %add3A_498 = arith.addi %scan3A_496#0, %scan3A_496#1 : vector<16xi32>
      %add3A_499 = arith.addi %scan3A_496#2, %scan3A_496#3 : vector<16xi32>
      %add3A_500 = arith.addi %add3A_498, %add3A_499 : vector<16xi32>
      %and3A = vector.broadcast %scan3A : i32 to vector<16xi32>
      %and3A_501 = arith.andi %add3A_500, %and3A : vector<16xi32>
      %shift_right_logical3A = arith.constant 8 : i32
      %shift_right_logical3A_502 = vector.broadcast %shift_right_logical3A : i32 to vector<16xi32>
      %shift_right_logical3A_503 = arith.shrui %add3A_500, %shift_right_logical3A_502 : vector<16xi32>
      %and3A_504 = vector.broadcast %scan3A : i32 to vector<16xi32>
      %and3A_505 = arith.andi %shift_right_logical3A_503, %and3A_504 : vector<16xi32>
      %add3A_506 = arith.addi %and3A_501, %and3A_505 : vector<16xi32>
      %and3A_507 = arith.constant 65535 : i32
      %and3A_508 = vector.broadcast %and3A_507 : i32 to vector<16xi32>
      %and3A_509 = arith.andi %add3A_506, %and3A_508 : vector<16xi32>
      %shift_right_logical3A_510 = arith.constant 16 : i32
      %shift_right_logical3A_511 = vector.broadcast %shift_right_logical3A_510 : i32 to vector<16xi32>
      %shift_right_logical3A_512 = arith.shrui %add3A_506, %shift_right_logical3A_511 : vector<16xi32>
      %add3A_513 = arith.addi %and3A_509, %shift_right_logical3A_512 : vector<16xi32>
      %swap3A_514 = arith.constant 0 : index
      %swap3A_515 = tpu.vector_load %arg10[%swap3A_514] {strides = array<i32>} : memref<32xi32, #tpu.memory_space<vmem>>, vector<16xi32>,
      %swap3A_516 = vector.shape_cast %swap3A_515 : vector<16xi32> to vector<16xi32>
      %swap3A_517 = vector.shape_cast %add3A_513 : vector<16xi32> to vector<16xi32>
      tpu.vector_store %arg10[%swap3A_514], %swap3A_517 {strides = array<i32>} : memref<32xi32, #tpu.memory_space<vmem>>, vector<16xi32>,
      %get3A = arith.constant 8 : index
      %get3A_518 = tpu.vector_load %arg10[%get3A] {strides = array<i32>} : memref<32xi32, #tpu.memory_space<vmem>>, vector<16xi32>,
      %get3A_519 = vector.shape_cast %get3A_518 : vector<16xi32> to vector<16xi32>
      %add3A_520 = arith.addi %add3A_513, %get3A_519 : vector<16xi32>
      %swap3A_521 = arith.constant 0 : index
      %swap3A_522 = tpu.vector_load %arg10[%swap3A_521] {strides = array<i32>} : memref<32xi32, #tpu.memory_space<vmem>>, vector<16xi32>,
      %swap3A_523 = vector.shape_cast %swap3A_522 : vector<16xi32> to vector<16xi32>
      %swap3A_524 = vector.shape_cast %add3A_520 : vector<16xi32> to vector<16xi32>
      tpu.vector_store %arg10[%swap3A_521], %swap3A_524 {strides = array<i32>} : memref<32xi32, #tpu.memory_space<vmem>>, vector<16xi32>,
      %get3A_525 = arith.constant 4 : index
      %get3A_526 = tpu.vector_load %arg10[%get3A_525] {strides = array<i32>} : memref<32xi32, #tpu.memory_space<vmem>>, vector<16xi32>,
      %get3A_527 = vector.shape_cast %get3A_526 : vector<16xi32> to vector<16xi32>
      %add3A_528 = arith.addi %add3A_520, %get3A_527 : vector<16xi32>
      %swap3A_529 = arith.constant 0 : index
      %swap3A_530 = tpu.vector_load %arg10[%swap3A_529] {strides = array<i32>} : memref<32xi32, #tpu.memory_space<vmem>>, vector<16xi32>,
      %swap3A_531 = vector.shape_cast %swap3A_530 : vector<16xi32> to vector<16xi32>
      %swap3A_532 = vector.shape_cast %add3A_528 : vector<16xi32> to vector<16xi32>
      tpu.vector_store %arg10[%swap3A_529], %swap3A_532 {strides = array<i32>} : memref<32xi32, #tpu.memory_space<vmem>>, vector<16xi32>,
      %get3A_533 = arith.constant 2 : index
      %get3A_534 = tpu.vector_load %arg10[%get3A_533] {strides = array<i32>} : memref<32xi32, #tpu.memory_space<vmem>>, vector<16xi32>,
      %get3A_535 = vector.shape_cast %get3A_534 : vector<16xi32> to vector<16xi32>
      %add3A_536 = arith.addi %add3A_528, %get3A_535 : vector<16xi32>
      %slice3A = vector.extract_strided_slice %add3A_536 {offsets = [0], sizes = [1], strides = [1]} : vector<16xi32> to vector<1xi32>
      %squeeze3A = vector.extract %slice3A[0] : i32 from vector<1xi32>
      %slice3A_537 = vector.extract_strided_slice %add3A_536 {offsets = [1], sizes = [1], strides = [1]} : vector<16xi32> to vector<1xi32>
      %squeeze3A_538 = vector.extract %slice3A_537[0] : i32 from vector<1xi32>
      %add3A_539 = arith.addi %squeeze3A, %squeeze3A_538 : i32
      %add3A_540 = arith.constant 0 : i32
      %add3A_541 = arith.addi %scan3A_488, %add3A_540 : i32
      %eq3A_542 = vector.broadcast %add3A_541 : i32 to vector<16xi32>
      %eq3A_543 = arith.cmpi eq, %iota3A, %eq3A_542 : vector<16xi32>
      %broadcast_in_dim3A_544 = vector.broadcast %add3A_539 : i32 to vector<16xi32>
      %select_n3A_545 = arith.select %eq3A_543, %broadcast_in_dim3A_544, %scan3A_489 : vector<16xi1>, vector<16xi32>
      scf.yield %select_n3A_545 : vector<16xi32>
    }
    %scan3A_30 = arith.constant 8 : i32
    %dma_wait3A_31 = arith.constant 0 : i32
    %dma_wait3A_32 = tpu.memref_slice %arg2[%add3A_18, %dma_wait3A_31] : memref<4096x2048xi32, #tpu.memory_space<hbm>> -> memref<8x2048xi32, #tpu.memory_space<hbm>>
    %dma_wait3A_33 = arith.constant 0 : i32
    %dma_wait3A_34 = tpu.memref_slice %arg2[%add3A_18, %dma_wait3A_33] : memref<4096x2048xi32, #tpu.memory_space<hbm>> -> memref<8x2048xi32, #tpu.memory_space<hbm>>
    tpu.wait_dma2 semaphore(%arg15 : memref<!tpu.dma_semaphore, #tpu.memory_space<semaphore_mem>>) src(%dma_wait3A_34 : memref<8x2048xi32, #tpu.memory_space<hbm>>) dst(%arg7 : memref<8x2048xi32, #tpu.memory_space<vmem>>)
    %add3A_35 = arith.constant 16 : i32
    %add3A_36 = arith.addi %mul3A_2, %add3A_35 : i32
    %dma_start3A_37 = arith.constant 0 : i32
    %dma_start3A_38 = tpu.memref_slice %arg2[%add3A_36, %dma_start3A_37] : memref<4096x2048xi32, #tpu.memory_space<hbm>> -> memref<8x2048xi32, #tpu.memory_space<hbm>>
    %dma_start3A_39 = arith.constant 0 : i32
    %dma_start3A_40 = tpu.memref_slice %arg2[%add3A_36, %dma_start3A_39] : memref<4096x2048xi32, #tpu.memory_space<hbm>> -> memref<8x2048xi32, #tpu.memory_space<hbm>>
    tpu.enqueue_dma source(%dma_start3A_40 : memref<8x2048xi32, #tpu.memory_space<hbm>>) target(%arg6 : memref<8x2048xi32, #tpu.memory_space<vmem>>) target_semaphore(%arg14 : memref<!tpu.dma_semaphore, #tpu.memory_space<semaphore_mem>>)
    %scan3A_41 = arith.constant 16711935 : i32
    %scan3A_42 = arith.constant 0 : i32
    %scan3A_43 = arith.constant 8 : i32
    %scan3A_44 = arith.addi %scan3A_42, %scan3A_43 : i32
    %scan3A_45 = arith.constant 1 : i32
    %scan3A_46 = scf.for %scan3A_488 = %scan3A_42 to %scan3A_44 step %scan3A_45 iter_args(%scan3A_489 = %scan3A_29) -> (vector<16xi32>)  : i32 {
      %broadcast_in_dim3A_490 = arith.constant 0 : i32
      %broadcast_in_dim3A_491 = vector.broadcast %broadcast_in_dim3A_490 : i32 to vector<16xi32>
      %scan3A_492 = arith.constant 0 : i32
      %scan3A_493 = arith.constant 32 : i32
      %scan3A_494 = arith.addi %scan3A_492, %scan3A_493 : i32
      %scan3A_495 = arith.constant 4 : i32
      %scan3A_496:4 = scf.for %scan3A_546 = %scan3A_492 to %scan3A_494 step %scan3A_495 iter_args(%scan3A_547 = %broadcast_in_dim3A_491, %scan3A_548 = %broadcast_in_dim3A_491, %scan3A_549 = %broadcast_in_dim3A_491, %scan3A_550 = %broadcast_in_dim3A_491) -> (vector<16xi32>, vector<16xi32>, vector<16xi32>, vector<16xi32>)  : i32 {
        %mul3A_551 = arith.constant 64 : i32
        %mul3A_552 = arith.muli %scan3A_546, %mul3A_551 : i32
        %get3A_553 = arith.index_cast %scan3A_488 : i32 to index
        %get3A_554 = arith.index_cast %mul3A_552 : i32 to index
        %get3A_555 = tpu.vector_load %arg7[%get3A_553, %get3A_554] {strides = array<i32>} : memref<8x2048xi32, #tpu.memory_space<vmem>>, vector<1x16xi32>,
        %get3A_556 = vector.shape_cast %get3A_555 : vector<1x16xi32> to vector<16xi32>
        %add3A_557 = arith.addi %scan3A_547, %get3A_556 : vector<16xi32>
        %add3A_558 = arith.constant 16 : i32
        %add3A_559 = arith.addi %mul3A_552, %add3A_558 : i32
        %get3A_560 = arith.index_cast %scan3A_488 : i32 to index
        %get3A_561 = arith.index_cast %add3A_559 : i32 to index
        %get3A_562 = tpu.vector_load %arg7[%get3A_560, %get3A_561] {strides = array<i32>} : memref<8x2048xi32, #tpu.memory_space<vmem>>, vector<1x16xi32>,
        %get3A_563 = vector.shape_cast %get3A_562 : vector<1x16xi32> to vector<16xi32>
        %add3A_564 = arith.addi %scan3A_548, %get3A_563 : vector<16xi32>
        %add3A_565 = arith.constant 32 : i32
        %add3A_566 = arith.addi %mul3A_552, %add3A_565 : i32
        %get3A_567 = arith.index_cast %scan3A_488 : i32 to index
        %get3A_568 = arith.index_cast %add3A_566 : i32 to index
        %get3A_569 = tpu.vector_load %arg7[%get3A_567, %get3A_568] {strides = array<i32>} : memref<8x2048xi32, #tpu.memory_space<vmem>>, vector<1x16xi32>,
        %get3A_570 = vector.shape_cast %get3A_569 : vector<1x16xi32> to vector<16xi32>
        %add3A_571 = arith.addi %scan3A_549, %get3A_570 : vector<16xi32>
        %add3A_572 = arith.constant 48 : i32
        %add3A_573 = arith.addi %mul3A_552, %add3A_572 : i32
        %get3A_574 = arith.index_cast %scan3A_488 : i32 to index
        %get3A_575 = arith.index_cast %add3A_573 : i32 to index
        %get3A_576 = tpu.vector_load %arg7[%get3A_574, %get3A_575] {strides = array<i32>} : memref<8x2048xi32, #tpu.memory_space<vmem>>, vector<1x16xi32>,
        %get3A_577 = vector.shape_cast %get3A_576 : vector<1x16xi32> to vector<16xi32>
        %add3A_578 = arith.addi %scan3A_550, %get3A_577 : vector<16xi32>
        %scan3A_579 = arith.constant 1 : i32
        %scan3A_580 = arith.addi %scan3A_546, %scan3A_579 : i32
        %mul3A_581 = arith.constant 64 : i32
        %mul3A_582 = arith.muli %scan3A_580, %mul3A_581 : i32
        %get3A_583 = arith.index_cast %scan3A_488 : i32 to index
        %get3A_584 = arith.index_cast %mul3A_582 : i32 to index
        %get3A_585 = tpu.vector_load %arg7[%get3A_583, %get3A_584] {strides = array<i32>} : memref<8x2048xi32, #tpu.memory_space<vmem>>, vector<1x16xi32>,
        %get3A_586 = vector.shape_cast %get3A_585 : vector<1x16xi32> to vector<16xi32>
        %add3A_587 = arith.addi %add3A_557, %get3A_586 : vector<16xi32>
        %add3A_588 = arith.constant 16 : i32
        %add3A_589 = arith.addi %mul3A_582, %add3A_588 : i32
        %get3A_590 = arith.index_cast %scan3A_488 : i32 to index
        %get3A_591 = arith.index_cast %add3A_589 : i32 to index
        %get3A_592 = tpu.vector_load %arg7[%get3A_590, %get3A_591] {strides = array<i32>} : memref<8x2048xi32, #tpu.memory_space<vmem>>, vector<1x16xi32>,
        %get3A_593 = vector.shape_cast %get3A_592 : vector<1x16xi32> to vector<16xi32>
        %add3A_594 = arith.addi %add3A_564, %get3A_593 : vector<16xi32>
        %add3A_595 = arith.constant 32 : i32
        %add3A_596 = arith.addi %mul3A_582, %add3A_595 : i32
        %get3A_597 = arith.index_cast %scan3A_488 : i32 to index
        %get3A_598 = arith.index_cast %add3A_596 : i32 to index
        %get3A_599 = tpu.vector_load %arg7[%get3A_597, %get3A_598] {strides = array<i32>} : memref<8x2048xi32, #tpu.memory_space<vmem>>, vector<1x16xi32>,
        %get3A_600 = vector.shape_cast %get3A_599 : vector<1x16xi32> to vector<16xi32>
        %add3A_601 = arith.addi %add3A_571, %get3A_600 : vector<16xi32>
        %add3A_602 = arith.constant 48 : i32
        %add3A_603 = arith.addi %mul3A_582, %add3A_602 : i32
        %get3A_604 = arith.index_cast %scan3A_488 : i32 to index
        %get3A_605 = arith.index_cast %add3A_603 : i32 to index
        %get3A_606 = tpu.vector_load %arg7[%get3A_604, %get3A_605] {strides = array<i32>} : memref<8x2048xi32, #tpu.memory_space<vmem>>, vector<1x16xi32>,
        %get3A_607 = vector.shape_cast %get3A_606 : vector<1x16xi32> to vector<16xi32>
        %add3A_608 = arith.addi %add3A_578, %get3A_607 : vector<16xi32>
        %scan3A_609 = arith.constant 2 : i32
        %scan3A_610 = arith.addi %scan3A_546, %scan3A_609 : i32
        %mul3A_611 = arith.constant 64 : i32
        %mul3A_612 = arith.muli %scan3A_610, %mul3A_611 : i32
        %get3A_613 = arith.index_cast %scan3A_488 : i32 to index
        %get3A_614 = arith.index_cast %mul3A_612 : i32 to index
        %get3A_615 = tpu.vector_load %arg7[%get3A_613, %get3A_614] {strides = array<i32>} : memref<8x2048xi32, #tpu.memory_space<vmem>>, vector<1x16xi32>,
        %get3A_616 = vector.shape_cast %get3A_615 : vector<1x16xi32> to vector<16xi32>
        %add3A_617 = arith.addi %add3A_587, %get3A_616 : vector<16xi32>
        %add3A_618 = arith.constant 16 : i32
        %add3A_619 = arith.addi %mul3A_612, %add3A_618 : i32
        %get3A_620 = arith.index_cast %scan3A_488 : i32 to index
        %get3A_621 = arith.index_cast %add3A_619 : i32 to index
        %get3A_622 = tpu.vector_load %arg7[%get3A_620, %get3A_621] {strides = array<i32>} : memref<8x2048xi32, #tpu.memory_space<vmem>>, vector<1x16xi32>,
        %get3A_623 = vector.shape_cast %get3A_622 : vector<1x16xi32> to vector<16xi32>
        %add3A_624 = arith.addi %add3A_594, %get3A_623 : vector<16xi32>
        %add3A_625 = arith.constant 32 : i32
        %add3A_626 = arith.addi %mul3A_612, %add3A_625 : i32
        %get3A_627 = arith.index_cast %scan3A_488 : i32 to index
        %get3A_628 = arith.index_cast %add3A_626 : i32 to index
        %get3A_629 = tpu.vector_load %arg7[%get3A_627, %get3A_628] {strides = array<i32>} : memref<8x2048xi32, #tpu.memory_space<vmem>>, vector<1x16xi32>,
        %get3A_630 = vector.shape_cast %get3A_629 : vector<1x16xi32> to vector<16xi32>
        %add3A_631 = arith.addi %add3A_601, %get3A_630 : vector<16xi32>
        %add3A_632 = arith.constant 48 : i32
        %add3A_633 = arith.addi %mul3A_612, %add3A_632 : i32
        %get3A_634 = arith.index_cast %scan3A_488 : i32 to index
        %get3A_635 = arith.index_cast %add3A_633 : i32 to index
        %get3A_636 = tpu.vector_load %arg7[%get3A_634, %get3A_635] {strides = array<i32>} : memref<8x2048xi32, #tpu.memory_space<vmem>>, vector<1x16xi32>,
        %get3A_637 = vector.shape_cast %get3A_636 : vector<1x16xi32> to vector<16xi32>
        %add3A_638 = arith.addi %add3A_608, %get3A_637 : vector<16xi32>
        %scan3A_639 = arith.constant 3 : i32
        %scan3A_640 = arith.addi %scan3A_546, %scan3A_639 : i32
        %mul3A_641 = arith.constant 64 : i32
        %mul3A_642 = arith.muli %scan3A_640, %mul3A_641 : i32
        %get3A_643 = arith.index_cast %scan3A_488 : i32 to index
        %get3A_644 = arith.index_cast %mul3A_642 : i32 to index
        %get3A_645 = tpu.vector_load %arg7[%get3A_643, %get3A_644] {strides = array<i32>} : memref<8x2048xi32, #tpu.memory_space<vmem>>, vector<1x16xi32>,
        %get3A_646 = vector.shape_cast %get3A_645 : vector<1x16xi32> to vector<16xi32>
        %add3A_647 = arith.addi %add3A_617, %get3A_646 : vector<16xi32>
        %add3A_648 = arith.constant 16 : i32
        %add3A_649 = arith.addi %mul3A_642, %add3A_648 : i32
        %get3A_650 = arith.index_cast %scan3A_488 : i32 to index
        %get3A_651 = arith.index_cast %add3A_649 : i32 to index
        %get3A_652 = tpu.vector_load %arg7[%get3A_650, %get3A_651] {strides = array<i32>} : memref<8x2048xi32, #tpu.memory_space<vmem>>, vector<1x16xi32>,
        %get3A_653 = vector.shape_cast %get3A_652 : vector<1x16xi32> to vector<16xi32>
        %add3A_654 = arith.addi %add3A_624, %get3A_653 : vector<16xi32>
        %add3A_655 = arith.constant 32 : i32
        %add3A_656 = arith.addi %mul3A_642, %add3A_655 : i32
        %get3A_657 = arith.index_cast %scan3A_488 : i32 to index
        %get3A_658 = arith.index_cast %add3A_656 : i32 to index
        %get3A_659 = tpu.vector_load %arg7[%get3A_657, %get3A_658] {strides = array<i32>} : memref<8x2048xi32, #tpu.memory_space<vmem>>, vector<1x16xi32>,
        %get3A_660 = vector.shape_cast %get3A_659 : vector<1x16xi32> to vector<16xi32>
        %add3A_661 = arith.addi %add3A_631, %get3A_660 : vector<16xi32>
        %add3A_662 = arith.constant 48 : i32
        %add3A_663 = arith.addi %mul3A_642, %add3A_662 : i32
        %get3A_664 = arith.index_cast %scan3A_488 : i32 to index
        %get3A_665 = arith.index_cast %add3A_663 : i32 to index
        %get3A_666 = tpu.vector_load %arg7[%get3A_664, %get3A_665] {strides = array<i32>} : memref<8x2048xi32, #tpu.memory_space<vmem>>, vector<1x16xi32>,
        %get3A_667 = vector.shape_cast %get3A_666 : vector<1x16xi32> to vector<16xi32>
        %add3A_668 = arith.addi %add3A_638, %get3A_667 : vector<16xi32>
        scf.yield %add3A_647, %add3A_654, %add3A_661, %add3A_668 : vector<16xi32>, vector<16xi32>, vector<16xi32>, vector<16xi32>
      }
      %scan3A_497 = arith.constant 32 : i32
      %add3A_498 = arith.addi %scan3A_496#0, %scan3A_496#1 : vector<16xi32>
      %add3A_499 = arith.addi %scan3A_496#2, %scan3A_496#3 : vector<16xi32>
      %add3A_500 = arith.addi %add3A_498, %add3A_499 : vector<16xi32>
      %and3A = vector.broadcast %scan3A_41 : i32 to vector<16xi32>
      %and3A_501 = arith.andi %add3A_500, %and3A : vector<16xi32>
      %shift_right_logical3A = arith.constant 8 : i32
      %shift_right_logical3A_502 = vector.broadcast %shift_right_logical3A : i32 to vector<16xi32>
      %shift_right_logical3A_503 = arith.shrui %add3A_500, %shift_right_logical3A_502 : vector<16xi32>
      %and3A_504 = vector.broadcast %scan3A_41 : i32 to vector<16xi32>
      %and3A_505 = arith.andi %shift_right_logical3A_503, %and3A_504 : vector<16xi32>
      %add3A_506 = arith.addi %and3A_501, %and3A_505 : vector<16xi32>
      %and3A_507 = arith.constant 65535 : i32
      %and3A_508 = vector.broadcast %and3A_507 : i32 to vector<16xi32>
      %and3A_509 = arith.andi %add3A_506, %and3A_508 : vector<16xi32>
      %shift_right_logical3A_510 = arith.constant 16 : i32
      %shift_right_logical3A_511 = vector.broadcast %shift_right_logical3A_510 : i32 to vector<16xi32>
      %shift_right_logical3A_512 = arith.shrui %add3A_506, %shift_right_logical3A_511 : vector<16xi32>
      %add3A_513 = arith.addi %and3A_509, %shift_right_logical3A_512 : vector<16xi32>
      %swap3A_514 = arith.constant 0 : index
      %swap3A_515 = tpu.vector_load %arg10[%swap3A_514] {strides = array<i32>} : memref<32xi32, #tpu.memory_space<vmem>>, vector<16xi32>,
      %swap3A_516 = vector.shape_cast %swap3A_515 : vector<16xi32> to vector<16xi32>
      %swap3A_517 = vector.shape_cast %add3A_513 : vector<16xi32> to vector<16xi32>
      tpu.vector_store %arg10[%swap3A_514], %swap3A_517 {strides = array<i32>} : memref<32xi32, #tpu.memory_space<vmem>>, vector<16xi32>,
      %get3A = arith.constant 8 : index
      %get3A_518 = tpu.vector_load %arg10[%get3A] {strides = array<i32>} : memref<32xi32, #tpu.memory_space<vmem>>, vector<16xi32>,
      %get3A_519 = vector.shape_cast %get3A_518 : vector<16xi32> to vector<16xi32>
      %add3A_520 = arith.addi %add3A_513, %get3A_519 : vector<16xi32>
      %swap3A_521 = arith.constant 0 : index
      %swap3A_522 = tpu.vector_load %arg10[%swap3A_521] {strides = array<i32>} : memref<32xi32, #tpu.memory_space<vmem>>, vector<16xi32>,
      %swap3A_523 = vector.shape_cast %swap3A_522 : vector<16xi32> to vector<16xi32>
      %swap3A_524 = vector.shape_cast %add3A_520 : vector<16xi32> to vector<16xi32>
      tpu.vector_store %arg10[%swap3A_521], %swap3A_524 {strides = array<i32>} : memref<32xi32, #tpu.memory_space<vmem>>, vector<16xi32>,
      %get3A_525 = arith.constant 4 : index
      %get3A_526 = tpu.vector_load %arg10[%get3A_525] {strides = array<i32>} : memref<32xi32, #tpu.memory_space<vmem>>, vector<16xi32>,
      %get3A_527 = vector.shape_cast %get3A_526 : vector<16xi32> to vector<16xi32>
      %add3A_528 = arith.addi %add3A_520, %get3A_527 : vector<16xi32>
      %swap3A_529 = arith.constant 0 : index
      %swap3A_530 = tpu.vector_load %arg10[%swap3A_529] {strides = array<i32>} : memref<32xi32, #tpu.memory_space<vmem>>, vector<16xi32>,
      %swap3A_531 = vector.shape_cast %swap3A_530 : vector<16xi32> to vector<16xi32>
      %swap3A_532 = vector.shape_cast %add3A_528 : vector<16xi32> to vector<16xi32>
      tpu.vector_store %arg10[%swap3A_529], %swap3A_532 {strides = array<i32>} : memref<32xi32, #tpu.memory_space<vmem>>, vector<16xi32>,
      %get3A_533 = arith.constant 2 : index
      %get3A_534 = tpu.vector_load %arg10[%get3A_533] {strides = array<i32>} : memref<32xi32, #tpu.memory_space<vmem>>, vector<16xi32>,
      %get3A_535 = vector.shape_cast %get3A_534 : vector<16xi32> to vector<16xi32>
      %add3A_536 = arith.addi %add3A_528, %get3A_535 : vector<16xi32>
      %slice3A = vector.extract_strided_slice %add3A_536 {offsets = [0], sizes = [1], strides = [1]} : vector<16xi32> to vector<1xi32>
      %squeeze3A = vector.extract %slice3A[0] : i32 from vector<1xi32>
      %slice3A_537 = vector.extract_strided_slice %add3A_536 {offsets = [1], sizes = [1], strides = [1]} : vector<16xi32> to vector<1xi32>
      %squeeze3A_538 = vector.extract %slice3A_537[0] : i32 from vector<1xi32>
      %add3A_539 = arith.addi %squeeze3A, %squeeze3A_538 : i32
      %add3A_540 = arith.constant 8 : i32
      %add3A_541 = arith.addi %scan3A_488, %add3A_540 : i32
      %eq3A_542 = vector.broadcast %add3A_541 : i32 to vector<16xi32>
      %eq3A_543 = arith.cmpi eq, %iota3A, %eq3A_542 : vector<16xi32>
      %broadcast_in_dim3A_544 = vector.broadcast %add3A_539 : i32 to vector<16xi32>
      %select_n3A_545 = arith.select %eq3A_543, %broadcast_in_dim3A_544, %scan3A_489 : vector<16xi1>, vector<16xi32>
      scf.yield %select_n3A_545 : vector<16xi32>
    }
    %scan3A_47 = arith.constant 8 : i32
    %eq3A = arith.constant 0 : i32
    %eq3A_48 = vector.broadcast %eq3A : i32 to vector<16xi32>
    %eq3A_49 = arith.cmpi eq, %scan3A_46, %eq3A_48 : vector<16xi32>
    %sub3A = arith.constant 1 : i32
    %sub3A_50 = vector.broadcast %sub3A : i32 to vector<16xi32>
    %sub3A_51 = arith.subi %scan3A_46, %sub3A_50 : vector<16xi32>
    %jit3A = arith.constant 8319 : i32
    %broadcast_in_dim3A_52 = vector.broadcast %jit3A : i32 to vector<16xi32>
    %select_n3A = arith.select %eq3A_49, %broadcast_in_dim3A_52, %sub3A_51 : vector<16xi1>, vector<16xi32>
    %swap3A_53 = arith.constant 0 : index
    %swap3A_54 = tpu.vector_load %arg9[%swap3A_53] {strides = array<i32>} : memref<128xi32, #tpu.memory_space<vmem>>, vector<16xi32>,
    %swap3A_55 = vector.shape_cast %swap3A_54 : vector<16xi32> to vector<16xi32>
    %swap3A_56 = vector.shape_cast %select_n3A : vector<16xi32> to vector<16xi32>
    tpu.vector_store %arg9[%swap3A_53], %swap3A_56 {strides = array<i32>} : memref<128xi32, #tpu.memory_space<vmem>>, vector<16xi32>,
    %dma_wait3A_57 = arith.constant 0 : i32
    %dma_wait3A_58 = tpu.memref_slice %arg2[%add3A_36, %dma_wait3A_57] : memref<4096x2048xi32, #tpu.memory_space<hbm>> -> memref<8x2048xi32, #tpu.memory_space<hbm>>
    %dma_wait3A_59 = arith.constant 0 : i32
    %dma_wait3A_60 = tpu.memref_slice %arg2[%add3A_36, %dma_wait3A_59] : memref<4096x2048xi32, #tpu.memory_space<hbm>> -> memref<8x2048xi32, #tpu.memory_space<hbm>>
    tpu.wait_dma2 semaphore(%arg14 : memref<!tpu.dma_semaphore, #tpu.memory_space<semaphore_mem>>) src(%dma_wait3A_60 : memref<8x2048xi32, #tpu.memory_space<hbm>>) dst(%arg6 : memref<8x2048xi32, #tpu.memory_space<vmem>>)
    %add3A_61 = arith.constant 24 : i32
    %add3A_62 = arith.addi %mul3A_2, %add3A_61 : i32
    %dma_start3A_63 = arith.constant 0 : i32
    %dma_start3A_64 = tpu.memref_slice %arg2[%add3A_62, %dma_start3A_63] : memref<4096x2048xi32, #tpu.memory_space<hbm>> -> memref<8x2048xi32, #tpu.memory_space<hbm>>
    %dma_start3A_65 = arith.constant 0 : i32
    %dma_start3A_66 = tpu.memref_slice %arg2[%add3A_62, %dma_start3A_65] : memref<4096x2048xi32, #tpu.memory_space<hbm>> -> memref<8x2048xi32, #tpu.memory_space<hbm>>
    tpu.enqueue_dma source(%dma_start3A_66 : memref<8x2048xi32, #tpu.memory_space<hbm>>) target(%arg7 : memref<8x2048xi32, #tpu.memory_space<vmem>>) target_semaphore(%arg15 : memref<!tpu.dma_semaphore, #tpu.memory_space<semaphore_mem>>)
    %broadcast_in_dim3A_67 = arith.constant 0 : i32
    %broadcast_in_dim3A_68 = vector.broadcast %broadcast_in_dim3A_67 : i32 to vector<16xi32>
    %scan3A_69 = arith.constant 16711935 : i32
    %scan3A_70 = arith.constant 0 : i32
    %scan3A_71 = arith.constant 8 : i32
    %scan3A_72 = arith.addi %scan3A_70, %scan3A_71 : i32
    %scan3A_73 = arith.constant 1 : i32
    %scan3A_74 = scf.for %scan3A_488 = %scan3A_70 to %scan3A_72 step %scan3A_73 iter_args(%scan3A_489 = %broadcast_in_dim3A_68) -> (vector<16xi32>)  : i32 {
      %broadcast_in_dim3A_490 = arith.constant 0 : i32
      %broadcast_in_dim3A_491 = vector.broadcast %broadcast_in_dim3A_490 : i32 to vector<16xi32>
      %scan3A_492 = arith.constant 0 : i32
      %scan3A_493 = arith.constant 32 : i32
      %scan3A_494 = arith.addi %scan3A_492, %scan3A_493 : i32
      %scan3A_495 = arith.constant 4 : i32
      %scan3A_496:4 = scf.for %scan3A_546 = %scan3A_492 to %scan3A_494 step %scan3A_495 iter_args(%scan3A_547 = %broadcast_in_dim3A_491, %scan3A_548 = %broadcast_in_dim3A_491, %scan3A_549 = %broadcast_in_dim3A_491, %scan3A_550 = %broadcast_in_dim3A_491) -> (vector<16xi32>, vector<16xi32>, vector<16xi32>, vector<16xi32>)  : i32 {
        %mul3A_551 = arith.constant 64 : i32
        %mul3A_552 = arith.muli %scan3A_546, %mul3A_551 : i32
        %get3A_553 = arith.index_cast %scan3A_488 : i32 to index
        %get3A_554 = arith.index_cast %mul3A_552 : i32 to index
        %get3A_555 = tpu.vector_load %arg6[%get3A_553, %get3A_554] {strides = array<i32>} : memref<8x2048xi32, #tpu.memory_space<vmem>>, vector<1x16xi32>,
        %get3A_556 = vector.shape_cast %get3A_555 : vector<1x16xi32> to vector<16xi32>
        %add3A_557 = arith.addi %scan3A_547, %get3A_556 : vector<16xi32>
        %add3A_558 = arith.constant 16 : i32
        %add3A_559 = arith.addi %mul3A_552, %add3A_558 : i32
        %get3A_560 = arith.index_cast %scan3A_488 : i32 to index
        %get3A_561 = arith.index_cast %add3A_559 : i32 to index
        %get3A_562 = tpu.vector_load %arg6[%get3A_560, %get3A_561] {strides = array<i32>} : memref<8x2048xi32, #tpu.memory_space<vmem>>, vector<1x16xi32>,
        %get3A_563 = vector.shape_cast %get3A_562 : vector<1x16xi32> to vector<16xi32>
        %add3A_564 = arith.addi %scan3A_548, %get3A_563 : vector<16xi32>
        %add3A_565 = arith.constant 32 : i32
        %add3A_566 = arith.addi %mul3A_552, %add3A_565 : i32
        %get3A_567 = arith.index_cast %scan3A_488 : i32 to index
        %get3A_568 = arith.index_cast %add3A_566 : i32 to index
        %get3A_569 = tpu.vector_load %arg6[%get3A_567, %get3A_568] {strides = array<i32>} : memref<8x2048xi32, #tpu.memory_space<vmem>>, vector<1x16xi32>,
        %get3A_570 = vector.shape_cast %get3A_569 : vector<1x16xi32> to vector<16xi32>
        %add3A_571 = arith.addi %scan3A_549, %get3A_570 : vector<16xi32>
        %add3A_572 = arith.constant 48 : i32
        %add3A_573 = arith.addi %mul3A_552, %add3A_572 : i32
        %get3A_574 = arith.index_cast %scan3A_488 : i32 to index
        %get3A_575 = arith.index_cast %add3A_573 : i32 to index
        %get3A_576 = tpu.vector_load %arg6[%get3A_574, %get3A_575] {strides = array<i32>} : memref<8x2048xi32, #tpu.memory_space<vmem>>, vector<1x16xi32>,
        %get3A_577 = vector.shape_cast %get3A_576 : vector<1x16xi32> to vector<16xi32>
        %add3A_578 = arith.addi %scan3A_550, %get3A_577 : vector<16xi32>
        %scan3A_579 = arith.constant 1 : i32
        %scan3A_580 = arith.addi %scan3A_546, %scan3A_579 : i32
        %mul3A_581 = arith.constant 64 : i32
        %mul3A_582 = arith.muli %scan3A_580, %mul3A_581 : i32
        %get3A_583 = arith.index_cast %scan3A_488 : i32 to index
        %get3A_584 = arith.index_cast %mul3A_582 : i32 to index
        %get3A_585 = tpu.vector_load %arg6[%get3A_583, %get3A_584] {strides = array<i32>} : memref<8x2048xi32, #tpu.memory_space<vmem>>, vector<1x16xi32>,
        %get3A_586 = vector.shape_cast %get3A_585 : vector<1x16xi32> to vector<16xi32>
        %add3A_587 = arith.addi %add3A_557, %get3A_586 : vector<16xi32>
        %add3A_588 = arith.constant 16 : i32
        %add3A_589 = arith.addi %mul3A_582, %add3A_588 : i32
        %get3A_590 = arith.index_cast %scan3A_488 : i32 to index
        %get3A_591 = arith.index_cast %add3A_589 : i32 to index
        %get3A_592 = tpu.vector_load %arg6[%get3A_590, %get3A_591] {strides = array<i32>} : memref<8x2048xi32, #tpu.memory_space<vmem>>, vector<1x16xi32>,
        %get3A_593 = vector.shape_cast %get3A_592 : vector<1x16xi32> to vector<16xi32>
        %add3A_594 = arith.addi %add3A_564, %get3A_593 : vector<16xi32>
        %add3A_595 = arith.constant 32 : i32
        %add3A_596 = arith.addi %mul3A_582, %add3A_595 : i32
        %get3A_597 = arith.index_cast %scan3A_488 : i32 to index
        %get3A_598 = arith.index_cast %add3A_596 : i32 to index
        %get3A_599 = tpu.vector_load %arg6[%get3A_597, %get3A_598] {strides = array<i32>} : memref<8x2048xi32, #tpu.memory_space<vmem>>, vector<1x16xi32>,
        %get3A_600 = vector.shape_cast %get3A_599 : vector<1x16xi32> to vector<16xi32>
        %add3A_601 = arith.addi %add3A_571, %get3A_600 : vector<16xi32>
        %add3A_602 = arith.constant 48 : i32
        %add3A_603 = arith.addi %mul3A_582, %add3A_602 : i32
        %get3A_604 = arith.index_cast %scan3A_488 : i32 to index
        %get3A_605 = arith.index_cast %add3A_603 : i32 to index
        %get3A_606 = tpu.vector_load %arg6[%get3A_604, %get3A_605] {strides = array<i32>} : memref<8x2048xi32, #tpu.memory_space<vmem>>, vector<1x16xi32>,
        %get3A_607 = vector.shape_cast %get3A_606 : vector<1x16xi32> to vector<16xi32>
        %add3A_608 = arith.addi %add3A_578, %get3A_607 : vector<16xi32>
        %scan3A_609 = arith.constant 2 : i32
        %scan3A_610 = arith.addi %scan3A_546, %scan3A_609 : i32
        %mul3A_611 = arith.constant 64 : i32
        %mul3A_612 = arith.muli %scan3A_610, %mul3A_611 : i32
        %get3A_613 = arith.index_cast %scan3A_488 : i32 to index
        %get3A_614 = arith.index_cast %mul3A_612 : i32 to index
        %get3A_615 = tpu.vector_load %arg6[%get3A_613, %get3A_614] {strides = array<i32>} : memref<8x2048xi32, #tpu.memory_space<vmem>>, vector<1x16xi32>,
        %get3A_616 = vector.shape_cast %get3A_615 : vector<1x16xi32> to vector<16xi32>
        %add3A_617 = arith.addi %add3A_587, %get3A_616 : vector<16xi32>
        %add3A_618 = arith.constant 16 : i32
        %add3A_619 = arith.addi %mul3A_612, %add3A_618 : i32
        %get3A_620 = arith.index_cast %scan3A_488 : i32 to index
        %get3A_621 = arith.index_cast %add3A_619 : i32 to index
        %get3A_622 = tpu.vector_load %arg6[%get3A_620, %get3A_621] {strides = array<i32>} : memref<8x2048xi32, #tpu.memory_space<vmem>>, vector<1x16xi32>,
        %get3A_623 = vector.shape_cast %get3A_622 : vector<1x16xi32> to vector<16xi32>
        %add3A_624 = arith.addi %add3A_594, %get3A_623 : vector<16xi32>
        %add3A_625 = arith.constant 32 : i32
        %add3A_626 = arith.addi %mul3A_612, %add3A_625 : i32
        %get3A_627 = arith.index_cast %scan3A_488 : i32 to index
        %get3A_628 = arith.index_cast %add3A_626 : i32 to index
        %get3A_629 = tpu.vector_load %arg6[%get3A_627, %get3A_628] {strides = array<i32>} : memref<8x2048xi32, #tpu.memory_space<vmem>>, vector<1x16xi32>,
        %get3A_630 = vector.shape_cast %get3A_629 : vector<1x16xi32> to vector<16xi32>
        %add3A_631 = arith.addi %add3A_601, %get3A_630 : vector<16xi32>
        %add3A_632 = arith.constant 48 : i32
        %add3A_633 = arith.addi %mul3A_612, %add3A_632 : i32
        %get3A_634 = arith.index_cast %scan3A_488 : i32 to index
        %get3A_635 = arith.index_cast %add3A_633 : i32 to index
        %get3A_636 = tpu.vector_load %arg6[%get3A_634, %get3A_635] {strides = array<i32>} : memref<8x2048xi32, #tpu.memory_space<vmem>>, vector<1x16xi32>,
        %get3A_637 = vector.shape_cast %get3A_636 : vector<1x16xi32> to vector<16xi32>
        %add3A_638 = arith.addi %add3A_608, %get3A_637 : vector<16xi32>
        %scan3A_639 = arith.constant 3 : i32
        %scan3A_640 = arith.addi %scan3A_546, %scan3A_639 : i32
        %mul3A_641 = arith.constant 64 : i32
        %mul3A_642 = arith.muli %scan3A_640, %mul3A_641 : i32
        %get3A_643 = arith.index_cast %scan3A_488 : i32 to index
        %get3A_644 = arith.index_cast %mul3A_642 : i32 to index
        %get3A_645 = tpu.vector_load %arg6[%get3A_643, %get3A_644] {strides = array<i32>} : memref<8x2048xi32, #tpu.memory_space<vmem>>, vector<1x16xi32>,
        %get3A_646 = vector.shape_cast %get3A_645 : vector<1x16xi32> to vector<16xi32>
        %add3A_647 = arith.addi %add3A_617, %get3A_646 : vector<16xi32>
        %add3A_648 = arith.constant 16 : i32
        %add3A_649 = arith.addi %mul3A_642, %add3A_648 : i32
        %get3A_650 = arith.index_cast %scan3A_488 : i32 to index
        %get3A_651 = arith.index_cast %add3A_649 : i32 to index
        %get3A_652 = tpu.vector_load %arg6[%get3A_650, %get3A_651] {strides = array<i32>} : memref<8x2048xi32, #tpu.memory_space<vmem>>, vector<1x16xi32>,
        %get3A_653 = vector.shape_cast %get3A_652 : vector<1x16xi32> to vector<16xi32>
        %add3A_654 = arith.addi %add3A_624, %get3A_653 : vector<16xi32>
        %add3A_655 = arith.constant 32 : i32
        %add3A_656 = arith.addi %mul3A_642, %add3A_655 : i32
        %get3A_657 = arith.index_cast %scan3A_488 : i32 to index
        %get3A_658 = arith.index_cast %add3A_656 : i32 to index
        %get3A_659 = tpu.vector_load %arg6[%get3A_657, %get3A_658] {strides = array<i32>} : memref<8x2048xi32, #tpu.memory_space<vmem>>, vector<1x16xi32>,
        %get3A_660 = vector.shape_cast %get3A_659 : vector<1x16xi32> to vector<16xi32>
        %add3A_661 = arith.addi %add3A_631, %get3A_660 : vector<16xi32>
        %add3A_662 = arith.constant 48 : i32
        %add3A_663 = arith.addi %mul3A_642, %add3A_662 : i32
        %get3A_664 = arith.index_cast %scan3A_488 : i32 to index
        %get3A_665 = arith.index_cast %add3A_663 : i32 to index
        %get3A_666 = tpu.vector_load %arg6[%get3A_664, %get3A_665] {strides = array<i32>} : memref<8x2048xi32, #tpu.memory_space<vmem>>, vector<1x16xi32>,
        %get3A_667 = vector.shape_cast %get3A_666 : vector<1x16xi32> to vector<16xi32>
        %add3A_668 = arith.addi %add3A_638, %get3A_667 : vector<16xi32>
        scf.yield %add3A_647, %add3A_654, %add3A_661, %add3A_668 : vector<16xi32>, vector<16xi32>, vector<16xi32>, vector<16xi32>
      }
      %scan3A_497 = arith.constant 32 : i32
      %add3A_498 = arith.addi %scan3A_496#0, %scan3A_496#1 : vector<16xi32>
      %add3A_499 = arith.addi %scan3A_496#2, %scan3A_496#3 : vector<16xi32>
      %add3A_500 = arith.addi %add3A_498, %add3A_499 : vector<16xi32>
      %and3A = vector.broadcast %scan3A_69 : i32 to vector<16xi32>
      %and3A_501 = arith.andi %add3A_500, %and3A : vector<16xi32>
      %shift_right_logical3A = arith.constant 8 : i32
      %shift_right_logical3A_502 = vector.broadcast %shift_right_logical3A : i32 to vector<16xi32>
      %shift_right_logical3A_503 = arith.shrui %add3A_500, %shift_right_logical3A_502 : vector<16xi32>
      %and3A_504 = vector.broadcast %scan3A_69 : i32 to vector<16xi32>
      %and3A_505 = arith.andi %shift_right_logical3A_503, %and3A_504 : vector<16xi32>
      %add3A_506 = arith.addi %and3A_501, %and3A_505 : vector<16xi32>
      %and3A_507 = arith.constant 65535 : i32
      %and3A_508 = vector.broadcast %and3A_507 : i32 to vector<16xi32>
      %and3A_509 = arith.andi %add3A_506, %and3A_508 : vector<16xi32>
      %shift_right_logical3A_510 = arith.constant 16 : i32
      %shift_right_logical3A_511 = vector.broadcast %shift_right_logical3A_510 : i32 to vector<16xi32>
      %shift_right_logical3A_512 = arith.shrui %add3A_506, %shift_right_logical3A_511 : vector<16xi32>
      %add3A_513 = arith.addi %and3A_509, %shift_right_logical3A_512 : vector<16xi32>
      %swap3A_514 = arith.constant 0 : index
      %swap3A_515 = tpu.vector_load %arg10[%swap3A_514] {strides = array<i32>} : memref<32xi32, #tpu.memory_space<vmem>>, vector<16xi32>,
      %swap3A_516 = vector.shape_cast %swap3A_515 : vector<16xi32> to vector<16xi32>
      %swap3A_517 = vector.shape_cast %add3A_513 : vector<16xi32> to vector<16xi32>
      tpu.vector_store %arg10[%swap3A_514], %swap3A_517 {strides = array<i32>} : memref<32xi32, #tpu.memory_space<vmem>>, vector<16xi32>,
      %get3A = arith.constant 8 : index
      %get3A_518 = tpu.vector_load %arg10[%get3A] {strides = array<i32>} : memref<32xi32, #tpu.memory_space<vmem>>, vector<16xi32>,
      %get3A_519 = vector.shape_cast %get3A_518 : vector<16xi32> to vector<16xi32>
      %add3A_520 = arith.addi %add3A_513, %get3A_519 : vector<16xi32>
      %swap3A_521 = arith.constant 0 : index
      %swap3A_522 = tpu.vector_load %arg10[%swap3A_521] {strides = array<i32>} : memref<32xi32, #tpu.memory_space<vmem>>, vector<16xi32>,
      %swap3A_523 = vector.shape_cast %swap3A_522 : vector<16xi32> to vector<16xi32>
      %swap3A_524 = vector.shape_cast %add3A_520 : vector<16xi32> to vector<16xi32>
      tpu.vector_store %arg10[%swap3A_521], %swap3A_524 {strides = array<i32>} : memref<32xi32, #tpu.memory_space<vmem>>, vector<16xi32>,
      %get3A_525 = arith.constant 4 : index
      %get3A_526 = tpu.vector_load %arg10[%get3A_525] {strides = array<i32>} : memref<32xi32, #tpu.memory_space<vmem>>, vector<16xi32>,
      %get3A_527 = vector.shape_cast %get3A_526 : vector<16xi32> to vector<16xi32>
      %add3A_528 = arith.addi %add3A_520, %get3A_527 : vector<16xi32>
      %swap3A_529 = arith.constant 0 : index
      %swap3A_530 = tpu.vector_load %arg10[%swap3A_529] {strides = array<i32>} : memref<32xi32, #tpu.memory_space<vmem>>, vector<16xi32>,
      %swap3A_531 = vector.shape_cast %swap3A_530 : vector<16xi32> to vector<16xi32>
      %swap3A_532 = vector.shape_cast %add3A_528 : vector<16xi32> to vector<16xi32>
      tpu.vector_store %arg10[%swap3A_529], %swap3A_532 {strides = array<i32>} : memref<32xi32, #tpu.memory_space<vmem>>, vector<16xi32>,
      %get3A_533 = arith.constant 2 : index
      %get3A_534 = tpu.vector_load %arg10[%get3A_533] {strides = array<i32>} : memref<32xi32, #tpu.memory_space<vmem>>, vector<16xi32>,
      %get3A_535 = vector.shape_cast %get3A_534 : vector<16xi32> to vector<16xi32>
      %add3A_536 = arith.addi %add3A_528, %get3A_535 : vector<16xi32>
      %slice3A = vector.extract_strided_slice %add3A_536 {offsets = [0], sizes = [1], strides = [1]} : vector<16xi32> to vector<1xi32>
      %squeeze3A = vector.extract %slice3A[0] : i32 from vector<1xi32>
      %slice3A_537 = vector.extract_strided_slice %add3A_536 {offsets = [1], sizes = [1], strides = [1]} : vector<16xi32> to vector<1xi32>
      %squeeze3A_538 = vector.extract %slice3A_537[0] : i32 from vector<1xi32>
      %add3A_539 = arith.addi %squeeze3A, %squeeze3A_538 : i32
      %add3A_540 = arith.constant 0 : i32
      %add3A_541 = arith.addi %scan3A_488, %add3A_540 : i32
      %eq3A_542 = vector.broadcast %add3A_541 : i32 to vector<16xi32>
      %eq3A_543 = arith.cmpi eq, %iota3A, %eq3A_542 : vector<16xi32>
      %broadcast_in_dim3A_544 = vector.broadcast %add3A_539 : i32 to vector<16xi32>
      %select_n3A_545 = arith.select %eq3A_543, %broadcast_in_dim3A_544, %scan3A_489 : vector<16xi1>, vector<16xi32>
      scf.yield %select_n3A_545 : vector<16xi32>
    }
    %scan3A_75 = arith.constant 8 : i32
    %dma_wait3A_76 = arith.constant 0 : i32
    %dma_wait3A_77 = tpu.memref_slice %arg2[%add3A_62, %dma_wait3A_76] : memref<4096x2048xi32, #tpu.memory_space<hbm>> -> memref<8x2048xi32, #tpu.memory_space<hbm>>
    %dma_wait3A_78 = arith.constant 0 : i32
    %dma_wait3A_79 = tpu.memref_slice %arg2[%add3A_62, %dma_wait3A_78] : memref<4096x2048xi32, #tpu.memory_space<hbm>> -> memref<8x2048xi32, #tpu.memory_space<hbm>>
    tpu.wait_dma2 semaphore(%arg15 : memref<!tpu.dma_semaphore, #tpu.memory_space<semaphore_mem>>) src(%dma_wait3A_79 : memref<8x2048xi32, #tpu.memory_space<hbm>>) dst(%arg7 : memref<8x2048xi32, #tpu.memory_space<vmem>>)
    %add3A_80 = arith.constant 32 : i32
    %add3A_81 = arith.addi %mul3A_2, %add3A_80 : i32
    %dma_start3A_82 = arith.constant 0 : i32
    %dma_start3A_83 = tpu.memref_slice %arg2[%add3A_81, %dma_start3A_82] : memref<4096x2048xi32, #tpu.memory_space<hbm>> -> memref<8x2048xi32, #tpu.memory_space<hbm>>
    %dma_start3A_84 = arith.constant 0 : i32
    %dma_start3A_85 = tpu.memref_slice %arg2[%add3A_81, %dma_start3A_84] : memref<4096x2048xi32, #tpu.memory_space<hbm>> -> memref<8x2048xi32, #tpu.memory_space<hbm>>
    tpu.enqueue_dma source(%dma_start3A_85 : memref<8x2048xi32, #tpu.memory_space<hbm>>) target(%arg6 : memref<8x2048xi32, #tpu.memory_space<vmem>>) target_semaphore(%arg14 : memref<!tpu.dma_semaphore, #tpu.memory_space<semaphore_mem>>)
    %scan3A_86 = arith.constant 16711935 : i32
    %scan3A_87 = arith.constant 0 : i32
    %scan3A_88 = arith.constant 8 : i32
    %scan3A_89 = arith.addi %scan3A_87, %scan3A_88 : i32
    %scan3A_90 = arith.constant 1 : i32
    %scan3A_91 = scf.for %scan3A_488 = %scan3A_87 to %scan3A_89 step %scan3A_90 iter_args(%scan3A_489 = %scan3A_74) -> (vector<16xi32>)  : i32 {
      %broadcast_in_dim3A_490 = arith.constant 0 : i32
      %broadcast_in_dim3A_491 = vector.broadcast %broadcast_in_dim3A_490 : i32 to vector<16xi32>
      %scan3A_492 = arith.constant 0 : i32
      %scan3A_493 = arith.constant 32 : i32
      %scan3A_494 = arith.addi %scan3A_492, %scan3A_493 : i32
      %scan3A_495 = arith.constant 4 : i32
      %scan3A_496:4 = scf.for %scan3A_546 = %scan3A_492 to %scan3A_494 step %scan3A_495 iter_args(%scan3A_547 = %broadcast_in_dim3A_491, %scan3A_548 = %broadcast_in_dim3A_491, %scan3A_549 = %broadcast_in_dim3A_491, %scan3A_550 = %broadcast_in_dim3A_491) -> (vector<16xi32>, vector<16xi32>, vector<16xi32>, vector<16xi32>)  : i32 {
        %mul3A_551 = arith.constant 64 : i32
        %mul3A_552 = arith.muli %scan3A_546, %mul3A_551 : i32
        %get3A_553 = arith.index_cast %scan3A_488 : i32 to index
        %get3A_554 = arith.index_cast %mul3A_552 : i32 to index
        %get3A_555 = tpu.vector_load %arg7[%get3A_553, %get3A_554] {strides = array<i32>} : memref<8x2048xi32, #tpu.memory_space<vmem>>, vector<1x16xi32>,
        %get3A_556 = vector.shape_cast %get3A_555 : vector<1x16xi32> to vector<16xi32>
        %add3A_557 = arith.addi %scan3A_547, %get3A_556 : vector<16xi32>
        %add3A_558 = arith.constant 16 : i32
        %add3A_559 = arith.addi %mul3A_552, %add3A_558 : i32
        %get3A_560 = arith.index_cast %scan3A_488 : i32 to index
        %get3A_561 = arith.index_cast %add3A_559 : i32 to index
        %get3A_562 = tpu.vector_load %arg7[%get3A_560, %get3A_561] {strides = array<i32>} : memref<8x2048xi32, #tpu.memory_space<vmem>>, vector<1x16xi32>,
        %get3A_563 = vector.shape_cast %get3A_562 : vector<1x16xi32> to vector<16xi32>
        %add3A_564 = arith.addi %scan3A_548, %get3A_563 : vector<16xi32>
        %add3A_565 = arith.constant 32 : i32
        %add3A_566 = arith.addi %mul3A_552, %add3A_565 : i32
        %get3A_567 = arith.index_cast %scan3A_488 : i32 to index
        %get3A_568 = arith.index_cast %add3A_566 : i32 to index
        %get3A_569 = tpu.vector_load %arg7[%get3A_567, %get3A_568] {strides = array<i32>} : memref<8x2048xi32, #tpu.memory_space<vmem>>, vector<1x16xi32>,
        %get3A_570 = vector.shape_cast %get3A_569 : vector<1x16xi32> to vector<16xi32>
        %add3A_571 = arith.addi %scan3A_549, %get3A_570 : vector<16xi32>
        %add3A_572 = arith.constant 48 : i32
        %add3A_573 = arith.addi %mul3A_552, %add3A_572 : i32
        %get3A_574 = arith.index_cast %scan3A_488 : i32 to index
        %get3A_575 = arith.index_cast %add3A_573 : i32 to index
        %get3A_576 = tpu.vector_load %arg7[%get3A_574, %get3A_575] {strides = array<i32>} : memref<8x2048xi32, #tpu.memory_space<vmem>>, vector<1x16xi32>,
        %get3A_577 = vector.shape_cast %get3A_576 : vector<1x16xi32> to vector<16xi32>
        %add3A_578 = arith.addi %scan3A_550, %get3A_577 : vector<16xi32>
        %scan3A_579 = arith.constant 1 : i32
        %scan3A_580 = arith.addi %scan3A_546, %scan3A_579 : i32
        %mul3A_581 = arith.constant 64 : i32
        %mul3A_582 = arith.muli %scan3A_580, %mul3A_581 : i32
        %get3A_583 = arith.index_cast %scan3A_488 : i32 to index
        %get3A_584 = arith.index_cast %mul3A_582 : i32 to index
        %get3A_585 = tpu.vector_load %arg7[%get3A_583, %get3A_584] {strides = array<i32>} : memref<8x2048xi32, #tpu.memory_space<vmem>>, vector<1x16xi32>,
        %get3A_586 = vector.shape_cast %get3A_585 : vector<1x16xi32> to vector<16xi32>
        %add3A_587 = arith.addi %add3A_557, %get3A_586 : vector<16xi32>
        %add3A_588 = arith.constant 16 : i32
        %add3A_589 = arith.addi %mul3A_582, %add3A_588 : i32
        %get3A_590 = arith.index_cast %scan3A_488 : i32 to index
        %get3A_591 = arith.index_cast %add3A_589 : i32 to index
        %get3A_592 = tpu.vector_load %arg7[%get3A_590, %get3A_591] {strides = array<i32>} : memref<8x2048xi32, #tpu.memory_space<vmem>>, vector<1x16xi32>,
        %get3A_593 = vector.shape_cast %get3A_592 : vector<1x16xi32> to vector<16xi32>
        %add3A_594 = arith.addi %add3A_564, %get3A_593 : vector<16xi32>
        %add3A_595 = arith.constant 32 : i32
        %add3A_596 = arith.addi %mul3A_582, %add3A_595 : i32
        %get3A_597 = arith.index_cast %scan3A_488 : i32 to index
        %get3A_598 = arith.index_cast %add3A_596 : i32 to index
        %get3A_599 = tpu.vector_load %arg7[%get3A_597, %get3A_598] {strides = array<i32>} : memref<8x2048xi32, #tpu.memory_space<vmem>>, vector<1x16xi32>,
        %get3A_600 = vector.shape_cast %get3A_599 : vector<1x16xi32> to vector<16xi32>
        %add3A_601 = arith.addi %add3A_571, %get3A_600 : vector<16xi32>
        %add3A_602 = arith.constant 48 : i32
        %add3A_603 = arith.addi %mul3A_582, %add3A_602 : i32
        %get3A_604 = arith.index_cast %scan3A_488 : i32 to index
        %get3A_605 = arith.index_cast %add3A_603 : i32 to index
        %get3A_606 = tpu.vector_load %arg7[%get3A_604, %get3A_605] {strides = array<i32>} : memref<8x2048xi32, #tpu.memory_space<vmem>>, vector<1x16xi32>,
        %get3A_607 = vector.shape_cast %get3A_606 : vector<1x16xi32> to vector<16xi32>
        %add3A_608 = arith.addi %add3A_578, %get3A_607 : vector<16xi32>
        %scan3A_609 = arith.constant 2 : i32
        %scan3A_610 = arith.addi %scan3A_546, %scan3A_609 : i32
        %mul3A_611 = arith.constant 64 : i32
        %mul3A_612 = arith.muli %scan3A_610, %mul3A_611 : i32
        %get3A_613 = arith.index_cast %scan3A_488 : i32 to index
        %get3A_614 = arith.index_cast %mul3A_612 : i32 to index
        %get3A_615 = tpu.vector_load %arg7[%get3A_613, %get3A_614] {strides = array<i32>} : memref<8x2048xi32, #tpu.memory_space<vmem>>, vector<1x16xi32>,
        %get3A_616 = vector.shape_cast %get3A_615 : vector<1x16xi32> to vector<16xi32>
        %add3A_617 = arith.addi %add3A_587, %get3A_616 : vector<16xi32>
        %add3A_618 = arith.constant 16 : i32
        %add3A_619 = arith.addi %mul3A_612, %add3A_618 : i32
        %get3A_620 = arith.index_cast %scan3A_488 : i32 to index
        %get3A_621 = arith.index_cast %add3A_619 : i32 to index
        %get3A_622 = tpu.vector_load %arg7[%get3A_620, %get3A_621] {strides = array<i32>} : memref<8x2048xi32, #tpu.memory_space<vmem>>, vector<1x16xi32>,
        %get3A_623 = vector.shape_cast %get3A_622 : vector<1x16xi32> to vector<16xi32>
        %add3A_624 = arith.addi %add3A_594, %get3A_623 : vector<16xi32>
        %add3A_625 = arith.constant 32 : i32
        %add3A_626 = arith.addi %mul3A_612, %add3A_625 : i32
        %get3A_627 = arith.index_cast %scan3A_488 : i32 to index
        %get3A_628 = arith.index_cast %add3A_626 : i32 to index
        %get3A_629 = tpu.vector_load %arg7[%get3A_627, %get3A_628] {strides = array<i32>} : memref<8x2048xi32, #tpu.memory_space<vmem>>, vector<1x16xi32>,
        %get3A_630 = vector.shape_cast %get3A_629 : vector<1x16xi32> to vector<16xi32>
        %add3A_631 = arith.addi %add3A_601, %get3A_630 : vector<16xi32>
        %add3A_632 = arith.constant 48 : i32
        %add3A_633 = arith.addi %mul3A_612, %add3A_632 : i32
        %get3A_634 = arith.index_cast %scan3A_488 : i32 to index
        %get3A_635 = arith.index_cast %add3A_633 : i32 to index
        %get3A_636 = tpu.vector_load %arg7[%get3A_634, %get3A_635] {strides = array<i32>} : memref<8x2048xi32, #tpu.memory_space<vmem>>, vector<1x16xi32>,
        %get3A_637 = vector.shape_cast %get3A_636 : vector<1x16xi32> to vector<16xi32>
        %add3A_638 = arith.addi %add3A_608, %get3A_637 : vector<16xi32>
        %scan3A_639 = arith.constant 3 : i32
        %scan3A_640 = arith.addi %scan3A_546, %scan3A_639 : i32
        %mul3A_641 = arith.constant 64 : i32
        %mul3A_642 = arith.muli %scan3A_640, %mul3A_641 : i32
        %get3A_643 = arith.index_cast %scan3A_488 : i32 to index
        %get3A_644 = arith.index_cast %mul3A_642 : i32 to index
        %get3A_645 = tpu.vector_load %arg7[%get3A_643, %get3A_644] {strides = array<i32>} : memref<8x2048xi32, #tpu.memory_space<vmem>>, vector<1x16xi32>,
        %get3A_646 = vector.shape_cast %get3A_645 : vector<1x16xi32> to vector<16xi32>
        %add3A_647 = arith.addi %add3A_617, %get3A_646 : vector<16xi32>
        %add3A_648 = arith.constant 16 : i32
        %add3A_649 = arith.addi %mul3A_642, %add3A_648 : i32
        %get3A_650 = arith.index_cast %scan3A_488 : i32 to index
        %get3A_651 = arith.index_cast %add3A_649 : i32 to index
        %get3A_652 = tpu.vector_load %arg7[%get3A_650, %get3A_651] {strides = array<i32>} : memref<8x2048xi32, #tpu.memory_space<vmem>>, vector<1x16xi32>,
        %get3A_653 = vector.shape_cast %get3A_652 : vector<1x16xi32> to vector<16xi32>
        %add3A_654 = arith.addi %add3A_624, %get3A_653 : vector<16xi32>
        %add3A_655 = arith.constant 32 : i32
        %add3A_656 = arith.addi %mul3A_642, %add3A_655 : i32
        %get3A_657 = arith.index_cast %scan3A_488 : i32 to index
        %get3A_658 = arith.index_cast %add3A_656 : i32 to index
        %get3A_659 = tpu.vector_load %arg7[%get3A_657, %get3A_658] {strides = array<i32>} : memref<8x2048xi32, #tpu.memory_space<vmem>>, vector<1x16xi32>,
        %get3A_660 = vector.shape_cast %get3A_659 : vector<1x16xi32> to vector<16xi32>
        %add3A_661 = arith.addi %add3A_631, %get3A_660 : vector<16xi32>
        %add3A_662 = arith.constant 48 : i32
        %add3A_663 = arith.addi %mul3A_642, %add3A_662 : i32
        %get3A_664 = arith.index_cast %scan3A_488 : i32 to index
        %get3A_665 = arith.index_cast %add3A_663 : i32 to index
        %get3A_666 = tpu.vector_load %arg7[%get3A_664, %get3A_665] {strides = array<i32>} : memref<8x2048xi32, #tpu.memory_space<vmem>>, vector<1x16xi32>,
        %get3A_667 = vector.shape_cast %get3A_666 : vector<1x16xi32> to vector<16xi32>
        %add3A_668 = arith.addi %add3A_638, %get3A_667 : vector<16xi32>
        scf.yield %add3A_647, %add3A_654, %add3A_661, %add3A_668 : vector<16xi32>, vector<16xi32>, vector<16xi32>, vector<16xi32>
      }
      %scan3A_497 = arith.constant 32 : i32
      %add3A_498 = arith.addi %scan3A_496#0, %scan3A_496#1 : vector<16xi32>
      %add3A_499 = arith.addi %scan3A_496#2, %scan3A_496#3 : vector<16xi32>
      %add3A_500 = arith.addi %add3A_498, %add3A_499 : vector<16xi32>
      %and3A = vector.broadcast %scan3A_86 : i32 to vector<16xi32>
      %and3A_501 = arith.andi %add3A_500, %and3A : vector<16xi32>
      %shift_right_logical3A = arith.constant 8 : i32
      %shift_right_logical3A_502 = vector.broadcast %shift_right_logical3A : i32 to vector<16xi32>
      %shift_right_logical3A_503 = arith.shrui %add3A_500, %shift_right_logical3A_502 : vector<16xi32>
      %and3A_504 = vector.broadcast %scan3A_86 : i32 to vector<16xi32>
      %and3A_505 = arith.andi %shift_right_logical3A_503, %and3A_504 : vector<16xi32>
      %add3A_506 = arith.addi %and3A_501, %and3A_505 : vector<16xi32>
      %and3A_507 = arith.constant 65535 : i32
      %and3A_508 = vector.broadcast %and3A_507 : i32 to vector<16xi32>
      %and3A_509 = arith.andi %add3A_506, %and3A_508 : vector<16xi32>
      %shift_right_logical3A_510 = arith.constant 16 : i32
      %shift_right_logical3A_511 = vector.broadcast %shift_right_logical3A_510 : i32 to vector<16xi32>
      %shift_right_logical3A_512 = arith.shrui %add3A_506, %shift_right_logical3A_511 : vector<16xi32>
      %add3A_513 = arith.addi %and3A_509, %shift_right_logical3A_512 : vector<16xi32>
      %swap3A_514 = arith.constant 0 : index
      %swap3A_515 = tpu.vector_load %arg10[%swap3A_514] {strides = array<i32>} : memref<32xi32, #tpu.memory_space<vmem>>, vector<16xi32>,
      %swap3A_516 = vector.shape_cast %swap3A_515 : vector<16xi32> to vector<16xi32>
      %swap3A_517 = vector.shape_cast %add3A_513 : vector<16xi32> to vector<16xi32>
      tpu.vector_store %arg10[%swap3A_514], %swap3A_517 {strides = array<i32>} : memref<32xi32, #tpu.memory_space<vmem>>, vector<16xi32>,
      %get3A = arith.constant 8 : index
      %get3A_518 = tpu.vector_load %arg10[%get3A] {strides = array<i32>} : memref<32xi32, #tpu.memory_space<vmem>>, vector<16xi32>,
      %get3A_519 = vector.shape_cast %get3A_518 : vector<16xi32> to vector<16xi32>
      %add3A_520 = arith.addi %add3A_513, %get3A_519 : vector<16xi32>
      %swap3A_521 = arith.constant 0 : index
      %swap3A_522 = tpu.vector_load %arg10[%swap3A_521] {strides = array<i32>} : memref<32xi32, #tpu.memory_space<vmem>>, vector<16xi32>,
      %swap3A_523 = vector.shape_cast %swap3A_522 : vector<16xi32> to vector<16xi32>
      %swap3A_524 = vector.shape_cast %add3A_520 : vector<16xi32> to vector<16xi32>
      tpu.vector_store %arg10[%swap3A_521], %swap3A_524 {strides = array<i32>} : memref<32xi32, #tpu.memory_space<vmem>>, vector<16xi32>,
      %get3A_525 = arith.constant 4 : index
      %get3A_526 = tpu.vector_load %arg10[%get3A_525] {strides = array<i32>} : memref<32xi32, #tpu.memory_space<vmem>>, vector<16xi32>,
      %get3A_527 = vector.shape_cast %get3A_526 : vector<16xi32> to vector<16xi32>
      %add3A_528 = arith.addi %add3A_520, %get3A_527 : vector<16xi32>
      %swap3A_529 = arith.constant 0 : index
      %swap3A_530 = tpu.vector_load %arg10[%swap3A_529] {strides = array<i32>} : memref<32xi32, #tpu.memory_space<vmem>>, vector<16xi32>,
      %swap3A_531 = vector.shape_cast %swap3A_530 : vector<16xi32> to vector<16xi32>
      %swap3A_532 = vector.shape_cast %add3A_528 : vector<16xi32> to vector<16xi32>
      tpu.vector_store %arg10[%swap3A_529], %swap3A_532 {strides = array<i32>} : memref<32xi32, #tpu.memory_space<vmem>>, vector<16xi32>,
      %get3A_533 = arith.constant 2 : index
      %get3A_534 = tpu.vector_load %arg10[%get3A_533] {strides = array<i32>} : memref<32xi32, #tpu.memory_space<vmem>>, vector<16xi32>,
      %get3A_535 = vector.shape_cast %get3A_534 : vector<16xi32> to vector<16xi32>
      %add3A_536 = arith.addi %add3A_528, %get3A_535 : vector<16xi32>
      %slice3A = vector.extract_strided_slice %add3A_536 {offsets = [0], sizes = [1], strides = [1]} : vector<16xi32> to vector<1xi32>
      %squeeze3A = vector.extract %slice3A[0] : i32 from vector<1xi32>
      %slice3A_537 = vector.extract_strided_slice %add3A_536 {offsets = [1], sizes = [1], strides = [1]} : vector<16xi32> to vector<1xi32>
      %squeeze3A_538 = vector.extract %slice3A_537[0] : i32 from vector<1xi32>
      %add3A_539 = arith.addi %squeeze3A, %squeeze3A_538 : i32
      %add3A_540 = arith.constant 8 : i32
      %add3A_541 = arith.addi %scan3A_488, %add3A_540 : i32
      %eq3A_542 = vector.broadcast %add3A_541 : i32 to vector<16xi32>
      %eq3A_543 = arith.cmpi eq, %iota3A, %eq3A_542 : vector<16xi32>
      %broadcast_in_dim3A_544 = vector.broadcast %add3A_539 : i32 to vector<16xi32>
      %select_n3A_545 = arith.select %eq3A_543, %broadcast_in_dim3A_544, %scan3A_489 : vector<16xi1>, vector<16xi32>
      scf.yield %select_n3A_545 : vector<16xi32>
    }
    %scan3A_92 = arith.constant 8 : i32
    %eq3A_93 = arith.constant 0 : i32
    %eq3A_94 = vector.broadcast %eq3A_93 : i32 to vector<16xi32>
    %eq3A_95 = arith.cmpi eq, %scan3A_91, %eq3A_94 : vector<16xi32>
    %sub3A_96 = arith.constant 1 : i32
    %sub3A_97 = vector.broadcast %sub3A_96 : i32 to vector<16xi32>
    %sub3A_98 = arith.subi %scan3A_91, %sub3A_97 : vector<16xi32>
    %jit3A_99 = arith.constant 8319 : i32
    %broadcast_in_dim3A_100 = vector.broadcast %jit3A_99 : i32 to vector<16xi32>
    %select_n3A_101 = arith.select %eq3A_95, %broadcast_in_dim3A_100, %sub3A_98 : vector<16xi1>, vector<16xi32>
    %swap3A_102 = arith.constant 16 : index
    %swap3A_103 = tpu.vector_load %arg9[%swap3A_102] {strides = array<i32>} : memref<128xi32, #tpu.memory_space<vmem>>, vector<16xi32>,
    %swap3A_104 = vector.shape_cast %swap3A_103 : vector<16xi32> to vector<16xi32>
    %swap3A_105 = vector.shape_cast %select_n3A_101 : vector<16xi32> to vector<16xi32>
    tpu.vector_store %arg9[%swap3A_102], %swap3A_105 {strides = array<i32>} : memref<128xi32, #tpu.memory_space<vmem>>, vector<16xi32>,
    %dma_wait3A_106 = arith.constant 0 : i32
    %dma_wait3A_107 = tpu.memref_slice %arg2[%add3A_81, %dma_wait3A_106] : memref<4096x2048xi32, #tpu.memory_space<hbm>> -> memref<8x2048xi32, #tpu.memory_space<hbm>>
    %dma_wait3A_108 = arith.constant 0 : i32
    %dma_wait3A_109 = tpu.memref_slice %arg2[%add3A_81, %dma_wait3A_108] : memref<4096x2048xi32, #tpu.memory_space<hbm>> -> memref<8x2048xi32, #tpu.memory_space<hbm>>
    tpu.wait_dma2 semaphore(%arg14 : memref<!tpu.dma_semaphore, #tpu.memory_space<semaphore_mem>>) src(%dma_wait3A_109 : memref<8x2048xi32, #tpu.memory_space<hbm>>) dst(%arg6 : memref<8x2048xi32, #tpu.memory_space<vmem>>)
    %add3A_110 = arith.constant 40 : i32
    %add3A_111 = arith.addi %mul3A_2, %add3A_110 : i32
    %dma_start3A_112 = arith.constant 0 : i32
    %dma_start3A_113 = tpu.memref_slice %arg2[%add3A_111, %dma_start3A_112] : memref<4096x2048xi32, #tpu.memory_space<hbm>> -> memref<8x2048xi32, #tpu.memory_space<hbm>>
    %dma_start3A_114 = arith.constant 0 : i32
    %dma_start3A_115 = tpu.memref_slice %arg2[%add3A_111, %dma_start3A_114] : memref<4096x2048xi32, #tpu.memory_space<hbm>> -> memref<8x2048xi32, #tpu.memory_space<hbm>>
    tpu.enqueue_dma source(%dma_start3A_115 : memref<8x2048xi32, #tpu.memory_space<hbm>>) target(%arg7 : memref<8x2048xi32, #tpu.memory_space<vmem>>) target_semaphore(%arg15 : memref<!tpu.dma_semaphore, #tpu.memory_space<semaphore_mem>>)
    %broadcast_in_dim3A_116 = arith.constant 0 : i32
    %broadcast_in_dim3A_117 = vector.broadcast %broadcast_in_dim3A_116 : i32 to vector<16xi32>
    %scan3A_118 = arith.constant 16711935 : i32
    %scan3A_119 = arith.constant 0 : i32
    %scan3A_120 = arith.constant 8 : i32
    %scan3A_121 = arith.addi %scan3A_119, %scan3A_120 : i32
    %scan3A_122 = arith.constant 1 : i32
    %scan3A_123 = scf.for %scan3A_488 = %scan3A_119 to %scan3A_121 step %scan3A_122 iter_args(%scan3A_489 = %broadcast_in_dim3A_117) -> (vector<16xi32>)  : i32 {
      %broadcast_in_dim3A_490 = arith.constant 0 : i32
      %broadcast_in_dim3A_491 = vector.broadcast %broadcast_in_dim3A_490 : i32 to vector<16xi32>
      %scan3A_492 = arith.constant 0 : i32
      %scan3A_493 = arith.constant 32 : i32
      %scan3A_494 = arith.addi %scan3A_492, %scan3A_493 : i32
      %scan3A_495 = arith.constant 4 : i32
      %scan3A_496:4 = scf.for %scan3A_546 = %scan3A_492 to %scan3A_494 step %scan3A_495 iter_args(%scan3A_547 = %broadcast_in_dim3A_491, %scan3A_548 = %broadcast_in_dim3A_491, %scan3A_549 = %broadcast_in_dim3A_491, %scan3A_550 = %broadcast_in_dim3A_491) -> (vector<16xi32>, vector<16xi32>, vector<16xi32>, vector<16xi32>)  : i32 {
        %mul3A_551 = arith.constant 64 : i32
        %mul3A_552 = arith.muli %scan3A_546, %mul3A_551 : i32
        %get3A_553 = arith.index_cast %scan3A_488 : i32 to index
        %get3A_554 = arith.index_cast %mul3A_552 : i32 to index
        %get3A_555 = tpu.vector_load %arg6[%get3A_553, %get3A_554] {strides = array<i32>} : memref<8x2048xi32, #tpu.memory_space<vmem>>, vector<1x16xi32>,
        %get3A_556 = vector.shape_cast %get3A_555 : vector<1x16xi32> to vector<16xi32>
        %add3A_557 = arith.addi %scan3A_547, %get3A_556 : vector<16xi32>
        %add3A_558 = arith.constant 16 : i32
        %add3A_559 = arith.addi %mul3A_552, %add3A_558 : i32
        %get3A_560 = arith.index_cast %scan3A_488 : i32 to index
        %get3A_561 = arith.index_cast %add3A_559 : i32 to index
        %get3A_562 = tpu.vector_load %arg6[%get3A_560, %get3A_561] {strides = array<i32>} : memref<8x2048xi32, #tpu.memory_space<vmem>>, vector<1x16xi32>,
        %get3A_563 = vector.shape_cast %get3A_562 : vector<1x16xi32> to vector<16xi32>
        %add3A_564 = arith.addi %scan3A_548, %get3A_563 : vector<16xi32>
        %add3A_565 = arith.constant 32 : i32
        %add3A_566 = arith.addi %mul3A_552, %add3A_565 : i32
        %get3A_567 = arith.index_cast %scan3A_488 : i32 to index
        %get3A_568 = arith.index_cast %add3A_566 : i32 to index
        %get3A_569 = tpu.vector_load %arg6[%get3A_567, %get3A_568] {strides = array<i32>} : memref<8x2048xi32, #tpu.memory_space<vmem>>, vector<1x16xi32>,
        %get3A_570 = vector.shape_cast %get3A_569 : vector<1x16xi32> to vector<16xi32>
        %add3A_571 = arith.addi %scan3A_549, %get3A_570 : vector<16xi32>
        %add3A_572 = arith.constant 48 : i32
        %add3A_573 = arith.addi %mul3A_552, %add3A_572 : i32
        %get3A_574 = arith.index_cast %scan3A_488 : i32 to index
        %get3A_575 = arith.index_cast %add3A_573 : i32 to index
        %get3A_576 = tpu.vector_load %arg6[%get3A_574, %get3A_575] {strides = array<i32>} : memref<8x2048xi32, #tpu.memory_space<vmem>>, vector<1x16xi32>,
        %get3A_577 = vector.shape_cast %get3A_576 : vector<1x16xi32> to vector<16xi32>
        %add3A_578 = arith.addi %scan3A_550, %get3A_577 : vector<16xi32>
        %scan3A_579 = arith.constant 1 : i32
        %scan3A_580 = arith.addi %scan3A_546, %scan3A_579 : i32
        %mul3A_581 = arith.constant 64 : i32
        %mul3A_582 = arith.muli %scan3A_580, %mul3A_581 : i32
        %get3A_583 = arith.index_cast %scan3A_488 : i32 to index
        %get3A_584 = arith.index_cast %mul3A_582 : i32 to index
        %get3A_585 = tpu.vector_load %arg6[%get3A_583, %get3A_584] {strides = array<i32>} : memref<8x2048xi32, #tpu.memory_space<vmem>>, vector<1x16xi32>,
        %get3A_586 = vector.shape_cast %get3A_585 : vector<1x16xi32> to vector<16xi32>
        %add3A_587 = arith.addi %add3A_557, %get3A_586 : vector<16xi32>
        %add3A_588 = arith.constant 16 : i32
        %add3A_589 = arith.addi %mul3A_582, %add3A_588 : i32
        %get3A_590 = arith.index_cast %scan3A_488 : i32 to index
        %get3A_591 = arith.index_cast %add3A_589 : i32 to index
        %get3A_592 = tpu.vector_load %arg6[%get3A_590, %get3A_591] {strides = array<i32>} : memref<8x2048xi32, #tpu.memory_space<vmem>>, vector<1x16xi32>,
        %get3A_593 = vector.shape_cast %get3A_592 : vector<1x16xi32> to vector<16xi32>
        %add3A_594 = arith.addi %add3A_564, %get3A_593 : vector<16xi32>
        %add3A_595 = arith.constant 32 : i32
        %add3A_596 = arith.addi %mul3A_582, %add3A_595 : i32
        %get3A_597 = arith.index_cast %scan3A_488 : i32 to index
        %get3A_598 = arith.index_cast %add3A_596 : i32 to index
        %get3A_599 = tpu.vector_load %arg6[%get3A_597, %get3A_598] {strides = array<i32>} : memref<8x2048xi32, #tpu.memory_space<vmem>>, vector<1x16xi32>,
        %get3A_600 = vector.shape_cast %get3A_599 : vector<1x16xi32> to vector<16xi32>
        %add3A_601 = arith.addi %add3A_571, %get3A_600 : vector<16xi32>
        %add3A_602 = arith.constant 48 : i32
        %add3A_603 = arith.addi %mul3A_582, %add3A_602 : i32
        %get3A_604 = arith.index_cast %scan3A_488 : i32 to index
        %get3A_605 = arith.index_cast %add3A_603 : i32 to index
        %get3A_606 = tpu.vector_load %arg6[%get3A_604, %get3A_605] {strides = array<i32>} : memref<8x2048xi32, #tpu.memory_space<vmem>>, vector<1x16xi32>,
        %get3A_607 = vector.shape_cast %get3A_606 : vector<1x16xi32> to vector<16xi32>
        %add3A_608 = arith.addi %add3A_578, %get3A_607 : vector<16xi32>
        %scan3A_609 = arith.constant 2 : i32
        %scan3A_610 = arith.addi %scan3A_546, %scan3A_609 : i32
        %mul3A_611 = arith.constant 64 : i32
        %mul3A_612 = arith.muli %scan3A_610, %mul3A_611 : i32
        %get3A_613 = arith.index_cast %scan3A_488 : i32 to index
        %get3A_614 = arith.index_cast %mul3A_612 : i32 to index
        %get3A_615 = tpu.vector_load %arg6[%get3A_613, %get3A_614] {strides = array<i32>} : memref<8x2048xi32, #tpu.memory_space<vmem>>, vector<1x16xi32>,
        %get3A_616 = vector.shape_cast %get3A_615 : vector<1x16xi32> to vector<16xi32>
        %add3A_617 = arith.addi %add3A_587, %get3A_616 : vector<16xi32>
        %add3A_618 = arith.constant 16 : i32
        %add3A_619 = arith.addi %mul3A_612, %add3A_618 : i32
        %get3A_620 = arith.index_cast %scan3A_488 : i32 to index
        %get3A_621 = arith.index_cast %add3A_619 : i32 to index
        %get3A_622 = tpu.vector_load %arg6[%get3A_620, %get3A_621] {strides = array<i32>} : memref<8x2048xi32, #tpu.memory_space<vmem>>, vector<1x16xi32>,
        %get3A_623 = vector.shape_cast %get3A_622 : vector<1x16xi32> to vector<16xi32>
        %add3A_624 = arith.addi %add3A_594, %get3A_623 : vector<16xi32>
        %add3A_625 = arith.constant 32 : i32
        %add3A_626 = arith.addi %mul3A_612, %add3A_625 : i32
        %get3A_627 = arith.index_cast %scan3A_488 : i32 to index
        %get3A_628 = arith.index_cast %add3A_626 : i32 to index
        %get3A_629 = tpu.vector_load %arg6[%get3A_627, %get3A_628] {strides = array<i32>} : memref<8x2048xi32, #tpu.memory_space<vmem>>, vector<1x16xi32>,
        %get3A_630 = vector.shape_cast %get3A_629 : vector<1x16xi32> to vector<16xi32>
        %add3A_631 = arith.addi %add3A_601, %get3A_630 : vector<16xi32>
        %add3A_632 = arith.constant 48 : i32
        %add3A_633 = arith.addi %mul3A_612, %add3A_632 : i32
        %get3A_634 = arith.index_cast %scan3A_488 : i32 to index
        %get3A_635 = arith.index_cast %add3A_633 : i32 to index
        %get3A_636 = tpu.vector_load %arg6[%get3A_634, %get3A_635] {strides = array<i32>} : memref<8x2048xi32, #tpu.memory_space<vmem>>, vector<1x16xi32>,
        %get3A_637 = vector.shape_cast %get3A_636 : vector<1x16xi32> to vector<16xi32>
        %add3A_638 = arith.addi %add3A_608, %get3A_637 : vector<16xi32>
        %scan3A_639 = arith.constant 3 : i32
        %scan3A_640 = arith.addi %scan3A_546, %scan3A_639 : i32
        %mul3A_641 = arith.constant 64 : i32
        %mul3A_642 = arith.muli %scan3A_640, %mul3A_641 : i32
        %get3A_643 = arith.index_cast %scan3A_488 : i32 to index
        %get3A_644 = arith.index_cast %mul3A_642 : i32 to index
        %get3A_645 = tpu.vector_load %arg6[%get3A_643, %get3A_644] {strides = array<i32>} : memref<8x2048xi32, #tpu.memory_space<vmem>>, vector<1x16xi32>,
        %get3A_646 = vector.shape_cast %get3A_645 : vector<1x16xi32> to vector<16xi32>
        %add3A_647 = arith.addi %add3A_617, %get3A_646 : vector<16xi32>
        %add3A_648 = arith.constant 16 : i32
        %add3A_649 = arith.addi %mul3A_642, %add3A_648 : i32
        %get3A_650 = arith.index_cast %scan3A_488 : i32 to index
        %get3A_651 = arith.index_cast %add3A_649 : i32 to index
        %get3A_652 = tpu.vector_load %arg6[%get3A_650, %get3A_651] {strides = array<i32>} : memref<8x2048xi32, #tpu.memory_space<vmem>>, vector<1x16xi32>,
        %get3A_653 = vector.shape_cast %get3A_652 : vector<1x16xi32> to vector<16xi32>
        %add3A_654 = arith.addi %add3A_624, %get3A_653 : vector<16xi32>
        %add3A_655 = arith.constant 32 : i32
        %add3A_656 = arith.addi %mul3A_642, %add3A_655 : i32
        %get3A_657 = arith.index_cast %scan3A_488 : i32 to index
        %get3A_658 = arith.index_cast %add3A_656 : i32 to index
        %get3A_659 = tpu.vector_load %arg6[%get3A_657, %get3A_658] {strides = array<i32>} : memref<8x2048xi32, #tpu.memory_space<vmem>>, vector<1x16xi32>,
        %get3A_660 = vector.shape_cast %get3A_659 : vector<1x16xi32> to vector<16xi32>
        %add3A_661 = arith.addi %add3A_631, %get3A_660 : vector<16xi32>
        %add3A_662 = arith.constant 48 : i32
        %add3A_663 = arith.addi %mul3A_642, %add3A_662 : i32
        %get3A_664 = arith.index_cast %scan3A_488 : i32 to index
        %get3A_665 = arith.index_cast %add3A_663 : i32 to index
        %get3A_666 = tpu.vector_load %arg6[%get3A_664, %get3A_665] {strides = array<i32>} : memref<8x2048xi32, #tpu.memory_space<vmem>>, vector<1x16xi32>,
        %get3A_667 = vector.shape_cast %get3A_666 : vector<1x16xi32> to vector<16xi32>
        %add3A_668 = arith.addi %add3A_638, %get3A_667 : vector<16xi32>
        scf.yield %add3A_647, %add3A_654, %add3A_661, %add3A_668 : vector<16xi32>, vector<16xi32>, vector<16xi32>, vector<16xi32>
      }
      %scan3A_497 = arith.constant 32 : i32
      %add3A_498 = arith.addi %scan3A_496#0, %scan3A_496#1 : vector<16xi32>
      %add3A_499 = arith.addi %scan3A_496#2, %scan3A_496#3 : vector<16xi32>
      %add3A_500 = arith.addi %add3A_498, %add3A_499 : vector<16xi32>
      %and3A = vector.broadcast %scan3A_118 : i32 to vector<16xi32>
      %and3A_501 = arith.andi %add3A_500, %and3A : vector<16xi32>
      %shift_right_logical3A = arith.constant 8 : i32
      %shift_right_logical3A_502 = vector.broadcast %shift_right_logical3A : i32 to vector<16xi32>
      %shift_right_logical3A_503 = arith.shrui %add3A_500, %shift_right_logical3A_502 : vector<16xi32>
      %and3A_504 = vector.broadcast %scan3A_118 : i32 to vector<16xi32>
      %and3A_505 = arith.andi %shift_right_logical3A_503, %and3A_504 : vector<16xi32>
      %add3A_506 = arith.addi %and3A_501, %and3A_505 : vector<16xi32>
      %and3A_507 = arith.constant 65535 : i32
      %and3A_508 = vector.broadcast %and3A_507 : i32 to vector<16xi32>
      %and3A_509 = arith.andi %add3A_506, %and3A_508 : vector<16xi32>
      %shift_right_logical3A_510 = arith.constant 16 : i32
      %shift_right_logical3A_511 = vector.broadcast %shift_right_logical3A_510 : i32 to vector<16xi32>
      %shift_right_logical3A_512 = arith.shrui %add3A_506, %shift_right_logical3A_511 : vector<16xi32>
      %add3A_513 = arith.addi %and3A_509, %shift_right_logical3A_512 : vector<16xi32>
      %swap3A_514 = arith.constant 0 : index
      %swap3A_515 = tpu.vector_load %arg10[%swap3A_514] {strides = array<i32>} : memref<32xi32, #tpu.memory_space<vmem>>, vector<16xi32>,
      %swap3A_516 = vector.shape_cast %swap3A_515 : vector<16xi32> to vector<16xi32>
      %swap3A_517 = vector.shape_cast %add3A_513 : vector<16xi32> to vector<16xi32>
      tpu.vector_store %arg10[%swap3A_514], %swap3A_517 {strides = array<i32>} : memref<32xi32, #tpu.memory_space<vmem>>, vector<16xi32>,
      %get3A = arith.constant 8 : index
      %get3A_518 = tpu.vector_load %arg10[%get3A] {strides = array<i32>} : memref<32xi32, #tpu.memory_space<vmem>>, vector<16xi32>,
      %get3A_519 = vector.shape_cast %get3A_518 : vector<16xi32> to vector<16xi32>
      %add3A_520 = arith.addi %add3A_513, %get3A_519 : vector<16xi32>
      %swap3A_521 = arith.constant 0 : index
      %swap3A_522 = tpu.vector_load %arg10[%swap3A_521] {strides = array<i32>} : memref<32xi32, #tpu.memory_space<vmem>>, vector<16xi32>,
      %swap3A_523 = vector.shape_cast %swap3A_522 : vector<16xi32> to vector<16xi32>
      %swap3A_524 = vector.shape_cast %add3A_520 : vector<16xi32> to vector<16xi32>
      tpu.vector_store %arg10[%swap3A_521], %swap3A_524 {strides = array<i32>} : memref<32xi32, #tpu.memory_space<vmem>>, vector<16xi32>,
      %get3A_525 = arith.constant 4 : index
      %get3A_526 = tpu.vector_load %arg10[%get3A_525] {strides = array<i32>} : memref<32xi32, #tpu.memory_space<vmem>>, vector<16xi32>,
      %get3A_527 = vector.shape_cast %get3A_526 : vector<16xi32> to vector<16xi32>
      %add3A_528 = arith.addi %add3A_520, %get3A_527 : vector<16xi32>
      %swap3A_529 = arith.constant 0 : index
      %swap3A_530 = tpu.vector_load %arg10[%swap3A_529] {strides = array<i32>} : memref<32xi32, #tpu.memory_space<vmem>>, vector<16xi32>,
      %swap3A_531 = vector.shape_cast %swap3A_530 : vector<16xi32> to vector<16xi32>
      %swap3A_532 = vector.shape_cast %add3A_528 : vector<16xi32> to vector<16xi32>
      tpu.vector_store %arg10[%swap3A_529], %swap3A_532 {strides = array<i32>} : memref<32xi32, #tpu.memory_space<vmem>>, vector<16xi32>,
      %get3A_533 = arith.constant 2 : index
      %get3A_534 = tpu.vector_load %arg10[%get3A_533] {strides = array<i32>} : memref<32xi32, #tpu.memory_space<vmem>>, vector<16xi32>,
      %get3A_535 = vector.shape_cast %get3A_534 : vector<16xi32> to vector<16xi32>
      %add3A_536 = arith.addi %add3A_528, %get3A_535 : vector<16xi32>
      %slice3A = vector.extract_strided_slice %add3A_536 {offsets = [0], sizes = [1], strides = [1]} : vector<16xi32> to vector<1xi32>
      %squeeze3A = vector.extract %slice3A[0] : i32 from vector<1xi32>
      %slice3A_537 = vector.extract_strided_slice %add3A_536 {offsets = [1], sizes = [1], strides = [1]} : vector<16xi32> to vector<1xi32>
      %squeeze3A_538 = vector.extract %slice3A_537[0] : i32 from vector<1xi32>
      %add3A_539 = arith.addi %squeeze3A, %squeeze3A_538 : i32
      %add3A_540 = arith.constant 0 : i32
      %add3A_541 = arith.addi %scan3A_488, %add3A_540 : i32
      %eq3A_542 = vector.broadcast %add3A_541 : i32 to vector<16xi32>
      %eq3A_543 = arith.cmpi eq, %iota3A, %eq3A_542 : vector<16xi32>
      %broadcast_in_dim3A_544 = vector.broadcast %add3A_539 : i32 to vector<16xi32>
      %select_n3A_545 = arith.select %eq3A_543, %broadcast_in_dim3A_544, %scan3A_489 : vector<16xi1>, vector<16xi32>
      scf.yield %select_n3A_545 : vector<16xi32>
    }
    %scan3A_124 = arith.constant 8 : i32
    %dma_wait3A_125 = arith.constant 0 : i32
    %dma_wait3A_126 = tpu.memref_slice %arg2[%add3A_111, %dma_wait3A_125] : memref<4096x2048xi32, #tpu.memory_space<hbm>> -> memref<8x2048xi32, #tpu.memory_space<hbm>>
    %dma_wait3A_127 = arith.constant 0 : i32
    %dma_wait3A_128 = tpu.memref_slice %arg2[%add3A_111, %dma_wait3A_127] : memref<4096x2048xi32, #tpu.memory_space<hbm>> -> memref<8x2048xi32, #tpu.memory_space<hbm>>
    tpu.wait_dma2 semaphore(%arg15 : memref<!tpu.dma_semaphore, #tpu.memory_space<semaphore_mem>>) src(%dma_wait3A_128 : memref<8x2048xi32, #tpu.memory_space<hbm>>) dst(%arg7 : memref<8x2048xi32, #tpu.memory_space<vmem>>)
    %add3A_129 = arith.constant 48 : i32
    %add3A_130 = arith.addi %mul3A_2, %add3A_129 : i32
    %dma_start3A_131 = arith.constant 0 : i32
    %dma_start3A_132 = tpu.memref_slice %arg2[%add3A_130, %dma_start3A_131] : memref<4096x2048xi32, #tpu.memory_space<hbm>> -> memref<8x2048xi32, #tpu.memory_space<hbm>>
    %dma_start3A_133 = arith.constant 0 : i32
    %dma_start3A_134 = tpu.memref_slice %arg2[%add3A_130, %dma_start3A_133] : memref<4096x2048xi32, #tpu.memory_space<hbm>> -> memref<8x2048xi32, #tpu.memory_space<hbm>>
    tpu.enqueue_dma source(%dma_start3A_134 : memref<8x2048xi32, #tpu.memory_space<hbm>>) target(%arg6 : memref<8x2048xi32, #tpu.memory_space<vmem>>) target_semaphore(%arg14 : memref<!tpu.dma_semaphore, #tpu.memory_space<semaphore_mem>>)
    %scan3A_135 = arith.constant 16711935 : i32
    %scan3A_136 = arith.constant 0 : i32
    %scan3A_137 = arith.constant 8 : i32
    %scan3A_138 = arith.addi %scan3A_136, %scan3A_137 : i32
    %scan3A_139 = arith.constant 1 : i32
    %scan3A_140 = scf.for %scan3A_488 = %scan3A_136 to %scan3A_138 step %scan3A_139 iter_args(%scan3A_489 = %scan3A_123) -> (vector<16xi32>)  : i32 {
      %broadcast_in_dim3A_490 = arith.constant 0 : i32
      %broadcast_in_dim3A_491 = vector.broadcast %broadcast_in_dim3A_490 : i32 to vector<16xi32>
      %scan3A_492 = arith.constant 0 : i32
      %scan3A_493 = arith.constant 32 : i32
      %scan3A_494 = arith.addi %scan3A_492, %scan3A_493 : i32
      %scan3A_495 = arith.constant 4 : i32
      %scan3A_496:4 = scf.for %scan3A_546 = %scan3A_492 to %scan3A_494 step %scan3A_495 iter_args(%scan3A_547 = %broadcast_in_dim3A_491, %scan3A_548 = %broadcast_in_dim3A_491, %scan3A_549 = %broadcast_in_dim3A_491, %scan3A_550 = %broadcast_in_dim3A_491) -> (vector<16xi32>, vector<16xi32>, vector<16xi32>, vector<16xi32>)  : i32 {
        %mul3A_551 = arith.constant 64 : i32
        %mul3A_552 = arith.muli %scan3A_546, %mul3A_551 : i32
        %get3A_553 = arith.index_cast %scan3A_488 : i32 to index
        %get3A_554 = arith.index_cast %mul3A_552 : i32 to index
        %get3A_555 = tpu.vector_load %arg7[%get3A_553, %get3A_554] {strides = array<i32>} : memref<8x2048xi32, #tpu.memory_space<vmem>>, vector<1x16xi32>,
        %get3A_556 = vector.shape_cast %get3A_555 : vector<1x16xi32> to vector<16xi32>
        %add3A_557 = arith.addi %scan3A_547, %get3A_556 : vector<16xi32>
        %add3A_558 = arith.constant 16 : i32
        %add3A_559 = arith.addi %mul3A_552, %add3A_558 : i32
        %get3A_560 = arith.index_cast %scan3A_488 : i32 to index
        %get3A_561 = arith.index_cast %add3A_559 : i32 to index
        %get3A_562 = tpu.vector_load %arg7[%get3A_560, %get3A_561] {strides = array<i32>} : memref<8x2048xi32, #tpu.memory_space<vmem>>, vector<1x16xi32>,
        %get3A_563 = vector.shape_cast %get3A_562 : vector<1x16xi32> to vector<16xi32>
        %add3A_564 = arith.addi %scan3A_548, %get3A_563 : vector<16xi32>
        %add3A_565 = arith.constant 32 : i32
        %add3A_566 = arith.addi %mul3A_552, %add3A_565 : i32
        %get3A_567 = arith.index_cast %scan3A_488 : i32 to index
        %get3A_568 = arith.index_cast %add3A_566 : i32 to index
        %get3A_569 = tpu.vector_load %arg7[%get3A_567, %get3A_568] {strides = array<i32>} : memref<8x2048xi32, #tpu.memory_space<vmem>>, vector<1x16xi32>,
        %get3A_570 = vector.shape_cast %get3A_569 : vector<1x16xi32> to vector<16xi32>
        %add3A_571 = arith.addi %scan3A_549, %get3A_570 : vector<16xi32>
        %add3A_572 = arith.constant 48 : i32
        %add3A_573 = arith.addi %mul3A_552, %add3A_572 : i32
        %get3A_574 = arith.index_cast %scan3A_488 : i32 to index
        %get3A_575 = arith.index_cast %add3A_573 : i32 to index
        %get3A_576 = tpu.vector_load %arg7[%get3A_574, %get3A_575] {strides = array<i32>} : memref<8x2048xi32, #tpu.memory_space<vmem>>, vector<1x16xi32>,
        %get3A_577 = vector.shape_cast %get3A_576 : vector<1x16xi32> to vector<16xi32>
        %add3A_578 = arith.addi %scan3A_550, %get3A_577 : vector<16xi32>
        %scan3A_579 = arith.constant 1 : i32
        %scan3A_580 = arith.addi %scan3A_546, %scan3A_579 : i32
        %mul3A_581 = arith.constant 64 : i32
        %mul3A_582 = arith.muli %scan3A_580, %mul3A_581 : i32
        %get3A_583 = arith.index_cast %scan3A_488 : i32 to index
        %get3A_584 = arith.index_cast %mul3A_582 : i32 to index
        %get3A_585 = tpu.vector_load %arg7[%get3A_583, %get3A_584] {strides = array<i32>} : memref<8x2048xi32, #tpu.memory_space<vmem>>, vector<1x16xi32>,
        %get3A_586 = vector.shape_cast %get3A_585 : vector<1x16xi32> to vector<16xi32>
        %add3A_587 = arith.addi %add3A_557, %get3A_586 : vector<16xi32>
        %add3A_588 = arith.constant 16 : i32
        %add3A_589 = arith.addi %mul3A_582, %add3A_588 : i32
        %get3A_590 = arith.index_cast %scan3A_488 : i32 to index
        %get3A_591 = arith.index_cast %add3A_589 : i32 to index
        %get3A_592 = tpu.vector_load %arg7[%get3A_590, %get3A_591] {strides = array<i32>} : memref<8x2048xi32, #tpu.memory_space<vmem>>, vector<1x16xi32>,
        %get3A_593 = vector.shape_cast %get3A_592 : vector<1x16xi32> to vector<16xi32>
        %add3A_594 = arith.addi %add3A_564, %get3A_593 : vector<16xi32>
        %add3A_595 = arith.constant 32 : i32
        %add3A_596 = arith.addi %mul3A_582, %add3A_595 : i32
        %get3A_597 = arith.index_cast %scan3A_488 : i32 to index
        %get3A_598 = arith.index_cast %add3A_596 : i32 to index
        %get3A_599 = tpu.vector_load %arg7[%get3A_597, %get3A_598] {strides = array<i32>} : memref<8x2048xi32, #tpu.memory_space<vmem>>, vector<1x16xi32>,
        %get3A_600 = vector.shape_cast %get3A_599 : vector<1x16xi32> to vector<16xi32>
        %add3A_601 = arith.addi %add3A_571, %get3A_600 : vector<16xi32>
        %add3A_602 = arith.constant 48 : i32
        %add3A_603 = arith.addi %mul3A_582, %add3A_602 : i32
        %get3A_604 = arith.index_cast %scan3A_488 : i32 to index
        %get3A_605 = arith.index_cast %add3A_603 : i32 to index
        %get3A_606 = tpu.vector_load %arg7[%get3A_604, %get3A_605] {strides = array<i32>} : memref<8x2048xi32, #tpu.memory_space<vmem>>, vector<1x16xi32>,
        %get3A_607 = vector.shape_cast %get3A_606 : vector<1x16xi32> to vector<16xi32>
        %add3A_608 = arith.addi %add3A_578, %get3A_607 : vector<16xi32>
        %scan3A_609 = arith.constant 2 : i32
        %scan3A_610 = arith.addi %scan3A_546, %scan3A_609 : i32
        %mul3A_611 = arith.constant 64 : i32
        %mul3A_612 = arith.muli %scan3A_610, %mul3A_611 : i32
        %get3A_613 = arith.index_cast %scan3A_488 : i32 to index
        %get3A_614 = arith.index_cast %mul3A_612 : i32 to index
        %get3A_615 = tpu.vector_load %arg7[%get3A_613, %get3A_614] {strides = array<i32>} : memref<8x2048xi32, #tpu.memory_space<vmem>>, vector<1x16xi32>,
        %get3A_616 = vector.shape_cast %get3A_615 : vector<1x16xi32> to vector<16xi32>
        %add3A_617 = arith.addi %add3A_587, %get3A_616 : vector<16xi32>
        %add3A_618 = arith.constant 16 : i32
        %add3A_619 = arith.addi %mul3A_612, %add3A_618 : i32
        %get3A_620 = arith.index_cast %scan3A_488 : i32 to index
        %get3A_621 = arith.index_cast %add3A_619 : i32 to index
        %get3A_622 = tpu.vector_load %arg7[%get3A_620, %get3A_621] {strides = array<i32>} : memref<8x2048xi32, #tpu.memory_space<vmem>>, vector<1x16xi32>,
        %get3A_623 = vector.shape_cast %get3A_622 : vector<1x16xi32> to vector<16xi32>
        %add3A_624 = arith.addi %add3A_594, %get3A_623 : vector<16xi32>
        %add3A_625 = arith.constant 32 : i32
        %add3A_626 = arith.addi %mul3A_612, %add3A_625 : i32
        %get3A_627 = arith.index_cast %scan3A_488 : i32 to index
        %get3A_628 = arith.index_cast %add3A_626 : i32 to index
        %get3A_629 = tpu.vector_load %arg7[%get3A_627, %get3A_628] {strides = array<i32>} : memref<8x2048xi32, #tpu.memory_space<vmem>>, vector<1x16xi32>,
        %get3A_630 = vector.shape_cast %get3A_629 : vector<1x16xi32> to vector<16xi32>
        %add3A_631 = arith.addi %add3A_601, %get3A_630 : vector<16xi32>
        %add3A_632 = arith.constant 48 : i32
        %add3A_633 = arith.addi %mul3A_612, %add3A_632 : i32
        %get3A_634 = arith.index_cast %scan3A_488 : i32 to index
        %get3A_635 = arith.index_cast %add3A_633 : i32 to index
        %get3A_636 = tpu.vector_load %arg7[%get3A_634, %get3A_635] {strides = array<i32>} : memref<8x2048xi32, #tpu.memory_space<vmem>>, vector<1x16xi32>,
        %get3A_637 = vector.shape_cast %get3A_636 : vector<1x16xi32> to vector<16xi32>
        %add3A_638 = arith.addi %add3A_608, %get3A_637 : vector<16xi32>
        %scan3A_639 = arith.constant 3 : i32
        %scan3A_640 = arith.addi %scan3A_546, %scan3A_639 : i32
        %mul3A_641 = arith.constant 64 : i32
        %mul3A_642 = arith.muli %scan3A_640, %mul3A_641 : i32
        %get3A_643 = arith.index_cast %scan3A_488 : i32 to index
        %get3A_644 = arith.index_cast %mul3A_642 : i32 to index
        %get3A_645 = tpu.vector_load %arg7[%get3A_643, %get3A_644] {strides = array<i32>} : memref<8x2048xi32, #tpu.memory_space<vmem>>, vector<1x16xi32>,
        %get3A_646 = vector.shape_cast %get3A_645 : vector<1x16xi32> to vector<16xi32>
        %add3A_647 = arith.addi %add3A_617, %get3A_646 : vector<16xi32>
        %add3A_648 = arith.constant 16 : i32
        %add3A_649 = arith.addi %mul3A_642, %add3A_648 : i32
        %get3A_650 = arith.index_cast %scan3A_488 : i32 to index
        %get3A_651 = arith.index_cast %add3A_649 : i32 to index
        %get3A_652 = tpu.vector_load %arg7[%get3A_650, %get3A_651] {strides = array<i32>} : memref<8x2048xi32, #tpu.memory_space<vmem>>, vector<1x16xi32>,
        %get3A_653 = vector.shape_cast %get3A_652 : vector<1x16xi32> to vector<16xi32>
        %add3A_654 = arith.addi %add3A_624, %get3A_653 : vector<16xi32>
        %add3A_655 = arith.constant 32 : i32
        %add3A_656 = arith.addi %mul3A_642, %add3A_655 : i32
        %get3A_657 = arith.index_cast %scan3A_488 : i32 to index
        %get3A_658 = arith.index_cast %add3A_656 : i32 to index
        %get3A_659 = tpu.vector_load %arg7[%get3A_657, %get3A_658] {strides = array<i32>} : memref<8x2048xi32, #tpu.memory_space<vmem>>, vector<1x16xi32>,
        %get3A_660 = vector.shape_cast %get3A_659 : vector<1x16xi32> to vector<16xi32>
        %add3A_661 = arith.addi %add3A_631, %get3A_660 : vector<16xi32>
        %add3A_662 = arith.constant 48 : i32
        %add3A_663 = arith.addi %mul3A_642, %add3A_662 : i32
        %get3A_664 = arith.index_cast %scan3A_488 : i32 to index
        %get3A_665 = arith.index_cast %add3A_663 : i32 to index
        %get3A_666 = tpu.vector_load %arg7[%get3A_664, %get3A_665] {strides = array<i32>} : memref<8x2048xi32, #tpu.memory_space<vmem>>, vector<1x16xi32>,
        %get3A_667 = vector.shape_cast %get3A_666 : vector<1x16xi32> to vector<16xi32>
        %add3A_668 = arith.addi %add3A_638, %get3A_667 : vector<16xi32>
        scf.yield %add3A_647, %add3A_654, %add3A_661, %add3A_668 : vector<16xi32>, vector<16xi32>, vector<16xi32>, vector<16xi32>
      }
      %scan3A_497 = arith.constant 32 : i32
      %add3A_498 = arith.addi %scan3A_496#0, %scan3A_496#1 : vector<16xi32>
      %add3A_499 = arith.addi %scan3A_496#2, %scan3A_496#3 : vector<16xi32>
      %add3A_500 = arith.addi %add3A_498, %add3A_499 : vector<16xi32>
      %and3A = vector.broadcast %scan3A_135 : i32 to vector<16xi32>
      %and3A_501 = arith.andi %add3A_500, %and3A : vector<16xi32>
      %shift_right_logical3A = arith.constant 8 : i32
      %shift_right_logical3A_502 = vector.broadcast %shift_right_logical3A : i32 to vector<16xi32>
      %shift_right_logical3A_503 = arith.shrui %add3A_500, %shift_right_logical3A_502 : vector<16xi32>
      %and3A_504 = vector.broadcast %scan3A_135 : i32 to vector<16xi32>
      %and3A_505 = arith.andi %shift_right_logical3A_503, %and3A_504 : vector<16xi32>
      %add3A_506 = arith.addi %and3A_501, %and3A_505 : vector<16xi32>
      %and3A_507 = arith.constant 65535 : i32
      %and3A_508 = vector.broadcast %and3A_507 : i32 to vector<16xi32>
      %and3A_509 = arith.andi %add3A_506, %and3A_508 : vector<16xi32>
      %shift_right_logical3A_510 = arith.constant 16 : i32
      %shift_right_logical3A_511 = vector.broadcast %shift_right_logical3A_510 : i32 to vector<16xi32>
      %shift_right_logical3A_512 = arith.shrui %add3A_506, %shift_right_logical3A_511 : vector<16xi32>
      %add3A_513 = arith.addi %and3A_509, %shift_right_logical3A_512 : vector<16xi32>
      %swap3A_514 = arith.constant 0 : index
      %swap3A_515 = tpu.vector_load %arg10[%swap3A_514] {strides = array<i32>} : memref<32xi32, #tpu.memory_space<vmem>>, vector<16xi32>,
      %swap3A_516 = vector.shape_cast %swap3A_515 : vector<16xi32> to vector<16xi32>
      %swap3A_517 = vector.shape_cast %add3A_513 : vector<16xi32> to vector<16xi32>
      tpu.vector_store %arg10[%swap3A_514], %swap3A_517 {strides = array<i32>} : memref<32xi32, #tpu.memory_space<vmem>>, vector<16xi32>,
      %get3A = arith.constant 8 : index
      %get3A_518 = tpu.vector_load %arg10[%get3A] {strides = array<i32>} : memref<32xi32, #tpu.memory_space<vmem>>, vector<16xi32>,
      %get3A_519 = vector.shape_cast %get3A_518 : vector<16xi32> to vector<16xi32>
      %add3A_520 = arith.addi %add3A_513, %get3A_519 : vector<16xi32>
      %swap3A_521 = arith.constant 0 : index
      %swap3A_522 = tpu.vector_load %arg10[%swap3A_521] {strides = array<i32>} : memref<32xi32, #tpu.memory_space<vmem>>, vector<16xi32>,
      %swap3A_523 = vector.shape_cast %swap3A_522 : vector<16xi32> to vector<16xi32>
      %swap3A_524 = vector.shape_cast %add3A_520 : vector<16xi32> to vector<16xi32>
      tpu.vector_store %arg10[%swap3A_521], %swap3A_524 {strides = array<i32>} : memref<32xi32, #tpu.memory_space<vmem>>, vector<16xi32>,
      %get3A_525 = arith.constant 4 : index
      %get3A_526 = tpu.vector_load %arg10[%get3A_525] {strides = array<i32>} : memref<32xi32, #tpu.memory_space<vmem>>, vector<16xi32>,
      %get3A_527 = vector.shape_cast %get3A_526 : vector<16xi32> to vector<16xi32>
      %add3A_528 = arith.addi %add3A_520, %get3A_527 : vector<16xi32>
      %swap3A_529 = arith.constant 0 : index
      %swap3A_530 = tpu.vector_load %arg10[%swap3A_529] {strides = array<i32>} : memref<32xi32, #tpu.memory_space<vmem>>, vector<16xi32>,
      %swap3A_531 = vector.shape_cast %swap3A_530 : vector<16xi32> to vector<16xi32>
      %swap3A_532 = vector.shape_cast %add3A_528 : vector<16xi32> to vector<16xi32>
      tpu.vector_store %arg10[%swap3A_529], %swap3A_532 {strides = array<i32>} : memref<32xi32, #tpu.memory_space<vmem>>, vector<16xi32>,
      %get3A_533 = arith.constant 2 : index
      %get3A_534 = tpu.vector_load %arg10[%get3A_533] {strides = array<i32>} : memref<32xi32, #tpu.memory_space<vmem>>, vector<16xi32>,
      %get3A_535 = vector.shape_cast %get3A_534 : vector<16xi32> to vector<16xi32>
      %add3A_536 = arith.addi %add3A_528, %get3A_535 : vector<16xi32>
      %slice3A = vector.extract_strided_slice %add3A_536 {offsets = [0], sizes = [1], strides = [1]} : vector<16xi32> to vector<1xi32>
      %squeeze3A = vector.extract %slice3A[0] : i32 from vector<1xi32>
      %slice3A_537 = vector.extract_strided_slice %add3A_536 {offsets = [1], sizes = [1], strides = [1]} : vector<16xi32> to vector<1xi32>
      %squeeze3A_538 = vector.extract %slice3A_537[0] : i32 from vector<1xi32>
      %add3A_539 = arith.addi %squeeze3A, %squeeze3A_538 : i32
      %add3A_540 = arith.constant 8 : i32
      %add3A_541 = arith.addi %scan3A_488, %add3A_540 : i32
      %eq3A_542 = vector.broadcast %add3A_541 : i32 to vector<16xi32>
      %eq3A_543 = arith.cmpi eq, %iota3A, %eq3A_542 : vector<16xi32>
      %broadcast_in_dim3A_544 = vector.broadcast %add3A_539 : i32 to vector<16xi32>
      %select_n3A_545 = arith.select %eq3A_543, %broadcast_in_dim3A_544, %scan3A_489 : vector<16xi1>, vector<16xi32>
      scf.yield %select_n3A_545 : vector<16xi32>
    }
    %scan3A_141 = arith.constant 8 : i32
    %eq3A_142 = arith.constant 0 : i32
    %eq3A_143 = vector.broadcast %eq3A_142 : i32 to vector<16xi32>
    %eq3A_144 = arith.cmpi eq, %scan3A_140, %eq3A_143 : vector<16xi32>
    %sub3A_145 = arith.constant 1 : i32
    %sub3A_146 = vector.broadcast %sub3A_145 : i32 to vector<16xi32>
    %sub3A_147 = arith.subi %scan3A_140, %sub3A_146 : vector<16xi32>
    %jit3A_148 = arith.constant 8319 : i32
    %broadcast_in_dim3A_149 = vector.broadcast %jit3A_148 : i32 to vector<16xi32>
    %select_n3A_150 = arith.select %eq3A_144, %broadcast_in_dim3A_149, %sub3A_147 : vector<16xi1>, vector<16xi32>
    %swap3A_151 = arith.constant 32 : index
    %swap3A_152 = tpu.vector_load %arg9[%swap3A_151] {strides = array<i32>} : memref<128xi32, #tpu.memory_space<vmem>>, vector<16xi32>,
    %swap3A_153 = vector.shape_cast %swap3A_152 : vector<16xi32> to vector<16xi32>
    %swap3A_154 = vector.shape_cast %select_n3A_150 : vector<16xi32> to vector<16xi32>
    tpu.vector_store %arg9[%swap3A_151], %swap3A_154 {strides = array<i32>} : memref<128xi32, #tpu.memory_space<vmem>>, vector<16xi32>,
    %dma_wait3A_155 = arith.constant 0 : i32
    %dma_wait3A_156 = tpu.memref_slice %arg2[%add3A_130, %dma_wait3A_155] : memref<4096x2048xi32, #tpu.memory_space<hbm>> -> memref<8x2048xi32, #tpu.memory_space<hbm>>
    %dma_wait3A_157 = arith.constant 0 : i32
    %dma_wait3A_158 = tpu.memref_slice %arg2[%add3A_130, %dma_wait3A_157] : memref<4096x2048xi32, #tpu.memory_space<hbm>> -> memref<8x2048xi32, #tpu.memory_space<hbm>>
    tpu.wait_dma2 semaphore(%arg14 : memref<!tpu.dma_semaphore, #tpu.memory_space<semaphore_mem>>) src(%dma_wait3A_158 : memref<8x2048xi32, #tpu.memory_space<hbm>>) dst(%arg6 : memref<8x2048xi32, #tpu.memory_space<vmem>>)
    %add3A_159 = arith.constant 56 : i32
    %add3A_160 = arith.addi %mul3A_2, %add3A_159 : i32
    %dma_start3A_161 = arith.constant 0 : i32
    %dma_start3A_162 = tpu.memref_slice %arg2[%add3A_160, %dma_start3A_161] : memref<4096x2048xi32, #tpu.memory_space<hbm>> -> memref<8x2048xi32, #tpu.memory_space<hbm>>
    %dma_start3A_163 = arith.constant 0 : i32
    %dma_start3A_164 = tpu.memref_slice %arg2[%add3A_160, %dma_start3A_163] : memref<4096x2048xi32, #tpu.memory_space<hbm>> -> memref<8x2048xi32, #tpu.memory_space<hbm>>
    tpu.enqueue_dma source(%dma_start3A_164 : memref<8x2048xi32, #tpu.memory_space<hbm>>) target(%arg7 : memref<8x2048xi32, #tpu.memory_space<vmem>>) target_semaphore(%arg15 : memref<!tpu.dma_semaphore, #tpu.memory_space<semaphore_mem>>)
    %broadcast_in_dim3A_165 = arith.constant 0 : i32
    %broadcast_in_dim3A_166 = vector.broadcast %broadcast_in_dim3A_165 : i32 to vector<16xi32>
    %scan3A_167 = arith.constant 16711935 : i32
    %scan3A_168 = arith.constant 0 : i32
    %scan3A_169 = arith.constant 8 : i32
    %scan3A_170 = arith.addi %scan3A_168, %scan3A_169 : i32
    %scan3A_171 = arith.constant 1 : i32
    %scan3A_172 = scf.for %scan3A_488 = %scan3A_168 to %scan3A_170 step %scan3A_171 iter_args(%scan3A_489 = %broadcast_in_dim3A_166) -> (vector<16xi32>)  : i32 {
      %broadcast_in_dim3A_490 = arith.constant 0 : i32
      %broadcast_in_dim3A_491 = vector.broadcast %broadcast_in_dim3A_490 : i32 to vector<16xi32>
      %scan3A_492 = arith.constant 0 : i32
      %scan3A_493 = arith.constant 32 : i32
      %scan3A_494 = arith.addi %scan3A_492, %scan3A_493 : i32
      %scan3A_495 = arith.constant 4 : i32
      %scan3A_496:4 = scf.for %scan3A_546 = %scan3A_492 to %scan3A_494 step %scan3A_495 iter_args(%scan3A_547 = %broadcast_in_dim3A_491, %scan3A_548 = %broadcast_in_dim3A_491, %scan3A_549 = %broadcast_in_dim3A_491, %scan3A_550 = %broadcast_in_dim3A_491) -> (vector<16xi32>, vector<16xi32>, vector<16xi32>, vector<16xi32>)  : i32 {
        %mul3A_551 = arith.constant 64 : i32
        %mul3A_552 = arith.muli %scan3A_546, %mul3A_551 : i32
        %get3A_553 = arith.index_cast %scan3A_488 : i32 to index
        %get3A_554 = arith.index_cast %mul3A_552 : i32 to index
        %get3A_555 = tpu.vector_load %arg6[%get3A_553, %get3A_554] {strides = array<i32>} : memref<8x2048xi32, #tpu.memory_space<vmem>>, vector<1x16xi32>,
        %get3A_556 = vector.shape_cast %get3A_555 : vector<1x16xi32> to vector<16xi32>
        %add3A_557 = arith.addi %scan3A_547, %get3A_556 : vector<16xi32>
        %add3A_558 = arith.constant 16 : i32
        %add3A_559 = arith.addi %mul3A_552, %add3A_558 : i32
        %get3A_560 = arith.index_cast %scan3A_488 : i32 to index
        %get3A_561 = arith.index_cast %add3A_559 : i32 to index
        %get3A_562 = tpu.vector_load %arg6[%get3A_560, %get3A_561] {strides = array<i32>} : memref<8x2048xi32, #tpu.memory_space<vmem>>, vector<1x16xi32>,
        %get3A_563 = vector.shape_cast %get3A_562 : vector<1x16xi32> to vector<16xi32>
        %add3A_564 = arith.addi %scan3A_548, %get3A_563 : vector<16xi32>
        %add3A_565 = arith.constant 32 : i32
        %add3A_566 = arith.addi %mul3A_552, %add3A_565 : i32
        %get3A_567 = arith.index_cast %scan3A_488 : i32 to index
        %get3A_568 = arith.index_cast %add3A_566 : i32 to index
        %get3A_569 = tpu.vector_load %arg6[%get3A_567, %get3A_568] {strides = array<i32>} : memref<8x2048xi32, #tpu.memory_space<vmem>>, vector<1x16xi32>,
        %get3A_570 = vector.shape_cast %get3A_569 : vector<1x16xi32> to vector<16xi32>
        %add3A_571 = arith.addi %scan3A_549, %get3A_570 : vector<16xi32>
        %add3A_572 = arith.constant 48 : i32
        %add3A_573 = arith.addi %mul3A_552, %add3A_572 : i32
        %get3A_574 = arith.index_cast %scan3A_488 : i32 to index
        %get3A_575 = arith.index_cast %add3A_573 : i32 to index
        %get3A_576 = tpu.vector_load %arg6[%get3A_574, %get3A_575] {strides = array<i32>} : memref<8x2048xi32, #tpu.memory_space<vmem>>, vector<1x16xi32>,
        %get3A_577 = vector.shape_cast %get3A_576 : vector<1x16xi32> to vector<16xi32>
        %add3A_578 = arith.addi %scan3A_550, %get3A_577 : vector<16xi32>
        %scan3A_579 = arith.constant 1 : i32
        %scan3A_580 = arith.addi %scan3A_546, %scan3A_579 : i32
        %mul3A_581 = arith.constant 64 : i32
        %mul3A_582 = arith.muli %scan3A_580, %mul3A_581 : i32
        %get3A_583 = arith.index_cast %scan3A_488 : i32 to index
        %get3A_584 = arith.index_cast %mul3A_582 : i32 to index
        %get3A_585 = tpu.vector_load %arg6[%get3A_583, %get3A_584] {strides = array<i32>} : memref<8x2048xi32, #tpu.memory_space<vmem>>, vector<1x16xi32>,
        %get3A_586 = vector.shape_cast %get3A_585 : vector<1x16xi32> to vector<16xi32>
        %add3A_587 = arith.addi %add3A_557, %get3A_586 : vector<16xi32>
        %add3A_588 = arith.constant 16 : i32
        %add3A_589 = arith.addi %mul3A_582, %add3A_588 : i32
        %get3A_590 = arith.index_cast %scan3A_488 : i32 to index
        %get3A_591 = arith.index_cast %add3A_589 : i32 to index
        %get3A_592 = tpu.vector_load %arg6[%get3A_590, %get3A_591] {strides = array<i32>} : memref<8x2048xi32, #tpu.memory_space<vmem>>, vector<1x16xi32>,
        %get3A_593 = vector.shape_cast %get3A_592 : vector<1x16xi32> to vector<16xi32>
        %add3A_594 = arith.addi %add3A_564, %get3A_593 : vector<16xi32>
        %add3A_595 = arith.constant 32 : i32
        %add3A_596 = arith.addi %mul3A_582, %add3A_595 : i32
        %get3A_597 = arith.index_cast %scan3A_488 : i32 to index
        %get3A_598 = arith.index_cast %add3A_596 : i32 to index
        %get3A_599 = tpu.vector_load %arg6[%get3A_597, %get3A_598] {strides = array<i32>} : memref<8x2048xi32, #tpu.memory_space<vmem>>, vector<1x16xi32>,
        %get3A_600 = vector.shape_cast %get3A_599 : vector<1x16xi32> to vector<16xi32>
        %add3A_601 = arith.addi %add3A_571, %get3A_600 : vector<16xi32>
        %add3A_602 = arith.constant 48 : i32
        %add3A_603 = arith.addi %mul3A_582, %add3A_602 : i32
        %get3A_604 = arith.index_cast %scan3A_488 : i32 to index
        %get3A_605 = arith.index_cast %add3A_603 : i32 to index
        %get3A_606 = tpu.vector_load %arg6[%get3A_604, %get3A_605] {strides = array<i32>} : memref<8x2048xi32, #tpu.memory_space<vmem>>, vector<1x16xi32>,
        %get3A_607 = vector.shape_cast %get3A_606 : vector<1x16xi32> to vector<16xi32>
        %add3A_608 = arith.addi %add3A_578, %get3A_607 : vector<16xi32>
        %scan3A_609 = arith.constant 2 : i32
        %scan3A_610 = arith.addi %scan3A_546, %scan3A_609 : i32
        %mul3A_611 = arith.constant 64 : i32
        %mul3A_612 = arith.muli %scan3A_610, %mul3A_611 : i32
        %get3A_613 = arith.index_cast %scan3A_488 : i32 to index
        %get3A_614 = arith.index_cast %mul3A_612 : i32 to index
        %get3A_615 = tpu.vector_load %arg6[%get3A_613, %get3A_614] {strides = array<i32>} : memref<8x2048xi32, #tpu.memory_space<vmem>>, vector<1x16xi32>,
        %get3A_616 = vector.shape_cast %get3A_615 : vector<1x16xi32> to vector<16xi32>
        %add3A_617 = arith.addi %add3A_587, %get3A_616 : vector<16xi32>
        %add3A_618 = arith.constant 16 : i32
        %add3A_619 = arith.addi %mul3A_612, %add3A_618 : i32
        %get3A_620 = arith.index_cast %scan3A_488 : i32 to index
        %get3A_621 = arith.index_cast %add3A_619 : i32 to index
        %get3A_622 = tpu.vector_load %arg6[%get3A_620, %get3A_621] {strides = array<i32>} : memref<8x2048xi32, #tpu.memory_space<vmem>>, vector<1x16xi32>,
        %get3A_623 = vector.shape_cast %get3A_622 : vector<1x16xi32> to vector<16xi32>
        %add3A_624 = arith.addi %add3A_594, %get3A_623 : vector<16xi32>
        %add3A_625 = arith.constant 32 : i32
        %add3A_626 = arith.addi %mul3A_612, %add3A_625 : i32
        %get3A_627 = arith.index_cast %scan3A_488 : i32 to index
        %get3A_628 = arith.index_cast %add3A_626 : i32 to index
        %get3A_629 = tpu.vector_load %arg6[%get3A_627, %get3A_628] {strides = array<i32>} : memref<8x2048xi32, #tpu.memory_space<vmem>>, vector<1x16xi32>,
        %get3A_630 = vector.shape_cast %get3A_629 : vector<1x16xi32> to vector<16xi32>
        %add3A_631 = arith.addi %add3A_601, %get3A_630 : vector<16xi32>
        %add3A_632 = arith.constant 48 : i32
        %add3A_633 = arith.addi %mul3A_612, %add3A_632 : i32
        %get3A_634 = arith.index_cast %scan3A_488 : i32 to index
        %get3A_635 = arith.index_cast %add3A_633 : i32 to index
        %get3A_636 = tpu.vector_load %arg6[%get3A_634, %get3A_635] {strides = array<i32>} : memref<8x2048xi32, #tpu.memory_space<vmem>>, vector<1x16xi32>,
        %get3A_637 = vector.shape_cast %get3A_636 : vector<1x16xi32> to vector<16xi32>
        %add3A_638 = arith.addi %add3A_608, %get3A_637 : vector<16xi32>
        %scan3A_639 = arith.constant 3 : i32
        %scan3A_640 = arith.addi %scan3A_546, %scan3A_639 : i32
        %mul3A_641 = arith.constant 64 : i32
        %mul3A_642 = arith.muli %scan3A_640, %mul3A_641 : i32
        %get3A_643 = arith.index_cast %scan3A_488 : i32 to index
        %get3A_644 = arith.index_cast %mul3A_642 : i32 to index
        %get3A_645 = tpu.vector_load %arg6[%get3A_643, %get3A_644] {strides = array<i32>} : memref<8x2048xi32, #tpu.memory_space<vmem>>, vector<1x16xi32>,
        %get3A_646 = vector.shape_cast %get3A_645 : vector<1x16xi32> to vector<16xi32>
        %add3A_647 = arith.addi %add3A_617, %get3A_646 : vector<16xi32>
        %add3A_648 = arith.constant 16 : i32
        %add3A_649 = arith.addi %mul3A_642, %add3A_648 : i32
        %get3A_650 = arith.index_cast %scan3A_488 : i32 to index
        %get3A_651 = arith.index_cast %add3A_649 : i32 to index
        %get3A_652 = tpu.vector_load %arg6[%get3A_650, %get3A_651] {strides = array<i32>} : memref<8x2048xi32, #tpu.memory_space<vmem>>, vector<1x16xi32>,
        %get3A_653 = vector.shape_cast %get3A_652 : vector<1x16xi32> to vector<16xi32>
        %add3A_654 = arith.addi %add3A_624, %get3A_653 : vector<16xi32>
        %add3A_655 = arith.constant 32 : i32
        %add3A_656 = arith.addi %mul3A_642, %add3A_655 : i32
        %get3A_657 = arith.index_cast %scan3A_488 : i32 to index
        %get3A_658 = arith.index_cast %add3A_656 : i32 to index
        %get3A_659 = tpu.vector_load %arg6[%get3A_657, %get3A_658] {strides = array<i32>} : memref<8x2048xi32, #tpu.memory_space<vmem>>, vector<1x16xi32>,
        %get3A_660 = vector.shape_cast %get3A_659 : vector<1x16xi32> to vector<16xi32>
        %add3A_661 = arith.addi %add3A_631, %get3A_660 : vector<16xi32>
        %add3A_662 = arith.constant 48 : i32
        %add3A_663 = arith.addi %mul3A_642, %add3A_662 : i32
        %get3A_664 = arith.index_cast %scan3A_488 : i32 to index
        %get3A_665 = arith.index_cast %add3A_663 : i32 to index
        %get3A_666 = tpu.vector_load %arg6[%get3A_664, %get3A_665] {strides = array<i32>} : memref<8x2048xi32, #tpu.memory_space<vmem>>, vector<1x16xi32>,
        %get3A_667 = vector.shape_cast %get3A_666 : vector<1x16xi32> to vector<16xi32>
        %add3A_668 = arith.addi %add3A_638, %get3A_667 : vector<16xi32>
        scf.yield %add3A_647, %add3A_654, %add3A_661, %add3A_668 : vector<16xi32>, vector<16xi32>, vector<16xi32>, vector<16xi32>
      }
      %scan3A_497 = arith.constant 32 : i32
      %add3A_498 = arith.addi %scan3A_496#0, %scan3A_496#1 : vector<16xi32>
      %add3A_499 = arith.addi %scan3A_496#2, %scan3A_496#3 : vector<16xi32>
      %add3A_500 = arith.addi %add3A_498, %add3A_499 : vector<16xi32>
      %and3A = vector.broadcast %scan3A_167 : i32 to vector<16xi32>
      %and3A_501 = arith.andi %add3A_500, %and3A : vector<16xi32>
      %shift_right_logical3A = arith.constant 8 : i32
      %shift_right_logical3A_502 = vector.broadcast %shift_right_logical3A : i32 to vector<16xi32>
      %shift_right_logical3A_503 = arith.shrui %add3A_500, %shift_right_logical3A_502 : vector<16xi32>
      %and3A_504 = vector.broadcast %scan3A_167 : i32 to vector<16xi32>
      %and3A_505 = arith.andi %shift_right_logical3A_503, %and3A_504 : vector<16xi32>
      %add3A_506 = arith.addi %and3A_501, %and3A_505 : vector<16xi32>
      %and3A_507 = arith.constant 65535 : i32
      %and3A_508 = vector.broadcast %and3A_507 : i32 to vector<16xi32>
      %and3A_509 = arith.andi %add3A_506, %and3A_508 : vector<16xi32>
      %shift_right_logical3A_510 = arith.constant 16 : i32
      %shift_right_logical3A_511 = vector.broadcast %shift_right_logical3A_510 : i32 to vector<16xi32>
      %shift_right_logical3A_512 = arith.shrui %add3A_506, %shift_right_logical3A_511 : vector<16xi32>
      %add3A_513 = arith.addi %and3A_509, %shift_right_logical3A_512 : vector<16xi32>
      %swap3A_514 = arith.constant 0 : index
      %swap3A_515 = tpu.vector_load %arg10[%swap3A_514] {strides = array<i32>} : memref<32xi32, #tpu.memory_space<vmem>>, vector<16xi32>,
      %swap3A_516 = vector.shape_cast %swap3A_515 : vector<16xi32> to vector<16xi32>
      %swap3A_517 = vector.shape_cast %add3A_513 : vector<16xi32> to vector<16xi32>
      tpu.vector_store %arg10[%swap3A_514], %swap3A_517 {strides = array<i32>} : memref<32xi32, #tpu.memory_space<vmem>>, vector<16xi32>,
      %get3A = arith.constant 8 : index
      %get3A_518 = tpu.vector_load %arg10[%get3A] {strides = array<i32>} : memref<32xi32, #tpu.memory_space<vmem>>, vector<16xi32>,
      %get3A_519 = vector.shape_cast %get3A_518 : vector<16xi32> to vector<16xi32>
      %add3A_520 = arith.addi %add3A_513, %get3A_519 : vector<16xi32>
      %swap3A_521 = arith.constant 0 : index
      %swap3A_522 = tpu.vector_load %arg10[%swap3A_521] {strides = array<i32>} : memref<32xi32, #tpu.memory_space<vmem>>, vector<16xi32>,
      %swap3A_523 = vector.shape_cast %swap3A_522 : vector<16xi32> to vector<16xi32>
      %swap3A_524 = vector.shape_cast %add3A_520 : vector<16xi32> to vector<16xi32>
      tpu.vector_store %arg10[%swap3A_521], %swap3A_524 {strides = array<i32>} : memref<32xi32, #tpu.memory_space<vmem>>, vector<16xi32>,
      %get3A_525 = arith.constant 4 : index
      %get3A_526 = tpu.vector_load %arg10[%get3A_525] {strides = array<i32>} : memref<32xi32, #tpu.memory_space<vmem>>, vector<16xi32>,
      %get3A_527 = vector.shape_cast %get3A_526 : vector<16xi32> to vector<16xi32>
      %add3A_528 = arith.addi %add3A_520, %get3A_527 : vector<16xi32>
      %swap3A_529 = arith.constant 0 : index
      %swap3A_530 = tpu.vector_load %arg10[%swap3A_529] {strides = array<i32>} : memref<32xi32, #tpu.memory_space<vmem>>, vector<16xi32>,
      %swap3A_531 = vector.shape_cast %swap3A_530 : vector<16xi32> to vector<16xi32>
      %swap3A_532 = vector.shape_cast %add3A_528 : vector<16xi32> to vector<16xi32>
      tpu.vector_store %arg10[%swap3A_529], %swap3A_532 {strides = array<i32>} : memref<32xi32, #tpu.memory_space<vmem>>, vector<16xi32>,
      %get3A_533 = arith.constant 2 : index
      %get3A_534 = tpu.vector_load %arg10[%get3A_533] {strides = array<i32>} : memref<32xi32, #tpu.memory_space<vmem>>, vector<16xi32>,
      %get3A_535 = vector.shape_cast %get3A_534 : vector<16xi32> to vector<16xi32>
      %add3A_536 = arith.addi %add3A_528, %get3A_535 : vector<16xi32>
      %slice3A = vector.extract_strided_slice %add3A_536 {offsets = [0], sizes = [1], strides = [1]} : vector<16xi32> to vector<1xi32>
      %squeeze3A = vector.extract %slice3A[0] : i32 from vector<1xi32>
      %slice3A_537 = vector.extract_strided_slice %add3A_536 {offsets = [1], sizes = [1], strides = [1]} : vector<16xi32> to vector<1xi32>
      %squeeze3A_538 = vector.extract %slice3A_537[0] : i32 from vector<1xi32>
      %add3A_539 = arith.addi %squeeze3A, %squeeze3A_538 : i32
      %add3A_540 = arith.constant 0 : i32
      %add3A_541 = arith.addi %scan3A_488, %add3A_540 : i32
      %eq3A_542 = vector.broadcast %add3A_541 : i32 to vector<16xi32>
      %eq3A_543 = arith.cmpi eq, %iota3A, %eq3A_542 : vector<16xi32>
      %broadcast_in_dim3A_544 = vector.broadcast %add3A_539 : i32 to vector<16xi32>
      %select_n3A_545 = arith.select %eq3A_543, %broadcast_in_dim3A_544, %scan3A_489 : vector<16xi1>, vector<16xi32>
      scf.yield %select_n3A_545 : vector<16xi32>
    }
    %scan3A_173 = arith.constant 8 : i32
    %dma_wait3A_174 = arith.constant 0 : i32
    %dma_wait3A_175 = tpu.memref_slice %arg2[%add3A_160, %dma_wait3A_174] : memref<4096x2048xi32, #tpu.memory_space<hbm>> -> memref<8x2048xi32, #tpu.memory_space<hbm>>
    %dma_wait3A_176 = arith.constant 0 : i32
    %dma_wait3A_177 = tpu.memref_slice %arg2[%add3A_160, %dma_wait3A_176] : memref<4096x2048xi32, #tpu.memory_space<hbm>> -> memref<8x2048xi32, #tpu.memory_space<hbm>>
    tpu.wait_dma2 semaphore(%arg15 : memref<!tpu.dma_semaphore, #tpu.memory_space<semaphore_mem>>) src(%dma_wait3A_177 : memref<8x2048xi32, #tpu.memory_space<hbm>>) dst(%arg7 : memref<8x2048xi32, #tpu.memory_space<vmem>>)
    %add3A_178 = arith.constant 64 : i32
    %add3A_179 = arith.addi %mul3A_2, %add3A_178 : i32
    %dma_start3A_180 = arith.constant 0 : i32
    %dma_start3A_181 = tpu.memref_slice %arg2[%add3A_179, %dma_start3A_180] : memref<4096x2048xi32, #tpu.memory_space<hbm>> -> memref<8x2048xi32, #tpu.memory_space<hbm>>
    %dma_start3A_182 = arith.constant 0 : i32
    %dma_start3A_183 = tpu.memref_slice %arg2[%add3A_179, %dma_start3A_182] : memref<4096x2048xi32, #tpu.memory_space<hbm>> -> memref<8x2048xi32, #tpu.memory_space<hbm>>
    tpu.enqueue_dma source(%dma_start3A_183 : memref<8x2048xi32, #tpu.memory_space<hbm>>) target(%arg6 : memref<8x2048xi32, #tpu.memory_space<vmem>>) target_semaphore(%arg14 : memref<!tpu.dma_semaphore, #tpu.memory_space<semaphore_mem>>)
    %scan3A_184 = arith.constant 16711935 : i32
    %scan3A_185 = arith.constant 0 : i32
    %scan3A_186 = arith.constant 8 : i32
    %scan3A_187 = arith.addi %scan3A_185, %scan3A_186 : i32
    %scan3A_188 = arith.constant 1 : i32
    %scan3A_189 = scf.for %scan3A_488 = %scan3A_185 to %scan3A_187 step %scan3A_188 iter_args(%scan3A_489 = %scan3A_172) -> (vector<16xi32>)  : i32 {
      %broadcast_in_dim3A_490 = arith.constant 0 : i32
      %broadcast_in_dim3A_491 = vector.broadcast %broadcast_in_dim3A_490 : i32 to vector<16xi32>
      %scan3A_492 = arith.constant 0 : i32
      %scan3A_493 = arith.constant 32 : i32
      %scan3A_494 = arith.addi %scan3A_492, %scan3A_493 : i32
      %scan3A_495 = arith.constant 4 : i32
      %scan3A_496:4 = scf.for %scan3A_546 = %scan3A_492 to %scan3A_494 step %scan3A_495 iter_args(%scan3A_547 = %broadcast_in_dim3A_491, %scan3A_548 = %broadcast_in_dim3A_491, %scan3A_549 = %broadcast_in_dim3A_491, %scan3A_550 = %broadcast_in_dim3A_491) -> (vector<16xi32>, vector<16xi32>, vector<16xi32>, vector<16xi32>)  : i32 {
        %mul3A_551 = arith.constant 64 : i32
        %mul3A_552 = arith.muli %scan3A_546, %mul3A_551 : i32
        %get3A_553 = arith.index_cast %scan3A_488 : i32 to index
        %get3A_554 = arith.index_cast %mul3A_552 : i32 to index
        %get3A_555 = tpu.vector_load %arg7[%get3A_553, %get3A_554] {strides = array<i32>} : memref<8x2048xi32, #tpu.memory_space<vmem>>, vector<1x16xi32>,
        %get3A_556 = vector.shape_cast %get3A_555 : vector<1x16xi32> to vector<16xi32>
        %add3A_557 = arith.addi %scan3A_547, %get3A_556 : vector<16xi32>
        %add3A_558 = arith.constant 16 : i32
        %add3A_559 = arith.addi %mul3A_552, %add3A_558 : i32
        %get3A_560 = arith.index_cast %scan3A_488 : i32 to index
        %get3A_561 = arith.index_cast %add3A_559 : i32 to index
        %get3A_562 = tpu.vector_load %arg7[%get3A_560, %get3A_561] {strides = array<i32>} : memref<8x2048xi32, #tpu.memory_space<vmem>>, vector<1x16xi32>,
        %get3A_563 = vector.shape_cast %get3A_562 : vector<1x16xi32> to vector<16xi32>
        %add3A_564 = arith.addi %scan3A_548, %get3A_563 : vector<16xi32>
        %add3A_565 = arith.constant 32 : i32
        %add3A_566 = arith.addi %mul3A_552, %add3A_565 : i32
        %get3A_567 = arith.index_cast %scan3A_488 : i32 to index
        %get3A_568 = arith.index_cast %add3A_566 : i32 to index
        %get3A_569 = tpu.vector_load %arg7[%get3A_567, %get3A_568] {strides = array<i32>} : memref<8x2048xi32, #tpu.memory_space<vmem>>, vector<1x16xi32>,
        %get3A_570 = vector.shape_cast %get3A_569 : vector<1x16xi32> to vector<16xi32>
        %add3A_571 = arith.addi %scan3A_549, %get3A_570 : vector<16xi32>
        %add3A_572 = arith.constant 48 : i32
        %add3A_573 = arith.addi %mul3A_552, %add3A_572 : i32
        %get3A_574 = arith.index_cast %scan3A_488 : i32 to index
        %get3A_575 = arith.index_cast %add3A_573 : i32 to index
        %get3A_576 = tpu.vector_load %arg7[%get3A_574, %get3A_575] {strides = array<i32>} : memref<8x2048xi32, #tpu.memory_space<vmem>>, vector<1x16xi32>,
        %get3A_577 = vector.shape_cast %get3A_576 : vector<1x16xi32> to vector<16xi32>
        %add3A_578 = arith.addi %scan3A_550, %get3A_577 : vector<16xi32>
        %scan3A_579 = arith.constant 1 : i32
        %scan3A_580 = arith.addi %scan3A_546, %scan3A_579 : i32
        %mul3A_581 = arith.constant 64 : i32
        %mul3A_582 = arith.muli %scan3A_580, %mul3A_581 : i32
        %get3A_583 = arith.index_cast %scan3A_488 : i32 to index
        %get3A_584 = arith.index_cast %mul3A_582 : i32 to index
        %get3A_585 = tpu.vector_load %arg7[%get3A_583, %get3A_584] {strides = array<i32>} : memref<8x2048xi32, #tpu.memory_space<vmem>>, vector<1x16xi32>,
        %get3A_586 = vector.shape_cast %get3A_585 : vector<1x16xi32> to vector<16xi32>
        %add3A_587 = arith.addi %add3A_557, %get3A_586 : vector<16xi32>
        %add3A_588 = arith.constant 16 : i32
        %add3A_589 = arith.addi %mul3A_582, %add3A_588 : i32
        %get3A_590 = arith.index_cast %scan3A_488 : i32 to index
        %get3A_591 = arith.index_cast %add3A_589 : i32 to index
        %get3A_592 = tpu.vector_load %arg7[%get3A_590, %get3A_591] {strides = array<i32>} : memref<8x2048xi32, #tpu.memory_space<vmem>>, vector<1x16xi32>,
        %get3A_593 = vector.shape_cast %get3A_592 : vector<1x16xi32> to vector<16xi32>
        %add3A_594 = arith.addi %add3A_564, %get3A_593 : vector<16xi32>
        %add3A_595 = arith.constant 32 : i32
        %add3A_596 = arith.addi %mul3A_582, %add3A_595 : i32
        %get3A_597 = arith.index_cast %scan3A_488 : i32 to index
        %get3A_598 = arith.index_cast %add3A_596 : i32 to index
        %get3A_599 = tpu.vector_load %arg7[%get3A_597, %get3A_598] {strides = array<i32>} : memref<8x2048xi32, #tpu.memory_space<vmem>>, vector<1x16xi32>,
        %get3A_600 = vector.shape_cast %get3A_599 : vector<1x16xi32> to vector<16xi32>
        %add3A_601 = arith.addi %add3A_571, %get3A_600 : vector<16xi32>
        %add3A_602 = arith.constant 48 : i32
        %add3A_603 = arith.addi %mul3A_582, %add3A_602 : i32
        %get3A_604 = arith.index_cast %scan3A_488 : i32 to index
        %get3A_605 = arith.index_cast %add3A_603 : i32 to index
        %get3A_606 = tpu.vector_load %arg7[%get3A_604, %get3A_605] {strides = array<i32>} : memref<8x2048xi32, #tpu.memory_space<vmem>>, vector<1x16xi32>,
        %get3A_607 = vector.shape_cast %get3A_606 : vector<1x16xi32> to vector<16xi32>
        %add3A_608 = arith.addi %add3A_578, %get3A_607 : vector<16xi32>
        %scan3A_609 = arith.constant 2 : i32
        %scan3A_610 = arith.addi %scan3A_546, %scan3A_609 : i32
        %mul3A_611 = arith.constant 64 : i32
        %mul3A_612 = arith.muli %scan3A_610, %mul3A_611 : i32
        %get3A_613 = arith.index_cast %scan3A_488 : i32 to index
        %get3A_614 = arith.index_cast %mul3A_612 : i32 to index
        %get3A_615 = tpu.vector_load %arg7[%get3A_613, %get3A_614] {strides = array<i32>} : memref<8x2048xi32, #tpu.memory_space<vmem>>, vector<1x16xi32>,
        %get3A_616 = vector.shape_cast %get3A_615 : vector<1x16xi32> to vector<16xi32>
        %add3A_617 = arith.addi %add3A_587, %get3A_616 : vector<16xi32>
        %add3A_618 = arith.constant 16 : i32
        %add3A_619 = arith.addi %mul3A_612, %add3A_618 : i32
        %get3A_620 = arith.index_cast %scan3A_488 : i32 to index
        %get3A_621 = arith.index_cast %add3A_619 : i32 to index
        %get3A_622 = tpu.vector_load %arg7[%get3A_620, %get3A_621] {strides = array<i32>} : memref<8x2048xi32, #tpu.memory_space<vmem>>, vector<1x16xi32>,
        %get3A_623 = vector.shape_cast %get3A_622 : vector<1x16xi32> to vector<16xi32>
        %add3A_624 = arith.addi %add3A_594, %get3A_623 : vector<16xi32>
        %add3A_625 = arith.constant 32 : i32
        %add3A_626 = arith.addi %mul3A_612, %add3A_625 : i32
        %get3A_627 = arith.index_cast %scan3A_488 : i32 to index
        %get3A_628 = arith.index_cast %add3A_626 : i32 to index
        %get3A_629 = tpu.vector_load %arg7[%get3A_627, %get3A_628] {strides = array<i32>} : memref<8x2048xi32, #tpu.memory_space<vmem>>, vector<1x16xi32>,
        %get3A_630 = vector.shape_cast %get3A_629 : vector<1x16xi32> to vector<16xi32>
        %add3A_631 = arith.addi %add3A_601, %get3A_630 : vector<16xi32>
        %add3A_632 = arith.constant 48 : i32
        %add3A_633 = arith.addi %mul3A_612, %add3A_632 : i32
        %get3A_634 = arith.index_cast %scan3A_488 : i32 to index
        %get3A_635 = arith.index_cast %add3A_633 : i32 to index
        %get3A_636 = tpu.vector_load %arg7[%get3A_634, %get3A_635] {strides = array<i32>} : memref<8x2048xi32, #tpu.memory_space<vmem>>, vector<1x16xi32>,
        %get3A_637 = vector.shape_cast %get3A_636 : vector<1x16xi32> to vector<16xi32>
        %add3A_638 = arith.addi %add3A_608, %get3A_637 : vector<16xi32>
        %scan3A_639 = arith.constant 3 : i32
        %scan3A_640 = arith.addi %scan3A_546, %scan3A_639 : i32
        %mul3A_641 = arith.constant 64 : i32
        %mul3A_642 = arith.muli %scan3A_640, %mul3A_641 : i32
        %get3A_643 = arith.index_cast %scan3A_488 : i32 to index
        %get3A_644 = arith.index_cast %mul3A_642 : i32 to index
        %get3A_645 = tpu.vector_load %arg7[%get3A_643, %get3A_644] {strides = array<i32>} : memref<8x2048xi32, #tpu.memory_space<vmem>>, vector<1x16xi32>,
        %get3A_646 = vector.shape_cast %get3A_645 : vector<1x16xi32> to vector<16xi32>
        %add3A_647 = arith.addi %add3A_617, %get3A_646 : vector<16xi32>
        %add3A_648 = arith.constant 16 : i32
        %add3A_649 = arith.addi %mul3A_642, %add3A_648 : i32
        %get3A_650 = arith.index_cast %scan3A_488 : i32 to index
        %get3A_651 = arith.index_cast %add3A_649 : i32 to index
        %get3A_652 = tpu.vector_load %arg7[%get3A_650, %get3A_651] {strides = array<i32>} : memref<8x2048xi32, #tpu.memory_space<vmem>>, vector<1x16xi32>,
        %get3A_653 = vector.shape_cast %get3A_652 : vector<1x16xi32> to vector<16xi32>
        %add3A_654 = arith.addi %add3A_624, %get3A_653 : vector<16xi32>
        %add3A_655 = arith.constant 32 : i32
        %add3A_656 = arith.addi %mul3A_642, %add3A_655 : i32
        %get3A_657 = arith.index_cast %scan3A_488 : i32 to index
        %get3A_658 = arith.index_cast %add3A_656 : i32 to index
        %get3A_659 = tpu.vector_load %arg7[%get3A_657, %get3A_658] {strides = array<i32>} : memref<8x2048xi32, #tpu.memory_space<vmem>>, vector<1x16xi32>,
        %get3A_660 = vector.shape_cast %get3A_659 : vector<1x16xi32> to vector<16xi32>
        %add3A_661 = arith.addi %add3A_631, %get3A_660 : vector<16xi32>
        %add3A_662 = arith.constant 48 : i32
        %add3A_663 = arith.addi %mul3A_642, %add3A_662 : i32
        %get3A_664 = arith.index_cast %scan3A_488 : i32 to index
        %get3A_665 = arith.index_cast %add3A_663 : i32 to index
        %get3A_666 = tpu.vector_load %arg7[%get3A_664, %get3A_665] {strides = array<i32>} : memref<8x2048xi32, #tpu.memory_space<vmem>>, vector<1x16xi32>,
        %get3A_667 = vector.shape_cast %get3A_666 : vector<1x16xi32> to vector<16xi32>
        %add3A_668 = arith.addi %add3A_638, %get3A_667 : vector<16xi32>
        scf.yield %add3A_647, %add3A_654, %add3A_661, %add3A_668 : vector<16xi32>, vector<16xi32>, vector<16xi32>, vector<16xi32>
      }
      %scan3A_497 = arith.constant 32 : i32
      %add3A_498 = arith.addi %scan3A_496#0, %scan3A_496#1 : vector<16xi32>
      %add3A_499 = arith.addi %scan3A_496#2, %scan3A_496#3 : vector<16xi32>
      %add3A_500 = arith.addi %add3A_498, %add3A_499 : vector<16xi32>
      %and3A = vector.broadcast %scan3A_184 : i32 to vector<16xi32>
      %and3A_501 = arith.andi %add3A_500, %and3A : vector<16xi32>
      %shift_right_logical3A = arith.constant 8 : i32
      %shift_right_logical3A_502 = vector.broadcast %shift_right_logical3A : i32 to vector<16xi32>
      %shift_right_logical3A_503 = arith.shrui %add3A_500, %shift_right_logical3A_502 : vector<16xi32>
      %and3A_504 = vector.broadcast %scan3A_184 : i32 to vector<16xi32>
      %and3A_505 = arith.andi %shift_right_logical3A_503, %and3A_504 : vector<16xi32>
      %add3A_506 = arith.addi %and3A_501, %and3A_505 : vector<16xi32>
      %and3A_507 = arith.constant 65535 : i32
      %and3A_508 = vector.broadcast %and3A_507 : i32 to vector<16xi32>
      %and3A_509 = arith.andi %add3A_506, %and3A_508 : vector<16xi32>
      %shift_right_logical3A_510 = arith.constant 16 : i32
      %shift_right_logical3A_511 = vector.broadcast %shift_right_logical3A_510 : i32 to vector<16xi32>
      %shift_right_logical3A_512 = arith.shrui %add3A_506, %shift_right_logical3A_511 : vector<16xi32>
      %add3A_513 = arith.addi %and3A_509, %shift_right_logical3A_512 : vector<16xi32>
      %swap3A_514 = arith.constant 0 : index
      %swap3A_515 = tpu.vector_load %arg10[%swap3A_514] {strides = array<i32>} : memref<32xi32, #tpu.memory_space<vmem>>, vector<16xi32>,
      %swap3A_516 = vector.shape_cast %swap3A_515 : vector<16xi32> to vector<16xi32>
      %swap3A_517 = vector.shape_cast %add3A_513 : vector<16xi32> to vector<16xi32>
      tpu.vector_store %arg10[%swap3A_514], %swap3A_517 {strides = array<i32>} : memref<32xi32, #tpu.memory_space<vmem>>, vector<16xi32>,
      %get3A = arith.constant 8 : index
      %get3A_518 = tpu.vector_load %arg10[%get3A] {strides = array<i32>} : memref<32xi32, #tpu.memory_space<vmem>>, vector<16xi32>,
      %get3A_519 = vector.shape_cast %get3A_518 : vector<16xi32> to vector<16xi32>
      %add3A_520 = arith.addi %add3A_513, %get3A_519 : vector<16xi32>
      %swap3A_521 = arith.constant 0 : index
      %swap3A_522 = tpu.vector_load %arg10[%swap3A_521] {strides = array<i32>} : memref<32xi32, #tpu.memory_space<vmem>>, vector<16xi32>,
      %swap3A_523 = vector.shape_cast %swap3A_522 : vector<16xi32> to vector<16xi32>
      %swap3A_524 = vector.shape_cast %add3A_520 : vector<16xi32> to vector<16xi32>
      tpu.vector_store %arg10[%swap3A_521], %swap3A_524 {strides = array<i32>} : memref<32xi32, #tpu.memory_space<vmem>>, vector<16xi32>,
      %get3A_525 = arith.constant 4 : index
      %get3A_526 = tpu.vector_load %arg10[%get3A_525] {strides = array<i32>} : memref<32xi32, #tpu.memory_space<vmem>>, vector<16xi32>,
      %get3A_527 = vector.shape_cast %get3A_526 : vector<16xi32> to vector<16xi32>
      %add3A_528 = arith.addi %add3A_520, %get3A_527 : vector<16xi32>
      %swap3A_529 = arith.constant 0 : index
      %swap3A_530 = tpu.vector_load %arg10[%swap3A_529] {strides = array<i32>} : memref<32xi32, #tpu.memory_space<vmem>>, vector<16xi32>,
      %swap3A_531 = vector.shape_cast %swap3A_530 : vector<16xi32> to vector<16xi32>
      %swap3A_532 = vector.shape_cast %add3A_528 : vector<16xi32> to vector<16xi32>
      tpu.vector_store %arg10[%swap3A_529], %swap3A_532 {strides = array<i32>} : memref<32xi32, #tpu.memory_space<vmem>>, vector<16xi32>,
      %get3A_533 = arith.constant 2 : index
      %get3A_534 = tpu.vector_load %arg10[%get3A_533] {strides = array<i32>} : memref<32xi32, #tpu.memory_space<vmem>>, vector<16xi32>,
      %get3A_535 = vector.shape_cast %get3A_534 : vector<16xi32> to vector<16xi32>
      %add3A_536 = arith.addi %add3A_528, %get3A_535 : vector<16xi32>
      %slice3A = vector.extract_strided_slice %add3A_536 {offsets = [0], sizes = [1], strides = [1]} : vector<16xi32> to vector<1xi32>
      %squeeze3A = vector.extract %slice3A[0] : i32 from vector<1xi32>
      %slice3A_537 = vector.extract_strided_slice %add3A_536 {offsets = [1], sizes = [1], strides = [1]} : vector<16xi32> to vector<1xi32>
      %squeeze3A_538 = vector.extract %slice3A_537[0] : i32 from vector<1xi32>
      %add3A_539 = arith.addi %squeeze3A, %squeeze3A_538 : i32
      %add3A_540 = arith.constant 8 : i32
      %add3A_541 = arith.addi %scan3A_488, %add3A_540 : i32
      %eq3A_542 = vector.broadcast %add3A_541 : i32 to vector<16xi32>
      %eq3A_543 = arith.cmpi eq, %iota3A, %eq3A_542 : vector<16xi32>
      %broadcast_in_dim3A_544 = vector.broadcast %add3A_539 : i32 to vector<16xi32>
      %select_n3A_545 = arith.select %eq3A_543, %broadcast_in_dim3A_544, %scan3A_489 : vector<16xi1>, vector<16xi32>
      scf.yield %select_n3A_545 : vector<16xi32>
    }
    %scan3A_190 = arith.constant 8 : i32
    %eq3A_191 = arith.constant 0 : i32
    %eq3A_192 = vector.broadcast %eq3A_191 : i32 to vector<16xi32>
    %eq3A_193 = arith.cmpi eq, %scan3A_189, %eq3A_192 : vector<16xi32>
    %sub3A_194 = arith.constant 1 : i32
    %sub3A_195 = vector.broadcast %sub3A_194 : i32 to vector<16xi32>
    %sub3A_196 = arith.subi %scan3A_189, %sub3A_195 : vector<16xi32>
    %jit3A_197 = arith.constant 8319 : i32
    %broadcast_in_dim3A_198 = vector.broadcast %jit3A_197 : i32 to vector<16xi32>
    %select_n3A_199 = arith.select %eq3A_193, %broadcast_in_dim3A_198, %sub3A_196 : vector<16xi1>, vector<16xi32>
    %swap3A_200 = arith.constant 48 : index
    %swap3A_201 = tpu.vector_load %arg9[%swap3A_200] {strides = array<i32>} : memref<128xi32, #tpu.memory_space<vmem>>, vector<16xi32>,
    %swap3A_202 = vector.shape_cast %swap3A_201 : vector<16xi32> to vector<16xi32>
    %swap3A_203 = vector.shape_cast %select_n3A_199 : vector<16xi32> to vector<16xi32>
    tpu.vector_store %arg9[%swap3A_200], %swap3A_203 {strides = array<i32>} : memref<128xi32, #tpu.memory_space<vmem>>, vector<16xi32>,
    %dma_wait3A_204 = arith.constant 0 : i32
    %dma_wait3A_205 = tpu.memref_slice %arg2[%add3A_179, %dma_wait3A_204] : memref<4096x2048xi32, #tpu.memory_space<hbm>> -> memref<8x2048xi32, #tpu.memory_space<hbm>>
    %dma_wait3A_206 = arith.constant 0 : i32
    %dma_wait3A_207 = tpu.memref_slice %arg2[%add3A_179, %dma_wait3A_206] : memref<4096x2048xi32, #tpu.memory_space<hbm>> -> memref<8x2048xi32, #tpu.memory_space<hbm>>
    tpu.wait_dma2 semaphore(%arg14 : memref<!tpu.dma_semaphore, #tpu.memory_space<semaphore_mem>>) src(%dma_wait3A_207 : memref<8x2048xi32, #tpu.memory_space<hbm>>) dst(%arg6 : memref<8x2048xi32, #tpu.memory_space<vmem>>)
    %add3A_208 = arith.constant 72 : i32
    %add3A_209 = arith.addi %mul3A_2, %add3A_208 : i32
    %dma_start3A_210 = arith.constant 0 : i32
    %dma_start3A_211 = tpu.memref_slice %arg2[%add3A_209, %dma_start3A_210] : memref<4096x2048xi32, #tpu.memory_space<hbm>> -> memref<8x2048xi32, #tpu.memory_space<hbm>>
    %dma_start3A_212 = arith.constant 0 : i32
    %dma_start3A_213 = tpu.memref_slice %arg2[%add3A_209, %dma_start3A_212] : memref<4096x2048xi32, #tpu.memory_space<hbm>> -> memref<8x2048xi32, #tpu.memory_space<hbm>>
    tpu.enqueue_dma source(%dma_start3A_213 : memref<8x2048xi32, #tpu.memory_space<hbm>>) target(%arg7 : memref<8x2048xi32, #tpu.memory_space<vmem>>) target_semaphore(%arg15 : memref<!tpu.dma_semaphore, #tpu.memory_space<semaphore_mem>>)
    %broadcast_in_dim3A_214 = arith.constant 0 : i32
    %broadcast_in_dim3A_215 = vector.broadcast %broadcast_in_dim3A_214 : i32 to vector<16xi32>
    %scan3A_216 = arith.constant 16711935 : i32
    %scan3A_217 = arith.constant 0 : i32
    %scan3A_218 = arith.constant 8 : i32
    %scan3A_219 = arith.addi %scan3A_217, %scan3A_218 : i32
    %scan3A_220 = arith.constant 1 : i32
    %scan3A_221 = scf.for %scan3A_488 = %scan3A_217 to %scan3A_219 step %scan3A_220 iter_args(%scan3A_489 = %broadcast_in_dim3A_215) -> (vector<16xi32>)  : i32 {
      %broadcast_in_dim3A_490 = arith.constant 0 : i32
      %broadcast_in_dim3A_491 = vector.broadcast %broadcast_in_dim3A_490 : i32 to vector<16xi32>
      %scan3A_492 = arith.constant 0 : i32
      %scan3A_493 = arith.constant 32 : i32
      %scan3A_494 = arith.addi %scan3A_492, %scan3A_493 : i32
      %scan3A_495 = arith.constant 4 : i32
      %scan3A_496:4 = scf.for %scan3A_546 = %scan3A_492 to %scan3A_494 step %scan3A_495 iter_args(%scan3A_547 = %broadcast_in_dim3A_491, %scan3A_548 = %broadcast_in_dim3A_491, %scan3A_549 = %broadcast_in_dim3A_491, %scan3A_550 = %broadcast_in_dim3A_491) -> (vector<16xi32>, vector<16xi32>, vector<16xi32>, vector<16xi32>)  : i32 {
        %mul3A_551 = arith.constant 64 : i32
        %mul3A_552 = arith.muli %scan3A_546, %mul3A_551 : i32
        %get3A_553 = arith.index_cast %scan3A_488 : i32 to index
        %get3A_554 = arith.index_cast %mul3A_552 : i32 to index
        %get3A_555 = tpu.vector_load %arg6[%get3A_553, %get3A_554] {strides = array<i32>} : memref<8x2048xi32, #tpu.memory_space<vmem>>, vector<1x16xi32>,
        %get3A_556 = vector.shape_cast %get3A_555 : vector<1x16xi32> to vector<16xi32>
        %add3A_557 = arith.addi %scan3A_547, %get3A_556 : vector<16xi32>
        %add3A_558 = arith.constant 16 : i32
        %add3A_559 = arith.addi %mul3A_552, %add3A_558 : i32
        %get3A_560 = arith.index_cast %scan3A_488 : i32 to index
        %get3A_561 = arith.index_cast %add3A_559 : i32 to index
        %get3A_562 = tpu.vector_load %arg6[%get3A_560, %get3A_561] {strides = array<i32>} : memref<8x2048xi32, #tpu.memory_space<vmem>>, vector<1x16xi32>,
        %get3A_563 = vector.shape_cast %get3A_562 : vector<1x16xi32> to vector<16xi32>
        %add3A_564 = arith.addi %scan3A_548, %get3A_563 : vector<16xi32>
        %add3A_565 = arith.constant 32 : i32
        %add3A_566 = arith.addi %mul3A_552, %add3A_565 : i32
        %get3A_567 = arith.index_cast %scan3A_488 : i32 to index
        %get3A_568 = arith.index_cast %add3A_566 : i32 to index
        %get3A_569 = tpu.vector_load %arg6[%get3A_567, %get3A_568] {strides = array<i32>} : memref<8x2048xi32, #tpu.memory_space<vmem>>, vector<1x16xi32>,
        %get3A_570 = vector.shape_cast %get3A_569 : vector<1x16xi32> to vector<16xi32>
        %add3A_571 = arith.addi %scan3A_549, %get3A_570 : vector<16xi32>
        %add3A_572 = arith.constant 48 : i32
        %add3A_573 = arith.addi %mul3A_552, %add3A_572 : i32
        %get3A_574 = arith.index_cast %scan3A_488 : i32 to index
        %get3A_575 = arith.index_cast %add3A_573 : i32 to index
        %get3A_576 = tpu.vector_load %arg6[%get3A_574, %get3A_575] {strides = array<i32>} : memref<8x2048xi32, #tpu.memory_space<vmem>>, vector<1x16xi32>,
        %get3A_577 = vector.shape_cast %get3A_576 : vector<1x16xi32> to vector<16xi32>
        %add3A_578 = arith.addi %scan3A_550, %get3A_577 : vector<16xi32>
        %scan3A_579 = arith.constant 1 : i32
        %scan3A_580 = arith.addi %scan3A_546, %scan3A_579 : i32
        %mul3A_581 = arith.constant 64 : i32
        %mul3A_582 = arith.muli %scan3A_580, %mul3A_581 : i32
        %get3A_583 = arith.index_cast %scan3A_488 : i32 to index
        %get3A_584 = arith.index_cast %mul3A_582 : i32 to index
        %get3A_585 = tpu.vector_load %arg6[%get3A_583, %get3A_584] {strides = array<i32>} : memref<8x2048xi32, #tpu.memory_space<vmem>>, vector<1x16xi32>,
        %get3A_586 = vector.shape_cast %get3A_585 : vector<1x16xi32> to vector<16xi32>
        %add3A_587 = arith.addi %add3A_557, %get3A_586 : vector<16xi32>
        %add3A_588 = arith.constant 16 : i32
        %add3A_589 = arith.addi %mul3A_582, %add3A_588 : i32
        %get3A_590 = arith.index_cast %scan3A_488 : i32 to index
        %get3A_591 = arith.index_cast %add3A_589 : i32 to index
        %get3A_592 = tpu.vector_load %arg6[%get3A_590, %get3A_591] {strides = array<i32>} : memref<8x2048xi32, #tpu.memory_space<vmem>>, vector<1x16xi32>,
        %get3A_593 = vector.shape_cast %get3A_592 : vector<1x16xi32> to vector<16xi32>
        %add3A_594 = arith.addi %add3A_564, %get3A_593 : vector<16xi32>
        %add3A_595 = arith.constant 32 : i32
        %add3A_596 = arith.addi %mul3A_582, %add3A_595 : i32
        %get3A_597 = arith.index_cast %scan3A_488 : i32 to index
        %get3A_598 = arith.index_cast %add3A_596 : i32 to index
        %get3A_599 = tpu.vector_load %arg6[%get3A_597, %get3A_598] {strides = array<i32>} : memref<8x2048xi32, #tpu.memory_space<vmem>>, vector<1x16xi32>,
        %get3A_600 = vector.shape_cast %get3A_599 : vector<1x16xi32> to vector<16xi32>
        %add3A_601 = arith.addi %add3A_571, %get3A_600 : vector<16xi32>
        %add3A_602 = arith.constant 48 : i32
        %add3A_603 = arith.addi %mul3A_582, %add3A_602 : i32
        %get3A_604 = arith.index_cast %scan3A_488 : i32 to index
        %get3A_605 = arith.index_cast %add3A_603 : i32 to index
        %get3A_606 = tpu.vector_load %arg6[%get3A_604, %get3A_605] {strides = array<i32>} : memref<8x2048xi32, #tpu.memory_space<vmem>>, vector<1x16xi32>,
        %get3A_607 = vector.shape_cast %get3A_606 : vector<1x16xi32> to vector<16xi32>
        %add3A_608 = arith.addi %add3A_578, %get3A_607 : vector<16xi32>
        %scan3A_609 = arith.constant 2 : i32
        %scan3A_610 = arith.addi %scan3A_546, %scan3A_609 : i32
        %mul3A_611 = arith.constant 64 : i32
        %mul3A_612 = arith.muli %scan3A_610, %mul3A_611 : i32
        %get3A_613 = arith.index_cast %scan3A_488 : i32 to index
        %get3A_614 = arith.index_cast %mul3A_612 : i32 to index
        %get3A_615 = tpu.vector_load %arg6[%get3A_613, %get3A_614] {strides = array<i32>} : memref<8x2048xi32, #tpu.memory_space<vmem>>, vector<1x16xi32>,
        %get3A_616 = vector.shape_cast %get3A_615 : vector<1x16xi32> to vector<16xi32>
        %add3A_617 = arith.addi %add3A_587, %get3A_616 : vector<16xi32>
        %add3A_618 = arith.constant 16 : i32
        %add3A_619 = arith.addi %mul3A_612, %add3A_618 : i32
        %get3A_620 = arith.index_cast %scan3A_488 : i32 to index
        %get3A_621 = arith.index_cast %add3A_619 : i32 to index
        %get3A_622 = tpu.vector_load %arg6[%get3A_620, %get3A_621] {strides = array<i32>} : memref<8x2048xi32, #tpu.memory_space<vmem>>, vector<1x16xi32>,
        %get3A_623 = vector.shape_cast %get3A_622 : vector<1x16xi32> to vector<16xi32>
        %add3A_624 = arith.addi %add3A_594, %get3A_623 : vector<16xi32>
        %add3A_625 = arith.constant 32 : i32
        %add3A_626 = arith.addi %mul3A_612, %add3A_625 : i32
        %get3A_627 = arith.index_cast %scan3A_488 : i32 to index
        %get3A_628 = arith.index_cast %add3A_626 : i32 to index
        %get3A_629 = tpu.vector_load %arg6[%get3A_627, %get3A_628] {strides = array<i32>} : memref<8x2048xi32, #tpu.memory_space<vmem>>, vector<1x16xi32>,
        %get3A_630 = vector.shape_cast %get3A_629 : vector<1x16xi32> to vector<16xi32>
        %add3A_631 = arith.addi %add3A_601, %get3A_630 : vector<16xi32>
        %add3A_632 = arith.constant 48 : i32
        %add3A_633 = arith.addi %mul3A_612, %add3A_632 : i32
        %get3A_634 = arith.index_cast %scan3A_488 : i32 to index
        %get3A_635 = arith.index_cast %add3A_633 : i32 to index
        %get3A_636 = tpu.vector_load %arg6[%get3A_634, %get3A_635] {strides = array<i32>} : memref<8x2048xi32, #tpu.memory_space<vmem>>, vector<1x16xi32>,
        %get3A_637 = vector.shape_cast %get3A_636 : vector<1x16xi32> to vector<16xi32>
        %add3A_638 = arith.addi %add3A_608, %get3A_637 : vector<16xi32>
        %scan3A_639 = arith.constant 3 : i32
        %scan3A_640 = arith.addi %scan3A_546, %scan3A_639 : i32
        %mul3A_641 = arith.constant 64 : i32
        %mul3A_642 = arith.muli %scan3A_640, %mul3A_641 : i32
        %get3A_643 = arith.index_cast %scan3A_488 : i32 to index
        %get3A_644 = arith.index_cast %mul3A_642 : i32 to index
        %get3A_645 = tpu.vector_load %arg6[%get3A_643, %get3A_644] {strides = array<i32>} : memref<8x2048xi32, #tpu.memory_space<vmem>>, vector<1x16xi32>,
        %get3A_646 = vector.shape_cast %get3A_645 : vector<1x16xi32> to vector<16xi32>
        %add3A_647 = arith.addi %add3A_617, %get3A_646 : vector<16xi32>
        %add3A_648 = arith.constant 16 : i32
        %add3A_649 = arith.addi %mul3A_642, %add3A_648 : i32
        %get3A_650 = arith.index_cast %scan3A_488 : i32 to index
        %get3A_651 = arith.index_cast %add3A_649 : i32 to index
        %get3A_652 = tpu.vector_load %arg6[%get3A_650, %get3A_651] {strides = array<i32>} : memref<8x2048xi32, #tpu.memory_space<vmem>>, vector<1x16xi32>,
        %get3A_653 = vector.shape_cast %get3A_652 : vector<1x16xi32> to vector<16xi32>
        %add3A_654 = arith.addi %add3A_624, %get3A_653 : vector<16xi32>
        %add3A_655 = arith.constant 32 : i32
        %add3A_656 = arith.addi %mul3A_642, %add3A_655 : i32
        %get3A_657 = arith.index_cast %scan3A_488 : i32 to index
        %get3A_658 = arith.index_cast %add3A_656 : i32 to index
        %get3A_659 = tpu.vector_load %arg6[%get3A_657, %get3A_658] {strides = array<i32>} : memref<8x2048xi32, #tpu.memory_space<vmem>>, vector<1x16xi32>,
        %get3A_660 = vector.shape_cast %get3A_659 : vector<1x16xi32> to vector<16xi32>
        %add3A_661 = arith.addi %add3A_631, %get3A_660 : vector<16xi32>
        %add3A_662 = arith.constant 48 : i32
        %add3A_663 = arith.addi %mul3A_642, %add3A_662 : i32
        %get3A_664 = arith.index_cast %scan3A_488 : i32 to index
        %get3A_665 = arith.index_cast %add3A_663 : i32 to index
        %get3A_666 = tpu.vector_load %arg6[%get3A_664, %get3A_665] {strides = array<i32>} : memref<8x2048xi32, #tpu.memory_space<vmem>>, vector<1x16xi32>,
        %get3A_667 = vector.shape_cast %get3A_666 : vector<1x16xi32> to vector<16xi32>
        %add3A_668 = arith.addi %add3A_638, %get3A_667 : vector<16xi32>
        scf.yield %add3A_647, %add3A_654, %add3A_661, %add3A_668 : vector<16xi32>, vector<16xi32>, vector<16xi32>, vector<16xi32>
      }
      %scan3A_497 = arith.constant 32 : i32
      %add3A_498 = arith.addi %scan3A_496#0, %scan3A_496#1 : vector<16xi32>
      %add3A_499 = arith.addi %scan3A_496#2, %scan3A_496#3 : vector<16xi32>
      %add3A_500 = arith.addi %add3A_498, %add3A_499 : vector<16xi32>
      %and3A = vector.broadcast %scan3A_216 : i32 to vector<16xi32>
      %and3A_501 = arith.andi %add3A_500, %and3A : vector<16xi32>
      %shift_right_logical3A = arith.constant 8 : i32
      %shift_right_logical3A_502 = vector.broadcast %shift_right_logical3A : i32 to vector<16xi32>
      %shift_right_logical3A_503 = arith.shrui %add3A_500, %shift_right_logical3A_502 : vector<16xi32>
      %and3A_504 = vector.broadcast %scan3A_216 : i32 to vector<16xi32>
      %and3A_505 = arith.andi %shift_right_logical3A_503, %and3A_504 : vector<16xi32>
      %add3A_506 = arith.addi %and3A_501, %and3A_505 : vector<16xi32>
      %and3A_507 = arith.constant 65535 : i32
      %and3A_508 = vector.broadcast %and3A_507 : i32 to vector<16xi32>
      %and3A_509 = arith.andi %add3A_506, %and3A_508 : vector<16xi32>
      %shift_right_logical3A_510 = arith.constant 16 : i32
      %shift_right_logical3A_511 = vector.broadcast %shift_right_logical3A_510 : i32 to vector<16xi32>
      %shift_right_logical3A_512 = arith.shrui %add3A_506, %shift_right_logical3A_511 : vector<16xi32>
      %add3A_513 = arith.addi %and3A_509, %shift_right_logical3A_512 : vector<16xi32>
      %swap3A_514 = arith.constant 0 : index
      %swap3A_515 = tpu.vector_load %arg10[%swap3A_514] {strides = array<i32>} : memref<32xi32, #tpu.memory_space<vmem>>, vector<16xi32>,
      %swap3A_516 = vector.shape_cast %swap3A_515 : vector<16xi32> to vector<16xi32>
      %swap3A_517 = vector.shape_cast %add3A_513 : vector<16xi32> to vector<16xi32>
      tpu.vector_store %arg10[%swap3A_514], %swap3A_517 {strides = array<i32>} : memref<32xi32, #tpu.memory_space<vmem>>, vector<16xi32>,
      %get3A = arith.constant 8 : index
      %get3A_518 = tpu.vector_load %arg10[%get3A] {strides = array<i32>} : memref<32xi32, #tpu.memory_space<vmem>>, vector<16xi32>,
      %get3A_519 = vector.shape_cast %get3A_518 : vector<16xi32> to vector<16xi32>
      %add3A_520 = arith.addi %add3A_513, %get3A_519 : vector<16xi32>
      %swap3A_521 = arith.constant 0 : index
      %swap3A_522 = tpu.vector_load %arg10[%swap3A_521] {strides = array<i32>} : memref<32xi32, #tpu.memory_space<vmem>>, vector<16xi32>,
      %swap3A_523 = vector.shape_cast %swap3A_522 : vector<16xi32> to vector<16xi32>
      %swap3A_524 = vector.shape_cast %add3A_520 : vector<16xi32> to vector<16xi32>
      tpu.vector_store %arg10[%swap3A_521], %swap3A_524 {strides = array<i32>} : memref<32xi32, #tpu.memory_space<vmem>>, vector<16xi32>,
      %get3A_525 = arith.constant 4 : index
      %get3A_526 = tpu.vector_load %arg10[%get3A_525] {strides = array<i32>} : memref<32xi32, #tpu.memory_space<vmem>>, vector<16xi32>,
      %get3A_527 = vector.shape_cast %get3A_526 : vector<16xi32> to vector<16xi32>
      %add3A_528 = arith.addi %add3A_520, %get3A_527 : vector<16xi32>
      %swap3A_529 = arith.constant 0 : index
      %swap3A_530 = tpu.vector_load %arg10[%swap3A_529] {strides = array<i32>} : memref<32xi32, #tpu.memory_space<vmem>>, vector<16xi32>,
      %swap3A_531 = vector.shape_cast %swap3A_530 : vector<16xi32> to vector<16xi32>
      %swap3A_532 = vector.shape_cast %add3A_528 : vector<16xi32> to vector<16xi32>
      tpu.vector_store %arg10[%swap3A_529], %swap3A_532 {strides = array<i32>} : memref<32xi32, #tpu.memory_space<vmem>>, vector<16xi32>,
      %get3A_533 = arith.constant 2 : index
      %get3A_534 = tpu.vector_load %arg10[%get3A_533] {strides = array<i32>} : memref<32xi32, #tpu.memory_space<vmem>>, vector<16xi32>,
      %get3A_535 = vector.shape_cast %get3A_534 : vector<16xi32> to vector<16xi32>
      %add3A_536 = arith.addi %add3A_528, %get3A_535 : vector<16xi32>
      %slice3A = vector.extract_strided_slice %add3A_536 {offsets = [0], sizes = [1], strides = [1]} : vector<16xi32> to vector<1xi32>
      %squeeze3A = vector.extract %slice3A[0] : i32 from vector<1xi32>
      %slice3A_537 = vector.extract_strided_slice %add3A_536 {offsets = [1], sizes = [1], strides = [1]} : vector<16xi32> to vector<1xi32>
      %squeeze3A_538 = vector.extract %slice3A_537[0] : i32 from vector<1xi32>
      %add3A_539 = arith.addi %squeeze3A, %squeeze3A_538 : i32
      %add3A_540 = arith.constant 0 : i32
      %add3A_541 = arith.addi %scan3A_488, %add3A_540 : i32
      %eq3A_542 = vector.broadcast %add3A_541 : i32 to vector<16xi32>
      %eq3A_543 = arith.cmpi eq, %iota3A, %eq3A_542 : vector<16xi32>
      %broadcast_in_dim3A_544 = vector.broadcast %add3A_539 : i32 to vector<16xi32>
      %select_n3A_545 = arith.select %eq3A_543, %broadcast_in_dim3A_544, %scan3A_489 : vector<16xi1>, vector<16xi32>
      scf.yield %select_n3A_545 : vector<16xi32>
    }
    %scan3A_222 = arith.constant 8 : i32
    %dma_wait3A_223 = arith.constant 0 : i32
    %dma_wait3A_224 = tpu.memref_slice %arg2[%add3A_209, %dma_wait3A_223] : memref<4096x2048xi32, #tpu.memory_space<hbm>> -> memref<8x2048xi32, #tpu.memory_space<hbm>>
    %dma_wait3A_225 = arith.constant 0 : i32
    %dma_wait3A_226 = tpu.memref_slice %arg2[%add3A_209, %dma_wait3A_225] : memref<4096x2048xi32, #tpu.memory_space<hbm>> -> memref<8x2048xi32, #tpu.memory_space<hbm>>
    tpu.wait_dma2 semaphore(%arg15 : memref<!tpu.dma_semaphore, #tpu.memory_space<semaphore_mem>>) src(%dma_wait3A_226 : memref<8x2048xi32, #tpu.memory_space<hbm>>) dst(%arg7 : memref<8x2048xi32, #tpu.memory_space<vmem>>)
    %add3A_227 = arith.constant 80 : i32
    %add3A_228 = arith.addi %mul3A_2, %add3A_227 : i32
    %dma_start3A_229 = arith.constant 0 : i32
    %dma_start3A_230 = tpu.memref_slice %arg2[%add3A_228, %dma_start3A_229] : memref<4096x2048xi32, #tpu.memory_space<hbm>> -> memref<8x2048xi32, #tpu.memory_space<hbm>>
    %dma_start3A_231 = arith.constant 0 : i32
    %dma_start3A_232 = tpu.memref_slice %arg2[%add3A_228, %dma_start3A_231] : memref<4096x2048xi32, #tpu.memory_space<hbm>> -> memref<8x2048xi32, #tpu.memory_space<hbm>>
    tpu.enqueue_dma source(%dma_start3A_232 : memref<8x2048xi32, #tpu.memory_space<hbm>>) target(%arg6 : memref<8x2048xi32, #tpu.memory_space<vmem>>) target_semaphore(%arg14 : memref<!tpu.dma_semaphore, #tpu.memory_space<semaphore_mem>>)
    %scan3A_233 = arith.constant 16711935 : i32
    %scan3A_234 = arith.constant 0 : i32
    %scan3A_235 = arith.constant 8 : i32
    %scan3A_236 = arith.addi %scan3A_234, %scan3A_235 : i32
    %scan3A_237 = arith.constant 1 : i32
    %scan3A_238 = scf.for %scan3A_488 = %scan3A_234 to %scan3A_236 step %scan3A_237 iter_args(%scan3A_489 = %scan3A_221) -> (vector<16xi32>)  : i32 {
      %broadcast_in_dim3A_490 = arith.constant 0 : i32
      %broadcast_in_dim3A_491 = vector.broadcast %broadcast_in_dim3A_490 : i32 to vector<16xi32>
      %scan3A_492 = arith.constant 0 : i32
      %scan3A_493 = arith.constant 32 : i32
      %scan3A_494 = arith.addi %scan3A_492, %scan3A_493 : i32
      %scan3A_495 = arith.constant 4 : i32
      %scan3A_496:4 = scf.for %scan3A_546 = %scan3A_492 to %scan3A_494 step %scan3A_495 iter_args(%scan3A_547 = %broadcast_in_dim3A_491, %scan3A_548 = %broadcast_in_dim3A_491, %scan3A_549 = %broadcast_in_dim3A_491, %scan3A_550 = %broadcast_in_dim3A_491) -> (vector<16xi32>, vector<16xi32>, vector<16xi32>, vector<16xi32>)  : i32 {
        %mul3A_551 = arith.constant 64 : i32
        %mul3A_552 = arith.muli %scan3A_546, %mul3A_551 : i32
        %get3A_553 = arith.index_cast %scan3A_488 : i32 to index
        %get3A_554 = arith.index_cast %mul3A_552 : i32 to index
        %get3A_555 = tpu.vector_load %arg7[%get3A_553, %get3A_554] {strides = array<i32>} : memref<8x2048xi32, #tpu.memory_space<vmem>>, vector<1x16xi32>,
        %get3A_556 = vector.shape_cast %get3A_555 : vector<1x16xi32> to vector<16xi32>
        %add3A_557 = arith.addi %scan3A_547, %get3A_556 : vector<16xi32>
        %add3A_558 = arith.constant 16 : i32
        %add3A_559 = arith.addi %mul3A_552, %add3A_558 : i32
        %get3A_560 = arith.index_cast %scan3A_488 : i32 to index
        %get3A_561 = arith.index_cast %add3A_559 : i32 to index
        %get3A_562 = tpu.vector_load %arg7[%get3A_560, %get3A_561] {strides = array<i32>} : memref<8x2048xi32, #tpu.memory_space<vmem>>, vector<1x16xi32>,
        %get3A_563 = vector.shape_cast %get3A_562 : vector<1x16xi32> to vector<16xi32>
        %add3A_564 = arith.addi %scan3A_548, %get3A_563 : vector<16xi32>
        %add3A_565 = arith.constant 32 : i32
        %add3A_566 = arith.addi %mul3A_552, %add3A_565 : i32
        %get3A_567 = arith.index_cast %scan3A_488 : i32 to index
        %get3A_568 = arith.index_cast %add3A_566 : i32 to index
        %get3A_569 = tpu.vector_load %arg7[%get3A_567, %get3A_568] {strides = array<i32>} : memref<8x2048xi32, #tpu.memory_space<vmem>>, vector<1x16xi32>,
        %get3A_570 = vector.shape_cast %get3A_569 : vector<1x16xi32> to vector<16xi32>
        %add3A_571 = arith.addi %scan3A_549, %get3A_570 : vector<16xi32>
        %add3A_572 = arith.constant 48 : i32
        %add3A_573 = arith.addi %mul3A_552, %add3A_572 : i32
        %get3A_574 = arith.index_cast %scan3A_488 : i32 to index
        %get3A_575 = arith.index_cast %add3A_573 : i32 to index
        %get3A_576 = tpu.vector_load %arg7[%get3A_574, %get3A_575] {strides = array<i32>} : memref<8x2048xi32, #tpu.memory_space<vmem>>, vector<1x16xi32>,
        %get3A_577 = vector.shape_cast %get3A_576 : vector<1x16xi32> to vector<16xi32>
        %add3A_578 = arith.addi %scan3A_550, %get3A_577 : vector<16xi32>
        %scan3A_579 = arith.constant 1 : i32
        %scan3A_580 = arith.addi %scan3A_546, %scan3A_579 : i32
        %mul3A_581 = arith.constant 64 : i32
        %mul3A_582 = arith.muli %scan3A_580, %mul3A_581 : i32
        %get3A_583 = arith.index_cast %scan3A_488 : i32 to index
        %get3A_584 = arith.index_cast %mul3A_582 : i32 to index
        %get3A_585 = tpu.vector_load %arg7[%get3A_583, %get3A_584] {strides = array<i32>} : memref<8x2048xi32, #tpu.memory_space<vmem>>, vector<1x16xi32>,
        %get3A_586 = vector.shape_cast %get3A_585 : vector<1x16xi32> to vector<16xi32>
        %add3A_587 = arith.addi %add3A_557, %get3A_586 : vector<16xi32>
        %add3A_588 = arith.constant 16 : i32
        %add3A_589 = arith.addi %mul3A_582, %add3A_588 : i32
        %get3A_590 = arith.index_cast %scan3A_488 : i32 to index
        %get3A_591 = arith.index_cast %add3A_589 : i32 to index
        %get3A_592 = tpu.vector_load %arg7[%get3A_590, %get3A_591] {strides = array<i32>} : memref<8x2048xi32, #tpu.memory_space<vmem>>, vector<1x16xi32>,
        %get3A_593 = vector.shape_cast %get3A_592 : vector<1x16xi32> to vector<16xi32>
        %add3A_594 = arith.addi %add3A_564, %get3A_593 : vector<16xi32>
        %add3A_595 = arith.constant 32 : i32
        %add3A_596 = arith.addi %mul3A_582, %add3A_595 : i32
        %get3A_597 = arith.index_cast %scan3A_488 : i32 to index
        %get3A_598 = arith.index_cast %add3A_596 : i32 to index
        %get3A_599 = tpu.vector_load %arg7[%get3A_597, %get3A_598] {strides = array<i32>} : memref<8x2048xi32, #tpu.memory_space<vmem>>, vector<1x16xi32>,
        %get3A_600 = vector.shape_cast %get3A_599 : vector<1x16xi32> to vector<16xi32>
        %add3A_601 = arith.addi %add3A_571, %get3A_600 : vector<16xi32>
        %add3A_602 = arith.constant 48 : i32
        %add3A_603 = arith.addi %mul3A_582, %add3A_602 : i32
        %get3A_604 = arith.index_cast %scan3A_488 : i32 to index
        %get3A_605 = arith.index_cast %add3A_603 : i32 to index
        %get3A_606 = tpu.vector_load %arg7[%get3A_604, %get3A_605] {strides = array<i32>} : memref<8x2048xi32, #tpu.memory_space<vmem>>, vector<1x16xi32>,
        %get3A_607 = vector.shape_cast %get3A_606 : vector<1x16xi32> to vector<16xi32>
        %add3A_608 = arith.addi %add3A_578, %get3A_607 : vector<16xi32>
        %scan3A_609 = arith.constant 2 : i32
        %scan3A_610 = arith.addi %scan3A_546, %scan3A_609 : i32
        %mul3A_611 = arith.constant 64 : i32
        %mul3A_612 = arith.muli %scan3A_610, %mul3A_611 : i32
        %get3A_613 = arith.index_cast %scan3A_488 : i32 to index
        %get3A_614 = arith.index_cast %mul3A_612 : i32 to index
        %get3A_615 = tpu.vector_load %arg7[%get3A_613, %get3A_614] {strides = array<i32>} : memref<8x2048xi32, #tpu.memory_space<vmem>>, vector<1x16xi32>,
        %get3A_616 = vector.shape_cast %get3A_615 : vector<1x16xi32> to vector<16xi32>
        %add3A_617 = arith.addi %add3A_587, %get3A_616 : vector<16xi32>
        %add3A_618 = arith.constant 16 : i32
        %add3A_619 = arith.addi %mul3A_612, %add3A_618 : i32
        %get3A_620 = arith.index_cast %scan3A_488 : i32 to index
        %get3A_621 = arith.index_cast %add3A_619 : i32 to index
        %get3A_622 = tpu.vector_load %arg7[%get3A_620, %get3A_621] {strides = array<i32>} : memref<8x2048xi32, #tpu.memory_space<vmem>>, vector<1x16xi32>,
        %get3A_623 = vector.shape_cast %get3A_622 : vector<1x16xi32> to vector<16xi32>
        %add3A_624 = arith.addi %add3A_594, %get3A_623 : vector<16xi32>
        %add3A_625 = arith.constant 32 : i32
        %add3A_626 = arith.addi %mul3A_612, %add3A_625 : i32
        %get3A_627 = arith.index_cast %scan3A_488 : i32 to index
        %get3A_628 = arith.index_cast %add3A_626 : i32 to index
        %get3A_629 = tpu.vector_load %arg7[%get3A_627, %get3A_628] {strides = array<i32>} : memref<8x2048xi32, #tpu.memory_space<vmem>>, vector<1x16xi32>,
        %get3A_630 = vector.shape_cast %get3A_629 : vector<1x16xi32> to vector<16xi32>
        %add3A_631 = arith.addi %add3A_601, %get3A_630 : vector<16xi32>
        %add3A_632 = arith.constant 48 : i32
        %add3A_633 = arith.addi %mul3A_612, %add3A_632 : i32
        %get3A_634 = arith.index_cast %scan3A_488 : i32 to index
        %get3A_635 = arith.index_cast %add3A_633 : i32 to index
        %get3A_636 = tpu.vector_load %arg7[%get3A_634, %get3A_635] {strides = array<i32>} : memref<8x2048xi32, #tpu.memory_space<vmem>>, vector<1x16xi32>,
        %get3A_637 = vector.shape_cast %get3A_636 : vector<1x16xi32> to vector<16xi32>
        %add3A_638 = arith.addi %add3A_608, %get3A_637 : vector<16xi32>
        %scan3A_639 = arith.constant 3 : i32
        %scan3A_640 = arith.addi %scan3A_546, %scan3A_639 : i32
        %mul3A_641 = arith.constant 64 : i32
        %mul3A_642 = arith.muli %scan3A_640, %mul3A_641 : i32
        %get3A_643 = arith.index_cast %scan3A_488 : i32 to index
        %get3A_644 = arith.index_cast %mul3A_642 : i32 to index
        %get3A_645 = tpu.vector_load %arg7[%get3A_643, %get3A_644] {strides = array<i32>} : memref<8x2048xi32, #tpu.memory_space<vmem>>, vector<1x16xi32>,
        %get3A_646 = vector.shape_cast %get3A_645 : vector<1x16xi32> to vector<16xi32>
        %add3A_647 = arith.addi %add3A_617, %get3A_646 : vector<16xi32>
        %add3A_648 = arith.constant 16 : i32
        %add3A_649 = arith.addi %mul3A_642, %add3A_648 : i32
        %get3A_650 = arith.index_cast %scan3A_488 : i32 to index
        %get3A_651 = arith.index_cast %add3A_649 : i32 to index
        %get3A_652 = tpu.vector_load %arg7[%get3A_650, %get3A_651] {strides = array<i32>} : memref<8x2048xi32, #tpu.memory_space<vmem>>, vector<1x16xi32>,
        %get3A_653 = vector.shape_cast %get3A_652 : vector<1x16xi32> to vector<16xi32>
        %add3A_654 = arith.addi %add3A_624, %get3A_653 : vector<16xi32>
        %add3A_655 = arith.constant 32 : i32
        %add3A_656 = arith.addi %mul3A_642, %add3A_655 : i32
        %get3A_657 = arith.index_cast %scan3A_488 : i32 to index
        %get3A_658 = arith.index_cast %add3A_656 : i32 to index
        %get3A_659 = tpu.vector_load %arg7[%get3A_657, %get3A_658] {strides = array<i32>} : memref<8x2048xi32, #tpu.memory_space<vmem>>, vector<1x16xi32>,
        %get3A_660 = vector.shape_cast %get3A_659 : vector<1x16xi32> to vector<16xi32>
        %add3A_661 = arith.addi %add3A_631, %get3A_660 : vector<16xi32>
        %add3A_662 = arith.constant 48 : i32
        %add3A_663 = arith.addi %mul3A_642, %add3A_662 : i32
        %get3A_664 = arith.index_cast %scan3A_488 : i32 to index
        %get3A_665 = arith.index_cast %add3A_663 : i32 to index
        %get3A_666 = tpu.vector_load %arg7[%get3A_664, %get3A_665] {strides = array<i32>} : memref<8x2048xi32, #tpu.memory_space<vmem>>, vector<1x16xi32>,
        %get3A_667 = vector.shape_cast %get3A_666 : vector<1x16xi32> to vector<16xi32>
        %add3A_668 = arith.addi %add3A_638, %get3A_667 : vector<16xi32>
        scf.yield %add3A_647, %add3A_654, %add3A_661, %add3A_668 : vector<16xi32>, vector<16xi32>, vector<16xi32>, vector<16xi32>
      }
      %scan3A_497 = arith.constant 32 : i32
      %add3A_498 = arith.addi %scan3A_496#0, %scan3A_496#1 : vector<16xi32>
      %add3A_499 = arith.addi %scan3A_496#2, %scan3A_496#3 : vector<16xi32>
      %add3A_500 = arith.addi %add3A_498, %add3A_499 : vector<16xi32>
      %and3A = vector.broadcast %scan3A_233 : i32 to vector<16xi32>
      %and3A_501 = arith.andi %add3A_500, %and3A : vector<16xi32>
      %shift_right_logical3A = arith.constant 8 : i32
      %shift_right_logical3A_502 = vector.broadcast %shift_right_logical3A : i32 to vector<16xi32>
      %shift_right_logical3A_503 = arith.shrui %add3A_500, %shift_right_logical3A_502 : vector<16xi32>
      %and3A_504 = vector.broadcast %scan3A_233 : i32 to vector<16xi32>
      %and3A_505 = arith.andi %shift_right_logical3A_503, %and3A_504 : vector<16xi32>
      %add3A_506 = arith.addi %and3A_501, %and3A_505 : vector<16xi32>
      %and3A_507 = arith.constant 65535 : i32
      %and3A_508 = vector.broadcast %and3A_507 : i32 to vector<16xi32>
      %and3A_509 = arith.andi %add3A_506, %and3A_508 : vector<16xi32>
      %shift_right_logical3A_510 = arith.constant 16 : i32
      %shift_right_logical3A_511 = vector.broadcast %shift_right_logical3A_510 : i32 to vector<16xi32>
      %shift_right_logical3A_512 = arith.shrui %add3A_506, %shift_right_logical3A_511 : vector<16xi32>
      %add3A_513 = arith.addi %and3A_509, %shift_right_logical3A_512 : vector<16xi32>
      %swap3A_514 = arith.constant 0 : index
      %swap3A_515 = tpu.vector_load %arg10[%swap3A_514] {strides = array<i32>} : memref<32xi32, #tpu.memory_space<vmem>>, vector<16xi32>,
      %swap3A_516 = vector.shape_cast %swap3A_515 : vector<16xi32> to vector<16xi32>
      %swap3A_517 = vector.shape_cast %add3A_513 : vector<16xi32> to vector<16xi32>
      tpu.vector_store %arg10[%swap3A_514], %swap3A_517 {strides = array<i32>} : memref<32xi32, #tpu.memory_space<vmem>>, vector<16xi32>,
      %get3A = arith.constant 8 : index
      %get3A_518 = tpu.vector_load %arg10[%get3A] {strides = array<i32>} : memref<32xi32, #tpu.memory_space<vmem>>, vector<16xi32>,
      %get3A_519 = vector.shape_cast %get3A_518 : vector<16xi32> to vector<16xi32>
      %add3A_520 = arith.addi %add3A_513, %get3A_519 : vector<16xi32>
      %swap3A_521 = arith.constant 0 : index
      %swap3A_522 = tpu.vector_load %arg10[%swap3A_521] {strides = array<i32>} : memref<32xi32, #tpu.memory_space<vmem>>, vector<16xi32>,
      %swap3A_523 = vector.shape_cast %swap3A_522 : vector<16xi32> to vector<16xi32>
      %swap3A_524 = vector.shape_cast %add3A_520 : vector<16xi32> to vector<16xi32>
      tpu.vector_store %arg10[%swap3A_521], %swap3A_524 {strides = array<i32>} : memref<32xi32, #tpu.memory_space<vmem>>, vector<16xi32>,
      %get3A_525 = arith.constant 4 : index
      %get3A_526 = tpu.vector_load %arg10[%get3A_525] {strides = array<i32>} : memref<32xi32, #tpu.memory_space<vmem>>, vector<16xi32>,
      %get3A_527 = vector.shape_cast %get3A_526 : vector<16xi32> to vector<16xi32>
      %add3A_528 = arith.addi %add3A_520, %get3A_527 : vector<16xi32>
      %swap3A_529 = arith.constant 0 : index
      %swap3A_530 = tpu.vector_load %arg10[%swap3A_529] {strides = array<i32>} : memref<32xi32, #tpu.memory_space<vmem>>, vector<16xi32>,
      %swap3A_531 = vector.shape_cast %swap3A_530 : vector<16xi32> to vector<16xi32>
      %swap3A_532 = vector.shape_cast %add3A_528 : vector<16xi32> to vector<16xi32>
      tpu.vector_store %arg10[%swap3A_529], %swap3A_532 {strides = array<i32>} : memref<32xi32, #tpu.memory_space<vmem>>, vector<16xi32>,
      %get3A_533 = arith.constant 2 : index
      %get3A_534 = tpu.vector_load %arg10[%get3A_533] {strides = array<i32>} : memref<32xi32, #tpu.memory_space<vmem>>, vector<16xi32>,
      %get3A_535 = vector.shape_cast %get3A_534 : vector<16xi32> to vector<16xi32>
      %add3A_536 = arith.addi %add3A_528, %get3A_535 : vector<16xi32>
      %slice3A = vector.extract_strided_slice %add3A_536 {offsets = [0], sizes = [1], strides = [1]} : vector<16xi32> to vector<1xi32>
      %squeeze3A = vector.extract %slice3A[0] : i32 from vector<1xi32>
      %slice3A_537 = vector.extract_strided_slice %add3A_536 {offsets = [1], sizes = [1], strides = [1]} : vector<16xi32> to vector<1xi32>
      %squeeze3A_538 = vector.extract %slice3A_537[0] : i32 from vector<1xi32>
      %add3A_539 = arith.addi %squeeze3A, %squeeze3A_538 : i32
      %add3A_540 = arith.constant 8 : i32
      %add3A_541 = arith.addi %scan3A_488, %add3A_540 : i32
      %eq3A_542 = vector.broadcast %add3A_541 : i32 to vector<16xi32>
      %eq3A_543 = arith.cmpi eq, %iota3A, %eq3A_542 : vector<16xi32>
      %broadcast_in_dim3A_544 = vector.broadcast %add3A_539 : i32 to vector<16xi32>
      %select_n3A_545 = arith.select %eq3A_543, %broadcast_in_dim3A_544, %scan3A_489 : vector<16xi1>, vector<16xi32>
      scf.yield %select_n3A_545 : vector<16xi32>
    }
    %scan3A_239 = arith.constant 8 : i32
    %eq3A_240 = arith.constant 0 : i32
    %eq3A_241 = vector.broadcast %eq3A_240 : i32 to vector<16xi32>
    %eq3A_242 = arith.cmpi eq, %scan3A_238, %eq3A_241 : vector<16xi32>
    %sub3A_243 = arith.constant 1 : i32
    %sub3A_244 = vector.broadcast %sub3A_243 : i32 to vector<16xi32>
    %sub3A_245 = arith.subi %scan3A_238, %sub3A_244 : vector<16xi32>
    %jit3A_246 = arith.constant 8319 : i32
    %broadcast_in_dim3A_247 = vector.broadcast %jit3A_246 : i32 to vector<16xi32>
    %select_n3A_248 = arith.select %eq3A_242, %broadcast_in_dim3A_247, %sub3A_245 : vector<16xi1>, vector<16xi32>
    %swap3A_249 = arith.constant 64 : index
    %swap3A_250 = tpu.vector_load %arg9[%swap3A_249] {strides = array<i32>} : memref<128xi32, #tpu.memory_space<vmem>>, vector<16xi32>,
    %swap3A_251 = vector.shape_cast %swap3A_250 : vector<16xi32> to vector<16xi32>
    %swap3A_252 = vector.shape_cast %select_n3A_248 : vector<16xi32> to vector<16xi32>
    tpu.vector_store %arg9[%swap3A_249], %swap3A_252 {strides = array<i32>} : memref<128xi32, #tpu.memory_space<vmem>>, vector<16xi32>,
    %dma_wait3A_253 = arith.constant 0 : i32
    %dma_wait3A_254 = tpu.memref_slice %arg2[%add3A_228, %dma_wait3A_253] : memref<4096x2048xi32, #tpu.memory_space<hbm>> -> memref<8x2048xi32, #tpu.memory_space<hbm>>
    %dma_wait3A_255 = arith.constant 0 : i32
    %dma_wait3A_256 = tpu.memref_slice %arg2[%add3A_228, %dma_wait3A_255] : memref<4096x2048xi32, #tpu.memory_space<hbm>> -> memref<8x2048xi32, #tpu.memory_space<hbm>>
    tpu.wait_dma2 semaphore(%arg14 : memref<!tpu.dma_semaphore, #tpu.memory_space<semaphore_mem>>) src(%dma_wait3A_256 : memref<8x2048xi32, #tpu.memory_space<hbm>>) dst(%arg6 : memref<8x2048xi32, #tpu.memory_space<vmem>>)
    %add3A_257 = arith.constant 88 : i32
    %add3A_258 = arith.addi %mul3A_2, %add3A_257 : i32
    %dma_start3A_259 = arith.constant 0 : i32
    %dma_start3A_260 = tpu.memref_slice %arg2[%add3A_258, %dma_start3A_259] : memref<4096x2048xi32, #tpu.memory_space<hbm>> -> memref<8x2048xi32, #tpu.memory_space<hbm>>
    %dma_start3A_261 = arith.constant 0 : i32
    %dma_start3A_262 = tpu.memref_slice %arg2[%add3A_258, %dma_start3A_261] : memref<4096x2048xi32, #tpu.memory_space<hbm>> -> memref<8x2048xi32, #tpu.memory_space<hbm>>
    tpu.enqueue_dma source(%dma_start3A_262 : memref<8x2048xi32, #tpu.memory_space<hbm>>) target(%arg7 : memref<8x2048xi32, #tpu.memory_space<vmem>>) target_semaphore(%arg15 : memref<!tpu.dma_semaphore, #tpu.memory_space<semaphore_mem>>)
    %broadcast_in_dim3A_263 = arith.constant 0 : i32
    %broadcast_in_dim3A_264 = vector.broadcast %broadcast_in_dim3A_263 : i32 to vector<16xi32>
    %scan3A_265 = arith.constant 16711935 : i32
    %scan3A_266 = arith.constant 0 : i32
    %scan3A_267 = arith.constant 8 : i32
    %scan3A_268 = arith.addi %scan3A_266, %scan3A_267 : i32
    %scan3A_269 = arith.constant 1 : i32
    %scan3A_270 = scf.for %scan3A_488 = %scan3A_266 to %scan3A_268 step %scan3A_269 iter_args(%scan3A_489 = %broadcast_in_dim3A_264) -> (vector<16xi32>)  : i32 {
      %broadcast_in_dim3A_490 = arith.constant 0 : i32
      %broadcast_in_dim3A_491 = vector.broadcast %broadcast_in_dim3A_490 : i32 to vector<16xi32>
      %scan3A_492 = arith.constant 0 : i32
      %scan3A_493 = arith.constant 32 : i32
      %scan3A_494 = arith.addi %scan3A_492, %scan3A_493 : i32
      %scan3A_495 = arith.constant 4 : i32
      %scan3A_496:4 = scf.for %scan3A_546 = %scan3A_492 to %scan3A_494 step %scan3A_495 iter_args(%scan3A_547 = %broadcast_in_dim3A_491, %scan3A_548 = %broadcast_in_dim3A_491, %scan3A_549 = %broadcast_in_dim3A_491, %scan3A_550 = %broadcast_in_dim3A_491) -> (vector<16xi32>, vector<16xi32>, vector<16xi32>, vector<16xi32>)  : i32 {
        %mul3A_551 = arith.constant 64 : i32
        %mul3A_552 = arith.muli %scan3A_546, %mul3A_551 : i32
        %get3A_553 = arith.index_cast %scan3A_488 : i32 to index
        %get3A_554 = arith.index_cast %mul3A_552 : i32 to index
        %get3A_555 = tpu.vector_load %arg6[%get3A_553, %get3A_554] {strides = array<i32>} : memref<8x2048xi32, #tpu.memory_space<vmem>>, vector<1x16xi32>,
        %get3A_556 = vector.shape_cast %get3A_555 : vector<1x16xi32> to vector<16xi32>
        %add3A_557 = arith.addi %scan3A_547, %get3A_556 : vector<16xi32>
        %add3A_558 = arith.constant 16 : i32
        %add3A_559 = arith.addi %mul3A_552, %add3A_558 : i32
        %get3A_560 = arith.index_cast %scan3A_488 : i32 to index
        %get3A_561 = arith.index_cast %add3A_559 : i32 to index
        %get3A_562 = tpu.vector_load %arg6[%get3A_560, %get3A_561] {strides = array<i32>} : memref<8x2048xi32, #tpu.memory_space<vmem>>, vector<1x16xi32>,
        %get3A_563 = vector.shape_cast %get3A_562 : vector<1x16xi32> to vector<16xi32>
        %add3A_564 = arith.addi %scan3A_548, %get3A_563 : vector<16xi32>
        %add3A_565 = arith.constant 32 : i32
        %add3A_566 = arith.addi %mul3A_552, %add3A_565 : i32
        %get3A_567 = arith.index_cast %scan3A_488 : i32 to index
        %get3A_568 = arith.index_cast %add3A_566 : i32 to index
        %get3A_569 = tpu.vector_load %arg6[%get3A_567, %get3A_568] {strides = array<i32>} : memref<8x2048xi32, #tpu.memory_space<vmem>>, vector<1x16xi32>,
        %get3A_570 = vector.shape_cast %get3A_569 : vector<1x16xi32> to vector<16xi32>
        %add3A_571 = arith.addi %scan3A_549, %get3A_570 : vector<16xi32>
        %add3A_572 = arith.constant 48 : i32
        %add3A_573 = arith.addi %mul3A_552, %add3A_572 : i32
        %get3A_574 = arith.index_cast %scan3A_488 : i32 to index
        %get3A_575 = arith.index_cast %add3A_573 : i32 to index
        %get3A_576 = tpu.vector_load %arg6[%get3A_574, %get3A_575] {strides = array<i32>} : memref<8x2048xi32, #tpu.memory_space<vmem>>, vector<1x16xi32>,
        %get3A_577 = vector.shape_cast %get3A_576 : vector<1x16xi32> to vector<16xi32>
        %add3A_578 = arith.addi %scan3A_550, %get3A_577 : vector<16xi32>
        %scan3A_579 = arith.constant 1 : i32
        %scan3A_580 = arith.addi %scan3A_546, %scan3A_579 : i32
        %mul3A_581 = arith.constant 64 : i32
        %mul3A_582 = arith.muli %scan3A_580, %mul3A_581 : i32
        %get3A_583 = arith.index_cast %scan3A_488 : i32 to index
        %get3A_584 = arith.index_cast %mul3A_582 : i32 to index
        %get3A_585 = tpu.vector_load %arg6[%get3A_583, %get3A_584] {strides = array<i32>} : memref<8x2048xi32, #tpu.memory_space<vmem>>, vector<1x16xi32>,
        %get3A_586 = vector.shape_cast %get3A_585 : vector<1x16xi32> to vector<16xi32>
        %add3A_587 = arith.addi %add3A_557, %get3A_586 : vector<16xi32>
        %add3A_588 = arith.constant 16 : i32
        %add3A_589 = arith.addi %mul3A_582, %add3A_588 : i32
        %get3A_590 = arith.index_cast %scan3A_488 : i32 to index
        %get3A_591 = arith.index_cast %add3A_589 : i32 to index
        %get3A_592 = tpu.vector_load %arg6[%get3A_590, %get3A_591] {strides = array<i32>} : memref<8x2048xi32, #tpu.memory_space<vmem>>, vector<1x16xi32>,
        %get3A_593 = vector.shape_cast %get3A_592 : vector<1x16xi32> to vector<16xi32>
        %add3A_594 = arith.addi %add3A_564, %get3A_593 : vector<16xi32>
        %add3A_595 = arith.constant 32 : i32
        %add3A_596 = arith.addi %mul3A_582, %add3A_595 : i32
        %get3A_597 = arith.index_cast %scan3A_488 : i32 to index
        %get3A_598 = arith.index_cast %add3A_596 : i32 to index
        %get3A_599 = tpu.vector_load %arg6[%get3A_597, %get3A_598] {strides = array<i32>} : memref<8x2048xi32, #tpu.memory_space<vmem>>, vector<1x16xi32>,
        %get3A_600 = vector.shape_cast %get3A_599 : vector<1x16xi32> to vector<16xi32>
        %add3A_601 = arith.addi %add3A_571, %get3A_600 : vector<16xi32>
        %add3A_602 = arith.constant 48 : i32
        %add3A_603 = arith.addi %mul3A_582, %add3A_602 : i32
        %get3A_604 = arith.index_cast %scan3A_488 : i32 to index
        %get3A_605 = arith.index_cast %add3A_603 : i32 to index
        %get3A_606 = tpu.vector_load %arg6[%get3A_604, %get3A_605] {strides = array<i32>} : memref<8x2048xi32, #tpu.memory_space<vmem>>, vector<1x16xi32>,
        %get3A_607 = vector.shape_cast %get3A_606 : vector<1x16xi32> to vector<16xi32>
        %add3A_608 = arith.addi %add3A_578, %get3A_607 : vector<16xi32>
        %scan3A_609 = arith.constant 2 : i32
        %scan3A_610 = arith.addi %scan3A_546, %scan3A_609 : i32
        %mul3A_611 = arith.constant 64 : i32
        %mul3A_612 = arith.muli %scan3A_610, %mul3A_611 : i32
        %get3A_613 = arith.index_cast %scan3A_488 : i32 to index
        %get3A_614 = arith.index_cast %mul3A_612 : i32 to index
        %get3A_615 = tpu.vector_load %arg6[%get3A_613, %get3A_614] {strides = array<i32>} : memref<8x2048xi32, #tpu.memory_space<vmem>>, vector<1x16xi32>,
        %get3A_616 = vector.shape_cast %get3A_615 : vector<1x16xi32> to vector<16xi32>
        %add3A_617 = arith.addi %add3A_587, %get3A_616 : vector<16xi32>
        %add3A_618 = arith.constant 16 : i32
        %add3A_619 = arith.addi %mul3A_612, %add3A_618 : i32
        %get3A_620 = arith.index_cast %scan3A_488 : i32 to index
        %get3A_621 = arith.index_cast %add3A_619 : i32 to index
        %get3A_622 = tpu.vector_load %arg6[%get3A_620, %get3A_621] {strides = array<i32>} : memref<8x2048xi32, #tpu.memory_space<vmem>>, vector<1x16xi32>,
        %get3A_623 = vector.shape_cast %get3A_622 : vector<1x16xi32> to vector<16xi32>
        %add3A_624 = arith.addi %add3A_594, %get3A_623 : vector<16xi32>
        %add3A_625 = arith.constant 32 : i32
        %add3A_626 = arith.addi %mul3A_612, %add3A_625 : i32
        %get3A_627 = arith.index_cast %scan3A_488 : i32 to index
        %get3A_628 = arith.index_cast %add3A_626 : i32 to index
        %get3A_629 = tpu.vector_load %arg6[%get3A_627, %get3A_628] {strides = array<i32>} : memref<8x2048xi32, #tpu.memory_space<vmem>>, vector<1x16xi32>,
        %get3A_630 = vector.shape_cast %get3A_629 : vector<1x16xi32> to vector<16xi32>
        %add3A_631 = arith.addi %add3A_601, %get3A_630 : vector<16xi32>
        %add3A_632 = arith.constant 48 : i32
        %add3A_633 = arith.addi %mul3A_612, %add3A_632 : i32
        %get3A_634 = arith.index_cast %scan3A_488 : i32 to index
        %get3A_635 = arith.index_cast %add3A_633 : i32 to index
        %get3A_636 = tpu.vector_load %arg6[%get3A_634, %get3A_635] {strides = array<i32>} : memref<8x2048xi32, #tpu.memory_space<vmem>>, vector<1x16xi32>,
        %get3A_637 = vector.shape_cast %get3A_636 : vector<1x16xi32> to vector<16xi32>
        %add3A_638 = arith.addi %add3A_608, %get3A_637 : vector<16xi32>
        %scan3A_639 = arith.constant 3 : i32
        %scan3A_640 = arith.addi %scan3A_546, %scan3A_639 : i32
        %mul3A_641 = arith.constant 64 : i32
        %mul3A_642 = arith.muli %scan3A_640, %mul3A_641 : i32
        %get3A_643 = arith.index_cast %scan3A_488 : i32 to index
        %get3A_644 = arith.index_cast %mul3A_642 : i32 to index
        %get3A_645 = tpu.vector_load %arg6[%get3A_643, %get3A_644] {strides = array<i32>} : memref<8x2048xi32, #tpu.memory_space<vmem>>, vector<1x16xi32>,
        %get3A_646 = vector.shape_cast %get3A_645 : vector<1x16xi32> to vector<16xi32>
        %add3A_647 = arith.addi %add3A_617, %get3A_646 : vector<16xi32>
        %add3A_648 = arith.constant 16 : i32
        %add3A_649 = arith.addi %mul3A_642, %add3A_648 : i32
        %get3A_650 = arith.index_cast %scan3A_488 : i32 to index
        %get3A_651 = arith.index_cast %add3A_649 : i32 to index
        %get3A_652 = tpu.vector_load %arg6[%get3A_650, %get3A_651] {strides = array<i32>} : memref<8x2048xi32, #tpu.memory_space<vmem>>, vector<1x16xi32>,
        %get3A_653 = vector.shape_cast %get3A_652 : vector<1x16xi32> to vector<16xi32>
        %add3A_654 = arith.addi %add3A_624, %get3A_653 : vector<16xi32>
        %add3A_655 = arith.constant 32 : i32
        %add3A_656 = arith.addi %mul3A_642, %add3A_655 : i32
        %get3A_657 = arith.index_cast %scan3A_488 : i32 to index
        %get3A_658 = arith.index_cast %add3A_656 : i32 to index
        %get3A_659 = tpu.vector_load %arg6[%get3A_657, %get3A_658] {strides = array<i32>} : memref<8x2048xi32, #tpu.memory_space<vmem>>, vector<1x16xi32>,
        %get3A_660 = vector.shape_cast %get3A_659 : vector<1x16xi32> to vector<16xi32>
        %add3A_661 = arith.addi %add3A_631, %get3A_660 : vector<16xi32>
        %add3A_662 = arith.constant 48 : i32
        %add3A_663 = arith.addi %mul3A_642, %add3A_662 : i32
        %get3A_664 = arith.index_cast %scan3A_488 : i32 to index
        %get3A_665 = arith.index_cast %add3A_663 : i32 to index
        %get3A_666 = tpu.vector_load %arg6[%get3A_664, %get3A_665] {strides = array<i32>} : memref<8x2048xi32, #tpu.memory_space<vmem>>, vector<1x16xi32>,
        %get3A_667 = vector.shape_cast %get3A_666 : vector<1x16xi32> to vector<16xi32>
        %add3A_668 = arith.addi %add3A_638, %get3A_667 : vector<16xi32>
        scf.yield %add3A_647, %add3A_654, %add3A_661, %add3A_668 : vector<16xi32>, vector<16xi32>, vector<16xi32>, vector<16xi32>
      }
      %scan3A_497 = arith.constant 32 : i32
      %add3A_498 = arith.addi %scan3A_496#0, %scan3A_496#1 : vector<16xi32>
      %add3A_499 = arith.addi %scan3A_496#2, %scan3A_496#3 : vector<16xi32>
      %add3A_500 = arith.addi %add3A_498, %add3A_499 : vector<16xi32>
      %and3A = vector.broadcast %scan3A_265 : i32 to vector<16xi32>
      %and3A_501 = arith.andi %add3A_500, %and3A : vector<16xi32>
      %shift_right_logical3A = arith.constant 8 : i32
      %shift_right_logical3A_502 = vector.broadcast %shift_right_logical3A : i32 to vector<16xi32>
      %shift_right_logical3A_503 = arith.shrui %add3A_500, %shift_right_logical3A_502 : vector<16xi32>
      %and3A_504 = vector.broadcast %scan3A_265 : i32 to vector<16xi32>
      %and3A_505 = arith.andi %shift_right_logical3A_503, %and3A_504 : vector<16xi32>
      %add3A_506 = arith.addi %and3A_501, %and3A_505 : vector<16xi32>
      %and3A_507 = arith.constant 65535 : i32
      %and3A_508 = vector.broadcast %and3A_507 : i32 to vector<16xi32>
      %and3A_509 = arith.andi %add3A_506, %and3A_508 : vector<16xi32>
      %shift_right_logical3A_510 = arith.constant 16 : i32
      %shift_right_logical3A_511 = vector.broadcast %shift_right_logical3A_510 : i32 to vector<16xi32>
      %shift_right_logical3A_512 = arith.shrui %add3A_506, %shift_right_logical3A_511 : vector<16xi32>
      %add3A_513 = arith.addi %and3A_509, %shift_right_logical3A_512 : vector<16xi32>
      %swap3A_514 = arith.constant 0 : index
      %swap3A_515 = tpu.vector_load %arg10[%swap3A_514] {strides = array<i32>} : memref<32xi32, #tpu.memory_space<vmem>>, vector<16xi32>,
      %swap3A_516 = vector.shape_cast %swap3A_515 : vector<16xi32> to vector<16xi32>
      %swap3A_517 = vector.shape_cast %add3A_513 : vector<16xi32> to vector<16xi32>
      tpu.vector_store %arg10[%swap3A_514], %swap3A_517 {strides = array<i32>} : memref<32xi32, #tpu.memory_space<vmem>>, vector<16xi32>,
      %get3A = arith.constant 8 : index
      %get3A_518 = tpu.vector_load %arg10[%get3A] {strides = array<i32>} : memref<32xi32, #tpu.memory_space<vmem>>, vector<16xi32>,
      %get3A_519 = vector.shape_cast %get3A_518 : vector<16xi32> to vector<16xi32>
      %add3A_520 = arith.addi %add3A_513, %get3A_519 : vector<16xi32>
      %swap3A_521 = arith.constant 0 : index
      %swap3A_522 = tpu.vector_load %arg10[%swap3A_521] {strides = array<i32>} : memref<32xi32, #tpu.memory_space<vmem>>, vector<16xi32>,
      %swap3A_523 = vector.shape_cast %swap3A_522 : vector<16xi32> to vector<16xi32>
      %swap3A_524 = vector.shape_cast %add3A_520 : vector<16xi32> to vector<16xi32>
      tpu.vector_store %arg10[%swap3A_521], %swap3A_524 {strides = array<i32>} : memref<32xi32, #tpu.memory_space<vmem>>, vector<16xi32>,
      %get3A_525 = arith.constant 4 : index
      %get3A_526 = tpu.vector_load %arg10[%get3A_525] {strides = array<i32>} : memref<32xi32, #tpu.memory_space<vmem>>, vector<16xi32>,
      %get3A_527 = vector.shape_cast %get3A_526 : vector<16xi32> to vector<16xi32>
      %add3A_528 = arith.addi %add3A_520, %get3A_527 : vector<16xi32>
      %swap3A_529 = arith.constant 0 : index
      %swap3A_530 = tpu.vector_load %arg10[%swap3A_529] {strides = array<i32>} : memref<32xi32, #tpu.memory_space<vmem>>, vector<16xi32>,
      %swap3A_531 = vector.shape_cast %swap3A_530 : vector<16xi32> to vector<16xi32>
      %swap3A_532 = vector.shape_cast %add3A_528 : vector<16xi32> to vector<16xi32>
      tpu.vector_store %arg10[%swap3A_529], %swap3A_532 {strides = array<i32>} : memref<32xi32, #tpu.memory_space<vmem>>, vector<16xi32>,
      %get3A_533 = arith.constant 2 : index
      %get3A_534 = tpu.vector_load %arg10[%get3A_533] {strides = array<i32>} : memref<32xi32, #tpu.memory_space<vmem>>, vector<16xi32>,
      %get3A_535 = vector.shape_cast %get3A_534 : vector<16xi32> to vector<16xi32>
      %add3A_536 = arith.addi %add3A_528, %get3A_535 : vector<16xi32>
      %slice3A = vector.extract_strided_slice %add3A_536 {offsets = [0], sizes = [1], strides = [1]} : vector<16xi32> to vector<1xi32>
      %squeeze3A = vector.extract %slice3A[0] : i32 from vector<1xi32>
      %slice3A_537 = vector.extract_strided_slice %add3A_536 {offsets = [1], sizes = [1], strides = [1]} : vector<16xi32> to vector<1xi32>
      %squeeze3A_538 = vector.extract %slice3A_537[0] : i32 from vector<1xi32>
      %add3A_539 = arith.addi %squeeze3A, %squeeze3A_538 : i32
      %add3A_540 = arith.constant 0 : i32
      %add3A_541 = arith.addi %scan3A_488, %add3A_540 : i32
      %eq3A_542 = vector.broadcast %add3A_541 : i32 to vector<16xi32>
      %eq3A_543 = arith.cmpi eq, %iota3A, %eq3A_542 : vector<16xi32>
      %broadcast_in_dim3A_544 = vector.broadcast %add3A_539 : i32 to vector<16xi32>
      %select_n3A_545 = arith.select %eq3A_543, %broadcast_in_dim3A_544, %scan3A_489 : vector<16xi1>, vector<16xi32>
      scf.yield %select_n3A_545 : vector<16xi32>
    }
    %scan3A_271 = arith.constant 8 : i32
    %dma_wait3A_272 = arith.constant 0 : i32
    %dma_wait3A_273 = tpu.memref_slice %arg2[%add3A_258, %dma_wait3A_272] : memref<4096x2048xi32, #tpu.memory_space<hbm>> -> memref<8x2048xi32, #tpu.memory_space<hbm>>
    %dma_wait3A_274 = arith.constant 0 : i32
    %dma_wait3A_275 = tpu.memref_slice %arg2[%add3A_258, %dma_wait3A_274] : memref<4096x2048xi32, #tpu.memory_space<hbm>> -> memref<8x2048xi32, #tpu.memory_space<hbm>>
    tpu.wait_dma2 semaphore(%arg15 : memref<!tpu.dma_semaphore, #tpu.memory_space<semaphore_mem>>) src(%dma_wait3A_275 : memref<8x2048xi32, #tpu.memory_space<hbm>>) dst(%arg7 : memref<8x2048xi32, #tpu.memory_space<vmem>>)
    %add3A_276 = arith.constant 96 : i32
    %add3A_277 = arith.addi %mul3A_2, %add3A_276 : i32
    %dma_start3A_278 = arith.constant 0 : i32
    %dma_start3A_279 = tpu.memref_slice %arg2[%add3A_277, %dma_start3A_278] : memref<4096x2048xi32, #tpu.memory_space<hbm>> -> memref<8x2048xi32, #tpu.memory_space<hbm>>
    %dma_start3A_280 = arith.constant 0 : i32
    %dma_start3A_281 = tpu.memref_slice %arg2[%add3A_277, %dma_start3A_280] : memref<4096x2048xi32, #tpu.memory_space<hbm>> -> memref<8x2048xi32, #tpu.memory_space<hbm>>
    tpu.enqueue_dma source(%dma_start3A_281 : memref<8x2048xi32, #tpu.memory_space<hbm>>) target(%arg6 : memref<8x2048xi32, #tpu.memory_space<vmem>>) target_semaphore(%arg14 : memref<!tpu.dma_semaphore, #tpu.memory_space<semaphore_mem>>)
    %scan3A_282 = arith.constant 16711935 : i32
    %scan3A_283 = arith.constant 0 : i32
    %scan3A_284 = arith.constant 8 : i32
    %scan3A_285 = arith.addi %scan3A_283, %scan3A_284 : i32
    %scan3A_286 = arith.constant 1 : i32
    %scan3A_287 = scf.for %scan3A_488 = %scan3A_283 to %scan3A_285 step %scan3A_286 iter_args(%scan3A_489 = %scan3A_270) -> (vector<16xi32>)  : i32 {
      %broadcast_in_dim3A_490 = arith.constant 0 : i32
      %broadcast_in_dim3A_491 = vector.broadcast %broadcast_in_dim3A_490 : i32 to vector<16xi32>
      %scan3A_492 = arith.constant 0 : i32
      %scan3A_493 = arith.constant 32 : i32
      %scan3A_494 = arith.addi %scan3A_492, %scan3A_493 : i32
      %scan3A_495 = arith.constant 4 : i32
      %scan3A_496:4 = scf.for %scan3A_546 = %scan3A_492 to %scan3A_494 step %scan3A_495 iter_args(%scan3A_547 = %broadcast_in_dim3A_491, %scan3A_548 = %broadcast_in_dim3A_491, %scan3A_549 = %broadcast_in_dim3A_491, %scan3A_550 = %broadcast_in_dim3A_491) -> (vector<16xi32>, vector<16xi32>, vector<16xi32>, vector<16xi32>)  : i32 {
        %mul3A_551 = arith.constant 64 : i32
        %mul3A_552 = arith.muli %scan3A_546, %mul3A_551 : i32
        %get3A_553 = arith.index_cast %scan3A_488 : i32 to index
        %get3A_554 = arith.index_cast %mul3A_552 : i32 to index
        %get3A_555 = tpu.vector_load %arg7[%get3A_553, %get3A_554] {strides = array<i32>} : memref<8x2048xi32, #tpu.memory_space<vmem>>, vector<1x16xi32>,
        %get3A_556 = vector.shape_cast %get3A_555 : vector<1x16xi32> to vector<16xi32>
        %add3A_557 = arith.addi %scan3A_547, %get3A_556 : vector<16xi32>
        %add3A_558 = arith.constant 16 : i32
        %add3A_559 = arith.addi %mul3A_552, %add3A_558 : i32
        %get3A_560 = arith.index_cast %scan3A_488 : i32 to index
        %get3A_561 = arith.index_cast %add3A_559 : i32 to index
        %get3A_562 = tpu.vector_load %arg7[%get3A_560, %get3A_561] {strides = array<i32>} : memref<8x2048xi32, #tpu.memory_space<vmem>>, vector<1x16xi32>,
        %get3A_563 = vector.shape_cast %get3A_562 : vector<1x16xi32> to vector<16xi32>
        %add3A_564 = arith.addi %scan3A_548, %get3A_563 : vector<16xi32>
        %add3A_565 = arith.constant 32 : i32
        %add3A_566 = arith.addi %mul3A_552, %add3A_565 : i32
        %get3A_567 = arith.index_cast %scan3A_488 : i32 to index
        %get3A_568 = arith.index_cast %add3A_566 : i32 to index
        %get3A_569 = tpu.vector_load %arg7[%get3A_567, %get3A_568] {strides = array<i32>} : memref<8x2048xi32, #tpu.memory_space<vmem>>, vector<1x16xi32>,
        %get3A_570 = vector.shape_cast %get3A_569 : vector<1x16xi32> to vector<16xi32>
        %add3A_571 = arith.addi %scan3A_549, %get3A_570 : vector<16xi32>
        %add3A_572 = arith.constant 48 : i32
        %add3A_573 = arith.addi %mul3A_552, %add3A_572 : i32
        %get3A_574 = arith.index_cast %scan3A_488 : i32 to index
        %get3A_575 = arith.index_cast %add3A_573 : i32 to index
        %get3A_576 = tpu.vector_load %arg7[%get3A_574, %get3A_575] {strides = array<i32>} : memref<8x2048xi32, #tpu.memory_space<vmem>>, vector<1x16xi32>,
        %get3A_577 = vector.shape_cast %get3A_576 : vector<1x16xi32> to vector<16xi32>
        %add3A_578 = arith.addi %scan3A_550, %get3A_577 : vector<16xi32>
        %scan3A_579 = arith.constant 1 : i32
        %scan3A_580 = arith.addi %scan3A_546, %scan3A_579 : i32
        %mul3A_581 = arith.constant 64 : i32
        %mul3A_582 = arith.muli %scan3A_580, %mul3A_581 : i32
        %get3A_583 = arith.index_cast %scan3A_488 : i32 to index
        %get3A_584 = arith.index_cast %mul3A_582 : i32 to index
        %get3A_585 = tpu.vector_load %arg7[%get3A_583, %get3A_584] {strides = array<i32>} : memref<8x2048xi32, #tpu.memory_space<vmem>>, vector<1x16xi32>,
        %get3A_586 = vector.shape_cast %get3A_585 : vector<1x16xi32> to vector<16xi32>
        %add3A_587 = arith.addi %add3A_557, %get3A_586 : vector<16xi32>
        %add3A_588 = arith.constant 16 : i32
        %add3A_589 = arith.addi %mul3A_582, %add3A_588 : i32
        %get3A_590 = arith.index_cast %scan3A_488 : i32 to index
        %get3A_591 = arith.index_cast %add3A_589 : i32 to index
        %get3A_592 = tpu.vector_load %arg7[%get3A_590, %get3A_591] {strides = array<i32>} : memref<8x2048xi32, #tpu.memory_space<vmem>>, vector<1x16xi32>,
        %get3A_593 = vector.shape_cast %get3A_592 : vector<1x16xi32> to vector<16xi32>
        %add3A_594 = arith.addi %add3A_564, %get3A_593 : vector<16xi32>
        %add3A_595 = arith.constant 32 : i32
        %add3A_596 = arith.addi %mul3A_582, %add3A_595 : i32
        %get3A_597 = arith.index_cast %scan3A_488 : i32 to index
        %get3A_598 = arith.index_cast %add3A_596 : i32 to index
        %get3A_599 = tpu.vector_load %arg7[%get3A_597, %get3A_598] {strides = array<i32>} : memref<8x2048xi32, #tpu.memory_space<vmem>>, vector<1x16xi32>,
        %get3A_600 = vector.shape_cast %get3A_599 : vector<1x16xi32> to vector<16xi32>
        %add3A_601 = arith.addi %add3A_571, %get3A_600 : vector<16xi32>
        %add3A_602 = arith.constant 48 : i32
        %add3A_603 = arith.addi %mul3A_582, %add3A_602 : i32
        %get3A_604 = arith.index_cast %scan3A_488 : i32 to index
        %get3A_605 = arith.index_cast %add3A_603 : i32 to index
        %get3A_606 = tpu.vector_load %arg7[%get3A_604, %get3A_605] {strides = array<i32>} : memref<8x2048xi32, #tpu.memory_space<vmem>>, vector<1x16xi32>,
        %get3A_607 = vector.shape_cast %get3A_606 : vector<1x16xi32> to vector<16xi32>
        %add3A_608 = arith.addi %add3A_578, %get3A_607 : vector<16xi32>
        %scan3A_609 = arith.constant 2 : i32
        %scan3A_610 = arith.addi %scan3A_546, %scan3A_609 : i32
        %mul3A_611 = arith.constant 64 : i32
        %mul3A_612 = arith.muli %scan3A_610, %mul3A_611 : i32
        %get3A_613 = arith.index_cast %scan3A_488 : i32 to index
        %get3A_614 = arith.index_cast %mul3A_612 : i32 to index
        %get3A_615 = tpu.vector_load %arg7[%get3A_613, %get3A_614] {strides = array<i32>} : memref<8x2048xi32, #tpu.memory_space<vmem>>, vector<1x16xi32>,
        %get3A_616 = vector.shape_cast %get3A_615 : vector<1x16xi32> to vector<16xi32>
        %add3A_617 = arith.addi %add3A_587, %get3A_616 : vector<16xi32>
        %add3A_618 = arith.constant 16 : i32
        %add3A_619 = arith.addi %mul3A_612, %add3A_618 : i32
        %get3A_620 = arith.index_cast %scan3A_488 : i32 to index
        %get3A_621 = arith.index_cast %add3A_619 : i32 to index
        %get3A_622 = tpu.vector_load %arg7[%get3A_620, %get3A_621] {strides = array<i32>} : memref<8x2048xi32, #tpu.memory_space<vmem>>, vector<1x16xi32>,
        %get3A_623 = vector.shape_cast %get3A_622 : vector<1x16xi32> to vector<16xi32>
        %add3A_624 = arith.addi %add3A_594, %get3A_623 : vector<16xi32>
        %add3A_625 = arith.constant 32 : i32
        %add3A_626 = arith.addi %mul3A_612, %add3A_625 : i32
        %get3A_627 = arith.index_cast %scan3A_488 : i32 to index
        %get3A_628 = arith.index_cast %add3A_626 : i32 to index
        %get3A_629 = tpu.vector_load %arg7[%get3A_627, %get3A_628] {strides = array<i32>} : memref<8x2048xi32, #tpu.memory_space<vmem>>, vector<1x16xi32>,
        %get3A_630 = vector.shape_cast %get3A_629 : vector<1x16xi32> to vector<16xi32>
        %add3A_631 = arith.addi %add3A_601, %get3A_630 : vector<16xi32>
        %add3A_632 = arith.constant 48 : i32
        %add3A_633 = arith.addi %mul3A_612, %add3A_632 : i32
        %get3A_634 = arith.index_cast %scan3A_488 : i32 to index
        %get3A_635 = arith.index_cast %add3A_633 : i32 to index
        %get3A_636 = tpu.vector_load %arg7[%get3A_634, %get3A_635] {strides = array<i32>} : memref<8x2048xi32, #tpu.memory_space<vmem>>, vector<1x16xi32>,
        %get3A_637 = vector.shape_cast %get3A_636 : vector<1x16xi32> to vector<16xi32>
        %add3A_638 = arith.addi %add3A_608, %get3A_637 : vector<16xi32>
        %scan3A_639 = arith.constant 3 : i32
        %scan3A_640 = arith.addi %scan3A_546, %scan3A_639 : i32
        %mul3A_641 = arith.constant 64 : i32
        %mul3A_642 = arith.muli %scan3A_640, %mul3A_641 : i32
        %get3A_643 = arith.index_cast %scan3A_488 : i32 to index
        %get3A_644 = arith.index_cast %mul3A_642 : i32 to index
        %get3A_645 = tpu.vector_load %arg7[%get3A_643, %get3A_644] {strides = array<i32>} : memref<8x2048xi32, #tpu.memory_space<vmem>>, vector<1x16xi32>,
        %get3A_646 = vector.shape_cast %get3A_645 : vector<1x16xi32> to vector<16xi32>
        %add3A_647 = arith.addi %add3A_617, %get3A_646 : vector<16xi32>
        %add3A_648 = arith.constant 16 : i32
        %add3A_649 = arith.addi %mul3A_642, %add3A_648 : i32
        %get3A_650 = arith.index_cast %scan3A_488 : i32 to index
        %get3A_651 = arith.index_cast %add3A_649 : i32 to index
        %get3A_652 = tpu.vector_load %arg7[%get3A_650, %get3A_651] {strides = array<i32>} : memref<8x2048xi32, #tpu.memory_space<vmem>>, vector<1x16xi32>,
        %get3A_653 = vector.shape_cast %get3A_652 : vector<1x16xi32> to vector<16xi32>
        %add3A_654 = arith.addi %add3A_624, %get3A_653 : vector<16xi32>
        %add3A_655 = arith.constant 32 : i32
        %add3A_656 = arith.addi %mul3A_642, %add3A_655 : i32
        %get3A_657 = arith.index_cast %scan3A_488 : i32 to index
        %get3A_658 = arith.index_cast %add3A_656 : i32 to index
        %get3A_659 = tpu.vector_load %arg7[%get3A_657, %get3A_658] {strides = array<i32>} : memref<8x2048xi32, #tpu.memory_space<vmem>>, vector<1x16xi32>,
        %get3A_660 = vector.shape_cast %get3A_659 : vector<1x16xi32> to vector<16xi32>
        %add3A_661 = arith.addi %add3A_631, %get3A_660 : vector<16xi32>
        %add3A_662 = arith.constant 48 : i32
        %add3A_663 = arith.addi %mul3A_642, %add3A_662 : i32
        %get3A_664 = arith.index_cast %scan3A_488 : i32 to index
        %get3A_665 = arith.index_cast %add3A_663 : i32 to index
        %get3A_666 = tpu.vector_load %arg7[%get3A_664, %get3A_665] {strides = array<i32>} : memref<8x2048xi32, #tpu.memory_space<vmem>>, vector<1x16xi32>,
        %get3A_667 = vector.shape_cast %get3A_666 : vector<1x16xi32> to vector<16xi32>
        %add3A_668 = arith.addi %add3A_638, %get3A_667 : vector<16xi32>
        scf.yield %add3A_647, %add3A_654, %add3A_661, %add3A_668 : vector<16xi32>, vector<16xi32>, vector<16xi32>, vector<16xi32>
      }
      %scan3A_497 = arith.constant 32 : i32
      %add3A_498 = arith.addi %scan3A_496#0, %scan3A_496#1 : vector<16xi32>
      %add3A_499 = arith.addi %scan3A_496#2, %scan3A_496#3 : vector<16xi32>
      %add3A_500 = arith.addi %add3A_498, %add3A_499 : vector<16xi32>
      %and3A = vector.broadcast %scan3A_282 : i32 to vector<16xi32>
      %and3A_501 = arith.andi %add3A_500, %and3A : vector<16xi32>
      %shift_right_logical3A = arith.constant 8 : i32
      %shift_right_logical3A_502 = vector.broadcast %shift_right_logical3A : i32 to vector<16xi32>
      %shift_right_logical3A_503 = arith.shrui %add3A_500, %shift_right_logical3A_502 : vector<16xi32>
      %and3A_504 = vector.broadcast %scan3A_282 : i32 to vector<16xi32>
      %and3A_505 = arith.andi %shift_right_logical3A_503, %and3A_504 : vector<16xi32>
      %add3A_506 = arith.addi %and3A_501, %and3A_505 : vector<16xi32>
      %and3A_507 = arith.constant 65535 : i32
      %and3A_508 = vector.broadcast %and3A_507 : i32 to vector<16xi32>
      %and3A_509 = arith.andi %add3A_506, %and3A_508 : vector<16xi32>
      %shift_right_logical3A_510 = arith.constant 16 : i32
      %shift_right_logical3A_511 = vector.broadcast %shift_right_logical3A_510 : i32 to vector<16xi32>
      %shift_right_logical3A_512 = arith.shrui %add3A_506, %shift_right_logical3A_511 : vector<16xi32>
      %add3A_513 = arith.addi %and3A_509, %shift_right_logical3A_512 : vector<16xi32>
      %swap3A_514 = arith.constant 0 : index
      %swap3A_515 = tpu.vector_load %arg10[%swap3A_514] {strides = array<i32>} : memref<32xi32, #tpu.memory_space<vmem>>, vector<16xi32>,
      %swap3A_516 = vector.shape_cast %swap3A_515 : vector<16xi32> to vector<16xi32>
      %swap3A_517 = vector.shape_cast %add3A_513 : vector<16xi32> to vector<16xi32>
      tpu.vector_store %arg10[%swap3A_514], %swap3A_517 {strides = array<i32>} : memref<32xi32, #tpu.memory_space<vmem>>, vector<16xi32>,
      %get3A = arith.constant 8 : index
      %get3A_518 = tpu.vector_load %arg10[%get3A] {strides = array<i32>} : memref<32xi32, #tpu.memory_space<vmem>>, vector<16xi32>,
      %get3A_519 = vector.shape_cast %get3A_518 : vector<16xi32> to vector<16xi32>
      %add3A_520 = arith.addi %add3A_513, %get3A_519 : vector<16xi32>
      %swap3A_521 = arith.constant 0 : index
      %swap3A_522 = tpu.vector_load %arg10[%swap3A_521] {strides = array<i32>} : memref<32xi32, #tpu.memory_space<vmem>>, vector<16xi32>,
      %swap3A_523 = vector.shape_cast %swap3A_522 : vector<16xi32> to vector<16xi32>
      %swap3A_524 = vector.shape_cast %add3A_520 : vector<16xi32> to vector<16xi32>
      tpu.vector_store %arg10[%swap3A_521], %swap3A_524 {strides = array<i32>} : memref<32xi32, #tpu.memory_space<vmem>>, vector<16xi32>,
      %get3A_525 = arith.constant 4 : index
      %get3A_526 = tpu.vector_load %arg10[%get3A_525] {strides = array<i32>} : memref<32xi32, #tpu.memory_space<vmem>>, vector<16xi32>,
      %get3A_527 = vector.shape_cast %get3A_526 : vector<16xi32> to vector<16xi32>
      %add3A_528 = arith.addi %add3A_520, %get3A_527 : vector<16xi32>
      %swap3A_529 = arith.constant 0 : index
      %swap3A_530 = tpu.vector_load %arg10[%swap3A_529] {strides = array<i32>} : memref<32xi32, #tpu.memory_space<vmem>>, vector<16xi32>,
      %swap3A_531 = vector.shape_cast %swap3A_530 : vector<16xi32> to vector<16xi32>
      %swap3A_532 = vector.shape_cast %add3A_528 : vector<16xi32> to vector<16xi32>
      tpu.vector_store %arg10[%swap3A_529], %swap3A_532 {strides = array<i32>} : memref<32xi32, #tpu.memory_space<vmem>>, vector<16xi32>,
      %get3A_533 = arith.constant 2 : index
      %get3A_534 = tpu.vector_load %arg10[%get3A_533] {strides = array<i32>} : memref<32xi32, #tpu.memory_space<vmem>>, vector<16xi32>,
      %get3A_535 = vector.shape_cast %get3A_534 : vector<16xi32> to vector<16xi32>
      %add3A_536 = arith.addi %add3A_528, %get3A_535 : vector<16xi32>
      %slice3A = vector.extract_strided_slice %add3A_536 {offsets = [0], sizes = [1], strides = [1]} : vector<16xi32> to vector<1xi32>
      %squeeze3A = vector.extract %slice3A[0] : i32 from vector<1xi32>
      %slice3A_537 = vector.extract_strided_slice %add3A_536 {offsets = [1], sizes = [1], strides = [1]} : vector<16xi32> to vector<1xi32>
      %squeeze3A_538 = vector.extract %slice3A_537[0] : i32 from vector<1xi32>
      %add3A_539 = arith.addi %squeeze3A, %squeeze3A_538 : i32
      %add3A_540 = arith.constant 8 : i32
      %add3A_541 = arith.addi %scan3A_488, %add3A_540 : i32
      %eq3A_542 = vector.broadcast %add3A_541 : i32 to vector<16xi32>
      %eq3A_543 = arith.cmpi eq, %iota3A, %eq3A_542 : vector<16xi32>
      %broadcast_in_dim3A_544 = vector.broadcast %add3A_539 : i32 to vector<16xi32>
      %select_n3A_545 = arith.select %eq3A_543, %broadcast_in_dim3A_544, %scan3A_489 : vector<16xi1>, vector<16xi32>
      scf.yield %select_n3A_545 : vector<16xi32>
    }
    %scan3A_288 = arith.constant 8 : i32
    %eq3A_289 = arith.constant 0 : i32
    %eq3A_290 = vector.broadcast %eq3A_289 : i32 to vector<16xi32>
    %eq3A_291 = arith.cmpi eq, %scan3A_287, %eq3A_290 : vector<16xi32>
    %sub3A_292 = arith.constant 1 : i32
    %sub3A_293 = vector.broadcast %sub3A_292 : i32 to vector<16xi32>
    %sub3A_294 = arith.subi %scan3A_287, %sub3A_293 : vector<16xi32>
    %jit3A_295 = arith.constant 8319 : i32
    %broadcast_in_dim3A_296 = vector.broadcast %jit3A_295 : i32 to vector<16xi32>
    %select_n3A_297 = arith.select %eq3A_291, %broadcast_in_dim3A_296, %sub3A_294 : vector<16xi1>, vector<16xi32>
    %swap3A_298 = arith.constant 80 : index
    %swap3A_299 = tpu.vector_load %arg9[%swap3A_298] {strides = array<i32>} : memref<128xi32, #tpu.memory_space<vmem>>, vector<16xi32>,
    %swap3A_300 = vector.shape_cast %swap3A_299 : vector<16xi32> to vector<16xi32>
    %swap3A_301 = vector.shape_cast %select_n3A_297 : vector<16xi32> to vector<16xi32>
    tpu.vector_store %arg9[%swap3A_298], %swap3A_301 {strides = array<i32>} : memref<128xi32, #tpu.memory_space<vmem>>, vector<16xi32>,
    %dma_wait3A_302 = arith.constant 0 : i32
    %dma_wait3A_303 = tpu.memref_slice %arg2[%add3A_277, %dma_wait3A_302] : memref<4096x2048xi32, #tpu.memory_space<hbm>> -> memref<8x2048xi32, #tpu.memory_space<hbm>>
    %dma_wait3A_304 = arith.constant 0 : i32
    %dma_wait3A_305 = tpu.memref_slice %arg2[%add3A_277, %dma_wait3A_304] : memref<4096x2048xi32, #tpu.memory_space<hbm>> -> memref<8x2048xi32, #tpu.memory_space<hbm>>
    tpu.wait_dma2 semaphore(%arg14 : memref<!tpu.dma_semaphore, #tpu.memory_space<semaphore_mem>>) src(%dma_wait3A_305 : memref<8x2048xi32, #tpu.memory_space<hbm>>) dst(%arg6 : memref<8x2048xi32, #tpu.memory_space<vmem>>)
    %add3A_306 = arith.constant 104 : i32
    %add3A_307 = arith.addi %mul3A_2, %add3A_306 : i32
    %dma_start3A_308 = arith.constant 0 : i32
    %dma_start3A_309 = tpu.memref_slice %arg2[%add3A_307, %dma_start3A_308] : memref<4096x2048xi32, #tpu.memory_space<hbm>> -> memref<8x2048xi32, #tpu.memory_space<hbm>>
    %dma_start3A_310 = arith.constant 0 : i32
    %dma_start3A_311 = tpu.memref_slice %arg2[%add3A_307, %dma_start3A_310] : memref<4096x2048xi32, #tpu.memory_space<hbm>> -> memref<8x2048xi32, #tpu.memory_space<hbm>>
    tpu.enqueue_dma source(%dma_start3A_311 : memref<8x2048xi32, #tpu.memory_space<hbm>>) target(%arg7 : memref<8x2048xi32, #tpu.memory_space<vmem>>) target_semaphore(%arg15 : memref<!tpu.dma_semaphore, #tpu.memory_space<semaphore_mem>>)
    %broadcast_in_dim3A_312 = arith.constant 0 : i32
    %broadcast_in_dim3A_313 = vector.broadcast %broadcast_in_dim3A_312 : i32 to vector<16xi32>
    %scan3A_314 = arith.constant 16711935 : i32
    %scan3A_315 = arith.constant 0 : i32
    %scan3A_316 = arith.constant 8 : i32
    %scan3A_317 = arith.addi %scan3A_315, %scan3A_316 : i32
    %scan3A_318 = arith.constant 1 : i32
    %scan3A_319 = scf.for %scan3A_488 = %scan3A_315 to %scan3A_317 step %scan3A_318 iter_args(%scan3A_489 = %broadcast_in_dim3A_313) -> (vector<16xi32>)  : i32 {
      %broadcast_in_dim3A_490 = arith.constant 0 : i32
      %broadcast_in_dim3A_491 = vector.broadcast %broadcast_in_dim3A_490 : i32 to vector<16xi32>
      %scan3A_492 = arith.constant 0 : i32
      %scan3A_493 = arith.constant 32 : i32
      %scan3A_494 = arith.addi %scan3A_492, %scan3A_493 : i32
      %scan3A_495 = arith.constant 4 : i32
      %scan3A_496:4 = scf.for %scan3A_546 = %scan3A_492 to %scan3A_494 step %scan3A_495 iter_args(%scan3A_547 = %broadcast_in_dim3A_491, %scan3A_548 = %broadcast_in_dim3A_491, %scan3A_549 = %broadcast_in_dim3A_491, %scan3A_550 = %broadcast_in_dim3A_491) -> (vector<16xi32>, vector<16xi32>, vector<16xi32>, vector<16xi32>)  : i32 {
        %mul3A_551 = arith.constant 64 : i32
        %mul3A_552 = arith.muli %scan3A_546, %mul3A_551 : i32
        %get3A_553 = arith.index_cast %scan3A_488 : i32 to index
        %get3A_554 = arith.index_cast %mul3A_552 : i32 to index
        %get3A_555 = tpu.vector_load %arg6[%get3A_553, %get3A_554] {strides = array<i32>} : memref<8x2048xi32, #tpu.memory_space<vmem>>, vector<1x16xi32>,
        %get3A_556 = vector.shape_cast %get3A_555 : vector<1x16xi32> to vector<16xi32>
        %add3A_557 = arith.addi %scan3A_547, %get3A_556 : vector<16xi32>
        %add3A_558 = arith.constant 16 : i32
        %add3A_559 = arith.addi %mul3A_552, %add3A_558 : i32
        %get3A_560 = arith.index_cast %scan3A_488 : i32 to index
        %get3A_561 = arith.index_cast %add3A_559 : i32 to index
        %get3A_562 = tpu.vector_load %arg6[%get3A_560, %get3A_561] {strides = array<i32>} : memref<8x2048xi32, #tpu.memory_space<vmem>>, vector<1x16xi32>,
        %get3A_563 = vector.shape_cast %get3A_562 : vector<1x16xi32> to vector<16xi32>
        %add3A_564 = arith.addi %scan3A_548, %get3A_563 : vector<16xi32>
        %add3A_565 = arith.constant 32 : i32
        %add3A_566 = arith.addi %mul3A_552, %add3A_565 : i32
        %get3A_567 = arith.index_cast %scan3A_488 : i32 to index
        %get3A_568 = arith.index_cast %add3A_566 : i32 to index
        %get3A_569 = tpu.vector_load %arg6[%get3A_567, %get3A_568] {strides = array<i32>} : memref<8x2048xi32, #tpu.memory_space<vmem>>, vector<1x16xi32>,
        %get3A_570 = vector.shape_cast %get3A_569 : vector<1x16xi32> to vector<16xi32>
        %add3A_571 = arith.addi %scan3A_549, %get3A_570 : vector<16xi32>
        %add3A_572 = arith.constant 48 : i32
        %add3A_573 = arith.addi %mul3A_552, %add3A_572 : i32
        %get3A_574 = arith.index_cast %scan3A_488 : i32 to index
        %get3A_575 = arith.index_cast %add3A_573 : i32 to index
        %get3A_576 = tpu.vector_load %arg6[%get3A_574, %get3A_575] {strides = array<i32>} : memref<8x2048xi32, #tpu.memory_space<vmem>>, vector<1x16xi32>,
        %get3A_577 = vector.shape_cast %get3A_576 : vector<1x16xi32> to vector<16xi32>
        %add3A_578 = arith.addi %scan3A_550, %get3A_577 : vector<16xi32>
        %scan3A_579 = arith.constant 1 : i32
        %scan3A_580 = arith.addi %scan3A_546, %scan3A_579 : i32
        %mul3A_581 = arith.constant 64 : i32
        %mul3A_582 = arith.muli %scan3A_580, %mul3A_581 : i32
        %get3A_583 = arith.index_cast %scan3A_488 : i32 to index
        %get3A_584 = arith.index_cast %mul3A_582 : i32 to index
        %get3A_585 = tpu.vector_load %arg6[%get3A_583, %get3A_584] {strides = array<i32>} : memref<8x2048xi32, #tpu.memory_space<vmem>>, vector<1x16xi32>,
        %get3A_586 = vector.shape_cast %get3A_585 : vector<1x16xi32> to vector<16xi32>
        %add3A_587 = arith.addi %add3A_557, %get3A_586 : vector<16xi32>
        %add3A_588 = arith.constant 16 : i32
        %add3A_589 = arith.addi %mul3A_582, %add3A_588 : i32
        %get3A_590 = arith.index_cast %scan3A_488 : i32 to index
        %get3A_591 = arith.index_cast %add3A_589 : i32 to index
        %get3A_592 = tpu.vector_load %arg6[%get3A_590, %get3A_591] {strides = array<i32>} : memref<8x2048xi32, #tpu.memory_space<vmem>>, vector<1x16xi32>,
        %get3A_593 = vector.shape_cast %get3A_592 : vector<1x16xi32> to vector<16xi32>
        %add3A_594 = arith.addi %add3A_564, %get3A_593 : vector<16xi32>
        %add3A_595 = arith.constant 32 : i32
        %add3A_596 = arith.addi %mul3A_582, %add3A_595 : i32
        %get3A_597 = arith.index_cast %scan3A_488 : i32 to index
        %get3A_598 = arith.index_cast %add3A_596 : i32 to index
        %get3A_599 = tpu.vector_load %arg6[%get3A_597, %get3A_598] {strides = array<i32>} : memref<8x2048xi32, #tpu.memory_space<vmem>>, vector<1x16xi32>,
        %get3A_600 = vector.shape_cast %get3A_599 : vector<1x16xi32> to vector<16xi32>
        %add3A_601 = arith.addi %add3A_571, %get3A_600 : vector<16xi32>
        %add3A_602 = arith.constant 48 : i32
        %add3A_603 = arith.addi %mul3A_582, %add3A_602 : i32
        %get3A_604 = arith.index_cast %scan3A_488 : i32 to index
        %get3A_605 = arith.index_cast %add3A_603 : i32 to index
        %get3A_606 = tpu.vector_load %arg6[%get3A_604, %get3A_605] {strides = array<i32>} : memref<8x2048xi32, #tpu.memory_space<vmem>>, vector<1x16xi32>,
        %get3A_607 = vector.shape_cast %get3A_606 : vector<1x16xi32> to vector<16xi32>
        %add3A_608 = arith.addi %add3A_578, %get3A_607 : vector<16xi32>
        %scan3A_609 = arith.constant 2 : i32
        %scan3A_610 = arith.addi %scan3A_546, %scan3A_609 : i32
        %mul3A_611 = arith.constant 64 : i32
        %mul3A_612 = arith.muli %scan3A_610, %mul3A_611 : i32
        %get3A_613 = arith.index_cast %scan3A_488 : i32 to index
        %get3A_614 = arith.index_cast %mul3A_612 : i32 to index
        %get3A_615 = tpu.vector_load %arg6[%get3A_613, %get3A_614] {strides = array<i32>} : memref<8x2048xi32, #tpu.memory_space<vmem>>, vector<1x16xi32>,
        %get3A_616 = vector.shape_cast %get3A_615 : vector<1x16xi32> to vector<16xi32>
        %add3A_617 = arith.addi %add3A_587, %get3A_616 : vector<16xi32>
        %add3A_618 = arith.constant 16 : i32
        %add3A_619 = arith.addi %mul3A_612, %add3A_618 : i32
        %get3A_620 = arith.index_cast %scan3A_488 : i32 to index
        %get3A_621 = arith.index_cast %add3A_619 : i32 to index
        %get3A_622 = tpu.vector_load %arg6[%get3A_620, %get3A_621] {strides = array<i32>} : memref<8x2048xi32, #tpu.memory_space<vmem>>, vector<1x16xi32>,
        %get3A_623 = vector.shape_cast %get3A_622 : vector<1x16xi32> to vector<16xi32>
        %add3A_624 = arith.addi %add3A_594, %get3A_623 : vector<16xi32>
        %add3A_625 = arith.constant 32 : i32
        %add3A_626 = arith.addi %mul3A_612, %add3A_625 : i32
        %get3A_627 = arith.index_cast %scan3A_488 : i32 to index
        %get3A_628 = arith.index_cast %add3A_626 : i32 to index
        %get3A_629 = tpu.vector_load %arg6[%get3A_627, %get3A_628] {strides = array<i32>} : memref<8x2048xi32, #tpu.memory_space<vmem>>, vector<1x16xi32>,
        %get3A_630 = vector.shape_cast %get3A_629 : vector<1x16xi32> to vector<16xi32>
        %add3A_631 = arith.addi %add3A_601, %get3A_630 : vector<16xi32>
        %add3A_632 = arith.constant 48 : i32
        %add3A_633 = arith.addi %mul3A_612, %add3A_632 : i32
        %get3A_634 = arith.index_cast %scan3A_488 : i32 to index
        %get3A_635 = arith.index_cast %add3A_633 : i32 to index
        %get3A_636 = tpu.vector_load %arg6[%get3A_634, %get3A_635] {strides = array<i32>} : memref<8x2048xi32, #tpu.memory_space<vmem>>, vector<1x16xi32>,
        %get3A_637 = vector.shape_cast %get3A_636 : vector<1x16xi32> to vector<16xi32>
        %add3A_638 = arith.addi %add3A_608, %get3A_637 : vector<16xi32>
        %scan3A_639 = arith.constant 3 : i32
        %scan3A_640 = arith.addi %scan3A_546, %scan3A_639 : i32
        %mul3A_641 = arith.constant 64 : i32
        %mul3A_642 = arith.muli %scan3A_640, %mul3A_641 : i32
        %get3A_643 = arith.index_cast %scan3A_488 : i32 to index
        %get3A_644 = arith.index_cast %mul3A_642 : i32 to index
        %get3A_645 = tpu.vector_load %arg6[%get3A_643, %get3A_644] {strides = array<i32>} : memref<8x2048xi32, #tpu.memory_space<vmem>>, vector<1x16xi32>,
        %get3A_646 = vector.shape_cast %get3A_645 : vector<1x16xi32> to vector<16xi32>
        %add3A_647 = arith.addi %add3A_617, %get3A_646 : vector<16xi32>
        %add3A_648 = arith.constant 16 : i32
        %add3A_649 = arith.addi %mul3A_642, %add3A_648 : i32
        %get3A_650 = arith.index_cast %scan3A_488 : i32 to index
        %get3A_651 = arith.index_cast %add3A_649 : i32 to index
        %get3A_652 = tpu.vector_load %arg6[%get3A_650, %get3A_651] {strides = array<i32>} : memref<8x2048xi32, #tpu.memory_space<vmem>>, vector<1x16xi32>,
        %get3A_653 = vector.shape_cast %get3A_652 : vector<1x16xi32> to vector<16xi32>
        %add3A_654 = arith.addi %add3A_624, %get3A_653 : vector<16xi32>
        %add3A_655 = arith.constant 32 : i32
        %add3A_656 = arith.addi %mul3A_642, %add3A_655 : i32
        %get3A_657 = arith.index_cast %scan3A_488 : i32 to index
        %get3A_658 = arith.index_cast %add3A_656 : i32 to index
        %get3A_659 = tpu.vector_load %arg6[%get3A_657, %get3A_658] {strides = array<i32>} : memref<8x2048xi32, #tpu.memory_space<vmem>>, vector<1x16xi32>,
        %get3A_660 = vector.shape_cast %get3A_659 : vector<1x16xi32> to vector<16xi32>
        %add3A_661 = arith.addi %add3A_631, %get3A_660 : vector<16xi32>
        %add3A_662 = arith.constant 48 : i32
        %add3A_663 = arith.addi %mul3A_642, %add3A_662 : i32
        %get3A_664 = arith.index_cast %scan3A_488 : i32 to index
        %get3A_665 = arith.index_cast %add3A_663 : i32 to index
        %get3A_666 = tpu.vector_load %arg6[%get3A_664, %get3A_665] {strides = array<i32>} : memref<8x2048xi32, #tpu.memory_space<vmem>>, vector<1x16xi32>,
        %get3A_667 = vector.shape_cast %get3A_666 : vector<1x16xi32> to vector<16xi32>
        %add3A_668 = arith.addi %add3A_638, %get3A_667 : vector<16xi32>
        scf.yield %add3A_647, %add3A_654, %add3A_661, %add3A_668 : vector<16xi32>, vector<16xi32>, vector<16xi32>, vector<16xi32>
      }
      %scan3A_497 = arith.constant 32 : i32
      %add3A_498 = arith.addi %scan3A_496#0, %scan3A_496#1 : vector<16xi32>
      %add3A_499 = arith.addi %scan3A_496#2, %scan3A_496#3 : vector<16xi32>
      %add3A_500 = arith.addi %add3A_498, %add3A_499 : vector<16xi32>
      %and3A = vector.broadcast %scan3A_314 : i32 to vector<16xi32>
      %and3A_501 = arith.andi %add3A_500, %and3A : vector<16xi32>
      %shift_right_logical3A = arith.constant 8 : i32
      %shift_right_logical3A_502 = vector.broadcast %shift_right_logical3A : i32 to vector<16xi32>
      %shift_right_logical3A_503 = arith.shrui %add3A_500, %shift_right_logical3A_502 : vector<16xi32>
      %and3A_504 = vector.broadcast %scan3A_314 : i32 to vector<16xi32>
      %and3A_505 = arith.andi %shift_right_logical3A_503, %and3A_504 : vector<16xi32>
      %add3A_506 = arith.addi %and3A_501, %and3A_505 : vector<16xi32>
      %and3A_507 = arith.constant 65535 : i32
      %and3A_508 = vector.broadcast %and3A_507 : i32 to vector<16xi32>
      %and3A_509 = arith.andi %add3A_506, %and3A_508 : vector<16xi32>
      %shift_right_logical3A_510 = arith.constant 16 : i32
      %shift_right_logical3A_511 = vector.broadcast %shift_right_logical3A_510 : i32 to vector<16xi32>
      %shift_right_logical3A_512 = arith.shrui %add3A_506, %shift_right_logical3A_511 : vector<16xi32>
      %add3A_513 = arith.addi %and3A_509, %shift_right_logical3A_512 : vector<16xi32>
      %swap3A_514 = arith.constant 0 : index
      %swap3A_515 = tpu.vector_load %arg10[%swap3A_514] {strides = array<i32>} : memref<32xi32, #tpu.memory_space<vmem>>, vector<16xi32>,
      %swap3A_516 = vector.shape_cast %swap3A_515 : vector<16xi32> to vector<16xi32>
      %swap3A_517 = vector.shape_cast %add3A_513 : vector<16xi32> to vector<16xi32>
      tpu.vector_store %arg10[%swap3A_514], %swap3A_517 {strides = array<i32>} : memref<32xi32, #tpu.memory_space<vmem>>, vector<16xi32>,
      %get3A = arith.constant 8 : index
      %get3A_518 = tpu.vector_load %arg10[%get3A] {strides = array<i32>} : memref<32xi32, #tpu.memory_space<vmem>>, vector<16xi32>,
      %get3A_519 = vector.shape_cast %get3A_518 : vector<16xi32> to vector<16xi32>
      %add3A_520 = arith.addi %add3A_513, %get3A_519 : vector<16xi32>
      %swap3A_521 = arith.constant 0 : index
      %swap3A_522 = tpu.vector_load %arg10[%swap3A_521] {strides = array<i32>} : memref<32xi32, #tpu.memory_space<vmem>>, vector<16xi32>,
      %swap3A_523 = vector.shape_cast %swap3A_522 : vector<16xi32> to vector<16xi32>
      %swap3A_524 = vector.shape_cast %add3A_520 : vector<16xi32> to vector<16xi32>
      tpu.vector_store %arg10[%swap3A_521], %swap3A_524 {strides = array<i32>} : memref<32xi32, #tpu.memory_space<vmem>>, vector<16xi32>,
      %get3A_525 = arith.constant 4 : index
      %get3A_526 = tpu.vector_load %arg10[%get3A_525] {strides = array<i32>} : memref<32xi32, #tpu.memory_space<vmem>>, vector<16xi32>,
      %get3A_527 = vector.shape_cast %get3A_526 : vector<16xi32> to vector<16xi32>
      %add3A_528 = arith.addi %add3A_520, %get3A_527 : vector<16xi32>
      %swap3A_529 = arith.constant 0 : index
      %swap3A_530 = tpu.vector_load %arg10[%swap3A_529] {strides = array<i32>} : memref<32xi32, #tpu.memory_space<vmem>>, vector<16xi32>,
      %swap3A_531 = vector.shape_cast %swap3A_530 : vector<16xi32> to vector<16xi32>
      %swap3A_532 = vector.shape_cast %add3A_528 : vector<16xi32> to vector<16xi32>
      tpu.vector_store %arg10[%swap3A_529], %swap3A_532 {strides = array<i32>} : memref<32xi32, #tpu.memory_space<vmem>>, vector<16xi32>,
      %get3A_533 = arith.constant 2 : index
      %get3A_534 = tpu.vector_load %arg10[%get3A_533] {strides = array<i32>} : memref<32xi32, #tpu.memory_space<vmem>>, vector<16xi32>,
      %get3A_535 = vector.shape_cast %get3A_534 : vector<16xi32> to vector<16xi32>
      %add3A_536 = arith.addi %add3A_528, %get3A_535 : vector<16xi32>
      %slice3A = vector.extract_strided_slice %add3A_536 {offsets = [0], sizes = [1], strides = [1]} : vector<16xi32> to vector<1xi32>
      %squeeze3A = vector.extract %slice3A[0] : i32 from vector<1xi32>
      %slice3A_537 = vector.extract_strided_slice %add3A_536 {offsets = [1], sizes = [1], strides = [1]} : vector<16xi32> to vector<1xi32>
      %squeeze3A_538 = vector.extract %slice3A_537[0] : i32 from vector<1xi32>
      %add3A_539 = arith.addi %squeeze3A, %squeeze3A_538 : i32
      %add3A_540 = arith.constant 0 : i32
      %add3A_541 = arith.addi %scan3A_488, %add3A_540 : i32
      %eq3A_542 = vector.broadcast %add3A_541 : i32 to vector<16xi32>
      %eq3A_543 = arith.cmpi eq, %iota3A, %eq3A_542 : vector<16xi32>
      %broadcast_in_dim3A_544 = vector.broadcast %add3A_539 : i32 to vector<16xi32>
      %select_n3A_545 = arith.select %eq3A_543, %broadcast_in_dim3A_544, %scan3A_489 : vector<16xi1>, vector<16xi32>
      scf.yield %select_n3A_545 : vector<16xi32>
    }
    %scan3A_320 = arith.constant 8 : i32
    %dma_wait3A_321 = arith.constant 0 : i32
    %dma_wait3A_322 = tpu.memref_slice %arg2[%add3A_307, %dma_wait3A_321] : memref<4096x2048xi32, #tpu.memory_space<hbm>> -> memref<8x2048xi32, #tpu.memory_space<hbm>>
    %dma_wait3A_323 = arith.constant 0 : i32
    %dma_wait3A_324 = tpu.memref_slice %arg2[%add3A_307, %dma_wait3A_323] : memref<4096x2048xi32, #tpu.memory_space<hbm>> -> memref<8x2048xi32, #tpu.memory_space<hbm>>
    tpu.wait_dma2 semaphore(%arg15 : memref<!tpu.dma_semaphore, #tpu.memory_space<semaphore_mem>>) src(%dma_wait3A_324 : memref<8x2048xi32, #tpu.memory_space<hbm>>) dst(%arg7 : memref<8x2048xi32, #tpu.memory_space<vmem>>)
    %add3A_325 = arith.constant 112 : i32
    %add3A_326 = arith.addi %mul3A_2, %add3A_325 : i32
    %dma_start3A_327 = arith.constant 0 : i32
    %dma_start3A_328 = tpu.memref_slice %arg2[%add3A_326, %dma_start3A_327] : memref<4096x2048xi32, #tpu.memory_space<hbm>> -> memref<8x2048xi32, #tpu.memory_space<hbm>>
    %dma_start3A_329 = arith.constant 0 : i32
    %dma_start3A_330 = tpu.memref_slice %arg2[%add3A_326, %dma_start3A_329] : memref<4096x2048xi32, #tpu.memory_space<hbm>> -> memref<8x2048xi32, #tpu.memory_space<hbm>>
    tpu.enqueue_dma source(%dma_start3A_330 : memref<8x2048xi32, #tpu.memory_space<hbm>>) target(%arg6 : memref<8x2048xi32, #tpu.memory_space<vmem>>) target_semaphore(%arg14 : memref<!tpu.dma_semaphore, #tpu.memory_space<semaphore_mem>>)
    %scan3A_331 = arith.constant 16711935 : i32
    %scan3A_332 = arith.constant 0 : i32
    %scan3A_333 = arith.constant 8 : i32
    %scan3A_334 = arith.addi %scan3A_332, %scan3A_333 : i32
    %scan3A_335 = arith.constant 1 : i32
    %scan3A_336 = scf.for %scan3A_488 = %scan3A_332 to %scan3A_334 step %scan3A_335 iter_args(%scan3A_489 = %scan3A_319) -> (vector<16xi32>)  : i32 {
      %broadcast_in_dim3A_490 = arith.constant 0 : i32
      %broadcast_in_dim3A_491 = vector.broadcast %broadcast_in_dim3A_490 : i32 to vector<16xi32>
      %scan3A_492 = arith.constant 0 : i32
      %scan3A_493 = arith.constant 32 : i32
      %scan3A_494 = arith.addi %scan3A_492, %scan3A_493 : i32
      %scan3A_495 = arith.constant 4 : i32
      %scan3A_496:4 = scf.for %scan3A_546 = %scan3A_492 to %scan3A_494 step %scan3A_495 iter_args(%scan3A_547 = %broadcast_in_dim3A_491, %scan3A_548 = %broadcast_in_dim3A_491, %scan3A_549 = %broadcast_in_dim3A_491, %scan3A_550 = %broadcast_in_dim3A_491) -> (vector<16xi32>, vector<16xi32>, vector<16xi32>, vector<16xi32>)  : i32 {
        %mul3A_551 = arith.constant 64 : i32
        %mul3A_552 = arith.muli %scan3A_546, %mul3A_551 : i32
        %get3A_553 = arith.index_cast %scan3A_488 : i32 to index
        %get3A_554 = arith.index_cast %mul3A_552 : i32 to index
        %get3A_555 = tpu.vector_load %arg7[%get3A_553, %get3A_554] {strides = array<i32>} : memref<8x2048xi32, #tpu.memory_space<vmem>>, vector<1x16xi32>,
        %get3A_556 = vector.shape_cast %get3A_555 : vector<1x16xi32> to vector<16xi32>
        %add3A_557 = arith.addi %scan3A_547, %get3A_556 : vector<16xi32>
        %add3A_558 = arith.constant 16 : i32
        %add3A_559 = arith.addi %mul3A_552, %add3A_558 : i32
        %get3A_560 = arith.index_cast %scan3A_488 : i32 to index
        %get3A_561 = arith.index_cast %add3A_559 : i32 to index
        %get3A_562 = tpu.vector_load %arg7[%get3A_560, %get3A_561] {strides = array<i32>} : memref<8x2048xi32, #tpu.memory_space<vmem>>, vector<1x16xi32>,
        %get3A_563 = vector.shape_cast %get3A_562 : vector<1x16xi32> to vector<16xi32>
        %add3A_564 = arith.addi %scan3A_548, %get3A_563 : vector<16xi32>
        %add3A_565 = arith.constant 32 : i32
        %add3A_566 = arith.addi %mul3A_552, %add3A_565 : i32
        %get3A_567 = arith.index_cast %scan3A_488 : i32 to index
        %get3A_568 = arith.index_cast %add3A_566 : i32 to index
        %get3A_569 = tpu.vector_load %arg7[%get3A_567, %get3A_568] {strides = array<i32>} : memref<8x2048xi32, #tpu.memory_space<vmem>>, vector<1x16xi32>,
        %get3A_570 = vector.shape_cast %get3A_569 : vector<1x16xi32> to vector<16xi32>
        %add3A_571 = arith.addi %scan3A_549, %get3A_570 : vector<16xi32>
        %add3A_572 = arith.constant 48 : i32
        %add3A_573 = arith.addi %mul3A_552, %add3A_572 : i32
        %get3A_574 = arith.index_cast %scan3A_488 : i32 to index
        %get3A_575 = arith.index_cast %add3A_573 : i32 to index
        %get3A_576 = tpu.vector_load %arg7[%get3A_574, %get3A_575] {strides = array<i32>} : memref<8x2048xi32, #tpu.memory_space<vmem>>, vector<1x16xi32>,
        %get3A_577 = vector.shape_cast %get3A_576 : vector<1x16xi32> to vector<16xi32>
        %add3A_578 = arith.addi %scan3A_550, %get3A_577 : vector<16xi32>
        %scan3A_579 = arith.constant 1 : i32
        %scan3A_580 = arith.addi %scan3A_546, %scan3A_579 : i32
        %mul3A_581 = arith.constant 64 : i32
        %mul3A_582 = arith.muli %scan3A_580, %mul3A_581 : i32
        %get3A_583 = arith.index_cast %scan3A_488 : i32 to index
        %get3A_584 = arith.index_cast %mul3A_582 : i32 to index
        %get3A_585 = tpu.vector_load %arg7[%get3A_583, %get3A_584] {strides = array<i32>} : memref<8x2048xi32, #tpu.memory_space<vmem>>, vector<1x16xi32>,
        %get3A_586 = vector.shape_cast %get3A_585 : vector<1x16xi32> to vector<16xi32>
        %add3A_587 = arith.addi %add3A_557, %get3A_586 : vector<16xi32>
        %add3A_588 = arith.constant 16 : i32
        %add3A_589 = arith.addi %mul3A_582, %add3A_588 : i32
        %get3A_590 = arith.index_cast %scan3A_488 : i32 to index
        %get3A_591 = arith.index_cast %add3A_589 : i32 to index
        %get3A_592 = tpu.vector_load %arg7[%get3A_590, %get3A_591] {strides = array<i32>} : memref<8x2048xi32, #tpu.memory_space<vmem>>, vector<1x16xi32>,
        %get3A_593 = vector.shape_cast %get3A_592 : vector<1x16xi32> to vector<16xi32>
        %add3A_594 = arith.addi %add3A_564, %get3A_593 : vector<16xi32>
        %add3A_595 = arith.constant 32 : i32
        %add3A_596 = arith.addi %mul3A_582, %add3A_595 : i32
        %get3A_597 = arith.index_cast %scan3A_488 : i32 to index
        %get3A_598 = arith.index_cast %add3A_596 : i32 to index
        %get3A_599 = tpu.vector_load %arg7[%get3A_597, %get3A_598] {strides = array<i32>} : memref<8x2048xi32, #tpu.memory_space<vmem>>, vector<1x16xi32>,
        %get3A_600 = vector.shape_cast %get3A_599 : vector<1x16xi32> to vector<16xi32>
        %add3A_601 = arith.addi %add3A_571, %get3A_600 : vector<16xi32>
        %add3A_602 = arith.constant 48 : i32
        %add3A_603 = arith.addi %mul3A_582, %add3A_602 : i32
        %get3A_604 = arith.index_cast %scan3A_488 : i32 to index
        %get3A_605 = arith.index_cast %add3A_603 : i32 to index
        %get3A_606 = tpu.vector_load %arg7[%get3A_604, %get3A_605] {strides = array<i32>} : memref<8x2048xi32, #tpu.memory_space<vmem>>, vector<1x16xi32>,
        %get3A_607 = vector.shape_cast %get3A_606 : vector<1x16xi32> to vector<16xi32>
        %add3A_608 = arith.addi %add3A_578, %get3A_607 : vector<16xi32>
        %scan3A_609 = arith.constant 2 : i32
        %scan3A_610 = arith.addi %scan3A_546, %scan3A_609 : i32
        %mul3A_611 = arith.constant 64 : i32
        %mul3A_612 = arith.muli %scan3A_610, %mul3A_611 : i32
        %get3A_613 = arith.index_cast %scan3A_488 : i32 to index
        %get3A_614 = arith.index_cast %mul3A_612 : i32 to index
        %get3A_615 = tpu.vector_load %arg7[%get3A_613, %get3A_614] {strides = array<i32>} : memref<8x2048xi32, #tpu.memory_space<vmem>>, vector<1x16xi32>,
        %get3A_616 = vector.shape_cast %get3A_615 : vector<1x16xi32> to vector<16xi32>
        %add3A_617 = arith.addi %add3A_587, %get3A_616 : vector<16xi32>
        %add3A_618 = arith.constant 16 : i32
        %add3A_619 = arith.addi %mul3A_612, %add3A_618 : i32
        %get3A_620 = arith.index_cast %scan3A_488 : i32 to index
        %get3A_621 = arith.index_cast %add3A_619 : i32 to index
        %get3A_622 = tpu.vector_load %arg7[%get3A_620, %get3A_621] {strides = array<i32>} : memref<8x2048xi32, #tpu.memory_space<vmem>>, vector<1x16xi32>,
        %get3A_623 = vector.shape_cast %get3A_622 : vector<1x16xi32> to vector<16xi32>
        %add3A_624 = arith.addi %add3A_594, %get3A_623 : vector<16xi32>
        %add3A_625 = arith.constant 32 : i32
        %add3A_626 = arith.addi %mul3A_612, %add3A_625 : i32
        %get3A_627 = arith.index_cast %scan3A_488 : i32 to index
        %get3A_628 = arith.index_cast %add3A_626 : i32 to index
        %get3A_629 = tpu.vector_load %arg7[%get3A_627, %get3A_628] {strides = array<i32>} : memref<8x2048xi32, #tpu.memory_space<vmem>>, vector<1x16xi32>,
        %get3A_630 = vector.shape_cast %get3A_629 : vector<1x16xi32> to vector<16xi32>
        %add3A_631 = arith.addi %add3A_601, %get3A_630 : vector<16xi32>
        %add3A_632 = arith.constant 48 : i32
        %add3A_633 = arith.addi %mul3A_612, %add3A_632 : i32
        %get3A_634 = arith.index_cast %scan3A_488 : i32 to index
        %get3A_635 = arith.index_cast %add3A_633 : i32 to index
        %get3A_636 = tpu.vector_load %arg7[%get3A_634, %get3A_635] {strides = array<i32>} : memref<8x2048xi32, #tpu.memory_space<vmem>>, vector<1x16xi32>,
        %get3A_637 = vector.shape_cast %get3A_636 : vector<1x16xi32> to vector<16xi32>
        %add3A_638 = arith.addi %add3A_608, %get3A_637 : vector<16xi32>
        %scan3A_639 = arith.constant 3 : i32
        %scan3A_640 = arith.addi %scan3A_546, %scan3A_639 : i32
        %mul3A_641 = arith.constant 64 : i32
        %mul3A_642 = arith.muli %scan3A_640, %mul3A_641 : i32
        %get3A_643 = arith.index_cast %scan3A_488 : i32 to index
        %get3A_644 = arith.index_cast %mul3A_642 : i32 to index
        %get3A_645 = tpu.vector_load %arg7[%get3A_643, %get3A_644] {strides = array<i32>} : memref<8x2048xi32, #tpu.memory_space<vmem>>, vector<1x16xi32>,
        %get3A_646 = vector.shape_cast %get3A_645 : vector<1x16xi32> to vector<16xi32>
        %add3A_647 = arith.addi %add3A_617, %get3A_646 : vector<16xi32>
        %add3A_648 = arith.constant 16 : i32
        %add3A_649 = arith.addi %mul3A_642, %add3A_648 : i32
        %get3A_650 = arith.index_cast %scan3A_488 : i32 to index
        %get3A_651 = arith.index_cast %add3A_649 : i32 to index
        %get3A_652 = tpu.vector_load %arg7[%get3A_650, %get3A_651] {strides = array<i32>} : memref<8x2048xi32, #tpu.memory_space<vmem>>, vector<1x16xi32>,
        %get3A_653 = vector.shape_cast %get3A_652 : vector<1x16xi32> to vector<16xi32>
        %add3A_654 = arith.addi %add3A_624, %get3A_653 : vector<16xi32>
        %add3A_655 = arith.constant 32 : i32
        %add3A_656 = arith.addi %mul3A_642, %add3A_655 : i32
        %get3A_657 = arith.index_cast %scan3A_488 : i32 to index
        %get3A_658 = arith.index_cast %add3A_656 : i32 to index
        %get3A_659 = tpu.vector_load %arg7[%get3A_657, %get3A_658] {strides = array<i32>} : memref<8x2048xi32, #tpu.memory_space<vmem>>, vector<1x16xi32>,
        %get3A_660 = vector.shape_cast %get3A_659 : vector<1x16xi32> to vector<16xi32>
        %add3A_661 = arith.addi %add3A_631, %get3A_660 : vector<16xi32>
        %add3A_662 = arith.constant 48 : i32
        %add3A_663 = arith.addi %mul3A_642, %add3A_662 : i32
        %get3A_664 = arith.index_cast %scan3A_488 : i32 to index
        %get3A_665 = arith.index_cast %add3A_663 : i32 to index
        %get3A_666 = tpu.vector_load %arg7[%get3A_664, %get3A_665] {strides = array<i32>} : memref<8x2048xi32, #tpu.memory_space<vmem>>, vector<1x16xi32>,
        %get3A_667 = vector.shape_cast %get3A_666 : vector<1x16xi32> to vector<16xi32>
        %add3A_668 = arith.addi %add3A_638, %get3A_667 : vector<16xi32>
        scf.yield %add3A_647, %add3A_654, %add3A_661, %add3A_668 : vector<16xi32>, vector<16xi32>, vector<16xi32>, vector<16xi32>
      }
      %scan3A_497 = arith.constant 32 : i32
      %add3A_498 = arith.addi %scan3A_496#0, %scan3A_496#1 : vector<16xi32>
      %add3A_499 = arith.addi %scan3A_496#2, %scan3A_496#3 : vector<16xi32>
      %add3A_500 = arith.addi %add3A_498, %add3A_499 : vector<16xi32>
      %and3A = vector.broadcast %scan3A_331 : i32 to vector<16xi32>
      %and3A_501 = arith.andi %add3A_500, %and3A : vector<16xi32>
      %shift_right_logical3A = arith.constant 8 : i32
      %shift_right_logical3A_502 = vector.broadcast %shift_right_logical3A : i32 to vector<16xi32>
      %shift_right_logical3A_503 = arith.shrui %add3A_500, %shift_right_logical3A_502 : vector<16xi32>
      %and3A_504 = vector.broadcast %scan3A_331 : i32 to vector<16xi32>
      %and3A_505 = arith.andi %shift_right_logical3A_503, %and3A_504 : vector<16xi32>
      %add3A_506 = arith.addi %and3A_501, %and3A_505 : vector<16xi32>
      %and3A_507 = arith.constant 65535 : i32
      %and3A_508 = vector.broadcast %and3A_507 : i32 to vector<16xi32>
      %and3A_509 = arith.andi %add3A_506, %and3A_508 : vector<16xi32>
      %shift_right_logical3A_510 = arith.constant 16 : i32
      %shift_right_logical3A_511 = vector.broadcast %shift_right_logical3A_510 : i32 to vector<16xi32>
      %shift_right_logical3A_512 = arith.shrui %add3A_506, %shift_right_logical3A_511 : vector<16xi32>
      %add3A_513 = arith.addi %and3A_509, %shift_right_logical3A_512 : vector<16xi32>
      %swap3A_514 = arith.constant 0 : index
      %swap3A_515 = tpu.vector_load %arg10[%swap3A_514] {strides = array<i32>} : memref<32xi32, #tpu.memory_space<vmem>>, vector<16xi32>,
      %swap3A_516 = vector.shape_cast %swap3A_515 : vector<16xi32> to vector<16xi32>
      %swap3A_517 = vector.shape_cast %add3A_513 : vector<16xi32> to vector<16xi32>
      tpu.vector_store %arg10[%swap3A_514], %swap3A_517 {strides = array<i32>} : memref<32xi32, #tpu.memory_space<vmem>>, vector<16xi32>,
      %get3A = arith.constant 8 : index
      %get3A_518 = tpu.vector_load %arg10[%get3A] {strides = array<i32>} : memref<32xi32, #tpu.memory_space<vmem>>, vector<16xi32>,
      %get3A_519 = vector.shape_cast %get3A_518 : vector<16xi32> to vector<16xi32>
      %add3A_520 = arith.addi %add3A_513, %get3A_519 : vector<16xi32>
      %swap3A_521 = arith.constant 0 : index
      %swap3A_522 = tpu.vector_load %arg10[%swap3A_521] {strides = array<i32>} : memref<32xi32, #tpu.memory_space<vmem>>, vector<16xi32>,
      %swap3A_523 = vector.shape_cast %swap3A_522 : vector<16xi32> to vector<16xi32>
      %swap3A_524 = vector.shape_cast %add3A_520 : vector<16xi32> to vector<16xi32>
      tpu.vector_store %arg10[%swap3A_521], %swap3A_524 {strides = array<i32>} : memref<32xi32, #tpu.memory_space<vmem>>, vector<16xi32>,
      %get3A_525 = arith.constant 4 : index
      %get3A_526 = tpu.vector_load %arg10[%get3A_525] {strides = array<i32>} : memref<32xi32, #tpu.memory_space<vmem>>, vector<16xi32>,
      %get3A_527 = vector.shape_cast %get3A_526 : vector<16xi32> to vector<16xi32>
      %add3A_528 = arith.addi %add3A_520, %get3A_527 : vector<16xi32>
      %swap3A_529 = arith.constant 0 : index
      %swap3A_530 = tpu.vector_load %arg10[%swap3A_529] {strides = array<i32>} : memref<32xi32, #tpu.memory_space<vmem>>, vector<16xi32>,
      %swap3A_531 = vector.shape_cast %swap3A_530 : vector<16xi32> to vector<16xi32>
      %swap3A_532 = vector.shape_cast %add3A_528 : vector<16xi32> to vector<16xi32>
      tpu.vector_store %arg10[%swap3A_529], %swap3A_532 {strides = array<i32>} : memref<32xi32, #tpu.memory_space<vmem>>, vector<16xi32>,
      %get3A_533 = arith.constant 2 : index
      %get3A_534 = tpu.vector_load %arg10[%get3A_533] {strides = array<i32>} : memref<32xi32, #tpu.memory_space<vmem>>, vector<16xi32>,
      %get3A_535 = vector.shape_cast %get3A_534 : vector<16xi32> to vector<16xi32>
      %add3A_536 = arith.addi %add3A_528, %get3A_535 : vector<16xi32>
      %slice3A = vector.extract_strided_slice %add3A_536 {offsets = [0], sizes = [1], strides = [1]} : vector<16xi32> to vector<1xi32>
      %squeeze3A = vector.extract %slice3A[0] : i32 from vector<1xi32>
      %slice3A_537 = vector.extract_strided_slice %add3A_536 {offsets = [1], sizes = [1], strides = [1]} : vector<16xi32> to vector<1xi32>
      %squeeze3A_538 = vector.extract %slice3A_537[0] : i32 from vector<1xi32>
      %add3A_539 = arith.addi %squeeze3A, %squeeze3A_538 : i32
      %add3A_540 = arith.constant 8 : i32
      %add3A_541 = arith.addi %scan3A_488, %add3A_540 : i32
      %eq3A_542 = vector.broadcast %add3A_541 : i32 to vector<16xi32>
      %eq3A_543 = arith.cmpi eq, %iota3A, %eq3A_542 : vector<16xi32>
      %broadcast_in_dim3A_544 = vector.broadcast %add3A_539 : i32 to vector<16xi32>
      %select_n3A_545 = arith.select %eq3A_543, %broadcast_in_dim3A_544, %scan3A_489 : vector<16xi1>, vector<16xi32>
      scf.yield %select_n3A_545 : vector<16xi32>
    }
    %scan3A_337 = arith.constant 8 : i32
    %eq3A_338 = arith.constant 0 : i32
    %eq3A_339 = vector.broadcast %eq3A_338 : i32 to vector<16xi32>
    %eq3A_340 = arith.cmpi eq, %scan3A_336, %eq3A_339 : vector<16xi32>
    %sub3A_341 = arith.constant 1 : i32
    %sub3A_342 = vector.broadcast %sub3A_341 : i32 to vector<16xi32>
    %sub3A_343 = arith.subi %scan3A_336, %sub3A_342 : vector<16xi32>
    %jit3A_344 = arith.constant 8319 : i32
    %broadcast_in_dim3A_345 = vector.broadcast %jit3A_344 : i32 to vector<16xi32>
    %select_n3A_346 = arith.select %eq3A_340, %broadcast_in_dim3A_345, %sub3A_343 : vector<16xi1>, vector<16xi32>
    %swap3A_347 = arith.constant 96 : index
    %swap3A_348 = tpu.vector_load %arg9[%swap3A_347] {strides = array<i32>} : memref<128xi32, #tpu.memory_space<vmem>>, vector<16xi32>,
    %swap3A_349 = vector.shape_cast %swap3A_348 : vector<16xi32> to vector<16xi32>
    %swap3A_350 = vector.shape_cast %select_n3A_346 : vector<16xi32> to vector<16xi32>
    tpu.vector_store %arg9[%swap3A_347], %swap3A_350 {strides = array<i32>} : memref<128xi32, #tpu.memory_space<vmem>>, vector<16xi32>,
    %dma_wait3A_351 = arith.constant 0 : i32
    %dma_wait3A_352 = tpu.memref_slice %arg2[%add3A_326, %dma_wait3A_351] : memref<4096x2048xi32, #tpu.memory_space<hbm>> -> memref<8x2048xi32, #tpu.memory_space<hbm>>
    %dma_wait3A_353 = arith.constant 0 : i32
    %dma_wait3A_354 = tpu.memref_slice %arg2[%add3A_326, %dma_wait3A_353] : memref<4096x2048xi32, #tpu.memory_space<hbm>> -> memref<8x2048xi32, #tpu.memory_space<hbm>>
    tpu.wait_dma2 semaphore(%arg14 : memref<!tpu.dma_semaphore, #tpu.memory_space<semaphore_mem>>) src(%dma_wait3A_354 : memref<8x2048xi32, #tpu.memory_space<hbm>>) dst(%arg6 : memref<8x2048xi32, #tpu.memory_space<vmem>>)
    %add3A_355 = arith.constant 120 : i32
    %add3A_356 = arith.addi %mul3A_2, %add3A_355 : i32
    %dma_start3A_357 = arith.constant 0 : i32
    %dma_start3A_358 = tpu.memref_slice %arg2[%add3A_356, %dma_start3A_357] : memref<4096x2048xi32, #tpu.memory_space<hbm>> -> memref<8x2048xi32, #tpu.memory_space<hbm>>
    %dma_start3A_359 = arith.constant 0 : i32
    %dma_start3A_360 = tpu.memref_slice %arg2[%add3A_356, %dma_start3A_359] : memref<4096x2048xi32, #tpu.memory_space<hbm>> -> memref<8x2048xi32, #tpu.memory_space<hbm>>
    tpu.enqueue_dma source(%dma_start3A_360 : memref<8x2048xi32, #tpu.memory_space<hbm>>) target(%arg7 : memref<8x2048xi32, #tpu.memory_space<vmem>>) target_semaphore(%arg15 : memref<!tpu.dma_semaphore, #tpu.memory_space<semaphore_mem>>)
    %broadcast_in_dim3A_361 = arith.constant 0 : i32
    %broadcast_in_dim3A_362 = vector.broadcast %broadcast_in_dim3A_361 : i32 to vector<16xi32>
    %scan3A_363 = arith.constant 16711935 : i32
    %scan3A_364 = arith.constant 0 : i32
    %scan3A_365 = arith.constant 8 : i32
    %scan3A_366 = arith.addi %scan3A_364, %scan3A_365 : i32
    %scan3A_367 = arith.constant 1 : i32
    %scan3A_368 = scf.for %scan3A_488 = %scan3A_364 to %scan3A_366 step %scan3A_367 iter_args(%scan3A_489 = %broadcast_in_dim3A_362) -> (vector<16xi32>)  : i32 {
      %broadcast_in_dim3A_490 = arith.constant 0 : i32
      %broadcast_in_dim3A_491 = vector.broadcast %broadcast_in_dim3A_490 : i32 to vector<16xi32>
      %scan3A_492 = arith.constant 0 : i32
      %scan3A_493 = arith.constant 32 : i32
      %scan3A_494 = arith.addi %scan3A_492, %scan3A_493 : i32
      %scan3A_495 = arith.constant 4 : i32
      %scan3A_496:4 = scf.for %scan3A_546 = %scan3A_492 to %scan3A_494 step %scan3A_495 iter_args(%scan3A_547 = %broadcast_in_dim3A_491, %scan3A_548 = %broadcast_in_dim3A_491, %scan3A_549 = %broadcast_in_dim3A_491, %scan3A_550 = %broadcast_in_dim3A_491) -> (vector<16xi32>, vector<16xi32>, vector<16xi32>, vector<16xi32>)  : i32 {
        %mul3A_551 = arith.constant 64 : i32
        %mul3A_552 = arith.muli %scan3A_546, %mul3A_551 : i32
        %get3A_553 = arith.index_cast %scan3A_488 : i32 to index
        %get3A_554 = arith.index_cast %mul3A_552 : i32 to index
        %get3A_555 = tpu.vector_load %arg6[%get3A_553, %get3A_554] {strides = array<i32>} : memref<8x2048xi32, #tpu.memory_space<vmem>>, vector<1x16xi32>,
        %get3A_556 = vector.shape_cast %get3A_555 : vector<1x16xi32> to vector<16xi32>
        %add3A_557 = arith.addi %scan3A_547, %get3A_556 : vector<16xi32>
        %add3A_558 = arith.constant 16 : i32
        %add3A_559 = arith.addi %mul3A_552, %add3A_558 : i32
        %get3A_560 = arith.index_cast %scan3A_488 : i32 to index
        %get3A_561 = arith.index_cast %add3A_559 : i32 to index
        %get3A_562 = tpu.vector_load %arg6[%get3A_560, %get3A_561] {strides = array<i32>} : memref<8x2048xi32, #tpu.memory_space<vmem>>, vector<1x16xi32>,
        %get3A_563 = vector.shape_cast %get3A_562 : vector<1x16xi32> to vector<16xi32>
        %add3A_564 = arith.addi %scan3A_548, %get3A_563 : vector<16xi32>
        %add3A_565 = arith.constant 32 : i32
        %add3A_566 = arith.addi %mul3A_552, %add3A_565 : i32
        %get3A_567 = arith.index_cast %scan3A_488 : i32 to index
        %get3A_568 = arith.index_cast %add3A_566 : i32 to index
        %get3A_569 = tpu.vector_load %arg6[%get3A_567, %get3A_568] {strides = array<i32>} : memref<8x2048xi32, #tpu.memory_space<vmem>>, vector<1x16xi32>,
        %get3A_570 = vector.shape_cast %get3A_569 : vector<1x16xi32> to vector<16xi32>
        %add3A_571 = arith.addi %scan3A_549, %get3A_570 : vector<16xi32>
        %add3A_572 = arith.constant 48 : i32
        %add3A_573 = arith.addi %mul3A_552, %add3A_572 : i32
        %get3A_574 = arith.index_cast %scan3A_488 : i32 to index
        %get3A_575 = arith.index_cast %add3A_573 : i32 to index
        %get3A_576 = tpu.vector_load %arg6[%get3A_574, %get3A_575] {strides = array<i32>} : memref<8x2048xi32, #tpu.memory_space<vmem>>, vector<1x16xi32>,
        %get3A_577 = vector.shape_cast %get3A_576 : vector<1x16xi32> to vector<16xi32>
        %add3A_578 = arith.addi %scan3A_550, %get3A_577 : vector<16xi32>
        %scan3A_579 = arith.constant 1 : i32
        %scan3A_580 = arith.addi %scan3A_546, %scan3A_579 : i32
        %mul3A_581 = arith.constant 64 : i32
        %mul3A_582 = arith.muli %scan3A_580, %mul3A_581 : i32
        %get3A_583 = arith.index_cast %scan3A_488 : i32 to index
        %get3A_584 = arith.index_cast %mul3A_582 : i32 to index
        %get3A_585 = tpu.vector_load %arg6[%get3A_583, %get3A_584] {strides = array<i32>} : memref<8x2048xi32, #tpu.memory_space<vmem>>, vector<1x16xi32>,
        %get3A_586 = vector.shape_cast %get3A_585 : vector<1x16xi32> to vector<16xi32>
        %add3A_587 = arith.addi %add3A_557, %get3A_586 : vector<16xi32>
        %add3A_588 = arith.constant 16 : i32
        %add3A_589 = arith.addi %mul3A_582, %add3A_588 : i32
        %get3A_590 = arith.index_cast %scan3A_488 : i32 to index
        %get3A_591 = arith.index_cast %add3A_589 : i32 to index
        %get3A_592 = tpu.vector_load %arg6[%get3A_590, %get3A_591] {strides = array<i32>} : memref<8x2048xi32, #tpu.memory_space<vmem>>, vector<1x16xi32>,
        %get3A_593 = vector.shape_cast %get3A_592 : vector<1x16xi32> to vector<16xi32>
        %add3A_594 = arith.addi %add3A_564, %get3A_593 : vector<16xi32>
        %add3A_595 = arith.constant 32 : i32
        %add3A_596 = arith.addi %mul3A_582, %add3A_595 : i32
        %get3A_597 = arith.index_cast %scan3A_488 : i32 to index
        %get3A_598 = arith.index_cast %add3A_596 : i32 to index
        %get3A_599 = tpu.vector_load %arg6[%get3A_597, %get3A_598] {strides = array<i32>} : memref<8x2048xi32, #tpu.memory_space<vmem>>, vector<1x16xi32>,
        %get3A_600 = vector.shape_cast %get3A_599 : vector<1x16xi32> to vector<16xi32>
        %add3A_601 = arith.addi %add3A_571, %get3A_600 : vector<16xi32>
        %add3A_602 = arith.constant 48 : i32
        %add3A_603 = arith.addi %mul3A_582, %add3A_602 : i32
        %get3A_604 = arith.index_cast %scan3A_488 : i32 to index
        %get3A_605 = arith.index_cast %add3A_603 : i32 to index
        %get3A_606 = tpu.vector_load %arg6[%get3A_604, %get3A_605] {strides = array<i32>} : memref<8x2048xi32, #tpu.memory_space<vmem>>, vector<1x16xi32>,
        %get3A_607 = vector.shape_cast %get3A_606 : vector<1x16xi32> to vector<16xi32>
        %add3A_608 = arith.addi %add3A_578, %get3A_607 : vector<16xi32>
        %scan3A_609 = arith.constant 2 : i32
        %scan3A_610 = arith.addi %scan3A_546, %scan3A_609 : i32
        %mul3A_611 = arith.constant 64 : i32
        %mul3A_612 = arith.muli %scan3A_610, %mul3A_611 : i32
        %get3A_613 = arith.index_cast %scan3A_488 : i32 to index
        %get3A_614 = arith.index_cast %mul3A_612 : i32 to index
        %get3A_615 = tpu.vector_load %arg6[%get3A_613, %get3A_614] {strides = array<i32>} : memref<8x2048xi32, #tpu.memory_space<vmem>>, vector<1x16xi32>,
        %get3A_616 = vector.shape_cast %get3A_615 : vector<1x16xi32> to vector<16xi32>
        %add3A_617 = arith.addi %add3A_587, %get3A_616 : vector<16xi32>
        %add3A_618 = arith.constant 16 : i32
        %add3A_619 = arith.addi %mul3A_612, %add3A_618 : i32
        %get3A_620 = arith.index_cast %scan3A_488 : i32 to index
        %get3A_621 = arith.index_cast %add3A_619 : i32 to index
        %get3A_622 = tpu.vector_load %arg6[%get3A_620, %get3A_621] {strides = array<i32>} : memref<8x2048xi32, #tpu.memory_space<vmem>>, vector<1x16xi32>,
        %get3A_623 = vector.shape_cast %get3A_622 : vector<1x16xi32> to vector<16xi32>
        %add3A_624 = arith.addi %add3A_594, %get3A_623 : vector<16xi32>
        %add3A_625 = arith.constant 32 : i32
        %add3A_626 = arith.addi %mul3A_612, %add3A_625 : i32
        %get3A_627 = arith.index_cast %scan3A_488 : i32 to index
        %get3A_628 = arith.index_cast %add3A_626 : i32 to index
        %get3A_629 = tpu.vector_load %arg6[%get3A_627, %get3A_628] {strides = array<i32>} : memref<8x2048xi32, #tpu.memory_space<vmem>>, vector<1x16xi32>,
        %get3A_630 = vector.shape_cast %get3A_629 : vector<1x16xi32> to vector<16xi32>
        %add3A_631 = arith.addi %add3A_601, %get3A_630 : vector<16xi32>
        %add3A_632 = arith.constant 48 : i32
        %add3A_633 = arith.addi %mul3A_612, %add3A_632 : i32
        %get3A_634 = arith.index_cast %scan3A_488 : i32 to index
        %get3A_635 = arith.index_cast %add3A_633 : i32 to index
        %get3A_636 = tpu.vector_load %arg6[%get3A_634, %get3A_635] {strides = array<i32>} : memref<8x2048xi32, #tpu.memory_space<vmem>>, vector<1x16xi32>,
        %get3A_637 = vector.shape_cast %get3A_636 : vector<1x16xi32> to vector<16xi32>
        %add3A_638 = arith.addi %add3A_608, %get3A_637 : vector<16xi32>
        %scan3A_639 = arith.constant 3 : i32
        %scan3A_640 = arith.addi %scan3A_546, %scan3A_639 : i32
        %mul3A_641 = arith.constant 64 : i32
        %mul3A_642 = arith.muli %scan3A_640, %mul3A_641 : i32
        %get3A_643 = arith.index_cast %scan3A_488 : i32 to index
        %get3A_644 = arith.index_cast %mul3A_642 : i32 to index
        %get3A_645 = tpu.vector_load %arg6[%get3A_643, %get3A_644] {strides = array<i32>} : memref<8x2048xi32, #tpu.memory_space<vmem>>, vector<1x16xi32>,
        %get3A_646 = vector.shape_cast %get3A_645 : vector<1x16xi32> to vector<16xi32>
        %add3A_647 = arith.addi %add3A_617, %get3A_646 : vector<16xi32>
        %add3A_648 = arith.constant 16 : i32
        %add3A_649 = arith.addi %mul3A_642, %add3A_648 : i32
        %get3A_650 = arith.index_cast %scan3A_488 : i32 to index
        %get3A_651 = arith.index_cast %add3A_649 : i32 to index
        %get3A_652 = tpu.vector_load %arg6[%get3A_650, %get3A_651] {strides = array<i32>} : memref<8x2048xi32, #tpu.memory_space<vmem>>, vector<1x16xi32>,
        %get3A_653 = vector.shape_cast %get3A_652 : vector<1x16xi32> to vector<16xi32>
        %add3A_654 = arith.addi %add3A_624, %get3A_653 : vector<16xi32>
        %add3A_655 = arith.constant 32 : i32
        %add3A_656 = arith.addi %mul3A_642, %add3A_655 : i32
        %get3A_657 = arith.index_cast %scan3A_488 : i32 to index
        %get3A_658 = arith.index_cast %add3A_656 : i32 to index
        %get3A_659 = tpu.vector_load %arg6[%get3A_657, %get3A_658] {strides = array<i32>} : memref<8x2048xi32, #tpu.memory_space<vmem>>, vector<1x16xi32>,
        %get3A_660 = vector.shape_cast %get3A_659 : vector<1x16xi32> to vector<16xi32>
        %add3A_661 = arith.addi %add3A_631, %get3A_660 : vector<16xi32>
        %add3A_662 = arith.constant 48 : i32
        %add3A_663 = arith.addi %mul3A_642, %add3A_662 : i32
        %get3A_664 = arith.index_cast %scan3A_488 : i32 to index
        %get3A_665 = arith.index_cast %add3A_663 : i32 to index
        %get3A_666 = tpu.vector_load %arg6[%get3A_664, %get3A_665] {strides = array<i32>} : memref<8x2048xi32, #tpu.memory_space<vmem>>, vector<1x16xi32>,
        %get3A_667 = vector.shape_cast %get3A_666 : vector<1x16xi32> to vector<16xi32>
        %add3A_668 = arith.addi %add3A_638, %get3A_667 : vector<16xi32>
        scf.yield %add3A_647, %add3A_654, %add3A_661, %add3A_668 : vector<16xi32>, vector<16xi32>, vector<16xi32>, vector<16xi32>
      }
      %scan3A_497 = arith.constant 32 : i32
      %add3A_498 = arith.addi %scan3A_496#0, %scan3A_496#1 : vector<16xi32>
      %add3A_499 = arith.addi %scan3A_496#2, %scan3A_496#3 : vector<16xi32>
      %add3A_500 = arith.addi %add3A_498, %add3A_499 : vector<16xi32>
      %and3A = vector.broadcast %scan3A_363 : i32 to vector<16xi32>
      %and3A_501 = arith.andi %add3A_500, %and3A : vector<16xi32>
      %shift_right_logical3A = arith.constant 8 : i32
      %shift_right_logical3A_502 = vector.broadcast %shift_right_logical3A : i32 to vector<16xi32>
      %shift_right_logical3A_503 = arith.shrui %add3A_500, %shift_right_logical3A_502 : vector<16xi32>
      %and3A_504 = vector.broadcast %scan3A_363 : i32 to vector<16xi32>
      %and3A_505 = arith.andi %shift_right_logical3A_503, %and3A_504 : vector<16xi32>
      %add3A_506 = arith.addi %and3A_501, %and3A_505 : vector<16xi32>
      %and3A_507 = arith.constant 65535 : i32
      %and3A_508 = vector.broadcast %and3A_507 : i32 to vector<16xi32>
      %and3A_509 = arith.andi %add3A_506, %and3A_508 : vector<16xi32>
      %shift_right_logical3A_510 = arith.constant 16 : i32
      %shift_right_logical3A_511 = vector.broadcast %shift_right_logical3A_510 : i32 to vector<16xi32>
      %shift_right_logical3A_512 = arith.shrui %add3A_506, %shift_right_logical3A_511 : vector<16xi32>
      %add3A_513 = arith.addi %and3A_509, %shift_right_logical3A_512 : vector<16xi32>
      %swap3A_514 = arith.constant 0 : index
      %swap3A_515 = tpu.vector_load %arg10[%swap3A_514] {strides = array<i32>} : memref<32xi32, #tpu.memory_space<vmem>>, vector<16xi32>,
      %swap3A_516 = vector.shape_cast %swap3A_515 : vector<16xi32> to vector<16xi32>
      %swap3A_517 = vector.shape_cast %add3A_513 : vector<16xi32> to vector<16xi32>
      tpu.vector_store %arg10[%swap3A_514], %swap3A_517 {strides = array<i32>} : memref<32xi32, #tpu.memory_space<vmem>>, vector<16xi32>,
      %get3A = arith.constant 8 : index
      %get3A_518 = tpu.vector_load %arg10[%get3A] {strides = array<i32>} : memref<32xi32, #tpu.memory_space<vmem>>, vector<16xi32>,
      %get3A_519 = vector.shape_cast %get3A_518 : vector<16xi32> to vector<16xi32>
      %add3A_520 = arith.addi %add3A_513, %get3A_519 : vector<16xi32>
      %swap3A_521 = arith.constant 0 : index
      %swap3A_522 = tpu.vector_load %arg10[%swap3A_521] {strides = array<i32>} : memref<32xi32, #tpu.memory_space<vmem>>, vector<16xi32>,
      %swap3A_523 = vector.shape_cast %swap3A_522 : vector<16xi32> to vector<16xi32>
      %swap3A_524 = vector.shape_cast %add3A_520 : vector<16xi32> to vector<16xi32>
      tpu.vector_store %arg10[%swap3A_521], %swap3A_524 {strides = array<i32>} : memref<32xi32, #tpu.memory_space<vmem>>, vector<16xi32>,
      %get3A_525 = arith.constant 4 : index
      %get3A_526 = tpu.vector_load %arg10[%get3A_525] {strides = array<i32>} : memref<32xi32, #tpu.memory_space<vmem>>, vector<16xi32>,
      %get3A_527 = vector.shape_cast %get3A_526 : vector<16xi32> to vector<16xi32>
      %add3A_528 = arith.addi %add3A_520, %get3A_527 : vector<16xi32>
      %swap3A_529 = arith.constant 0 : index
      %swap3A_530 = tpu.vector_load %arg10[%swap3A_529] {strides = array<i32>} : memref<32xi32, #tpu.memory_space<vmem>>, vector<16xi32>,
      %swap3A_531 = vector.shape_cast %swap3A_530 : vector<16xi32> to vector<16xi32>
      %swap3A_532 = vector.shape_cast %add3A_528 : vector<16xi32> to vector<16xi32>
      tpu.vector_store %arg10[%swap3A_529], %swap3A_532 {strides = array<i32>} : memref<32xi32, #tpu.memory_space<vmem>>, vector<16xi32>,
      %get3A_533 = arith.constant 2 : index
      %get3A_534 = tpu.vector_load %arg10[%get3A_533] {strides = array<i32>} : memref<32xi32, #tpu.memory_space<vmem>>, vector<16xi32>,
      %get3A_535 = vector.shape_cast %get3A_534 : vector<16xi32> to vector<16xi32>
      %add3A_536 = arith.addi %add3A_528, %get3A_535 : vector<16xi32>
      %slice3A = vector.extract_strided_slice %add3A_536 {offsets = [0], sizes = [1], strides = [1]} : vector<16xi32> to vector<1xi32>
      %squeeze3A = vector.extract %slice3A[0] : i32 from vector<1xi32>
      %slice3A_537 = vector.extract_strided_slice %add3A_536 {offsets = [1], sizes = [1], strides = [1]} : vector<16xi32> to vector<1xi32>
      %squeeze3A_538 = vector.extract %slice3A_537[0] : i32 from vector<1xi32>
      %add3A_539 = arith.addi %squeeze3A, %squeeze3A_538 : i32
      %add3A_540 = arith.constant 0 : i32
      %add3A_541 = arith.addi %scan3A_488, %add3A_540 : i32
      %eq3A_542 = vector.broadcast %add3A_541 : i32 to vector<16xi32>
      %eq3A_543 = arith.cmpi eq, %iota3A, %eq3A_542 : vector<16xi32>
      %broadcast_in_dim3A_544 = vector.broadcast %add3A_539 : i32 to vector<16xi32>
      %select_n3A_545 = arith.select %eq3A_543, %broadcast_in_dim3A_544, %scan3A_489 : vector<16xi1>, vector<16xi32>
      scf.yield %select_n3A_545 : vector<16xi32>
    }
    %scan3A_369 = arith.constant 8 : i32
    %dma_wait3A_370 = arith.constant 0 : i32
    %dma_wait3A_371 = tpu.memref_slice %arg2[%add3A_356, %dma_wait3A_370] : memref<4096x2048xi32, #tpu.memory_space<hbm>> -> memref<8x2048xi32, #tpu.memory_space<hbm>>
    %dma_wait3A_372 = arith.constant 0 : i32
    %dma_wait3A_373 = tpu.memref_slice %arg2[%add3A_356, %dma_wait3A_372] : memref<4096x2048xi32, #tpu.memory_space<hbm>> -> memref<8x2048xi32, #tpu.memory_space<hbm>>
    tpu.wait_dma2 semaphore(%arg15 : memref<!tpu.dma_semaphore, #tpu.memory_space<semaphore_mem>>) src(%dma_wait3A_373 : memref<8x2048xi32, #tpu.memory_space<hbm>>) dst(%arg7 : memref<8x2048xi32, #tpu.memory_space<vmem>>)
    %scan3A_374 = arith.constant 16711935 : i32
    %scan3A_375 = arith.constant 0 : i32
    %scan3A_376 = arith.constant 8 : i32
    %scan3A_377 = arith.addi %scan3A_375, %scan3A_376 : i32
    %scan3A_378 = arith.constant 1 : i32
    %scan3A_379 = scf.for %scan3A_488 = %scan3A_375 to %scan3A_377 step %scan3A_378 iter_args(%scan3A_489 = %scan3A_368) -> (vector<16xi32>)  : i32 {
      %broadcast_in_dim3A_490 = arith.constant 0 : i32
      %broadcast_in_dim3A_491 = vector.broadcast %broadcast_in_dim3A_490 : i32 to vector<16xi32>
      %scan3A_492 = arith.constant 0 : i32
      %scan3A_493 = arith.constant 32 : i32
      %scan3A_494 = arith.addi %scan3A_492, %scan3A_493 : i32
      %scan3A_495 = arith.constant 4 : i32
      %scan3A_496:4 = scf.for %scan3A_546 = %scan3A_492 to %scan3A_494 step %scan3A_495 iter_args(%scan3A_547 = %broadcast_in_dim3A_491, %scan3A_548 = %broadcast_in_dim3A_491, %scan3A_549 = %broadcast_in_dim3A_491, %scan3A_550 = %broadcast_in_dim3A_491) -> (vector<16xi32>, vector<16xi32>, vector<16xi32>, vector<16xi32>)  : i32 {
        %mul3A_551 = arith.constant 64 : i32
        %mul3A_552 = arith.muli %scan3A_546, %mul3A_551 : i32
        %get3A_553 = arith.index_cast %scan3A_488 : i32 to index
        %get3A_554 = arith.index_cast %mul3A_552 : i32 to index
        %get3A_555 = tpu.vector_load %arg7[%get3A_553, %get3A_554] {strides = array<i32>} : memref<8x2048xi32, #tpu.memory_space<vmem>>, vector<1x16xi32>,
        %get3A_556 = vector.shape_cast %get3A_555 : vector<1x16xi32> to vector<16xi32>
        %add3A_557 = arith.addi %scan3A_547, %get3A_556 : vector<16xi32>
        %add3A_558 = arith.constant 16 : i32
        %add3A_559 = arith.addi %mul3A_552, %add3A_558 : i32
        %get3A_560 = arith.index_cast %scan3A_488 : i32 to index
        %get3A_561 = arith.index_cast %add3A_559 : i32 to index
        %get3A_562 = tpu.vector_load %arg7[%get3A_560, %get3A_561] {strides = array<i32>} : memref<8x2048xi32, #tpu.memory_space<vmem>>, vector<1x16xi32>,
        %get3A_563 = vector.shape_cast %get3A_562 : vector<1x16xi32> to vector<16xi32>
        %add3A_564 = arith.addi %scan3A_548, %get3A_563 : vector<16xi32>
        %add3A_565 = arith.constant 32 : i32
        %add3A_566 = arith.addi %mul3A_552, %add3A_565 : i32
        %get3A_567 = arith.index_cast %scan3A_488 : i32 to index
        %get3A_568 = arith.index_cast %add3A_566 : i32 to index
        %get3A_569 = tpu.vector_load %arg7[%get3A_567, %get3A_568] {strides = array<i32>} : memref<8x2048xi32, #tpu.memory_space<vmem>>, vector<1x16xi32>,
        %get3A_570 = vector.shape_cast %get3A_569 : vector<1x16xi32> to vector<16xi32>
        %add3A_571 = arith.addi %scan3A_549, %get3A_570 : vector<16xi32>
        %add3A_572 = arith.constant 48 : i32
        %add3A_573 = arith.addi %mul3A_552, %add3A_572 : i32
        %get3A_574 = arith.index_cast %scan3A_488 : i32 to index
        %get3A_575 = arith.index_cast %add3A_573 : i32 to index
        %get3A_576 = tpu.vector_load %arg7[%get3A_574, %get3A_575] {strides = array<i32>} : memref<8x2048xi32, #tpu.memory_space<vmem>>, vector<1x16xi32>,
        %get3A_577 = vector.shape_cast %get3A_576 : vector<1x16xi32> to vector<16xi32>
        %add3A_578 = arith.addi %scan3A_550, %get3A_577 : vector<16xi32>
        %scan3A_579 = arith.constant 1 : i32
        %scan3A_580 = arith.addi %scan3A_546, %scan3A_579 : i32
        %mul3A_581 = arith.constant 64 : i32
        %mul3A_582 = arith.muli %scan3A_580, %mul3A_581 : i32
        %get3A_583 = arith.index_cast %scan3A_488 : i32 to index
        %get3A_584 = arith.index_cast %mul3A_582 : i32 to index
        %get3A_585 = tpu.vector_load %arg7[%get3A_583, %get3A_584] {strides = array<i32>} : memref<8x2048xi32, #tpu.memory_space<vmem>>, vector<1x16xi32>,
        %get3A_586 = vector.shape_cast %get3A_585 : vector<1x16xi32> to vector<16xi32>
        %add3A_587 = arith.addi %add3A_557, %get3A_586 : vector<16xi32>
        %add3A_588 = arith.constant 16 : i32
        %add3A_589 = arith.addi %mul3A_582, %add3A_588 : i32
        %get3A_590 = arith.index_cast %scan3A_488 : i32 to index
        %get3A_591 = arith.index_cast %add3A_589 : i32 to index
        %get3A_592 = tpu.vector_load %arg7[%get3A_590, %get3A_591] {strides = array<i32>} : memref<8x2048xi32, #tpu.memory_space<vmem>>, vector<1x16xi32>,
        %get3A_593 = vector.shape_cast %get3A_592 : vector<1x16xi32> to vector<16xi32>
        %add3A_594 = arith.addi %add3A_564, %get3A_593 : vector<16xi32>
        %add3A_595 = arith.constant 32 : i32
        %add3A_596 = arith.addi %mul3A_582, %add3A_595 : i32
        %get3A_597 = arith.index_cast %scan3A_488 : i32 to index
        %get3A_598 = arith.index_cast %add3A_596 : i32 to index
        %get3A_599 = tpu.vector_load %arg7[%get3A_597, %get3A_598] {strides = array<i32>} : memref<8x2048xi32, #tpu.memory_space<vmem>>, vector<1x16xi32>,
        %get3A_600 = vector.shape_cast %get3A_599 : vector<1x16xi32> to vector<16xi32>
        %add3A_601 = arith.addi %add3A_571, %get3A_600 : vector<16xi32>
        %add3A_602 = arith.constant 48 : i32
        %add3A_603 = arith.addi %mul3A_582, %add3A_602 : i32
        %get3A_604 = arith.index_cast %scan3A_488 : i32 to index
        %get3A_605 = arith.index_cast %add3A_603 : i32 to index
        %get3A_606 = tpu.vector_load %arg7[%get3A_604, %get3A_605] {strides = array<i32>} : memref<8x2048xi32, #tpu.memory_space<vmem>>, vector<1x16xi32>,
        %get3A_607 = vector.shape_cast %get3A_606 : vector<1x16xi32> to vector<16xi32>
        %add3A_608 = arith.addi %add3A_578, %get3A_607 : vector<16xi32>
        %scan3A_609 = arith.constant 2 : i32
        %scan3A_610 = arith.addi %scan3A_546, %scan3A_609 : i32
        %mul3A_611 = arith.constant 64 : i32
        %mul3A_612 = arith.muli %scan3A_610, %mul3A_611 : i32
        %get3A_613 = arith.index_cast %scan3A_488 : i32 to index
        %get3A_614 = arith.index_cast %mul3A_612 : i32 to index
        %get3A_615 = tpu.vector_load %arg7[%get3A_613, %get3A_614] {strides = array<i32>} : memref<8x2048xi32, #tpu.memory_space<vmem>>, vector<1x16xi32>,
        %get3A_616 = vector.shape_cast %get3A_615 : vector<1x16xi32> to vector<16xi32>
        %add3A_617 = arith.addi %add3A_587, %get3A_616 : vector<16xi32>
        %add3A_618 = arith.constant 16 : i32
        %add3A_619 = arith.addi %mul3A_612, %add3A_618 : i32
        %get3A_620 = arith.index_cast %scan3A_488 : i32 to index
        %get3A_621 = arith.index_cast %add3A_619 : i32 to index
        %get3A_622 = tpu.vector_load %arg7[%get3A_620, %get3A_621] {strides = array<i32>} : memref<8x2048xi32, #tpu.memory_space<vmem>>, vector<1x16xi32>,
        %get3A_623 = vector.shape_cast %get3A_622 : vector<1x16xi32> to vector<16xi32>
        %add3A_624 = arith.addi %add3A_594, %get3A_623 : vector<16xi32>
        %add3A_625 = arith.constant 32 : i32
        %add3A_626 = arith.addi %mul3A_612, %add3A_625 : i32
        %get3A_627 = arith.index_cast %scan3A_488 : i32 to index
        %get3A_628 = arith.index_cast %add3A_626 : i32 to index
        %get3A_629 = tpu.vector_load %arg7[%get3A_627, %get3A_628] {strides = array<i32>} : memref<8x2048xi32, #tpu.memory_space<vmem>>, vector<1x16xi32>,
        %get3A_630 = vector.shape_cast %get3A_629 : vector<1x16xi32> to vector<16xi32>
        %add3A_631 = arith.addi %add3A_601, %get3A_630 : vector<16xi32>
        %add3A_632 = arith.constant 48 : i32
        %add3A_633 = arith.addi %mul3A_612, %add3A_632 : i32
        %get3A_634 = arith.index_cast %scan3A_488 : i32 to index
        %get3A_635 = arith.index_cast %add3A_633 : i32 to index
        %get3A_636 = tpu.vector_load %arg7[%get3A_634, %get3A_635] {strides = array<i32>} : memref<8x2048xi32, #tpu.memory_space<vmem>>, vector<1x16xi32>,
        %get3A_637 = vector.shape_cast %get3A_636 : vector<1x16xi32> to vector<16xi32>
        %add3A_638 = arith.addi %add3A_608, %get3A_637 : vector<16xi32>
        %scan3A_639 = arith.constant 3 : i32
        %scan3A_640 = arith.addi %scan3A_546, %scan3A_639 : i32
        %mul3A_641 = arith.constant 64 : i32
        %mul3A_642 = arith.muli %scan3A_640, %mul3A_641 : i32
        %get3A_643 = arith.index_cast %scan3A_488 : i32 to index
        %get3A_644 = arith.index_cast %mul3A_642 : i32 to index
        %get3A_645 = tpu.vector_load %arg7[%get3A_643, %get3A_644] {strides = array<i32>} : memref<8x2048xi32, #tpu.memory_space<vmem>>, vector<1x16xi32>,
        %get3A_646 = vector.shape_cast %get3A_645 : vector<1x16xi32> to vector<16xi32>
        %add3A_647 = arith.addi %add3A_617, %get3A_646 : vector<16xi32>
        %add3A_648 = arith.constant 16 : i32
        %add3A_649 = arith.addi %mul3A_642, %add3A_648 : i32
        %get3A_650 = arith.index_cast %scan3A_488 : i32 to index
        %get3A_651 = arith.index_cast %add3A_649 : i32 to index
        %get3A_652 = tpu.vector_load %arg7[%get3A_650, %get3A_651] {strides = array<i32>} : memref<8x2048xi32, #tpu.memory_space<vmem>>, vector<1x16xi32>,
        %get3A_653 = vector.shape_cast %get3A_652 : vector<1x16xi32> to vector<16xi32>
        %add3A_654 = arith.addi %add3A_624, %get3A_653 : vector<16xi32>
        %add3A_655 = arith.constant 32 : i32
        %add3A_656 = arith.addi %mul3A_642, %add3A_655 : i32
        %get3A_657 = arith.index_cast %scan3A_488 : i32 to index
        %get3A_658 = arith.index_cast %add3A_656 : i32 to index
        %get3A_659 = tpu.vector_load %arg7[%get3A_657, %get3A_658] {strides = array<i32>} : memref<8x2048xi32, #tpu.memory_space<vmem>>, vector<1x16xi32>,
        %get3A_660 = vector.shape_cast %get3A_659 : vector<1x16xi32> to vector<16xi32>
        %add3A_661 = arith.addi %add3A_631, %get3A_660 : vector<16xi32>
        %add3A_662 = arith.constant 48 : i32
        %add3A_663 = arith.addi %mul3A_642, %add3A_662 : i32
        %get3A_664 = arith.index_cast %scan3A_488 : i32 to index
        %get3A_665 = arith.index_cast %add3A_663 : i32 to index
        %get3A_666 = tpu.vector_load %arg7[%get3A_664, %get3A_665] {strides = array<i32>} : memref<8x2048xi32, #tpu.memory_space<vmem>>, vector<1x16xi32>,
        %get3A_667 = vector.shape_cast %get3A_666 : vector<1x16xi32> to vector<16xi32>
        %add3A_668 = arith.addi %add3A_638, %get3A_667 : vector<16xi32>
        scf.yield %add3A_647, %add3A_654, %add3A_661, %add3A_668 : vector<16xi32>, vector<16xi32>, vector<16xi32>, vector<16xi32>
      }
      %scan3A_497 = arith.constant 32 : i32
      %add3A_498 = arith.addi %scan3A_496#0, %scan3A_496#1 : vector<16xi32>
      %add3A_499 = arith.addi %scan3A_496#2, %scan3A_496#3 : vector<16xi32>
      %add3A_500 = arith.addi %add3A_498, %add3A_499 : vector<16xi32>
      %and3A = vector.broadcast %scan3A_374 : i32 to vector<16xi32>
      %and3A_501 = arith.andi %add3A_500, %and3A : vector<16xi32>
      %shift_right_logical3A = arith.constant 8 : i32
      %shift_right_logical3A_502 = vector.broadcast %shift_right_logical3A : i32 to vector<16xi32>
      %shift_right_logical3A_503 = arith.shrui %add3A_500, %shift_right_logical3A_502 : vector<16xi32>
      %and3A_504 = vector.broadcast %scan3A_374 : i32 to vector<16xi32>
      %and3A_505 = arith.andi %shift_right_logical3A_503, %and3A_504 : vector<16xi32>
      %add3A_506 = arith.addi %and3A_501, %and3A_505 : vector<16xi32>
      %and3A_507 = arith.constant 65535 : i32
      %and3A_508 = vector.broadcast %and3A_507 : i32 to vector<16xi32>
      %and3A_509 = arith.andi %add3A_506, %and3A_508 : vector<16xi32>
      %shift_right_logical3A_510 = arith.constant 16 : i32
      %shift_right_logical3A_511 = vector.broadcast %shift_right_logical3A_510 : i32 to vector<16xi32>
      %shift_right_logical3A_512 = arith.shrui %add3A_506, %shift_right_logical3A_511 : vector<16xi32>
      %add3A_513 = arith.addi %and3A_509, %shift_right_logical3A_512 : vector<16xi32>
      %swap3A_514 = arith.constant 0 : index
      %swap3A_515 = tpu.vector_load %arg10[%swap3A_514] {strides = array<i32>} : memref<32xi32, #tpu.memory_space<vmem>>, vector<16xi32>,
      %swap3A_516 = vector.shape_cast %swap3A_515 : vector<16xi32> to vector<16xi32>
      %swap3A_517 = vector.shape_cast %add3A_513 : vector<16xi32> to vector<16xi32>
      tpu.vector_store %arg10[%swap3A_514], %swap3A_517 {strides = array<i32>} : memref<32xi32, #tpu.memory_space<vmem>>, vector<16xi32>,
      %get3A = arith.constant 8 : index
      %get3A_518 = tpu.vector_load %arg10[%get3A] {strides = array<i32>} : memref<32xi32, #tpu.memory_space<vmem>>, vector<16xi32>,
      %get3A_519 = vector.shape_cast %get3A_518 : vector<16xi32> to vector<16xi32>
      %add3A_520 = arith.addi %add3A_513, %get3A_519 : vector<16xi32>
      %swap3A_521 = arith.constant 0 : index
      %swap3A_522 = tpu.vector_load %arg10[%swap3A_521] {strides = array<i32>} : memref<32xi32, #tpu.memory_space<vmem>>, vector<16xi32>,
      %swap3A_523 = vector.shape_cast %swap3A_522 : vector<16xi32> to vector<16xi32>
      %swap3A_524 = vector.shape_cast %add3A_520 : vector<16xi32> to vector<16xi32>
      tpu.vector_store %arg10[%swap3A_521], %swap3A_524 {strides = array<i32>} : memref<32xi32, #tpu.memory_space<vmem>>, vector<16xi32>,
      %get3A_525 = arith.constant 4 : index
      %get3A_526 = tpu.vector_load %arg10[%get3A_525] {strides = array<i32>} : memref<32xi32, #tpu.memory_space<vmem>>, vector<16xi32>,
      %get3A_527 = vector.shape_cast %get3A_526 : vector<16xi32> to vector<16xi32>
      %add3A_528 = arith.addi %add3A_520, %get3A_527 : vector<16xi32>
      %swap3A_529 = arith.constant 0 : index
      %swap3A_530 = tpu.vector_load %arg10[%swap3A_529] {strides = array<i32>} : memref<32xi32, #tpu.memory_space<vmem>>, vector<16xi32>,
      %swap3A_531 = vector.shape_cast %swap3A_530 : vector<16xi32> to vector<16xi32>
      %swap3A_532 = vector.shape_cast %add3A_528 : vector<16xi32> to vector<16xi32>
      tpu.vector_store %arg10[%swap3A_529], %swap3A_532 {strides = array<i32>} : memref<32xi32, #tpu.memory_space<vmem>>, vector<16xi32>,
      %get3A_533 = arith.constant 2 : index
      %get3A_534 = tpu.vector_load %arg10[%get3A_533] {strides = array<i32>} : memref<32xi32, #tpu.memory_space<vmem>>, vector<16xi32>,
      %get3A_535 = vector.shape_cast %get3A_534 : vector<16xi32> to vector<16xi32>
      %add3A_536 = arith.addi %add3A_528, %get3A_535 : vector<16xi32>
      %slice3A = vector.extract_strided_slice %add3A_536 {offsets = [0], sizes = [1], strides = [1]} : vector<16xi32> to vector<1xi32>
      %squeeze3A = vector.extract %slice3A[0] : i32 from vector<1xi32>
      %slice3A_537 = vector.extract_strided_slice %add3A_536 {offsets = [1], sizes = [1], strides = [1]} : vector<16xi32> to vector<1xi32>
      %squeeze3A_538 = vector.extract %slice3A_537[0] : i32 from vector<1xi32>
      %add3A_539 = arith.addi %squeeze3A, %squeeze3A_538 : i32
      %add3A_540 = arith.constant 8 : i32
      %add3A_541 = arith.addi %scan3A_488, %add3A_540 : i32
      %eq3A_542 = vector.broadcast %add3A_541 : i32 to vector<16xi32>
      %eq3A_543 = arith.cmpi eq, %iota3A, %eq3A_542 : vector<16xi32>
      %broadcast_in_dim3A_544 = vector.broadcast %add3A_539 : i32 to vector<16xi32>
      %select_n3A_545 = arith.select %eq3A_543, %broadcast_in_dim3A_544, %scan3A_489 : vector<16xi1>, vector<16xi32>
      scf.yield %select_n3A_545 : vector<16xi32>
    }
    %scan3A_380 = arith.constant 8 : i32
    %eq3A_381 = arith.constant 0 : i32
    %eq3A_382 = vector.broadcast %eq3A_381 : i32 to vector<16xi32>
    %eq3A_383 = arith.cmpi eq, %scan3A_379, %eq3A_382 : vector<16xi32>
    %sub3A_384 = arith.constant 1 : i32
    %sub3A_385 = vector.broadcast %sub3A_384 : i32 to vector<16xi32>
    %sub3A_386 = arith.subi %scan3A_379, %sub3A_385 : vector<16xi32>
    %jit3A_387 = arith.constant 8319 : i32
    %broadcast_in_dim3A_388 = vector.broadcast %jit3A_387 : i32 to vector<16xi32>
    %select_n3A_389 = arith.select %eq3A_383, %broadcast_in_dim3A_388, %sub3A_386 : vector<16xi1>, vector<16xi32>
    %swap3A_390 = arith.constant 112 : index
    %swap3A_391 = tpu.vector_load %arg9[%swap3A_390] {strides = array<i32>} : memref<128xi32, #tpu.memory_space<vmem>>, vector<16xi32>,
    %swap3A_392 = vector.shape_cast %swap3A_391 : vector<16xi32> to vector<16xi32>
    %swap3A_393 = vector.shape_cast %select_n3A_389 : vector<16xi32> to vector<16xi32>
    tpu.vector_store %arg9[%swap3A_390], %swap3A_393 {strides = array<i32>} : memref<128xi32, #tpu.memory_space<vmem>>, vector<16xi32>,
    %barrier3A = arith.constant 0 : index
    tpu.barrier barrier_id(%barrier3A)
    "tpu.region"() ({
      %run_scoped3A = tpu.sem_alloc : memref<!tpu.dma_semaphore, #tpu.memory_space<semaphore_mem>>
      %dma_start3A_488 = arith.constant 0 : i32
      %dma_start3A_489 = arith.constant 0 : i32
      %dma_start3A_490 = tpu.memref_slice %arg13[%dma_start3A_488, %dma_start3A_489] : memref<8320x128xf32, #tpu.memory_space<vmem_shared>> -> memref<8320x128xf32, #tpu.memory_space<vmem_shared>>
      tpu.enqueue_indirect_dma source(%arg8 : memref<128x128xf32, #tpu.memory_space<vmem>>) target(%dma_start3A_490 : memref<8320x128xf32, #tpu.memory_space<vmem_shared>>) offsets(%arg9 : memref<128xi32, #tpu.memory_space<vmem>>) semaphore(%run_scoped3A : memref<!tpu.dma_semaphore, #tpu.memory_space<semaphore_mem>>) {add = true}
      %dma_wait3A_491 = arith.constant 0 : i32
      %dma_wait3A_492 = arith.constant 0 : i32
      %dma_wait3A_493 = tpu.memref_slice %arg13[%dma_wait3A_491, %dma_wait3A_492] : memref<8320x128xf32, #tpu.memory_space<vmem_shared>> -> memref<8320x128xf32, #tpu.memory_space<vmem_shared>>
      tpu.wait_indirect_dma semaphore(%run_scoped3A : memref<!tpu.dma_semaphore, #tpu.memory_space<semaphore_mem>>) src(%arg8 : memref<128x128xf32, #tpu.memory_space<vmem>>) dst(%dma_wait3A_493 : memref<8320x128xf32, #tpu.memory_space<vmem_shared>>)
      tpu.yield
    }) : () -> ()
    %barrier3A_394 = arith.constant 0 : index
    tpu.barrier barrier_id(%barrier3A_394)
    %mul3A_395 = arith.constant 512 : i32
    %mul3A_396 = arith.muli %arg1, %mul3A_395 : i32
    %add3A_397 = arith.constant 0 : i32
    %add3A_398 = arith.addi %mul3A_396, %add3A_397 : i32
    "tpu.region"() ({
      %run_scoped3A = tpu.sem_alloc : memref<!tpu.dma_semaphore, #tpu.memory_space<semaphore_mem>>
      %dma_start3A_488 = arith.constant 0 : i32
      %dma_start3A_489 = tpu.memref_slice %arg13[%add3A_398, %dma_start3A_488] : memref<8320x128xf32, #tpu.memory_space<vmem_shared>> -> memref<64x128xf32, #tpu.memory_space<vmem_shared>>
      %dma_start3A_490 = arith.constant 0 : i32
      %dma_start3A_491 = tpu.memref_slice %arg13[%add3A_398, %dma_start3A_490] : memref<8320x128xf32, #tpu.memory_space<vmem_shared>> -> memref<64x128xf32, #tpu.memory_space<vmem_shared>>
      tpu.enqueue_dma source(%dma_start3A_491 : memref<64x128xf32, #tpu.memory_space<vmem_shared>>) target(%arg11 : memref<64x128xf32, #tpu.memory_space<vmem>>) target_semaphore(%run_scoped3A : memref<!tpu.dma_semaphore, #tpu.memory_space<semaphore_mem>>)
      %dma_wait3A_492 = arith.constant 0 : i32
      %dma_wait3A_493 = tpu.memref_slice %arg13[%add3A_398, %dma_wait3A_492] : memref<8320x128xf32, #tpu.memory_space<vmem_shared>> -> memref<64x128xf32, #tpu.memory_space<vmem_shared>>
      %dma_wait3A_494 = arith.constant 0 : i32
      %dma_wait3A_495 = tpu.memref_slice %arg13[%add3A_398, %dma_wait3A_494] : memref<8320x128xf32, #tpu.memory_space<vmem_shared>> -> memref<64x128xf32, #tpu.memory_space<vmem_shared>>
      tpu.wait_dma2 semaphore(%run_scoped3A : memref<!tpu.dma_semaphore, #tpu.memory_space<semaphore_mem>>) src(%dma_wait3A_495 : memref<64x128xf32, #tpu.memory_space<vmem_shared>>) dst(%arg11 : memref<64x128xf32, #tpu.memory_space<vmem>>)
      tpu.yield
    }) : () -> ()
    %scan3A_399 = arith.constant 0 : i32
    %scan3A_400 = arith.constant 0 : i32
    %scan3A_401 = arith.constant 4 : i32
    %scan3A_402 = arith.addi %scan3A_400, %scan3A_401 : i32
    %scan3A_403 = arith.constant 1 : i32
    %scan3A_404 = scf.for %scan3A_488 = %scan3A_400 to %scan3A_402 step %scan3A_403 iter_args(%scan3A_489 = %scan3A_399) -> (i32)  : i32 {
      %broadcast_in_dim3A_490 = arith.constant 0.000000e+00 : f32
      %broadcast_in_dim3A_491 = vector.broadcast %broadcast_in_dim3A_490 : f32 to vector<16xf32>
      %scan3A_492 = arith.constant 0 : i32
      %scan3A_493 = arith.constant 16 : i32
      %scan3A_494 = arith.addi %scan3A_492, %scan3A_493 : i32
      %scan3A_495 = arith.constant 1 : i32
      %scan3A_496 = scf.for %scan3A_507 = %scan3A_492 to %scan3A_494 step %scan3A_495 iter_args(%scan3A_508 = %broadcast_in_dim3A_491) -> (vector<16xf32>)  : i32 {
        %mul3A_509 = arith.constant 16 : i32
        %mul3A_510 = arith.muli %scan3A_488, %mul3A_509 : i32
        %add3A_511 = arith.addi %mul3A_510, %scan3A_507 : i32
        %get3A = arith.index_cast %add3A_511 : i32 to index
        %get3A_512 = arith.constant 0 : index
        %get3A_513 = tpu.vector_load %arg11[%get3A, %get3A_512] {strides = array<i32>} : memref<64x128xf32, #tpu.memory_space<vmem>>, vector<1x16xf32>,
        %get3A_514 = vector.shape_cast %get3A_513 : vector<1x16xf32> to vector<16xf32>
        %eq3A_515 = vector.broadcast %scan3A_507 : i32 to vector<16xi32>
        %eq3A_516 = arith.cmpi eq, %iota3A, %eq3A_515 : vector<16xi32>
        %slice3A = vector.extract_strided_slice %get3A_514 {offsets = [0], sizes = [1], strides = [1]} : vector<16xf32> to vector<1xf32>
        %squeeze3A = vector.extract %slice3A[0] : f32 from vector<1xf32>
        %broadcast_in_dim3A_517 = vector.broadcast %squeeze3A : f32 to vector<16xf32>
        %select_n3A_518 = arith.select %eq3A_516, %broadcast_in_dim3A_517, %scan3A_508 : vector<16xi1>, vector<16xf32>
        scf.yield %select_n3A_518 : vector<16xf32>
      }
      %scan3A_497 = arith.constant 16 : i32
      %mul3A_498 = arith.constant 16 : i32
      %mul3A_499 = arith.muli %scan3A_488, %mul3A_498 : i32
      %add3A_500 = arith.constant 0 : i32
      %add3A_501 = arith.addi %add3A_500, %mul3A_499 : i32
      %swap3A_502 = arith.index_cast %add3A_501 : i32 to index
      %swap3A_503 = tpu.vector_load %arg12[%swap3A_502] {strides = array<i32>} : memref<512xf32, #tpu.memory_space<vmem>>, vector<16xf32>,
      %swap3A_504 = vector.shape_cast %swap3A_503 : vector<16xf32> to vector<16xf32>
      %swap3A_505 = vector.shape_cast %scan3A_496 : vector<16xf32> to vector<16xf32>
      tpu.vector_store %arg12[%swap3A_502], %swap3A_505 {strides = array<i32>} : memref<512xf32, #tpu.memory_space<vmem>>, vector<16xf32>,
      %scan3A_506 = arith.constant 0 : i32
      scf.yield %scan3A_506 : i32
    }
    %scan3A_405 = arith.constant 4 : i32
    %mul3A_406 = arith.constant 512 : i32
    %mul3A_407 = arith.muli %arg1, %mul3A_406 : i32
    %add3A_408 = arith.constant 64 : i32
    %add3A_409 = arith.addi %mul3A_407, %add3A_408 : i32
    "tpu.region"() ({
      %run_scoped3A = tpu.sem_alloc : memref<!tpu.dma_semaphore, #tpu.memory_space<semaphore_mem>>
      %dma_start3A_488 = arith.constant 0 : i32
      %dma_start3A_489 = tpu.memref_slice %arg13[%add3A_409, %dma_start3A_488] : memref<8320x128xf32, #tpu.memory_space<vmem_shared>> -> memref<64x128xf32, #tpu.memory_space<vmem_shared>>
      %dma_start3A_490 = arith.constant 0 : i32
      %dma_start3A_491 = tpu.memref_slice %arg13[%add3A_409, %dma_start3A_490] : memref<8320x128xf32, #tpu.memory_space<vmem_shared>> -> memref<64x128xf32, #tpu.memory_space<vmem_shared>>
      tpu.enqueue_dma source(%dma_start3A_491 : memref<64x128xf32, #tpu.memory_space<vmem_shared>>) target(%arg11 : memref<64x128xf32, #tpu.memory_space<vmem>>) target_semaphore(%run_scoped3A : memref<!tpu.dma_semaphore, #tpu.memory_space<semaphore_mem>>)
      %dma_wait3A_492 = arith.constant 0 : i32
      %dma_wait3A_493 = tpu.memref_slice %arg13[%add3A_409, %dma_wait3A_492] : memref<8320x128xf32, #tpu.memory_space<vmem_shared>> -> memref<64x128xf32, #tpu.memory_space<vmem_shared>>
      %dma_wait3A_494 = arith.constant 0 : i32
      %dma_wait3A_495 = tpu.memref_slice %arg13[%add3A_409, %dma_wait3A_494] : memref<8320x128xf32, #tpu.memory_space<vmem_shared>> -> memref<64x128xf32, #tpu.memory_space<vmem_shared>>
      tpu.wait_dma2 semaphore(%run_scoped3A : memref<!tpu.dma_semaphore, #tpu.memory_space<semaphore_mem>>) src(%dma_wait3A_495 : memref<64x128xf32, #tpu.memory_space<vmem_shared>>) dst(%arg11 : memref<64x128xf32, #tpu.memory_space<vmem>>)
      tpu.yield
    }) : () -> ()
    %scan3A_410 = arith.constant 0 : i32
    %scan3A_411 = arith.constant 0 : i32
    %scan3A_412 = arith.constant 4 : i32
    %scan3A_413 = arith.addi %scan3A_411, %scan3A_412 : i32
    %scan3A_414 = arith.constant 1 : i32
    %scan3A_415 = scf.for %scan3A_488 = %scan3A_411 to %scan3A_413 step %scan3A_414 iter_args(%scan3A_489 = %scan3A_410) -> (i32)  : i32 {
      %broadcast_in_dim3A_490 = arith.constant 0.000000e+00 : f32
      %broadcast_in_dim3A_491 = vector.broadcast %broadcast_in_dim3A_490 : f32 to vector<16xf32>
      %scan3A_492 = arith.constant 0 : i32
      %scan3A_493 = arith.constant 16 : i32
      %scan3A_494 = arith.addi %scan3A_492, %scan3A_493 : i32
      %scan3A_495 = arith.constant 1 : i32
      %scan3A_496 = scf.for %scan3A_507 = %scan3A_492 to %scan3A_494 step %scan3A_495 iter_args(%scan3A_508 = %broadcast_in_dim3A_491) -> (vector<16xf32>)  : i32 {
        %mul3A_509 = arith.constant 16 : i32
        %mul3A_510 = arith.muli %scan3A_488, %mul3A_509 : i32
        %add3A_511 = arith.addi %mul3A_510, %scan3A_507 : i32
        %get3A = arith.index_cast %add3A_511 : i32 to index
        %get3A_512 = arith.constant 0 : index
        %get3A_513 = tpu.vector_load %arg11[%get3A, %get3A_512] {strides = array<i32>} : memref<64x128xf32, #tpu.memory_space<vmem>>, vector<1x16xf32>,
        %get3A_514 = vector.shape_cast %get3A_513 : vector<1x16xf32> to vector<16xf32>
        %eq3A_515 = vector.broadcast %scan3A_507 : i32 to vector<16xi32>
        %eq3A_516 = arith.cmpi eq, %iota3A, %eq3A_515 : vector<16xi32>
        %slice3A = vector.extract_strided_slice %get3A_514 {offsets = [0], sizes = [1], strides = [1]} : vector<16xf32> to vector<1xf32>
        %squeeze3A = vector.extract %slice3A[0] : f32 from vector<1xf32>
        %broadcast_in_dim3A_517 = vector.broadcast %squeeze3A : f32 to vector<16xf32>
        %select_n3A_518 = arith.select %eq3A_516, %broadcast_in_dim3A_517, %scan3A_508 : vector<16xi1>, vector<16xf32>
        scf.yield %select_n3A_518 : vector<16xf32>
      }
      %scan3A_497 = arith.constant 16 : i32
      %mul3A_498 = arith.constant 16 : i32
      %mul3A_499 = arith.muli %scan3A_488, %mul3A_498 : i32
      %add3A_500 = arith.constant 64 : i32
      %add3A_501 = arith.addi %add3A_500, %mul3A_499 : i32
      %swap3A_502 = arith.index_cast %add3A_501 : i32 to index
      %swap3A_503 = tpu.vector_load %arg12[%swap3A_502] {strides = array<i32>} : memref<512xf32, #tpu.memory_space<vmem>>, vector<16xf32>,
      %swap3A_504 = vector.shape_cast %swap3A_503 : vector<16xf32> to vector<16xf32>
      %swap3A_505 = vector.shape_cast %scan3A_496 : vector<16xf32> to vector<16xf32>
      tpu.vector_store %arg12[%swap3A_502], %swap3A_505 {strides = array<i32>} : memref<512xf32, #tpu.memory_space<vmem>>, vector<16xf32>,
      %scan3A_506 = arith.constant 0 : i32
      scf.yield %scan3A_506 : i32
    }
    %scan3A_416 = arith.constant 4 : i32
    %mul3A_417 = arith.constant 512 : i32
    %mul3A_418 = arith.muli %arg1, %mul3A_417 : i32
    %add3A_419 = arith.constant 128 : i32
    %add3A_420 = arith.addi %mul3A_418, %add3A_419 : i32
    "tpu.region"() ({
      %run_scoped3A = tpu.sem_alloc : memref<!tpu.dma_semaphore, #tpu.memory_space<semaphore_mem>>
      %dma_start3A_488 = arith.constant 0 : i32
      %dma_start3A_489 = tpu.memref_slice %arg13[%add3A_420, %dma_start3A_488] : memref<8320x128xf32, #tpu.memory_space<vmem_shared>> -> memref<64x128xf32, #tpu.memory_space<vmem_shared>>
      %dma_start3A_490 = arith.constant 0 : i32
      %dma_start3A_491 = tpu.memref_slice %arg13[%add3A_420, %dma_start3A_490] : memref<8320x128xf32, #tpu.memory_space<vmem_shared>> -> memref<64x128xf32, #tpu.memory_space<vmem_shared>>
      tpu.enqueue_dma source(%dma_start3A_491 : memref<64x128xf32, #tpu.memory_space<vmem_shared>>) target(%arg11 : memref<64x128xf32, #tpu.memory_space<vmem>>) target_semaphore(%run_scoped3A : memref<!tpu.dma_semaphore, #tpu.memory_space<semaphore_mem>>)
      %dma_wait3A_492 = arith.constant 0 : i32
      %dma_wait3A_493 = tpu.memref_slice %arg13[%add3A_420, %dma_wait3A_492] : memref<8320x128xf32, #tpu.memory_space<vmem_shared>> -> memref<64x128xf32, #tpu.memory_space<vmem_shared>>
      %dma_wait3A_494 = arith.constant 0 : i32
      %dma_wait3A_495 = tpu.memref_slice %arg13[%add3A_420, %dma_wait3A_494] : memref<8320x128xf32, #tpu.memory_space<vmem_shared>> -> memref<64x128xf32, #tpu.memory_space<vmem_shared>>
      tpu.wait_dma2 semaphore(%run_scoped3A : memref<!tpu.dma_semaphore, #tpu.memory_space<semaphore_mem>>) src(%dma_wait3A_495 : memref<64x128xf32, #tpu.memory_space<vmem_shared>>) dst(%arg11 : memref<64x128xf32, #tpu.memory_space<vmem>>)
      tpu.yield
    }) : () -> ()
    %scan3A_421 = arith.constant 0 : i32
    %scan3A_422 = arith.constant 0 : i32
    %scan3A_423 = arith.constant 4 : i32
    %scan3A_424 = arith.addi %scan3A_422, %scan3A_423 : i32
    %scan3A_425 = arith.constant 1 : i32
    %scan3A_426 = scf.for %scan3A_488 = %scan3A_422 to %scan3A_424 step %scan3A_425 iter_args(%scan3A_489 = %scan3A_421) -> (i32)  : i32 {
      %broadcast_in_dim3A_490 = arith.constant 0.000000e+00 : f32
      %broadcast_in_dim3A_491 = vector.broadcast %broadcast_in_dim3A_490 : f32 to vector<16xf32>
      %scan3A_492 = arith.constant 0 : i32
      %scan3A_493 = arith.constant 16 : i32
      %scan3A_494 = arith.addi %scan3A_492, %scan3A_493 : i32
      %scan3A_495 = arith.constant 1 : i32
      %scan3A_496 = scf.for %scan3A_507 = %scan3A_492 to %scan3A_494 step %scan3A_495 iter_args(%scan3A_508 = %broadcast_in_dim3A_491) -> (vector<16xf32>)  : i32 {
        %mul3A_509 = arith.constant 16 : i32
        %mul3A_510 = arith.muli %scan3A_488, %mul3A_509 : i32
        %add3A_511 = arith.addi %mul3A_510, %scan3A_507 : i32
        %get3A = arith.index_cast %add3A_511 : i32 to index
        %get3A_512 = arith.constant 0 : index
        %get3A_513 = tpu.vector_load %arg11[%get3A, %get3A_512] {strides = array<i32>} : memref<64x128xf32, #tpu.memory_space<vmem>>, vector<1x16xf32>,
        %get3A_514 = vector.shape_cast %get3A_513 : vector<1x16xf32> to vector<16xf32>
        %eq3A_515 = vector.broadcast %scan3A_507 : i32 to vector<16xi32>
        %eq3A_516 = arith.cmpi eq, %iota3A, %eq3A_515 : vector<16xi32>
        %slice3A = vector.extract_strided_slice %get3A_514 {offsets = [0], sizes = [1], strides = [1]} : vector<16xf32> to vector<1xf32>
        %squeeze3A = vector.extract %slice3A[0] : f32 from vector<1xf32>
        %broadcast_in_dim3A_517 = vector.broadcast %squeeze3A : f32 to vector<16xf32>
        %select_n3A_518 = arith.select %eq3A_516, %broadcast_in_dim3A_517, %scan3A_508 : vector<16xi1>, vector<16xf32>
        scf.yield %select_n3A_518 : vector<16xf32>
      }
      %scan3A_497 = arith.constant 16 : i32
      %mul3A_498 = arith.constant 16 : i32
      %mul3A_499 = arith.muli %scan3A_488, %mul3A_498 : i32
      %add3A_500 = arith.constant 128 : i32
      %add3A_501 = arith.addi %add3A_500, %mul3A_499 : i32
      %swap3A_502 = arith.index_cast %add3A_501 : i32 to index
      %swap3A_503 = tpu.vector_load %arg12[%swap3A_502] {strides = array<i32>} : memref<512xf32, #tpu.memory_space<vmem>>, vector<16xf32>,
      %swap3A_504 = vector.shape_cast %swap3A_503 : vector<16xf32> to vector<16xf32>
      %swap3A_505 = vector.shape_cast %scan3A_496 : vector<16xf32> to vector<16xf32>
      tpu.vector_store %arg12[%swap3A_502], %swap3A_505 {strides = array<i32>} : memref<512xf32, #tpu.memory_space<vmem>>, vector<16xf32>,
      %scan3A_506 = arith.constant 0 : i32
      scf.yield %scan3A_506 : i32
    }
    %scan3A_427 = arith.constant 4 : i32
    %mul3A_428 = arith.constant 512 : i32
    %mul3A_429 = arith.muli %arg1, %mul3A_428 : i32
    %add3A_430 = arith.constant 192 : i32
    %add3A_431 = arith.addi %mul3A_429, %add3A_430 : i32
    "tpu.region"() ({
      %run_scoped3A = tpu.sem_alloc : memref<!tpu.dma_semaphore, #tpu.memory_space<semaphore_mem>>
      %dma_start3A_488 = arith.constant 0 : i32
      %dma_start3A_489 = tpu.memref_slice %arg13[%add3A_431, %dma_start3A_488] : memref<8320x128xf32, #tpu.memory_space<vmem_shared>> -> memref<64x128xf32, #tpu.memory_space<vmem_shared>>
      %dma_start3A_490 = arith.constant 0 : i32
      %dma_start3A_491 = tpu.memref_slice %arg13[%add3A_431, %dma_start3A_490] : memref<8320x128xf32, #tpu.memory_space<vmem_shared>> -> memref<64x128xf32, #tpu.memory_space<vmem_shared>>
      tpu.enqueue_dma source(%dma_start3A_491 : memref<64x128xf32, #tpu.memory_space<vmem_shared>>) target(%arg11 : memref<64x128xf32, #tpu.memory_space<vmem>>) target_semaphore(%run_scoped3A : memref<!tpu.dma_semaphore, #tpu.memory_space<semaphore_mem>>)
      %dma_wait3A_492 = arith.constant 0 : i32
      %dma_wait3A_493 = tpu.memref_slice %arg13[%add3A_431, %dma_wait3A_492] : memref<8320x128xf32, #tpu.memory_space<vmem_shared>> -> memref<64x128xf32, #tpu.memory_space<vmem_shared>>
      %dma_wait3A_494 = arith.constant 0 : i32
      %dma_wait3A_495 = tpu.memref_slice %arg13[%add3A_431, %dma_wait3A_494] : memref<8320x128xf32, #tpu.memory_space<vmem_shared>> -> memref<64x128xf32, #tpu.memory_space<vmem_shared>>
      tpu.wait_dma2 semaphore(%run_scoped3A : memref<!tpu.dma_semaphore, #tpu.memory_space<semaphore_mem>>) src(%dma_wait3A_495 : memref<64x128xf32, #tpu.memory_space<vmem_shared>>) dst(%arg11 : memref<64x128xf32, #tpu.memory_space<vmem>>)
      tpu.yield
    }) : () -> ()
    %scan3A_432 = arith.constant 0 : i32
    %scan3A_433 = arith.constant 0 : i32
    %scan3A_434 = arith.constant 4 : i32
    %scan3A_435 = arith.addi %scan3A_433, %scan3A_434 : i32
    %scan3A_436 = arith.constant 1 : i32
    %scan3A_437 = scf.for %scan3A_488 = %scan3A_433 to %scan3A_435 step %scan3A_436 iter_args(%scan3A_489 = %scan3A_432) -> (i32)  : i32 {
      %broadcast_in_dim3A_490 = arith.constant 0.000000e+00 : f32
      %broadcast_in_dim3A_491 = vector.broadcast %broadcast_in_dim3A_490 : f32 to vector<16xf32>
      %scan3A_492 = arith.constant 0 : i32
      %scan3A_493 = arith.constant 16 : i32
      %scan3A_494 = arith.addi %scan3A_492, %scan3A_493 : i32
      %scan3A_495 = arith.constant 1 : i32
      %scan3A_496 = scf.for %scan3A_507 = %scan3A_492 to %scan3A_494 step %scan3A_495 iter_args(%scan3A_508 = %broadcast_in_dim3A_491) -> (vector<16xf32>)  : i32 {
        %mul3A_509 = arith.constant 16 : i32
        %mul3A_510 = arith.muli %scan3A_488, %mul3A_509 : i32
        %add3A_511 = arith.addi %mul3A_510, %scan3A_507 : i32
        %get3A = arith.index_cast %add3A_511 : i32 to index
        %get3A_512 = arith.constant 0 : index
        %get3A_513 = tpu.vector_load %arg11[%get3A, %get3A_512] {strides = array<i32>} : memref<64x128xf32, #tpu.memory_space<vmem>>, vector<1x16xf32>,
        %get3A_514 = vector.shape_cast %get3A_513 : vector<1x16xf32> to vector<16xf32>
        %eq3A_515 = vector.broadcast %scan3A_507 : i32 to vector<16xi32>
        %eq3A_516 = arith.cmpi eq, %iota3A, %eq3A_515 : vector<16xi32>
        %slice3A = vector.extract_strided_slice %get3A_514 {offsets = [0], sizes = [1], strides = [1]} : vector<16xf32> to vector<1xf32>
        %squeeze3A = vector.extract %slice3A[0] : f32 from vector<1xf32>
        %broadcast_in_dim3A_517 = vector.broadcast %squeeze3A : f32 to vector<16xf32>
        %select_n3A_518 = arith.select %eq3A_516, %broadcast_in_dim3A_517, %scan3A_508 : vector<16xi1>, vector<16xf32>
        scf.yield %select_n3A_518 : vector<16xf32>
      }
      %scan3A_497 = arith.constant 16 : i32
      %mul3A_498 = arith.constant 16 : i32
      %mul3A_499 = arith.muli %scan3A_488, %mul3A_498 : i32
      %add3A_500 = arith.constant 192 : i32
      %add3A_501 = arith.addi %add3A_500, %mul3A_499 : i32
      %swap3A_502 = arith.index_cast %add3A_501 : i32 to index
      %swap3A_503 = tpu.vector_load %arg12[%swap3A_502] {strides = array<i32>} : memref<512xf32, #tpu.memory_space<vmem>>, vector<16xf32>,
      %swap3A_504 = vector.shape_cast %swap3A_503 : vector<16xf32> to vector<16xf32>
      %swap3A_505 = vector.shape_cast %scan3A_496 : vector<16xf32> to vector<16xf32>
      tpu.vector_store %arg12[%swap3A_502], %swap3A_505 {strides = array<i32>} : memref<512xf32, #tpu.memory_space<vmem>>, vector<16xf32>,
      %scan3A_506 = arith.constant 0 : i32
      scf.yield %scan3A_506 : i32
    }
    %scan3A_438 = arith.constant 4 : i32
    %mul3A_439 = arith.constant 512 : i32
    %mul3A_440 = arith.muli %arg1, %mul3A_439 : i32
    %add3A_441 = arith.constant 256 : i32
    %add3A_442 = arith.addi %mul3A_440, %add3A_441 : i32
    "tpu.region"() ({
      %run_scoped3A = tpu.sem_alloc : memref<!tpu.dma_semaphore, #tpu.memory_space<semaphore_mem>>
      %dma_start3A_488 = arith.constant 0 : i32
      %dma_start3A_489 = tpu.memref_slice %arg13[%add3A_442, %dma_start3A_488] : memref<8320x128xf32, #tpu.memory_space<vmem_shared>> -> memref<64x128xf32, #tpu.memory_space<vmem_shared>>
      %dma_start3A_490 = arith.constant 0 : i32
      %dma_start3A_491 = tpu.memref_slice %arg13[%add3A_442, %dma_start3A_490] : memref<8320x128xf32, #tpu.memory_space<vmem_shared>> -> memref<64x128xf32, #tpu.memory_space<vmem_shared>>
      tpu.enqueue_dma source(%dma_start3A_491 : memref<64x128xf32, #tpu.memory_space<vmem_shared>>) target(%arg11 : memref<64x128xf32, #tpu.memory_space<vmem>>) target_semaphore(%run_scoped3A : memref<!tpu.dma_semaphore, #tpu.memory_space<semaphore_mem>>)
      %dma_wait3A_492 = arith.constant 0 : i32
      %dma_wait3A_493 = tpu.memref_slice %arg13[%add3A_442, %dma_wait3A_492] : memref<8320x128xf32, #tpu.memory_space<vmem_shared>> -> memref<64x128xf32, #tpu.memory_space<vmem_shared>>
      %dma_wait3A_494 = arith.constant 0 : i32
      %dma_wait3A_495 = tpu.memref_slice %arg13[%add3A_442, %dma_wait3A_494] : memref<8320x128xf32, #tpu.memory_space<vmem_shared>> -> memref<64x128xf32, #tpu.memory_space<vmem_shared>>
      tpu.wait_dma2 semaphore(%run_scoped3A : memref<!tpu.dma_semaphore, #tpu.memory_space<semaphore_mem>>) src(%dma_wait3A_495 : memref<64x128xf32, #tpu.memory_space<vmem_shared>>) dst(%arg11 : memref<64x128xf32, #tpu.memory_space<vmem>>)
      tpu.yield
    }) : () -> ()
    %scan3A_443 = arith.constant 0 : i32
    %scan3A_444 = arith.constant 0 : i32
    %scan3A_445 = arith.constant 4 : i32
    %scan3A_446 = arith.addi %scan3A_444, %scan3A_445 : i32
    %scan3A_447 = arith.constant 1 : i32
    %scan3A_448 = scf.for %scan3A_488 = %scan3A_444 to %scan3A_446 step %scan3A_447 iter_args(%scan3A_489 = %scan3A_443) -> (i32)  : i32 {
      %broadcast_in_dim3A_490 = arith.constant 0.000000e+00 : f32
      %broadcast_in_dim3A_491 = vector.broadcast %broadcast_in_dim3A_490 : f32 to vector<16xf32>
      %scan3A_492 = arith.constant 0 : i32
      %scan3A_493 = arith.constant 16 : i32
      %scan3A_494 = arith.addi %scan3A_492, %scan3A_493 : i32
      %scan3A_495 = arith.constant 1 : i32
      %scan3A_496 = scf.for %scan3A_507 = %scan3A_492 to %scan3A_494 step %scan3A_495 iter_args(%scan3A_508 = %broadcast_in_dim3A_491) -> (vector<16xf32>)  : i32 {
        %mul3A_509 = arith.constant 16 : i32
        %mul3A_510 = arith.muli %scan3A_488, %mul3A_509 : i32
        %add3A_511 = arith.addi %mul3A_510, %scan3A_507 : i32
        %get3A = arith.index_cast %add3A_511 : i32 to index
        %get3A_512 = arith.constant 0 : index
        %get3A_513 = tpu.vector_load %arg11[%get3A, %get3A_512] {strides = array<i32>} : memref<64x128xf32, #tpu.memory_space<vmem>>, vector<1x16xf32>,
        %get3A_514 = vector.shape_cast %get3A_513 : vector<1x16xf32> to vector<16xf32>
        %eq3A_515 = vector.broadcast %scan3A_507 : i32 to vector<16xi32>
        %eq3A_516 = arith.cmpi eq, %iota3A, %eq3A_515 : vector<16xi32>
        %slice3A = vector.extract_strided_slice %get3A_514 {offsets = [0], sizes = [1], strides = [1]} : vector<16xf32> to vector<1xf32>
        %squeeze3A = vector.extract %slice3A[0] : f32 from vector<1xf32>
        %broadcast_in_dim3A_517 = vector.broadcast %squeeze3A : f32 to vector<16xf32>
        %select_n3A_518 = arith.select %eq3A_516, %broadcast_in_dim3A_517, %scan3A_508 : vector<16xi1>, vector<16xf32>
        scf.yield %select_n3A_518 : vector<16xf32>
      }
      %scan3A_497 = arith.constant 16 : i32
      %mul3A_498 = arith.constant 16 : i32
      %mul3A_499 = arith.muli %scan3A_488, %mul3A_498 : i32
      %add3A_500 = arith.constant 256 : i32
      %add3A_501 = arith.addi %add3A_500, %mul3A_499 : i32
      %swap3A_502 = arith.index_cast %add3A_501 : i32 to index
      %swap3A_503 = tpu.vector_load %arg12[%swap3A_502] {strides = array<i32>} : memref<512xf32, #tpu.memory_space<vmem>>, vector<16xf32>,
      %swap3A_504 = vector.shape_cast %swap3A_503 : vector<16xf32> to vector<16xf32>
      %swap3A_505 = vector.shape_cast %scan3A_496 : vector<16xf32> to vector<16xf32>
      tpu.vector_store %arg12[%swap3A_502], %swap3A_505 {strides = array<i32>} : memref<512xf32, #tpu.memory_space<vmem>>, vector<16xf32>,
      %scan3A_506 = arith.constant 0 : i32
      scf.yield %scan3A_506 : i32
    }
    %scan3A_449 = arith.constant 4 : i32
    %mul3A_450 = arith.constant 512 : i32
    %mul3A_451 = arith.muli %arg1, %mul3A_450 : i32
    %add3A_452 = arith.constant 320 : i32
    %add3A_453 = arith.addi %mul3A_451, %add3A_452 : i32
    "tpu.region"() ({
      %run_scoped3A = tpu.sem_alloc : memref<!tpu.dma_semaphore, #tpu.memory_space<semaphore_mem>>
      %dma_start3A_488 = arith.constant 0 : i32
      %dma_start3A_489 = tpu.memref_slice %arg13[%add3A_453, %dma_start3A_488] : memref<8320x128xf32, #tpu.memory_space<vmem_shared>> -> memref<64x128xf32, #tpu.memory_space<vmem_shared>>
      %dma_start3A_490 = arith.constant 0 : i32
      %dma_start3A_491 = tpu.memref_slice %arg13[%add3A_453, %dma_start3A_490] : memref<8320x128xf32, #tpu.memory_space<vmem_shared>> -> memref<64x128xf32, #tpu.memory_space<vmem_shared>>
      tpu.enqueue_dma source(%dma_start3A_491 : memref<64x128xf32, #tpu.memory_space<vmem_shared>>) target(%arg11 : memref<64x128xf32, #tpu.memory_space<vmem>>) target_semaphore(%run_scoped3A : memref<!tpu.dma_semaphore, #tpu.memory_space<semaphore_mem>>)
      %dma_wait3A_492 = arith.constant 0 : i32
      %dma_wait3A_493 = tpu.memref_slice %arg13[%add3A_453, %dma_wait3A_492] : memref<8320x128xf32, #tpu.memory_space<vmem_shared>> -> memref<64x128xf32, #tpu.memory_space<vmem_shared>>
      %dma_wait3A_494 = arith.constant 0 : i32
      %dma_wait3A_495 = tpu.memref_slice %arg13[%add3A_453, %dma_wait3A_494] : memref<8320x128xf32, #tpu.memory_space<vmem_shared>> -> memref<64x128xf32, #tpu.memory_space<vmem_shared>>
      tpu.wait_dma2 semaphore(%run_scoped3A : memref<!tpu.dma_semaphore, #tpu.memory_space<semaphore_mem>>) src(%dma_wait3A_495 : memref<64x128xf32, #tpu.memory_space<vmem_shared>>) dst(%arg11 : memref<64x128xf32, #tpu.memory_space<vmem>>)
      tpu.yield
    }) : () -> ()
    %scan3A_454 = arith.constant 0 : i32
    %scan3A_455 = arith.constant 0 : i32
    %scan3A_456 = arith.constant 4 : i32
    %scan3A_457 = arith.addi %scan3A_455, %scan3A_456 : i32
    %scan3A_458 = arith.constant 1 : i32
    %scan3A_459 = scf.for %scan3A_488 = %scan3A_455 to %scan3A_457 step %scan3A_458 iter_args(%scan3A_489 = %scan3A_454) -> (i32)  : i32 {
      %broadcast_in_dim3A_490 = arith.constant 0.000000e+00 : f32
      %broadcast_in_dim3A_491 = vector.broadcast %broadcast_in_dim3A_490 : f32 to vector<16xf32>
      %scan3A_492 = arith.constant 0 : i32
      %scan3A_493 = arith.constant 16 : i32
      %scan3A_494 = arith.addi %scan3A_492, %scan3A_493 : i32
      %scan3A_495 = arith.constant 1 : i32
      %scan3A_496 = scf.for %scan3A_507 = %scan3A_492 to %scan3A_494 step %scan3A_495 iter_args(%scan3A_508 = %broadcast_in_dim3A_491) -> (vector<16xf32>)  : i32 {
        %mul3A_509 = arith.constant 16 : i32
        %mul3A_510 = arith.muli %scan3A_488, %mul3A_509 : i32
        %add3A_511 = arith.addi %mul3A_510, %scan3A_507 : i32
        %get3A = arith.index_cast %add3A_511 : i32 to index
        %get3A_512 = arith.constant 0 : index
        %get3A_513 = tpu.vector_load %arg11[%get3A, %get3A_512] {strides = array<i32>} : memref<64x128xf32, #tpu.memory_space<vmem>>, vector<1x16xf32>,
        %get3A_514 = vector.shape_cast %get3A_513 : vector<1x16xf32> to vector<16xf32>
        %eq3A_515 = vector.broadcast %scan3A_507 : i32 to vector<16xi32>
        %eq3A_516 = arith.cmpi eq, %iota3A, %eq3A_515 : vector<16xi32>
        %slice3A = vector.extract_strided_slice %get3A_514 {offsets = [0], sizes = [1], strides = [1]} : vector<16xf32> to vector<1xf32>
        %squeeze3A = vector.extract %slice3A[0] : f32 from vector<1xf32>
        %broadcast_in_dim3A_517 = vector.broadcast %squeeze3A : f32 to vector<16xf32>
        %select_n3A_518 = arith.select %eq3A_516, %broadcast_in_dim3A_517, %scan3A_508 : vector<16xi1>, vector<16xf32>
        scf.yield %select_n3A_518 : vector<16xf32>
      }
      %scan3A_497 = arith.constant 16 : i32
      %mul3A_498 = arith.constant 16 : i32
      %mul3A_499 = arith.muli %scan3A_488, %mul3A_498 : i32
      %add3A_500 = arith.constant 320 : i32
      %add3A_501 = arith.addi %add3A_500, %mul3A_499 : i32
      %swap3A_502 = arith.index_cast %add3A_501 : i32 to index
      %swap3A_503 = tpu.vector_load %arg12[%swap3A_502] {strides = array<i32>} : memref<512xf32, #tpu.memory_space<vmem>>, vector<16xf32>,
      %swap3A_504 = vector.shape_cast %swap3A_503 : vector<16xf32> to vector<16xf32>
      %swap3A_505 = vector.shape_cast %scan3A_496 : vector<16xf32> to vector<16xf32>
      tpu.vector_store %arg12[%swap3A_502], %swap3A_505 {strides = array<i32>} : memref<512xf32, #tpu.memory_space<vmem>>, vector<16xf32>,
      %scan3A_506 = arith.constant 0 : i32
      scf.yield %scan3A_506 : i32
    }
    %scan3A_460 = arith.constant 4 : i32
    %mul3A_461 = arith.constant 512 : i32
    %mul3A_462 = arith.muli %arg1, %mul3A_461 : i32
    %add3A_463 = arith.constant 384 : i32
    %add3A_464 = arith.addi %mul3A_462, %add3A_463 : i32
    "tpu.region"() ({
      %run_scoped3A = tpu.sem_alloc : memref<!tpu.dma_semaphore, #tpu.memory_space<semaphore_mem>>
      %dma_start3A_488 = arith.constant 0 : i32
      %dma_start3A_489 = tpu.memref_slice %arg13[%add3A_464, %dma_start3A_488] : memref<8320x128xf32, #tpu.memory_space<vmem_shared>> -> memref<64x128xf32, #tpu.memory_space<vmem_shared>>
      %dma_start3A_490 = arith.constant 0 : i32
      %dma_start3A_491 = tpu.memref_slice %arg13[%add3A_464, %dma_start3A_490] : memref<8320x128xf32, #tpu.memory_space<vmem_shared>> -> memref<64x128xf32, #tpu.memory_space<vmem_shared>>
      tpu.enqueue_dma source(%dma_start3A_491 : memref<64x128xf32, #tpu.memory_space<vmem_shared>>) target(%arg11 : memref<64x128xf32, #tpu.memory_space<vmem>>) target_semaphore(%run_scoped3A : memref<!tpu.dma_semaphore, #tpu.memory_space<semaphore_mem>>)
      %dma_wait3A_492 = arith.constant 0 : i32
      %dma_wait3A_493 = tpu.memref_slice %arg13[%add3A_464, %dma_wait3A_492] : memref<8320x128xf32, #tpu.memory_space<vmem_shared>> -> memref<64x128xf32, #tpu.memory_space<vmem_shared>>
      %dma_wait3A_494 = arith.constant 0 : i32
      %dma_wait3A_495 = tpu.memref_slice %arg13[%add3A_464, %dma_wait3A_494] : memref<8320x128xf32, #tpu.memory_space<vmem_shared>> -> memref<64x128xf32, #tpu.memory_space<vmem_shared>>
      tpu.wait_dma2 semaphore(%run_scoped3A : memref<!tpu.dma_semaphore, #tpu.memory_space<semaphore_mem>>) src(%dma_wait3A_495 : memref<64x128xf32, #tpu.memory_space<vmem_shared>>) dst(%arg11 : memref<64x128xf32, #tpu.memory_space<vmem>>)
      tpu.yield
    }) : () -> ()
    %scan3A_465 = arith.constant 0 : i32
    %scan3A_466 = arith.constant 0 : i32
    %scan3A_467 = arith.constant 4 : i32
    %scan3A_468 = arith.addi %scan3A_466, %scan3A_467 : i32
    %scan3A_469 = arith.constant 1 : i32
    %scan3A_470 = scf.for %scan3A_488 = %scan3A_466 to %scan3A_468 step %scan3A_469 iter_args(%scan3A_489 = %scan3A_465) -> (i32)  : i32 {
      %broadcast_in_dim3A_490 = arith.constant 0.000000e+00 : f32
      %broadcast_in_dim3A_491 = vector.broadcast %broadcast_in_dim3A_490 : f32 to vector<16xf32>
      %scan3A_492 = arith.constant 0 : i32
      %scan3A_493 = arith.constant 16 : i32
      %scan3A_494 = arith.addi %scan3A_492, %scan3A_493 : i32
      %scan3A_495 = arith.constant 1 : i32
      %scan3A_496 = scf.for %scan3A_507 = %scan3A_492 to %scan3A_494 step %scan3A_495 iter_args(%scan3A_508 = %broadcast_in_dim3A_491) -> (vector<16xf32>)  : i32 {
        %mul3A_509 = arith.constant 16 : i32
        %mul3A_510 = arith.muli %scan3A_488, %mul3A_509 : i32
        %add3A_511 = arith.addi %mul3A_510, %scan3A_507 : i32
        %get3A = arith.index_cast %add3A_511 : i32 to index
        %get3A_512 = arith.constant 0 : index
        %get3A_513 = tpu.vector_load %arg11[%get3A, %get3A_512] {strides = array<i32>} : memref<64x128xf32, #tpu.memory_space<vmem>>, vector<1x16xf32>,
        %get3A_514 = vector.shape_cast %get3A_513 : vector<1x16xf32> to vector<16xf32>
        %eq3A_515 = vector.broadcast %scan3A_507 : i32 to vector<16xi32>
        %eq3A_516 = arith.cmpi eq, %iota3A, %eq3A_515 : vector<16xi32>
        %slice3A = vector.extract_strided_slice %get3A_514 {offsets = [0], sizes = [1], strides = [1]} : vector<16xf32> to vector<1xf32>
        %squeeze3A = vector.extract %slice3A[0] : f32 from vector<1xf32>
        %broadcast_in_dim3A_517 = vector.broadcast %squeeze3A : f32 to vector<16xf32>
        %select_n3A_518 = arith.select %eq3A_516, %broadcast_in_dim3A_517, %scan3A_508 : vector<16xi1>, vector<16xf32>
        scf.yield %select_n3A_518 : vector<16xf32>
      }
      %scan3A_497 = arith.constant 16 : i32
      %mul3A_498 = arith.constant 16 : i32
      %mul3A_499 = arith.muli %scan3A_488, %mul3A_498 : i32
      %add3A_500 = arith.constant 384 : i32
      %add3A_501 = arith.addi %add3A_500, %mul3A_499 : i32
      %swap3A_502 = arith.index_cast %add3A_501 : i32 to index
      %swap3A_503 = tpu.vector_load %arg12[%swap3A_502] {strides = array<i32>} : memref<512xf32, #tpu.memory_space<vmem>>, vector<16xf32>,
      %swap3A_504 = vector.shape_cast %swap3A_503 : vector<16xf32> to vector<16xf32>
      %swap3A_505 = vector.shape_cast %scan3A_496 : vector<16xf32> to vector<16xf32>
      tpu.vector_store %arg12[%swap3A_502], %swap3A_505 {strides = array<i32>} : memref<512xf32, #tpu.memory_space<vmem>>, vector<16xf32>,
      %scan3A_506 = arith.constant 0 : i32
      scf.yield %scan3A_506 : i32
    }
    %scan3A_471 = arith.constant 4 : i32
    %mul3A_472 = arith.constant 512 : i32
    %mul3A_473 = arith.muli %arg1, %mul3A_472 : i32
    %add3A_474 = arith.constant 448 : i32
    %add3A_475 = arith.addi %mul3A_473, %add3A_474 : i32
    "tpu.region"() ({
      %run_scoped3A = tpu.sem_alloc : memref<!tpu.dma_semaphore, #tpu.memory_space<semaphore_mem>>
      %dma_start3A_488 = arith.constant 0 : i32
      %dma_start3A_489 = tpu.memref_slice %arg13[%add3A_475, %dma_start3A_488] : memref<8320x128xf32, #tpu.memory_space<vmem_shared>> -> memref<64x128xf32, #tpu.memory_space<vmem_shared>>
      %dma_start3A_490 = arith.constant 0 : i32
      %dma_start3A_491 = tpu.memref_slice %arg13[%add3A_475, %dma_start3A_490] : memref<8320x128xf32, #tpu.memory_space<vmem_shared>> -> memref<64x128xf32, #tpu.memory_space<vmem_shared>>
      tpu.enqueue_dma source(%dma_start3A_491 : memref<64x128xf32, #tpu.memory_space<vmem_shared>>) target(%arg11 : memref<64x128xf32, #tpu.memory_space<vmem>>) target_semaphore(%run_scoped3A : memref<!tpu.dma_semaphore, #tpu.memory_space<semaphore_mem>>)
      %dma_wait3A_492 = arith.constant 0 : i32
      %dma_wait3A_493 = tpu.memref_slice %arg13[%add3A_475, %dma_wait3A_492] : memref<8320x128xf32, #tpu.memory_space<vmem_shared>> -> memref<64x128xf32, #tpu.memory_space<vmem_shared>>
      %dma_wait3A_494 = arith.constant 0 : i32
      %dma_wait3A_495 = tpu.memref_slice %arg13[%add3A_475, %dma_wait3A_494] : memref<8320x128xf32, #tpu.memory_space<vmem_shared>> -> memref<64x128xf32, #tpu.memory_space<vmem_shared>>
      tpu.wait_dma2 semaphore(%run_scoped3A : memref<!tpu.dma_semaphore, #tpu.memory_space<semaphore_mem>>) src(%dma_wait3A_495 : memref<64x128xf32, #tpu.memory_space<vmem_shared>>) dst(%arg11 : memref<64x128xf32, #tpu.memory_space<vmem>>)
      tpu.yield
    }) : () -> ()
    %scan3A_476 = arith.constant 0 : i32
    %scan3A_477 = arith.constant 0 : i32
    %scan3A_478 = arith.constant 4 : i32
    %scan3A_479 = arith.addi %scan3A_477, %scan3A_478 : i32
    %scan3A_480 = arith.constant 1 : i32
    %scan3A_481 = scf.for %scan3A_488 = %scan3A_477 to %scan3A_479 step %scan3A_480 iter_args(%scan3A_489 = %scan3A_476) -> (i32)  : i32 {
      %broadcast_in_dim3A_490 = arith.constant 0.000000e+00 : f32
      %broadcast_in_dim3A_491 = vector.broadcast %broadcast_in_dim3A_490 : f32 to vector<16xf32>
      %scan3A_492 = arith.constant 0 : i32
      %scan3A_493 = arith.constant 16 : i32
      %scan3A_494 = arith.addi %scan3A_492, %scan3A_493 : i32
      %scan3A_495 = arith.constant 1 : i32
      %scan3A_496 = scf.for %scan3A_507 = %scan3A_492 to %scan3A_494 step %scan3A_495 iter_args(%scan3A_508 = %broadcast_in_dim3A_491) -> (vector<16xf32>)  : i32 {
        %mul3A_509 = arith.constant 16 : i32
        %mul3A_510 = arith.muli %scan3A_488, %mul3A_509 : i32
        %add3A_511 = arith.addi %mul3A_510, %scan3A_507 : i32
        %get3A = arith.index_cast %add3A_511 : i32 to index
        %get3A_512 = arith.constant 0 : index
        %get3A_513 = tpu.vector_load %arg11[%get3A, %get3A_512] {strides = array<i32>} : memref<64x128xf32, #tpu.memory_space<vmem>>, vector<1x16xf32>,
        %get3A_514 = vector.shape_cast %get3A_513 : vector<1x16xf32> to vector<16xf32>
        %eq3A_515 = vector.broadcast %scan3A_507 : i32 to vector<16xi32>
        %eq3A_516 = arith.cmpi eq, %iota3A, %eq3A_515 : vector<16xi32>
        %slice3A = vector.extract_strided_slice %get3A_514 {offsets = [0], sizes = [1], strides = [1]} : vector<16xf32> to vector<1xf32>
        %squeeze3A = vector.extract %slice3A[0] : f32 from vector<1xf32>
        %broadcast_in_dim3A_517 = vector.broadcast %squeeze3A : f32 to vector<16xf32>
        %select_n3A_518 = arith.select %eq3A_516, %broadcast_in_dim3A_517, %scan3A_508 : vector<16xi1>, vector<16xf32>
        scf.yield %select_n3A_518 : vector<16xf32>
      }
      %scan3A_497 = arith.constant 16 : i32
      %mul3A_498 = arith.constant 16 : i32
      %mul3A_499 = arith.muli %scan3A_488, %mul3A_498 : i32
      %add3A_500 = arith.constant 448 : i32
      %add3A_501 = arith.addi %add3A_500, %mul3A_499 : i32
      %swap3A_502 = arith.index_cast %add3A_501 : i32 to index
      %swap3A_503 = tpu.vector_load %arg12[%swap3A_502] {strides = array<i32>} : memref<512xf32, #tpu.memory_space<vmem>>, vector<16xf32>,
      %swap3A_504 = vector.shape_cast %swap3A_503 : vector<16xf32> to vector<16xf32>
      %swap3A_505 = vector.shape_cast %scan3A_496 : vector<16xf32> to vector<16xf32>
      tpu.vector_store %arg12[%swap3A_502], %swap3A_505 {strides = array<i32>} : memref<512xf32, #tpu.memory_space<vmem>>, vector<16xf32>,
      %scan3A_506 = arith.constant 0 : i32
      scf.yield %scan3A_506 : i32
    }
    %scan3A_482 = arith.constant 4 : i32
    %mul3A_483 = arith.constant 8192 : i32
    %mul3A_484 = arith.muli %arg0, %mul3A_483 : i32
    %mul3A_485 = arith.constant 512 : i32
    %mul3A_486 = arith.muli %arg1, %mul3A_485 : i32
    %add3A_487 = arith.addi %mul3A_484, %mul3A_486 : i32
    "tpu.region"() ({
      %run_scoped3A = tpu.sem_alloc : memref<!tpu.dma_semaphore, #tpu.memory_space<semaphore_mem>>
      %dma_start3A_488 = tpu.memref_slice %arg5[%add3A_487] : memref<16384xf32, #tpu.memory_space<hbm>> -> memref<512xf32, #tpu.memory_space<hbm>>
      %dma_start3A_489 = tpu.memref_slice %arg5[%add3A_487] : memref<16384xf32, #tpu.memory_space<hbm>> -> memref<512xf32, #tpu.memory_space<hbm>>
      tpu.enqueue_dma source(%arg12 : memref<512xf32, #tpu.memory_space<vmem>>) target(%dma_start3A_489 : memref<512xf32, #tpu.memory_space<hbm>>) target_semaphore(%run_scoped3A : memref<!tpu.dma_semaphore, #tpu.memory_space<semaphore_mem>>)
      %dma_wait3A_490 = tpu.memref_slice %arg5[%add3A_487] : memref<16384xf32, #tpu.memory_space<hbm>> -> memref<512xf32, #tpu.memory_space<hbm>>
      %dma_wait3A_491 = tpu.memref_slice %arg5[%add3A_487] : memref<16384xf32, #tpu.memory_space<hbm>> -> memref<512xf32, #tpu.memory_space<hbm>>
      tpu.wait_dma2 semaphore(%run_scoped3A : memref<!tpu.dma_semaphore, #tpu.memory_space<semaphore_mem>>) src(%arg12 : memref<512xf32, #tpu.memory_space<vmem>>) dst(%dma_wait3A_491 : memref<512xf32, #tpu.memory_space<hbm>>)
      tpu.yield
    }) : () -> ()
    return
  }
}

module attributes {stable_mosaic.version = 14 : i64} {
  func.func @_blend_kernel(%arg0: memref<16384xf32, #tpu.memory_space<vmem>>, %arg1: memref<8192xf32, #tpu.memory_space<vmem>>, %arg2: memref<8192xf32, #tpu.memory_space<vmem>>) attributes {dimension_semantics = [], scalar_prefetch = 0 : i64, scratch_operands = 0 : i64, tpu.core_type = #tpu.core_type<tc>} {
    %get3A = arith.constant 0 : index
    %get3A_0 = vector.load %arg0[%get3A] : memref<16384xf32, #tpu.memory_space<vmem>>, vector<8192xf32>
    %get3A_1 = arith.constant 8192 : index
    %get3A_2 = vector.load %arg0[%get3A_1] : memref<16384xf32, #tpu.memory_space<vmem>>, vector<8192xf32>
    %add3A = arith.addf %get3A_0, %get3A_2 : vector<8192xf32>
    %get3A_3 = arith.constant 0 : index
    %get3A_4 = vector.load %arg1[%get3A_3] : memref<8192xf32, #tpu.memory_space<vmem>>, vector<8192xf32>
    %mul3A = arith.constant 9.990000e-01 : f32
    %mul3A_5 = vector.broadcast %mul3A : f32 to vector<8192xf32>
    %mul3A_6 = arith.mulf %mul3A_5, %get3A_4 : vector<8192xf32>
    %mul3A_7 = arith.constant 2.44140637E-7 : f32
    %mul3A_8 = vector.broadcast %mul3A_7 : f32 to vector<8192xf32>
    %mul3A_9 = arith.mulf %mul3A_8, %add3A : vector<8192xf32>
    %add3A_10 = arith.addf %mul3A_6, %mul3A_9 : vector<8192xf32>
    %swap3A = arith.constant 0 : index
    %swap3A_11 = vector.load %arg2[%swap3A] : memref<8192xf32, #tpu.memory_space<vmem>>, vector<8192xf32>
    tpu.vector_store %arg2[%swap3A], %add3A_10 {strides = array<i32>} : memref<8192xf32, #tpu.memory_space<vmem>>, vector<8192xf32>,
    return
  }
}

</mosaic_0001>

<sc_bundles>
// kernel: kernel.4.cloned.1.call-start
scs
__scs_entry_jumppad:
0x0: {  	(pc) =	sbr.rel $0x88, $3  }
0x1: {  	(tag) =	ssettag $0x0;
	lr =	simm.s32 $0x1  }
0x2: {  	[smem:$0x3F9F] =	sst lr;
	_ =	strace $0xD0000000  }
0x3: {  	_ = 	snop  }
0x4: {  	_ = 	snop  }
0x5: {  	_ = 	snop  }
0x6: {  	_ = 	snop  }
0x7: {  	_ = 	snop  }
__scs_overlays_trampoline_lowered:
0x8: {  	[smem:$0x3FAE] =	sst s0  }
0x9: {  	[smem:$0x3FAF] =	sst s1  }
0xa: {  	[smem:$0x3FB0] =	sst s2  }
0xb: {  	[smem:$0x3FB1] =	sst s3  }
0xc: {  	[smem:$0x3FB2] =	sst s4  }
0xd: {  	[smem:$0x3FB3] =	sst s5  }
0xe: {  	[smem:$0x3FB4] =	sst s6  }
0xf: {  	[smem:$0x3FB5] =	sst s7  }
0x10: {  	[smem:$0x3FB6] =	sst s8  }
0x11: {  	[smem:$0x3FB7] =	sst s9;
	s0 =	simm.s32 @!p0 $0x0  }
0x12: {  	s1 =	sld [smem:$0x3F9D];
	s0 =	simm.s32 @p0 $0x1  }
0x13: {  	[smem:$0x3FB8] =	sst s0;
	s0 =	simm.s32 @!p1 $0x0  }
0x14: {  	s2 =	sld [smem:$0x3F9C];
	s0 =	simm.s32 @p1 $0x1  }
0x15: {  	[smem:$0x3FB9] =	sst s0;
	s0 =	simm.s32 @!p2 $0x0  }
0x16: {  	s3 =	sld [smem:$0x3FDB];
	s0 =	simm.s32 @p2 $0x1  }
0x17: {  	s4 =	simm.s32 $0x1BF5;
	[smem:$0x3FBB] =	sst s0  }
0x18: {  	s0 =	sld [smem:$0x3F9E];
	_ =	swait.ge [sflag:s4], $0x0  }
0x19: {  	s7 =	sld [smem:$0x3F9F]  }
0x1a: {  	s8 =	sadd.s32 $0xFFFFE003, lr  }
0x1b: {  	s9 =	sadd.s32 $0xFFFFFEF7, lr;
	s5 =	simm.s32 $0xFFFFFFFF;
	p2 =	slt.u32 s8, $0xFFFFF086  }
0x1c: {  	p1 =	slt.u32 s9, $0xF7A;
	s5 =	simm.s32 @!p2 $0x0  }
0x1d: {  	s5 =	simm.s32 @p1 $0x1;
	p0 =	seq.s32 s7, s2  }
0x1e: {  	s7 =	smul.u32 @!p0 $0xF7A, s2;
	p2 =	seq.s32 @!p0 s5, $0x0  }
0x1f: {  	s9 =	smul.u32 $0xF7A, s1;
	s8 =	simm.s32 @!p0 $0x1BF5;
	p2 =	por !p2, p0  }
0x20: {  	[sflag:s8] =	ssyncset.s32 @!p0 $0xFFFFF086;
	s6 =	sadd.s32 @!p0 s3, s7;
	s7 =	simm.s32 @!p0 $0x108  }
0x21: {  	s3 =	sadd.s32 s3, s9;
	s6 =	sadd.s32 @!p0 $0x88, s6;
	s7 =	simm.s32 @p2 $0x1082  }
0x22: {  	[simem:s7], [sflag:s8] =	dma.local @!p0 [hbm:s6], $0xF7A  }
0x23: {  	s9 =	sor.u32 $0xD0000000, s2;
	s6 =	simm.s32 $0x108;
	_ =	swait.ge @!p0 [sflag:s8], $0x0  }
0x24: {  	s3 =	sadd.s32 $0x88, s3;
	s6 =	simm.s32 @!p1 $0x1082;
	[sflag:s4] =	ssyncset.s32 $0xFFFFF086  }
0x25: {  	[simem:s6], [sflag:s4] =	dma.local [hbm:s3], $0xF7A  }
0x26: {  	[smem:$0x3F9F] =	sst s1;
	(tag) =	ssettag s2;
	_ =	strace s9  }
0x27: {  	s1 =	sld [smem:$0x3FAF]  }
0x28: {  	s2 =	sld [smem:$0x3FB0]  }
0x29: {  	s4 =	sld [smem:$0x3FB2]  }
0x2a: {  	p0 =	seq.s32 s5, $0x0;
	s5 =	sld [smem:$0x3FB3]  }
0x2b: {  	s6 =	sld [smem:$0x3FB4]  }
0x2c: {  	s7 =	sld [smem:$0x3FB5]  }
0x2d: {  	s3 =	simm.s32 $0x108;
	s8 =	sld [smem:$0x3FB6]  }
0x2e: {  	s3 =	simm.s32 @!p0 $0x1082;
	s9 =	sld [smem:$0x3FB7]  }
0x2f: {  	lr =	sadd.s32 s0, s3;
	s0 =	sld [smem:$0x3FAE]  }
0x30: {  	s3 =	sld [smem:$0x3FB1]  }
0x31: {  	[smem:$0x3FBA] =	sst s10  }
0x32: {  	s10 =	sld [smem:$0x3FB8];
	_ =	sdelay $0x3  }
0x33: {  	p0 =	seq.s32 s10, $0x1;
	s10 =	sld [smem:$0x3FBA];
	_ =	sdelay $0x3  }
0x34: {  	[smem:$0x3FBA] =	sst s10  }
0x35: {  	s10 =	sld [smem:$0x3FB9];
	_ =	sdelay $0x3  }
0x36: {  	p1 =	seq.s32 s10, $0x1;
	s10 =	sld [smem:$0x3FBA];
	_ =	sdelay $0x3  }
0x37: {  	[smem:$0x3FBA] =	sst s10  }
0x38: {  	s10 =	sld [smem:$0x3FBB]  }
0x39: {  	_ = 	snop;
	(pc) =	sbr.ind lr, $3  }
0x3a: {  	_ = 	snop  }
0x3b: {  	_ = 	snop  }
0x3c: {  	p2 =	seq.s32 s10, $0x1;
	s10 =	sld [smem:$0x3FBA]  }
0x3d: {  	_ =	shalt  }
0x3e: {  	_ =	shalt  }
0x3f: {  	_ =	shalt  }
0x40: {  	_ =	shalt  }
0x41: {  	_ =	shalt  }
0x42: {  	_ =	shalt  }
0x43: {  	_ =	shalt  }
0x44: {  	_ =	shalt  }
0x45: {  	_ =	shalt  }
0x46: {  	_ =	shalt  }
0x47: {  	_ =	shalt  }
0x48: {  	_ =	shalt  }
0x49: {  	_ =	shalt  }
0x4a: {  	_ =	shalt  }
0x4b: {  	_ =	shalt  }
0x4c: {  	_ =	shalt  }
0x4d: {  	_ =	shalt  }
0x4e: {  	_ =	shalt  }
0x4f: {  	_ =	shalt  }
0x50: {  	_ =	shalt  }
0x51: {  	_ =	shalt  }
0x52: {  	_ =	shalt  }
0x53: {  	_ =	shalt  }
0x54: {  	_ =	shalt  }
0x55: {  	_ =	shalt  }
0x56: {  	_ =	shalt  }
0x57: {  	_ =	shalt  }
0x58: {  	_ =	shalt  }
0x59: {  	_ =	shalt  }
0x5a: {  	_ =	shalt  }
0x5b: {  	_ =	shalt  }
0x5c: {  	_ =	shalt  }
0x5d: {  	_ =	shalt  }
0x5e: {  	_ =	shalt  }
0x5f: {  	_ =	shalt  }
0x60: {  	_ =	shalt  }
0x61: {  	_ =	shalt  }
0x62: {  	_ =	shalt  }
0x63: {  	_ =	shalt  }
0x64: {  	_ =	shalt  }
0x65: {  	_ =	shalt  }
0x66: {  	_ =	shalt  }
0x67: {  	_ =	shalt  }
0x68: {  	_ =	shalt  }
0x69: {  	_ =	shalt  }
0x6a: {  	_ =	shalt  }
0x6b: {  	_ =	shalt  }
0x6c: {  	_ =	shalt  }
0x6d: {  	_ =	shalt  }
0x6e: {  	_ =	shalt  }
0x6f: {  	_ =	shalt  }
0x70: {  	_ =	shalt  }
0x71: {  	_ =	shalt  }
0x72: {  	_ =	shalt  }
0x73: {  	_ =	shalt  }
0x74: {  	_ =	shalt  }
0x75: {  	_ =	shalt  }
0x76: {  	_ =	shalt  }
0x77: {  	_ =	shalt  }
0x78: {  	_ =	shalt  }
0x79: {  	_ =	shalt  }
0x7a: {  	_ =	shalt  }
0x7b: {  	_ =	shalt  }
0x7c: {  	_ =	shalt  }
0x7d: {  	_ =	shalt  }
0x7e: {  	_ =	shalt  }
0x7f: {  	_ =	shalt  }
0x80: {  	_ =	shalt  }
0x81: {  	_ =	shalt  }
0x82: {  	_ =	shalt  }
0x83: {  	_ =	shalt  }
0x84: {  	_ =	shalt  }
0x85: {  	_ =	shalt  }
0x86: {  	_ =	shalt  }
0x87: {  	_ =	shalt  }
.Lfunc_end0:
.L_simem_size_0:
called_computation.2_lowered:
.L_overlay_start_0:
0x88: {  	s2 =	sld [smem:$0x3FD9]  }
0x89: {  	s3 =	sld [smem:$0x3FFE];
	_ =	sdelay $0x1  }
0x8a: {  	s1 =	srdreg.scid  }
0x8b: {  	s0 =	sand.u32 $0x1, s1  }
0x8c: {  	s16 =	sshll.u32 s0, $0xA;
	s2 =	sadd.s32 s3, s2  }
0x8d: {  	s2 =	sadd.s32 s2, s16  }
0x8e: {  	[smem:$0x3FC6] =	sst s2  }
0x8f: {  	_ = 	snop  }
0x90: {  	(tm) =	ssettm $0x1  }
0x91: {  	s17 =	sld [smem:$0x3FFB];
	_ =	sdelay $0x3  }
0x92: {  	_ =	strace s17  }
0x93: {  	s2 =	sld [smem:$0x3FFC];
	_ =	sdelay $0x3  }
0x94: {  	_ =	strace s2  }
0x95: {  	s2 =	sld [smem:$0x3FFD];
	_ =	sdelay $0x3  }
0x96: {  	_ =	strace s2  }
0x97: {  	_ =	strace $0x8FFFFFFF  }
0x98: {  	s18 =	sld [smem:$0x3FDB];
	_ =	sdelay $0x1  }
0x99: {  	s19 =	simm.s32 $_scs_section_size  }
0x9a: {  	s4 =	simm.s32 $_size__tile_overlayer_lowered;
	s5 =	simm.s32 $_tile_overlayer_lowered  }
0x9b: {  	s22 =	simm.s32 $0x1BFF;
	s21 =	sshll.u32 s5, $0x1;
	s2 =	sadd.s32 s19, s18  }
0x9c: {  	s6 =	simm.s32 $0x0;
	s20 =	sshll.u32 s4, $0x1;
	s4 =	sadd.s32 s21, s2  }
0x9d: {  	[timem:s6], [sflag:s22] =	dma.local [hbm:s4], s20  }
0x9e: {  	_ =	swait.ge [sflag:s22], s20  }
0x9f: {  	s3 =	ssub.s32 $0x0, s20;
	[sflag:s22] =	ssyncset.done $0x0  }
0xa0: {  	[sflag:s22] =	ssyncadd.s32 s3;
	_ =	sdelay $0x1  }
0xa1: {  	s23 =	simm.s32 $0x1B8B  }
0xa2: {  	_ =	swait.ge [sflag:s23], $0x1  }
0xa3: {  	[sflag:s23] =	ssyncset.done $0x0  }
0xa4: {  	s25 =	simm.s32 $0x1B8E;
	s24 =	sld [smem:$0x3FFE];
	[sflag:s23] =	ssyncadd.s32 $0xFFFFFFFF  }
0xa5: {  	s26 =	simm.s32 $execute0_lowered;
	[smem:$0x3FD2] =	sst s25  }
0xa6: {  	s4 =	sshll.u32 s26, $0x1;
	_ =	strace $0x8000004C;
	[dreg:$0x1] =	wrdreg $0xFFFFFFFF  }
0xa7: {  	s28 =	simm.s32 $_size_execute0_lowered;
	s2 =	sadd.s32 s2, s4;
	[dreg:$0x0] =	wrdreg $0x0  }
0xa8: {  	s4 =	sshll.u32 s28, $0x1;
	[dreg:$0x2] =	wrdreg s2  }
0xa9: {  	[dreg:$0x3] =	wrdreg s4  }
0xaa: {  	[dreg:$0x4] =	wrdreg $0xC0  }
0xab: {  	_ =	task [dreg:s6], $0x5FFFF  }
0xac: {  	[dreg:$0x1] =	wrdreg $0xFFFFFFFF  }
0xad: {  	[dreg:$0x0] =	wrdreg $0x60  }
0xae: {  	[dreg:$0x2] =	wrdreg s24  }
0xaf: {  	[dreg:$0x3] =	wrdreg $0xE3000  }
0xb0: {  	[dreg:$0x4] =	wrdreg $0x9  }
0xb1: {  	_ =	task.clear_ibuf [dreg:s6], $0x5FFFF;
	_ =	strace $0x9000004C  }
0xb2: {  	s29 =	simm.s32 $0x9;
	_ =	strace $0x8000004E  }
0xb3: {  	_ =	swait.ge [sflag:s29], $0x1  }
0xb4: {  	[sflag:s29] =	ssyncadd.s32 $0xFFFFFFFF  }
0xb5: {  	_ =	strace $0x9000004E  }
0xb6: {  	_ =	sfence  }
0xb7: {  	s30 =	sld [smem:$0x0];
	_ =	sdelay $0x2  }
0xb8: {  	s31 =	sshll.u32 s1, $0xD;
	s1 =	sshrl.u32 s1, $0x2  }
0xb9: {  	s3 =	sand.u32 $0x4000, s31;
	s1 =	sadd.s32 s1, s30  }
0xba: {  	s0 =	sor.u32 s3, s0;
	s1 =	sshll.u32 s1, $0x11  }
0xbb: {  	s0 =	sor.u32 s1, s0  }
0xbc: {  	s0 =	sadd.s32 $0x8F2B, s0  }
0xbd: {  	[sflag:s0] =	ssyncadd.remote.s32 $0x1  }
0xbe: {  	_ =	sfence.sel $0xFFFF  }
0xbf: {  	[dreg:$0x0] =	wrdreg $0xFFFFFFFF;
	(pc) =	sbr.abs _section_cstart, $3  }
0xc0: {  	[dreg:$0x1] =	wrdreg $0xFFFFFFFF  }
0xc1: {  	_ =	task.clear_ibuf [dreg:s6], $0x2FFFF;
	_ =	strace $0x9FFFFFFF  }
0xc2: {  	(tm) =	ssettm $0x7FFFFFFF  }
0xc3: {  	_ =	shalt  }
tec
execute0_lowered:
.L_overlay_start_1:
0x0: {  	(tag) =	ssettag $0x1  }
0x1: {  	s0 =	rddreg [dreg:$0x0]  }
0x2: {  	s9 =	rddreg [dreg:$0x1];
	s1 =	srdreg.scid  }
0x3: {  	s8 =	stileid.u32;
	s3 =	simm.s32 $0x0;
	s1 =	sand.u32 $0x1, s1  }
0x4: {  	s4 =	sshll.u32 s8, $0xF;
	[smem:$0x7FF] =	sst s3;
	s13 =	smul.u32 $0x2080, s8  }
0x5: {  	s5 =	sadd.s32 $0x21400, s0;
	s14 =	sshll.u32 s8, $0x6;
	s6 =	smul.u32 $0x41000, s8  }
0x6: {  	s26 =	sshll.u32 s8, $0x10;
	s8 =	simm.s32 $0x0;
	s2 =	sshll.u32 s1, $0x13  }
0x7: {  	_ =	strace $0x8000004D;
	[dreg:$0x3] =	wrdreg s5;
	s20 =	ssub.s32 $0x2, s1  }
0x8: {  	s1 =	sshll.u32 s1, $0xA;
	s5 =	simm.s32 $0x1;
	s2 =	sor.u32 s4, s2  }
0x9: {  	s4 =	sadd.s32 s13, s0;
	s22 =	sshrl.u32 s20, $0x1;
	s6 =	sshrl.u32 s6, $0x2  }
0xa: {  	s13 =	simm.s32 $0x8000;
	s2 =	sadd.s32 s2, s0;
	s4 =	sadd.s32 $0xC00, s4  }
0xb: {  	s0 =	sadd.s32 s14, s0;
	[dreg:$0x4] =	wrdreg s4;
	s17 =	sadd.s32 $0x100C00, s2  }
0xc: {  	s6 =	sadd.s32 s6, s9;
	s18 =	sadd.s32 $0x101400, s2;
	[dreg:$0x5] =	wrdreg s17  }
0xd: {  	s19 =	sadd.s32 $0x101C00, s2;
	s7 =	sadd.s32 $0x102400, s2;
	[dreg:$0x6] =	wrdreg s18  }
0xe: {  	s21 =	sadd.s32 $0x102C00, s2;
	s10 =	sadd.s32 $0x103400, s2;
	[dreg:$0x7] =	wrdreg s19  }
0xf: {  	s23 =	sadd.s32 $0x103C00, s2;
	s4 =	ssub.s32 s20, s22;
	[dreg:$0x8] =	wrdreg s7  }
0x10: {  	s24 =	sadd.s32 $0x104400, s2;
	s25 =	sadd.s32 $0x104C00, s2;
	[dreg:$0x9] =	wrdreg s21  }
0x11: {  	s15 =	sadd.s32 $0x105400, s2;
	s16 =	sadd.s32 $0x105C00, s2;
	[dreg:$0xa] =	wrdreg s10  }
0x12: {  	s20 =	sadd.s32 $0x107400, s2;
	s0 =	sadd.s32 s1, s0;
	[dreg:$0xb] =	wrdreg s23  }
0x13: {  	s22 =	sadd.s32 $0x108400, s2;
	[dreg:$0xc] =	wrdreg s24;
	s17 =	sadd.s32 $0x106400, s2  }
0x14: {  	[dreg:$0xd] =	wrdreg s25;
	s18 =	sadd.s32 $0x106C00, s2;
	s19 =	sor.u32 $0x1C03, s14  }
0x15: {  	s21 =	sadd.s32 $0x107C00, s2;
	s23 =	sadd.s32 s26, s9;
	s24 =	sadd.s32 $0x21C00, s0  }
0x16: {  	s25 =	smax.u32 s4, $0x1;
	s26 =	sshrl.u32 s6, $0x3;
	s4 =	simm.s32 $0x3  }
0x17: {  	s6 =	simm.s32 $0x4000;
	s7 =	simm.s32 $0x2;
	s28 =	sadd.s32 $0x2000, s23  }
0x18: {  	s29 =	sadd.s32 $0x4000, s23;
	s30 =	sadd.s32 $0x6000, s23;
	s31 =	sadd.s32 $0x8000, s23  }
0x19: {  	v0 =	vlaneseq.u32;
	s0 =	sadd.s32 $0xA000, s23;
	s1 =	sadd.s32 $0xC000, s23;
	s2 =	sadd.s32 $0xE000, s23  }
.LBB2_1:
0x1a: {  	s9 =	rddreg [dreg:$0x4]  }
0x1b: {  	[spmem:s26], [sflag:s19] =	dma.local [hbm:s9], $0x2080  }
0x1c: {  	_ =	swait.ge [sflag:s4], $0x2080  }
0x1d: {  	[sflag:s4] =	ssyncset.done $0x0  }
0x1e: {  	s11 =	rddreg [dreg:$0x3];
	[sflag:s4] =	ssyncadd.s32 $0xFFFFDF80  }
0x1f: {  	[tilespmem:s13], [sflag:$0x3] =	stream.linear.gather [hbm4b:s11+s3], $0x4000, $0x38;
	[tilespmem:$0x1E700] =	vst v63  }
0x20: {  	_ =	swait.ge [sflag:s4], $0x4000  }
0x21: {  	[sflag:s4] =	ssyncset.done $0x0  }
0x22: {  	v2 =	vimm.s32 $0x0;
	[sflag:s4] =	ssyncadd.s32 $0xFFFFC000  }
0x23: {  	s12 =	rddreg [dreg:$0x5];
	[tilespmem:$0xC090] =	vst v2  }
0x24: {  	[tilespmem:s3], [sflag:$0x1] =	stream.linear.gather [hbm4b:s12+s3], $0x4000, $0x38;
	[tilespmem:$0x1E700] =	vst v63  }
0x25: {  	_ =	swait.ge [sflag:s5], $0x4000  }
0x26: {  	s10 =	simm.s32 $0x0;
	[sflag:s5] =	ssyncset.done $0x0  }
0x27: {  	s9 =	simm.s32 $0x400;
	s14 =	rddreg [dreg:$0x6];
	[sflag:s5] =	ssyncadd.s32 $0xFFFFC000  }
0x28: {  	v1 =	vimm.s32 $0x0;
	[tilespmem:s6], [sflag:$0x2] =	stream.linear.gather [hbm4b:s14+s3], $0x4000, $0x38;
	[tilespmem:$0x1E700] =	vst v63  }
.LBB2_2:
0x29: {  	v5 =	vld [tilespmem:s9+$0x40]  }
0x2a: {  	v3 =	vld [tilespmem:s9+$0x50]  }
0x2b: {  	v4 =	vld [tilespmem:s9+$0x60]  }
0x2c: {  	v10 =	vld [tilespmem:s9+$0x0]  }
0x2d: {  	v6 =	vld [tilespmem:s9+$0x10]  }
0x2e: {  	v7 =	vld [tilespmem:s9+$0x20]  }
0x2f: {  	v11 =	vld [tilespmem:s9+$0xFFFFFC40]  }
0x30: {  	v12 =	vld [tilespmem:s9+$0xFFFFFC00]  }
0x31: {  	v8 =	vld [tilespmem:s9+$0xFFFFFC50]  }
0x32: {  	v9 =	vld [tilespmem:s9+$0xFFFFFC60]  }
0x33: {  	v16 =	vld [tilespmem:s9+$0xFFFFFC10]  }
0x34: {  	v17 =	vld [tilespmem:s9+$0xFFFFFC20]  }
0x35: {  	v18 =	vld [tilespmem:s9+$0xFFFFFC30]  }
0x36: {  	v15 =	vld [tilespmem:s9+$0xFFFFFC70];
	v12 =	vadd.s32 v2, v12  }
0x37: {  	v14 =	vld [tilespmem:s9+$0x30];
	v13 =	vimm.s32 $0x0;
	v11 =	vadd.s32 v11, v12  }
0x38: {  	s11 =	simm.s32 $0x0;
	s12 =	sadd.s32 $0x800, s9;
	v12 =	vld [tilespmem:s9+$0x70];
	v19 =	vadd.s32 v10, v11;
	v11 =	vimm.s32 $0x0;
	v10 =	vimm.s32 $0x0  }
.LBB2_3:
0x39: {  	v19 =	vadd.s32 v5, v19;
	v5 =	vld [tilespmem:s12+$0x40]  }
0x3a: {  	v13 =	vadd.s32 v13, v16;
	v11 =	vadd.s32 v11, v17;
	v20 =	vld [tilespmem:s12+$0x50];
	v10 =	vadd.s32 v10, v18  }
0x3b: {  	v8 =	vadd.s32 v8, v13;
	v9 =	vadd.s32 v9, v11;
	v16 =	vld [tilespmem:s12+$0x60];
	v10 =	vadd.s32 v15, v10  }
0x3c: {  	v8 =	vadd.s32 v6, v8;
	v7 =	vadd.s32 v7, v9;
	v21 =	vld [tilespmem:s12+$0x0];
	v9 =	vadd.s32 v14, v10  }
0x3d: {  	v13 =	vadd.s32 v3, v8;
	v11 =	vadd.s32 v4, v7;
	v6 =	vld [tilespmem:s12+$0x10];
	v10 =	vadd.s32 v12, v9  }
0x3e: {  	v7 =	vld [tilespmem:s12+$0x20]  }
0x3f: {  	v12 =	vld [tilespmem:s12+$0xFFFFFC40];
	v3 =	vmov v20  }
0x40: {  	v8 =	vld [tilespmem:s12+$0xFFFFFC50];
	v4 =	vmov v16  }
0x41: {  	v14 =	vld [tilespmem:s12+$0xFFFFFC00]  }
0x42: {  	s11 =	sadd.s32 $0x4, s11;
	v9 =	vld [tilespmem:s12+$0xFFFFFC60]  }
0x43: {  	p0 =	slt.u32 s11, $0x1C;
	v16 =	vld [tilespmem:s12+$0xFFFFFC10]  }
.Ltmp0:
0x44: {  	v17 =	vld [tilespmem:s12+$0xFFFFFC20];
	(pc) =	sbr.rel @p0 .LBB2_3-.Ltmp0, $4  }
0x45: {  	v18 =	vld [tilespmem:s12+$0xFFFFFC30]  }
0x46: {  	v14 =	vadd.s32 v19, v14;
	v15 =	vld [tilespmem:s12+$0xFFFFFC70]  }
0x47: {  	v12 =	vadd.s32 v12, v14;
	v14 =	vld [tilespmem:s12+$0x30]  }
0x48: {  	v19 =	vadd.s32 v21, v12;
	v12 =	vld [tilespmem:s12+$0x70];
	s12 =	sadd.s32 $0x800, s12  }
0x49: {  	v13 =	vadd.s32 v13, v16  }
0x4a: {  	v5 =	vadd.s32 v5, v19;
	v11 =	vadd.s32 v11, v17;
	v8 =	vadd.s32 v8, v13  }
0x4b: {  	v10 =	vadd.s32 v10, v18;
	v9 =	vadd.s32 v9, v11;
	v6 =	vadd.s32 v6, v8  }
0x4c: {  	v57 =	vadd.s32 v15, v10;
	v7 =	vadd.s32 v7, v9;
	v3 =	vadd.s32 v3, v6  }
0x4d: {  	v58 =	vadd.s32 v14, v57;
	v4 =	vadd.s32 v4, v7;
	v3 =	vadd.s32 v5, v3  }
0x4e: {  	v59 =	vadd.s32 v12, v58;
	v3 =	vadd.s32 v4, v3  }
0x4f: {  	v3 =	vadd.s32 v59, v3  }
0x50: {  	v60 =	vshrl.u32 v3, $0x8  }
0x51: {  	v3 =	vand.u32 $0xFF00FF, v3;
	v4 =	vand.u32 $0xFF00FF, v60  }
0x52: {  	v3 =	vadd.s32 v3, v4  }
0x53: {  	v4 =	vand.u32 $0x1FF, v3;
	v3 =	vshrl.u32 v3, $0x10  }
0x54: {  	v3 =	vadd.s32 v3, v4  }
0x55: {  	[tilespmem:$0xC080] =	vst v3  }
0x56: {  	v61 =	vld [tilespmem:$0xC088];
	_ =	sdelay $0x4  }
0x57: {  	v3 =	vadd.s32 v3, v61  }
0x58: {  	[tilespmem:$0xC080] =	vst v3  }
0x59: {  	v62 =	vld [tilespmem:$0xC084];
	_ =	sdelay $0x4  }
0x5a: {  	v3 =	vadd.s32 v3, v62  }
0x5b: {  	[tilespmem:$0xC080] =	vst v3  }
0x5c: {  	v63 =	vld [tilespmem:$0xC082];
	_ =	sdelay $0x4  }
0x5d: {  	v3 =	vadd.s32 v3, v63  }
0x5e: {  	(v2sf) =	vpush v3, $0x0  }
0x5f: {  	(v2sf) =	vpush v3, $0x1;
	_ =	sdelay $0xa  }
0x60: {  	v3 =	vmov s10;
	s10 =	sadd.s32 $0x1, s10  }
0x61: {  	p0 =	sne.s32 s10, $0x8  }
.Ltmp1:
0x62: {  	_ = 	snop;
	(pc) =	sbr.rel @p0 .LBB2_2-.Ltmp1, $4  }
0x63: {  	s11 =	spop (v2sf)  }
0x64: {  	s12 =	spop (v2sf)  }
0x65: {  	vm0 =	veq.s32 v3, v0;
	s11 =	sadd.s32 s12, s11  }
0x66: {  	s9 =	sadd.s32 $0x80, s9;
	v1 =	vsel vm0, s11, v1  }
0x67: {  	_ =	swait.ge [sflag:s7], $0x4000  }
0x68: {  	[sflag:s7] =	ssyncset.done $0x0  }
0x69: {  	s9 =	simm.s32 $0x0;
	s10 =	rddreg [dreg:$0x7];
	[sflag:s7] =	ssyncadd.s32 $0xFFFFC000  }
0x6a: {  	[tilespmem:s9], [sflag:$0x1] =	stream.linear.gather [hbm4b:s10+s9], $0x4000, $0x38;
	[tilespmem:$0x1E700] =	vst v63  }
0x6b: {  	s10 =	simm.s32 $0x4400  }
.LBB2_6:
0x6c: {  	v4 =	vld [tilespmem:s10+$0x40]  }
0x6d: {  	v2 =	vld [tilespmem:s10+$0x50]  }
0x6e: {  	v3 =	vld [tilespmem:s10+$0x60]  }
0x6f: {  	v10 =	vld [tilespmem:s10+$0x0]  }
0x70: {  	v5 =	vld [tilespmem:s10+$0x10]  }
0x71: {  	v6 =	vld [tilespmem:s10+$0x20]  }
0x72: {  	v11 =	vld [tilespmem:s10+$0xFFFFFC40]  }
0x73: {  	v7 =	vld [tilespmem:s10+$0xFFFFFC50]  }
0x74: {  	v12 =	vld [tilespmem:s10+$0xFFFFFC00]  }
0x75: {  	v9 =	vld [tilespmem:s10+$0xFFFFFC60]  }
0x76: {  	v15 =	vld [tilespmem:s10+$0xFFFFFC10]  }
0x77: {  	v16 =	vld [tilespmem:s10+$0xFFFFFC20]  }
0x78: {  	v8 =	vimm.s32 $0x0;
	v17 =	vld [tilespmem:s10+$0xFFFFFC30]  }
0x79: {  	v14 =	vld [tilespmem:s10+$0xFFFFFC70];
	v12 =	vadd.s32 v8, v12  }
0x7a: {  	v13 =	vld [tilespmem:s10+$0x30];
	v11 =	vadd.s32 v11, v12  }
0x7b: {  	s11 =	simm.s32 $0x0;
	s12 =	sadd.s32 $0x800, s10;
	v12 =	vld [tilespmem:s10+$0x70];
	v18 =	vadd.s32 v10, v11;
	v11 =	vimm.s32 $0x0;
	v10 =	vimm.s32 $0x0  }
.LBB2_7:
0x7c: {  	v18 =	vadd.s32 v4, v18;
	v4 =	vld [tilespmem:s12+$0x40]  }
0x7d: {  	v8 =	vadd.s32 v8, v15;
	v11 =	vadd.s32 v11, v16;
	v19 =	vld [tilespmem:s12+$0x50];
	v10 =	vadd.s32 v10, v17  }
0x7e: {  	v7 =	vadd.s32 v7, v8;
	v8 =	vadd.s32 v9, v11;
	v15 =	vld [tilespmem:s12+$0x60];
	v9 =	vadd.s32 v14, v10  }
0x7f: {  	v7 =	vadd.s32 v5, v7;
	v6 =	vadd.s32 v6, v8;
	v20 =	vld [tilespmem:s12+$0x0];
	v9 =	vadd.s32 v13, v9  }
0x80: {  	v8 =	vadd.s32 v2, v7;
	v11 =	vadd.s32 v3, v6;
	v5 =	vld [tilespmem:s12+$0x10];
	v10 =	vadd.s32 v12, v9  }
0x81: {  	v6 =	vld [tilespmem:s12+$0x20]  }
0x82: {  	v12 =	vld [tilespmem:s12+$0xFFFFFC40];
	v2 =	vmov v19  }
0x83: {  	v7 =	vld [tilespmem:s12+$0xFFFFFC50];
	v3 =	vmov v15  }
0x84: {  	v13 =	vld [tilespmem:s12+$0xFFFFFC00]  }
0x85: {  	s11 =	sadd.s32 $0x4, s11;
	v9 =	vld [tilespmem:s12+$0xFFFFFC60]  }
0x86: {  	p0 =	slt.u32 s11, $0x1C;
	v15 =	vld [tilespmem:s12+$0xFFFFFC10]  }
.Ltmp2:
0x87: {  	v16 =	vld [tilespmem:s12+$0xFFFFFC20];
	(pc) =	sbr.rel @p0 .LBB2_7-.Ltmp2, $4  }
0x88: {  	v17 =	vld [tilespmem:s12+$0xFFFFFC30]  }
0x89: {  	v13 =	vadd.s32 v18, v13;
	v14 =	vld [tilespmem:s12+$0xFFFFFC70]  }
0x8a: {  	v12 =	vadd.s32 v12, v13;
	v13 =	vld [tilespmem:s12+$0x30]  }
0x8b: {  	v18 =	vadd.s32 v20, v12;
	v12 =	vld [tilespmem:s12+$0x70];
	s12 =	sadd.s32 $0x800, s12  }
0x8c: {  	v8 =	vadd.s32 v8, v15  }
0x8d: {  	v4 =	vadd.s32 v4, v18;
	v11 =	vadd.s32 v11, v16;
	v7 =	vadd.s32 v7, v8  }
0x8e: {  	v60 =	vadd.s32 v10, v17;
	v9 =	vadd.s32 v9, v11;
	v5 =	vadd.s32 v5, v7  }
0x8f: {  	v61 =	vadd.s32 v14, v60;
	v6 =	vadd.s32 v6, v9;
	v2 =	vadd.s32 v2, v5  }
0x90: {  	v62 =	vadd.s32 v13, v61;
	v3 =	vadd.s32 v3, v6;
	v2 =	vadd.s32 v4, v2  }
0x91: {  	v63 =	vadd.s32 v12, v62;
	v2 =	vadd.s32 v3, v2  }
0x92: {  	v2 =	vadd.s32 v63, v2  }
0x93: {  	v3 =	vshrl.u32 v2, $0x8  }
0x94: {  	v2 =	vand.u32 $0xFF00FF, v2;
	v3 =	vand.u32 $0xFF00FF, v3  }
0x95: {  	v2 =	vadd.s32 v2, v3  }
0x96: {  	v3 =	vand.u32 $0x1FF, v2;
	v2 =	vshrl.u32 v2, $0x10  }
0x97: {  	v2 =	vadd.s32 v2, v3  }
0x98: {  	[tilespmem:$0xC080] =	vst v2  }
0x99: {  	v3 =	vld [tilespmem:$0xC088];
	_ =	sdelay $0x4  }
0x9a: {  	v2 =	vadd.s32 v2, v3  }
0x9b: {  	[tilespmem:$0xC080] =	vst v2  }
0x9c: {  	v3 =	vld [tilespmem:$0xC084];
	_ =	sdelay $0x4  }
0x9d: {  	v2 =	vadd.s32 v2, v3  }
0x9e: {  	[tilespmem:$0xC080] =	vst v2  }
0x9f: {  	v3 =	vld [tilespmem:$0xC082];
	_ =	sdelay $0x4  }
0xa0: {  	v2 =	vadd.s32 v2, v3  }
0xa1: {  	(v2sf) =	vpush v2, $0x0  }
0xa2: {  	(v2sf) =	vpush v2, $0x1;
	_ =	sdelay $0xa  }
0xa3: {  	s12 =	sor.u32 $0x8, s9;
	s9 =	sadd.s32 $0x1, s9  }
0xa4: {  	p0 =	sne.s32 s9, $0x8  }
.Ltmp3:
0xa5: {  	_ = 	snop;
	(pc) =	sbr.rel @p0 .LBB2_6-.Ltmp3, $4  }
0xa6: {  	s11 =	spop (v2sf)  }
0xa7: {  	v2 =	vmov s12;
	s14 =	spop (v2sf)  }
0xa8: {  	vm0 =	veq.s32 v2, v0;
	s11 =	sadd.s32 s14, s11  }
0xa9: {  	s10 =	sadd.s32 $0x80, s10;
	v1 =	vsel vm0, s11, v1  }
0xaa: {  	vm0 =	veq.s32 v1, $0x0;
	v1 =	vadd.s32 $0xFFFFFFFF, v1  }
0xab: {  	v1 =	vsel vm0, $0x207F, v1  }
0xac: {  	[tilespmem:$0xC000] =	vst v1  }
0xad: {  	_ =	swait.ge [sflag:s5], $0x4000  }
0xae: {  	[sflag:s5] =	ssyncset.done $0x0  }
0xaf: {  	s9 =	simm.s32 $0x0;
	s10 =	rddreg [dreg:$0x8];
	[sflag:s5] =	ssyncadd.s32 $0xFFFFC000  }
0xb0: {  	[tilespmem:s6], [sflag:$0x2] =	stream.linear.gather [hbm4b:s10+s9], $0x4000, $0x38;
	[tilespmem:$0x1E700] =	vst v63  }
0xb1: {  	v2 =	vimm.s32 $0x0;
	v1 =	vimm.s32 $0x0;
	s10 =	simm.s32 $0x400  }
.LBB2_10:
0xb2: {  	v5 =	vld [tilespmem:s10+$0x40]  }
0xb3: {  	v3 =	vld [tilespmem:s10+$0x50]  }
0xb4: {  	v4 =	vld [tilespmem:s10+$0x60]  }
0xb5: {  	v10 =	vld [tilespmem:s10+$0x0]  }
0xb6: {  	v6 =	vld [tilespmem:s10+$0x10]  }
0xb7: {  	v7 =	vld [tilespmem:s10+$0x20]  }
0xb8: {  	v11 =	vld [tilespmem:s10+$0xFFFFFC40]  }
0xb9: {  	v12 =	vld [tilespmem:s10+$0xFFFFFC00]  }
0xba: {  	v8 =	vld [tilespmem:s10+$0xFFFFFC50]  }
0xbb: {  	v9 =	vld [tilespmem:s10+$0xFFFFFC60]  }
0xbc: {  	v16 =	vld [tilespmem:s10+$0xFFFFFC10]  }
0xbd: {  	v17 =	vld [tilespmem:s10+$0xFFFFFC20]  }
0xbe: {  	v18 =	vld [tilespmem:s10+$0xFFFFFC30]  }
0xbf: {  	v15 =	vld [tilespmem:s10+$0xFFFFFC70];
	v12 =	vadd.s32 v2, v12  }
0xc0: {  	v14 =	vld [tilespmem:s10+$0x30];
	v13 =	vimm.s32 $0x0;
	v11 =	vadd.s32 v11, v12  }
0xc1: {  	s11 =	simm.s32 $0x0;
	s12 =	sadd.s32 $0x800, s10;
	v12 =	vld [tilespmem:s10+$0x70];
	v19 =	vadd.s32 v10, v11;
	v11 =	vimm.s32 $0x0;
	v10 =	vimm.s32 $0x0  }
.LBB2_11:
0xc2: {  	v19 =	vadd.s32 v5, v19;
	v5 =	vld [tilespmem:s12+$0x40]  }
0xc3: {  	v13 =	vadd.s32 v13, v16;
	v11 =	vadd.s32 v11, v17;
	v20 =	vld [tilespmem:s12+$0x50];
	v10 =	vadd.s32 v10, v18  }
0xc4: {  	v8 =	vadd.s32 v8, v13;
	v9 =	vadd.s32 v9, v11;
	v16 =	vld [tilespmem:s12+$0x60];
	v10 =	vadd.s32 v15, v10  }
0xc5: {  	v8 =	vadd.s32 v6, v8;
	v7 =	vadd.s32 v7, v9;
	v21 =	vld [tilespmem:s12+$0x0];
	v9 =	vadd.s32 v14, v10  }
0xc6: {  	v13 =	vadd.s32 v3, v8;
	v11 =	vadd.s32 v4, v7;
	v6 =	vld [tilespmem:s12+$0x10];
	v10 =	vadd.s32 v12, v9  }
0xc7: {  	v7 =	vld [tilespmem:s12+$0x20]  }
0xc8: {  	v12 =	vld [tilespmem:s12+$0xFFFFFC40];
	v3 =	vmov v20  }
0xc9: {  	v8 =	vld [tilespmem:s12+$0xFFFFFC50];
	v4 =	vmov v16  }
0xca: {  	v14 =	vld [tilespmem:s12+$0xFFFFFC00]  }
0xcb: {  	s11 =	sadd.s32 $0x4, s11;
	v9 =	vld [tilespmem:s12+$0xFFFFFC60]  }
0xcc: {  	p0 =	slt.u32 s11, $0x1C;
	v16 =	vld [tilespmem:s12+$0xFFFFFC10]  }
.Ltmp4:
0xcd: {  	v17 =	vld [tilespmem:s12+$0xFFFFFC20];
	(pc) =	sbr.rel @p0 .LBB2_11-.Ltmp4, $4  }
0xce: {  	v18 =	vld [tilespmem:s12+$0xFFFFFC30]  }
0xcf: {  	v14 =	vadd.s32 v19, v14;
	v15 =	vld [tilespmem:s12+$0xFFFFFC70]  }
0xd0: {  	v12 =	vadd.s32 v12, v14;
	v14 =	vld [tilespmem:s12+$0x30]  }
0xd1: {  	v19 =	vadd.s32 v21, v12;
	v12 =	vld [tilespmem:s12+$0x70];
	s12 =	sadd.s32 $0x800, s12  }
0xd2: {  	v13 =	vadd.s32 v13, v16  }
0xd3: {  	v5 =	vadd.s32 v5, v19;
	v11 =	vadd.s32 v11, v17;
	v8 =	vadd.s32 v8, v13  }
0xd4: {  	v10 =	vadd.s32 v10, v18;
	v9 =	vadd.s32 v9, v11;
	v6 =	vadd.s32 v6, v8  }
0xd5: {  	v57 =	vadd.s32 v15, v10;
	v7 =	vadd.s32 v7, v9;
	v3 =	vadd.s32 v3, v6  }
0xd6: {  	v58 =	vadd.s32 v14, v57;
	v4 =	vadd.s32 v4, v7;
	v3 =	vadd.s32 v5, v3  }
0xd7: {  	v59 =	vadd.s32 v12, v58;
	v3 =	vadd.s32 v4, v3  }
0xd8: {  	v3 =	vadd.s32 v59, v3  }
0xd9: {  	v60 =	vshrl.u32 v3, $0x8  }
0xda: {  	v3 =	vand.u32 $0xFF00FF, v3;
	v4 =	vand.u32 $0xFF00FF, v60  }
0xdb: {  	v3 =	vadd.s32 v3, v4  }
0xdc: {  	v4 =	vand.u32 $0x1FF, v3;
	v3 =	vshrl.u32 v3, $0x10  }
0xdd: {  	v3 =	vadd.s32 v3, v4  }
0xde: {  	[tilespmem:$0xC080] =	vst v3  }
0xdf: {  	v61 =	vld [tilespmem:$0xC088];
	_ =	sdelay $0x4  }
0xe0: {  	v3 =	vadd.s32 v3, v61  }
0xe1: {  	[tilespmem:$0xC080] =	vst v3  }
0xe2: {  	v62 =	vld [tilespmem:$0xC084];
	_ =	sdelay $0x4  }
0xe3: {  	v3 =	vadd.s32 v3, v62  }
0xe4: {  	[tilespmem:$0xC080] =	vst v3  }
0xe5: {  	v63 =	vld [tilespmem:$0xC082];
	_ =	sdelay $0x4  }
0xe6: {  	v3 =	vadd.s32 v3, v63  }
0xe7: {  	(v2sf) =	vpush v3, $0x0  }
0xe8: {  	(v2sf) =	vpush v3, $0x1;
	_ =	sdelay $0xa  }
0xe9: {  	v3 =	vmov s9;
	s9 =	sadd.s32 $0x1, s9  }
0xea: {  	p0 =	sne.s32 s9, $0x8  }
.Ltmp5:
0xeb: {  	_ = 	snop;
	(pc) =	sbr.rel @p0 .LBB2_10-.Ltmp5, $4  }
0xec: {  	s11 =	spop (v2sf)  }
0xed: {  	s12 =	spop (v2sf)  }
0xee: {  	vm0 =	veq.s32 v3, v0;
	s11 =	sadd.s32 s12, s11  }
0xef: {  	s10 =	sadd.s32 $0x80, s10;
	v1 =	vsel vm0, s11, v1  }
0xf0: {  	_ =	swait.ge [sflag:s7], $0x4000  }
0xf1: {  	[sflag:s7] =	ssyncset.done $0x0  }
0xf2: {  	s9 =	simm.s32 $0x0;
	s10 =	rddreg [dreg:$0x9];
	[sflag:s7] =	ssyncadd.s32 $0xFFFFC000  }
0xf3: {  	[tilespmem:s9], [sflag:$0x1] =	stream.linear.gather [hbm4b:s10+s9], $0x4000, $0x38;
	[tilespmem:$0x1E700] =	vst v63  }
0xf4: {  	s10 =	simm.s32 $0x4400  }
.LBB2_14:
0xf5: {  	v4 =	vld [tilespmem:s10+$0x40]  }
0xf6: {  	v2 =	vld [tilespmem:s10+$0x50]  }
0xf7: {  	v3 =	vld [tilespmem:s10+$0x60]  }
0xf8: {  	v10 =	vld [tilespmem:s10+$0x0]  }
0xf9: {  	v5 =	vld [tilespmem:s10+$0x10]  }
0xfa: {  	v6 =	vld [tilespmem:s10+$0x20]  }
0xfb: {  	v11 =	vld [tilespmem:s10+$0xFFFFFC40]  }
0xfc: {  	v7 =	vld [tilespmem:s10+$0xFFFFFC50]  }
0xfd: {  	v12 =	vld [tilespmem:s10+$0xFFFFFC00]  }
0xfe: {  	v9 =	vld [tilespmem:s10+$0xFFFFFC60]  }
0xff: {  	v15 =	vld [tilespmem:s10+$0xFFFFFC10]  }
0x100: {  	v16 =	vld [tilespmem:s10+$0xFFFFFC20]  }
0x101: {  	v8 =	vimm.s32 $0x0;
	v17 =	vld [tilespmem:s10+$0xFFFFFC30]  }
0x102: {  	v14 =	vld [tilespmem:s10+$0xFFFFFC70];
	v12 =	vadd.s32 v8, v12  }
0x103: {  	v13 =	vld [tilespmem:s10+$0x30];
	v11 =	vadd.s32 v11, v12  }
0x104: {  	s11 =	simm.s32 $0x0;
	s12 =	sadd.s32 $0x800, s10;
	v12 =	vld [tilespmem:s10+$0x70];
	v18 =	vadd.s32 v10, v11;
	v11 =	vimm.s32 $0x0;
	v10 =	vimm.s32 $0x0  }
.LBB2_15:
0x105: {  	v18 =	vadd.s32 v4, v18;
	v4 =	vld [tilespmem:s12+$0x40]  }
0x106: {  	v8 =	vadd.s32 v8, v15;
	v11 =	vadd.s32 v11, v16;
	v19 =	vld [tilespmem:s12+$0x50];
	v10 =	vadd.s32 v10, v17  }
0x107: {  	v7 =	vadd.s32 v7, v8;
	v8 =	vadd.s32 v9, v11;
	v15 =	vld [tilespmem:s12+$0x60];
	v9 =	vadd.s32 v14, v10  }
0x108: {  	v7 =	vadd.s32 v5, v7;
	v6 =	vadd.s32 v6, v8;
	v20 =	vld [tilespmem:s12+$0x0];
	v9 =	vadd.s32 v13, v9  }
0x109: {  	v8 =	vadd.s32 v2, v7;
	v11 =	vadd.s32 v3, v6;
	v5 =	vld [tilespmem:s12+$0x10];
	v10 =	vadd.s32 v12, v9  }
0x10a: {  	v6 =	vld [tilespmem:s12+$0x20]  }
0x10b: {  	v12 =	vld [tilespmem:s12+$0xFFFFFC40];
	v2 =	vmov v19  }
0x10c: {  	v7 =	vld [tilespmem:s12+$0xFFFFFC50];
	v3 =	vmov v15  }
0x10d: {  	v13 =	vld [tilespmem:s12+$0xFFFFFC00]  }
0x10e: {  	s11 =	sadd.s32 $0x4, s11;
	v9 =	vld [tilespmem:s12+$0xFFFFFC60]  }
0x10f: {  	p0 =	slt.u32 s11, $0x1C;
	v15 =	vld [tilespmem:s12+$0xFFFFFC10]  }
.Ltmp6:
0x110: {  	v16 =	vld [tilespmem:s12+$0xFFFFFC20];
	(pc) =	sbr.rel @p0 .LBB2_15-.Ltmp6, $4  }
0x111: {  	v17 =	vld [tilespmem:s12+$0xFFFFFC30]  }
0x112: {  	v13 =	vadd.s32 v18, v13;
	v14 =	vld [tilespmem:s12+$0xFFFFFC70]  }
0x113: {  	v12 =	vadd.s32 v12, v13;
	v13 =	vld [tilespmem:s12+$0x30]  }
0x114: {  	v18 =	vadd.s32 v20, v12;
	v12 =	vld [tilespmem:s12+$0x70];
	s12 =	sadd.s32 $0x800, s12  }
0x115: {  	v8 =	vadd.s32 v8, v15  }
0x116: {  	v4 =	vadd.s32 v4, v18;
	v11 =	vadd.s32 v11, v16;
	v7 =	vadd.s32 v7, v8  }
0x117: {  	v60 =	vadd.s32 v10, v17;
	v9 =	vadd.s32 v9, v11;
	v5 =	vadd.s32 v5, v7  }
0x118: {  	v61 =	vadd.s32 v14, v60;
	v6 =	vadd.s32 v6, v9;
	v2 =	vadd.s32 v2, v5  }
0x119: {  	v62 =	vadd.s32 v13, v61;
	v3 =	vadd.s32 v3, v6;
	v2 =	vadd.s32 v4, v2  }
0x11a: {  	v63 =	vadd.s32 v12, v62;
	v2 =	vadd.s32 v3, v2  }
0x11b: {  	v2 =	vadd.s32 v63, v2  }
0x11c: {  	v3 =	vshrl.u32 v2, $0x8  }
0x11d: {  	v2 =	vand.u32 $0xFF00FF, v2;
	v3 =	vand.u32 $0xFF00FF, v3  }
0x11e: {  	v2 =	vadd.s32 v2, v3  }
0x11f: {  	v3 =	vand.u32 $0x1FF, v2;
	v2 =	vshrl.u32 v2, $0x10  }
0x120: {  	v2 =	vadd.s32 v2, v3  }
0x121: {  	[tilespmem:$0xC080] =	vst v2  }
0x122: {  	v3 =	vld [tilespmem:$0xC088];
	_ =	sdelay $0x4  }
0x123: {  	v2 =	vadd.s32 v2, v3  }
0x124: {  	[tilespmem:$0xC080] =	vst v2  }
0x125: {  	v3 =	vld [tilespmem:$0xC084];
	_ =	sdelay $0x4  }
0x126: {  	v2 =	vadd.s32 v2, v3  }
0x127: {  	[tilespmem:$0xC080] =	vst v2  }
0x128: {  	v3 =	vld [tilespmem:$0xC082];
	_ =	sdelay $0x4  }
0x129: {  	v2 =	vadd.s32 v2, v3  }
0x12a: {  	(v2sf) =	vpush v2, $0x0  }
0x12b: {  	(v2sf) =	vpush v2, $0x1;
	_ =	sdelay $0xa  }
0x12c: {  	s12 =	sor.u32 $0x8, s9;
	s9 =	sadd.s32 $0x1, s9  }
0x12d: {  	p0 =	sne.s32 s9, $0x8  }
.Ltmp7:
0x12e: {  	_ = 	snop;
	(pc) =	sbr.rel @p0 .LBB2_14-.Ltmp7, $4  }
0x12f: {  	s11 =	spop (v2sf)  }
0x130: {  	v2 =	vmov s12;
	s14 =	spop (v2sf)  }
0x131: {  	vm0 =	veq.s32 v2, v0;
	s11 =	sadd.s32 s14, s11  }
0x132: {  	s10 =	sadd.s32 $0x80, s10;
	v1 =	vsel vm0, s11, v1  }
0x133: {  	vm0 =	veq.s32 v1, $0x0;
	v1 =	vadd.s32 $0xFFFFFFFF, v1  }
0x134: {  	v1 =	vsel vm0, $0x207F, v1  }
0x135: {  	[tilespmem:$0xC010] =	vst v1  }
0x136: {  	_ =	swait.ge [sflag:s5], $0x4000  }
0x137: {  	[sflag:s5] =	ssyncset.done $0x0  }
0x138: {  	s9 =	simm.s32 $0x0;
	s10 =	rddreg [dreg:$0xa];
	[sflag:s5] =	ssyncadd.s32 $0xFFFFC000  }
0x139: {  	[tilespmem:s6], [sflag:$0x2] =	stream.linear.gather [hbm4b:s10+s9], $0x4000, $0x38;
	[tilespmem:$0x1E700] =	vst v63  }
0x13a: {  	v2 =	vimm.s32 $0x0;
	v1 =	vimm.s32 $0x0;
	s10 =	simm.s32 $0x400  }
.LBB2_18:
0x13b: {  	v5 =	vld [tilespmem:s10+$0x40]  }
0x13c: {  	v3 =	vld [tilespmem:s10+$0x50]  }
0x13d: {  	v4 =	vld [tilespmem:s10+$0x60]  }
0x13e: {  	v10 =	vld [tilespmem:s10+$0x0]  }
0x13f: {  	v6 =	vld [tilespmem:s10+$0x10]  }
0x140: {  	v7 =	vld [tilespmem:s10+$0x20]  }
0x141: {  	v11 =	vld [tilespmem:s10+$0xFFFFFC40]  }
0x142: {  	v12 =	vld [tilespmem:s10+$0xFFFFFC00]  }
0x143: {  	v8 =	vld [tilespmem:s10+$0xFFFFFC50]  }
0x144: {  	v9 =	vld [tilespmem:s10+$0xFFFFFC60]  }
0x145: {  	v16 =	vld [tilespmem:s10+$0xFFFFFC10]  }
0x146: {  	v17 =	vld [tilespmem:s10+$0xFFFFFC20]  }
0x147: {  	v18 =	vld [tilespmem:s10+$0xFFFFFC30]  }
0x148: {  	v15 =	vld [tilespmem:s10+$0xFFFFFC70];
	v12 =	vadd.s32 v2, v12  }
0x149: {  	v14 =	vld [tilespmem:s10+$0x30];
	v13 =	vimm.s32 $0x0;
	v11 =	vadd.s32 v11, v12  }
0x14a: {  	s11 =	simm.s32 $0x0;
	s12 =	sadd.s32 $0x800, s10;
	v12 =	vld [tilespmem:s10+$0x70];
	v19 =	vadd.s32 v10, v11;
	v11 =	vimm.s32 $0x0;
	v10 =	vimm.s32 $0x0  }
.LBB2_19:
0x14b: {  	v19 =	vadd.s32 v5, v19;
	v5 =	vld [tilespmem:s12+$0x40]  }
0x14c: {  	v13 =	vadd.s32 v13, v16;
	v11 =	vadd.s32 v11, v17;
	v20 =	vld [tilespmem:s12+$0x50];
	v10 =	vadd.s32 v10, v18  }
0x14d: {  	v8 =	vadd.s32 v8, v13;
	v9 =	vadd.s32 v9, v11;
	v16 =	vld [tilespmem:s12+$0x60];
	v10 =	vadd.s32 v15, v10  }
0x14e: {  	v8 =	vadd.s32 v6, v8;
	v7 =	vadd.s32 v7, v9;
	v21 =	vld [tilespmem:s12+$0x0];
	v9 =	vadd.s32 v14, v10  }
0x14f: {  	v13 =	vadd.s32 v3, v8;
	v11 =	vadd.s32 v4, v7;
	v6 =	vld [tilespmem:s12+$0x10];
	v10 =	vadd.s32 v12, v9  }
0x150: {  	v7 =	vld [tilespmem:s12+$0x20]  }
0x151: {  	v12 =	vld [tilespmem:s12+$0xFFFFFC40];
	v3 =	vmov v20  }
0x152: {  	v8 =	vld [tilespmem:s12+$0xFFFFFC50];
	v4 =	vmov v16  }
0x153: {  	v14 =	vld [tilespmem:s12+$0xFFFFFC00]  }
0x154: {  	s11 =	sadd.s32 $0x4, s11;
	v9 =	vld [tilespmem:s12+$0xFFFFFC60]  }
0x155: {  	p0 =	slt.u32 s11, $0x1C;
	v16 =	vld [tilespmem:s12+$0xFFFFFC10]  }
.Ltmp8:
0x156: {  	v17 =	vld [tilespmem:s12+$0xFFFFFC20];
	(pc) =	sbr.rel @p0 .LBB2_19-.Ltmp8, $4  }
0x157: {  	v18 =	vld [tilespmem:s12+$0xFFFFFC30]  }
0x158: {  	v14 =	vadd.s32 v19, v14;
	v15 =	vld [tilespmem:s12+$0xFFFFFC70]  }
0x159: {  	v12 =	vadd.s32 v12, v14;
	v14 =	vld [tilespmem:s12+$0x30]  }
0x15a: {  	v19 =	vadd.s32 v21, v12;
	v12 =	vld [tilespmem:s12+$0x70];
	s12 =	sadd.s32 $0x800, s12  }
0x15b: {  	v13 =	vadd.s32 v13, v16  }
0x15c: {  	v5 =	vadd.s32 v5, v19;
	v11 =	vadd.s32 v11, v17;
	v8 =	vadd.s32 v8, v13  }
0x15d: {  	v10 =	vadd.s32 v10, v18;
	v9 =	vadd.s32 v9, v11;
	v6 =	vadd.s32 v6, v8  }
0x15e: {  	v57 =	vadd.s32 v15, v10;
	v7 =	vadd.s32 v7, v9;
	v3 =	vadd.s32 v3, v6  }
0x15f: {  	v58 =	vadd.s32 v14, v57;
	v4 =	vadd.s32 v4, v7;
	v3 =	vadd.s32 v5, v3  }
0x160: {  	v59 =	vadd.s32 v12, v58;
	v3 =	vadd.s32 v4, v3  }
0x161: {  	v3 =	vadd.s32 v59, v3  }
0x162: {  	v60 =	vshrl.u32 v3, $0x8  }
0x163: {  	v3 =	vand.u32 $0xFF00FF, v3;
	v4 =	vand.u32 $0xFF00FF, v60  }
0x164: {  	v3 =	vadd.s32 v3, v4  }
0x165: {  	v4 =	vand.u32 $0x1FF, v3;
	v3 =	vshrl.u32 v3, $0x10  }
0x166: {  	v3 =	vadd.s32 v3, v4  }
0x167: {  	[tilespmem:$0xC080] =	vst v3  }
0x168: {  	v61 =	vld [tilespmem:$0xC088];
	_ =	sdelay $0x4  }
0x169: {  	v3 =	vadd.s32 v3, v61  }
0x16a: {  	[tilespmem:$0xC080] =	vst v3  }
0x16b: {  	v62 =	vld [tilespmem:$0xC084];
	_ =	sdelay $0x4  }
0x16c: {  	v3 =	vadd.s32 v3, v62  }
0x16d: {  	[tilespmem:$0xC080] =	vst v3  }
0x16e: {  	v63 =	vld [tilespmem:$0xC082];
	_ =	sdelay $0x4  }
0x16f: {  	v3 =	vadd.s32 v3, v63  }
0x170: {  	(v2sf) =	vpush v3, $0x0  }
0x171: {  	(v2sf) =	vpush v3, $0x1;
	_ =	sdelay $0xa  }
0x172: {  	v3 =	vmov s9;
	s9 =	sadd.s32 $0x1, s9  }
0x173: {  	p0 =	sne.s32 s9, $0x8  }
.Ltmp9:
0x174: {  	_ = 	snop;
	(pc) =	sbr.rel @p0 .LBB2_18-.Ltmp9, $4  }
0x175: {  	s11 =	spop (v2sf)  }
0x176: {  	s12 =	spop (v2sf)  }
0x177: {  	vm0 =	veq.s32 v3, v0;
	s11 =	sadd.s32 s12, s11  }
0x178: {  	s10 =	sadd.s32 $0x80, s10;
	v1 =	vsel vm0, s11, v1  }
0x179: {  	_ =	swait.ge [sflag:s7], $0x4000  }
0x17a: {  	[sflag:s7] =	ssyncset.done $0x0  }
0x17b: {  	s9 =	simm.s32 $0x0;
	s10 =	rddreg [dreg:$0xb];
	[sflag:s7] =	ssyncadd.s32 $0xFFFFC000  }
0x17c: {  	[tilespmem:s9], [sflag:$0x1] =	stream.linear.gather [hbm4b:s10+s9], $0x4000, $0x38;
	[tilespmem:$0x1E700] =	vst v63  }
0x17d: {  	s10 =	simm.s32 $0x4400  }
.LBB2_22:
0x17e: {  	v4 =	vld [tilespmem:s10+$0x40]  }
0x17f: {  	v2 =	vld [tilespmem:s10+$0x50]  }
0x180: {  	v3 =	vld [tilespmem:s10+$0x60]  }
0x181: {  	v10 =	vld [tilespmem:s10+$0x0]  }
0x182: {  	v5 =	vld [tilespmem:s10+$0x10]  }
0x183: {  	v6 =	vld [tilespmem:s10+$0x20]  }
0x184: {  	v11 =	vld [tilespmem:s10+$0xFFFFFC40]  }
0x185: {  	v7 =	vld [tilespmem:s10+$0xFFFFFC50]  }
0x186: {  	v12 =	vld [tilespmem:s10+$0xFFFFFC00]  }
0x187: {  	v9 =	vld [tilespmem:s10+$0xFFFFFC60]  }
0x188: {  	v15 =	vld [tilespmem:s10+$0xFFFFFC10]  }
0x189: {  	v16 =	vld [tilespmem:s10+$0xFFFFFC20]  }
0x18a: {  	v8 =	vimm.s32 $0x0;
	v17 =	vld [tilespmem:s10+$0xFFFFFC30]  }
0x18b: {  	v14 =	vld [tilespmem:s10+$0xFFFFFC70];
	v12 =	vadd.s32 v8, v12  }
0x18c: {  	v13 =	vld [tilespmem:s10+$0x30];
	v11 =	vadd.s32 v11, v12  }
0x18d: {  	s11 =	simm.s32 $0x0;
	s12 =	sadd.s32 $0x800, s10;
	v12 =	vld [tilespmem:s10+$0x70];
	v18 =	vadd.s32 v10, v11;
	v11 =	vimm.s32 $0x0;
	v10 =	vimm.s32 $0x0  }
.LBB2_23:
0x18e: {  	v18 =	vadd.s32 v4, v18;
	v4 =	vld [tilespmem:s12+$0x40]  }
0x18f: {  	v8 =	vadd.s32 v8, v15;
	v11 =	vadd.s32 v11, v16;
	v19 =	vld [tilespmem:s12+$0x50];
	v10 =	vadd.s32 v10, v17  }
0x190: {  	v7 =	vadd.s32 v7, v8;
	v8 =	vadd.s32 v9, v11;
	v15 =	vld [tilespmem:s12+$0x60];
	v9 =	vadd.s32 v14, v10  }
0x191: {  	v7 =	vadd.s32 v5, v7;
	v6 =	vadd.s32 v6, v8;
	v20 =	vld [tilespmem:s12+$0x0];
	v9 =	vadd.s32 v13, v9  }
0x192: {  	v8 =	vadd.s32 v2, v7;
	v11 =	vadd.s32 v3, v6;
	v5 =	vld [tilespmem:s12+$0x10];
	v10 =	vadd.s32 v12, v9  }
0x193: {  	v6 =	vld [tilespmem:s12+$0x20]  }
0x194: {  	v12 =	vld [tilespmem:s12+$0xFFFFFC40];
	v2 =	vmov v19  }
0x195: {  	v7 =	vld [tilespmem:s12+$0xFFFFFC50];
	v3 =	vmov v15  }
0x196: {  	v13 =	vld [tilespmem:s12+$0xFFFFFC00]  }
0x197: {  	s11 =	sadd.s32 $0x4, s11;
	v9 =	vld [tilespmem:s12+$0xFFFFFC60]  }
0x198: {  	p0 =	slt.u32 s11, $0x1C;
	v15 =	vld [tilespmem:s12+$0xFFFFFC10]  }
.Ltmp10:
0x199: {  	v16 =	vld [tilespmem:s12+$0xFFFFFC20];
	(pc) =	sbr.rel @p0 .LBB2_23-.Ltmp10, $4  }
0x19a: {  	v17 =	vld [tilespmem:s12+$0xFFFFFC30]  }
0x19b: {  	v13 =	vadd.s32 v18, v13;
	v14 =	vld [tilespmem:s12+$0xFFFFFC70]  }
0x19c: {  	v12 =	vadd.s32 v12, v13;
	v13 =	vld [tilespmem:s12+$0x30]  }
0x19d: {  	v18 =	vadd.s32 v20, v12;
	v12 =	vld [tilespmem:s12+$0x70];
	s12 =	sadd.s32 $0x800, s12  }
0x19e: {  	v8 =	vadd.s32 v8, v15  }
0x19f: {  	v4 =	vadd.s32 v4, v18;
	v11 =	vadd.s32 v11, v16;
	v7 =	vadd.s32 v7, v8  }
0x1a0: {  	v60 =	vadd.s32 v10, v17;
	v9 =	vadd.s32 v9, v11;
	v5 =	vadd.s32 v5, v7  }
0x1a1: {  	v61 =	vadd.s32 v14, v60;
	v6 =	vadd.s32 v6, v9;
	v2 =	vadd.s32 v2, v5  }
0x1a2: {  	v62 =	vadd.s32 v13, v61;
	v3 =	vadd.s32 v3, v6;
	v2 =	vadd.s32 v4, v2  }
0x1a3: {  	v63 =	vadd.s32 v12, v62;
	v2 =	vadd.s32 v3, v2  }
0x1a4: {  	v2 =	vadd.s32 v63, v2  }
0x1a5: {  	v3 =	vshrl.u32 v2, $0x8  }
0x1a6: {  	v2 =	vand.u32 $0xFF00FF, v2;
	v3 =	vand.u32 $0xFF00FF, v3  }
0x1a7: {  	v2 =	vadd.s32 v2, v3  }
0x1a8: {  	v3 =	vand.u32 $0x1FF, v2;
	v2 =	vshrl.u32 v2, $0x10  }
0x1a9: {  	v2 =	vadd.s32 v2, v3  }
0x1aa: {  	[tilespmem:$0xC080] =	vst v2  }
0x1ab: {  	v3 =	vld [tilespmem:$0xC088];
	_ =	sdelay $0x4  }
0x1ac: {  	v2 =	vadd.s32 v2, v3  }
0x1ad: {  	[tilespmem:$0xC080] =	vst v2  }
0x1ae: {  	v3 =	vld [tilespmem:$0xC084];
	_ =	sdelay $0x4  }
0x1af: {  	v2 =	vadd.s32 v2, v3  }
0x1b0: {  	[tilespmem:$0xC080] =	vst v2  }
0x1b1: {  	v3 =	vld [tilespmem:$0xC082];
	_ =	sdelay $0x4  }
0x1b2: {  	v2 =	vadd.s32 v2, v3  }
0x1b3: {  	(v2sf) =	vpush v2, $0x0  }
0x1b4: {  	(v2sf) =	vpush v2, $0x1;
	_ =	sdelay $0xa  }
0x1b5: {  	s12 =	sor.u32 $0x8, s9;
	s9 =	sadd.s32 $0x1, s9  }
0x1b6: {  	p0 =	sne.s32 s9, $0x8  }
.Ltmp11:
0x1b7: {  	_ = 	snop;
	(pc) =	sbr.rel @p0 .LBB2_22-.Ltmp11, $4  }
0x1b8: {  	s11 =	spop (v2sf)  }
0x1b9: {  	v2 =	vmov s12;
	s14 =	spop (v2sf)  }
0x1ba: {  	vm0 =	veq.s32 v2, v0;
	s11 =	sadd.s32 s14, s11  }
0x1bb: {  	s10 =	sadd.s32 $0x80, s10;
	v1 =	vsel vm0, s11, v1  }
0x1bc: {  	vm0 =	veq.s32 v1, $0x0;
	v1 =	vadd.s32 $0xFFFFFFFF, v1  }
0x1bd: {  	v1 =	vsel vm0, $0x207F, v1  }
0x1be: {  	[tilespmem:$0xC020] =	vst v1  }
0x1bf: {  	_ =	swait.ge [sflag:s5], $0x4000  }
0x1c0: {  	[sflag:s5] =	ssyncset.done $0x0  }
0x1c1: {  	s9 =	simm.s32 $0x0;
	s10 =	rddreg [dreg:$0xc];
	[sflag:s5] =	ssyncadd.s32 $0xFFFFC000  }
0x1c2: {  	[tilespmem:s6], [sflag:$0x2] =	stream.linear.gather [hbm4b:s10+s9], $0x4000, $0x38;
	[tilespmem:$0x1E700] =	vst v63  }
0x1c3: {  	v2 =	vimm.s32 $0x0;
	v1 =	vimm.s32 $0x0;
	s10 =	simm.s32 $0x400  }
.LBB2_26:
0x1c4: {  	v5 =	vld [tilespmem:s10+$0x40]  }
0x1c5: {  	v3 =	vld [tilespmem:s10+$0x50]  }
0x1c6: {  	v4 =	vld [tilespmem:s10+$0x60]  }
0x1c7: {  	v10 =	vld [tilespmem:s10+$0x0]  }
0x1c8: {  	v6 =	vld [tilespmem:s10+$0x10]  }
0x1c9: {  	v7 =	vld [tilespmem:s10+$0x20]  }
0x1ca: {  	v11 =	vld [tilespmem:s10+$0xFFFFFC40]  }
0x1cb: {  	v12 =	vld [tilespmem:s10+$0xFFFFFC00]  }
0x1cc: {  	v8 =	vld [tilespmem:s10+$0xFFFFFC50]  }
0x1cd: {  	v9 =	vld [tilespmem:s10+$0xFFFFFC60]  }
0x1ce: {  	v16 =	vld [tilespmem:s10+$0xFFFFFC10]  }
0x1cf: {  	v17 =	vld [tilespmem:s10+$0xFFFFFC20]  }
0x1d0: {  	v18 =	vld [tilespmem:s10+$0xFFFFFC30]  }
0x1d1: {  	v15 =	vld [tilespmem:s10+$0xFFFFFC70];
	v12 =	vadd.s32 v2, v12  }
0x1d2: {  	v14 =	vld [tilespmem:s10+$0x30];
	v13 =	vimm.s32 $0x0;
	v11 =	vadd.s32 v11, v12  }
0x1d3: {  	s11 =	simm.s32 $0x0;
	s12 =	sadd.s32 $0x800, s10;
	v12 =	vld [tilespmem:s10+$0x70];
	v19 =	vadd.s32 v10, v11;
	v11 =	vimm.s32 $0x0;
	v10 =	vimm.s32 $0x0  }
.LBB2_27:
0x1d4: {  	v19 =	vadd.s32 v5, v19;
	v5 =	vld [tilespmem:s12+$0x40]  }
0x1d5: {  	v13 =	vadd.s32 v13, v16;
	v11 =	vadd.s32 v11, v17;
	v20 =	vld [tilespmem:s12+$0x50];
	v10 =	vadd.s32 v10, v18  }
0x1d6: {  	v8 =	vadd.s32 v8, v13;
	v9 =	vadd.s32 v9, v11;
	v16 =	vld [tilespmem:s12+$0x60];
	v10 =	vadd.s32 v15, v10  }
0x1d7: {  	v8 =	vadd.s32 v6, v8;
	v7 =	vadd.s32 v7, v9;
	v21 =	vld [tilespmem:s12+$0x0];
	v9 =	vadd.s32 v14, v10  }
0x1d8: {  	v13 =	vadd.s32 v3, v8;
	v11 =	vadd.s32 v4, v7;
	v6 =	vld [tilespmem:s12+$0x10];
	v10 =	vadd.s32 v12, v9  }
0x1d9: {  	v7 =	vld [tilespmem:s12+$0x20]  }
0x1da: {  	v12 =	vld [tilespmem:s12+$0xFFFFFC40];
	v3 =	vmov v20  }
0x1db: {  	v8 =	vld [tilespmem:s12+$0xFFFFFC50];
	v4 =	vmov v16  }
0x1dc: {  	v14 =	vld [tilespmem:s12+$0xFFFFFC00]  }
0x1dd: {  	s11 =	sadd.s32 $0x4, s11;
	v9 =	vld [tilespmem:s12+$0xFFFFFC60]  }
0x1de: {  	p0 =	slt.u32 s11, $0x1C;
	v16 =	vld [tilespmem:s12+$0xFFFFFC10]  }
.Ltmp12:
0x1df: {  	v17 =	vld [tilespmem:s12+$0xFFFFFC20];
	(pc) =	sbr.rel @p0 .LBB2_27-.Ltmp12, $4  }
0x1e0: {  	v18 =	vld [tilespmem:s12+$0xFFFFFC30]  }
0x1e1: {  	v14 =	vadd.s32 v19, v14;
	v15 =	vld [tilespmem:s12+$0xFFFFFC70]  }
0x1e2: {  	v12 =	vadd.s32 v12, v14;
	v14 =	vld [tilespmem:s12+$0x30]  }
0x1e3: {  	v19 =	vadd.s32 v21, v12;
	v12 =	vld [tilespmem:s12+$0x70];
	s12 =	sadd.s32 $0x800, s12  }
0x1e4: {  	v13 =	vadd.s32 v13, v16  }
0x1e5: {  	v5 =	vadd.s32 v5, v19;
	v11 =	vadd.s32 v11, v17;
	v8 =	vadd.s32 v8, v13  }
0x1e6: {  	v10 =	vadd.s32 v10, v18;
	v9 =	vadd.s32 v9, v11;
	v6 =	vadd.s32 v6, v8  }
0x1e7: {  	v57 =	vadd.s32 v15, v10;
	v7 =	vadd.s32 v7, v9;
	v3 =	vadd.s32 v3, v6  }
0x1e8: {  	v58 =	vadd.s32 v14, v57;
	v4 =	vadd.s32 v4, v7;
	v3 =	vadd.s32 v5, v3  }
0x1e9: {  	v59 =	vadd.s32 v12, v58;
	v3 =	vadd.s32 v4, v3  }
0x1ea: {  	v3 =	vadd.s32 v59, v3  }
0x1eb: {  	v60 =	vshrl.u32 v3, $0x8  }
0x1ec: {  	v3 =	vand.u32 $0xFF00FF, v3;
	v4 =	vand.u32 $0xFF00FF, v60  }
0x1ed: {  	v3 =	vadd.s32 v3, v4  }
0x1ee: {  	v4 =	vand.u32 $0x1FF, v3;
	v3 =	vshrl.u32 v3, $0x10  }
0x1ef: {  	v3 =	vadd.s32 v3, v4  }
0x1f0: {  	[tilespmem:$0xC080] =	vst v3  }
0x1f1: {  	v61 =	vld [tilespmem:$0xC088];
	_ =	sdelay $0x4  }
0x1f2: {  	v3 =	vadd.s32 v3, v61  }
0x1f3: {  	[tilespmem:$0xC080] =	vst v3  }
0x1f4: {  	v62 =	vld [tilespmem:$0xC084];
	_ =	sdelay $0x4  }
0x1f5: {  	v3 =	vadd.s32 v3, v62  }
0x1f6: {  	[tilespmem:$0xC080] =	vst v3  }
0x1f7: {  	v63 =	vld [tilespmem:$0xC082];
	_ =	sdelay $0x4  }
0x1f8: {  	v3 =	vadd.s32 v3, v63  }
0x1f9: {  	(v2sf) =	vpush v3, $0x0  }
0x1fa: {  	(v2sf) =	vpush v3, $0x1;
	_ =	sdelay $0xa  }
0x1fb: {  	v3 =	vmov s9;
	s9 =	sadd.s32 $0x1, s9  }
0x1fc: {  	p0 =	sne.s32 s9, $0x8  }
.Ltmp13:
0x1fd: {  	_ = 	snop;
	(pc) =	sbr.rel @p0 .LBB2_26-.Ltmp13, $4  }
0x1fe: {  	s11 =	spop (v2sf)  }
0x1ff: {  	s12 =	spop (v2sf)  }
0x200: {  	vm0 =	veq.s32 v3, v0;
	s11 =	sadd.s32 s12, s11  }
0x201: {  	s10 =	sadd.s32 $0x80, s10;
	v1 =	vsel vm0, s11, v1  }
0x202: {  	_ =	swait.ge [sflag:s7], $0x4000  }
0x203: {  	[sflag:s7] =	ssyncset.done $0x0  }
0x204: {  	s9 =	simm.s32 $0x0;
	s10 =	rddreg [dreg:$0xd];
	[sflag:s7] =	ssyncadd.s32 $0xFFFFC000  }
0x205: {  	[tilespmem:s9], [sflag:$0x1] =	stream.linear.gather [hbm4b:s10+s9], $0x4000, $0x38;
	[tilespmem:$0x1E700] =	vst v63  }
0x206: {  	s10 =	simm.s32 $0x4400  }
.LBB2_30:
0x207: {  	v4 =	vld [tilespmem:s10+$0x40]  }
0x208: {  	v2 =	vld [tilespmem:s10+$0x50]  }
0x209: {  	v3 =	vld [tilespmem:s10+$0x60]  }
0x20a: {  	v10 =	vld [tilespmem:s10+$0x0]  }
0x20b: {  	v5 =	vld [tilespmem:s10+$0x10]  }
0x20c: {  	v6 =	vld [tilespmem:s10+$0x20]  }
0x20d: {  	v11 =	vld [tilespmem:s10+$0xFFFFFC40]  }
0x20e: {  	v7 =	vld [tilespmem:s10+$0xFFFFFC50]  }
0x20f: {  	v12 =	vld [tilespmem:s10+$0xFFFFFC00]  }
0x210: {  	v9 =	vld [tilespmem:s10+$0xFFFFFC60]  }
0x211: {  	v15 =	vld [tilespmem:s10+$0xFFFFFC10]  }
0x212: {  	v16 =	vld [tilespmem:s10+$0xFFFFFC20]  }
0x213: {  	v8 =	vimm.s32 $0x0;
	v17 =	vld [tilespmem:s10+$0xFFFFFC30]  }
0x214: {  	v14 =	vld [tilespmem:s10+$0xFFFFFC70];
	v12 =	vadd.s32 v8, v12  }
0x215: {  	v13 =	vld [tilespmem:s10+$0x30];
	v11 =	vadd.s32 v11, v12  }
0x216: {  	s11 =	simm.s32 $0x0;
	s12 =	sadd.s32 $0x800, s10;
	v12 =	vld [tilespmem:s10+$0x70];
	v18 =	vadd.s32 v10, v11;
	v11 =	vimm.s32 $0x0;
	v10 =	vimm.s32 $0x0  }
.LBB2_31:
0x217: {  	v18 =	vadd.s32 v4, v18;
	v4 =	vld [tilespmem:s12+$0x40]  }
0x218: {  	v8 =	vadd.s32 v8, v15;
	v11 =	vadd.s32 v11, v16;
	v19 =	vld [tilespmem:s12+$0x50];
	v10 =	vadd.s32 v10, v17  }
0x219: {  	v7 =	vadd.s32 v7, v8;
	v8 =	vadd.s32 v9, v11;
	v15 =	vld [tilespmem:s12+$0x60];
	v9 =	vadd.s32 v14, v10  }
0x21a: {  	v7 =	vadd.s32 v5, v7;
	v6 =	vadd.s32 v6, v8;
	v20 =	vld [tilespmem:s12+$0x0];
	v9 =	vadd.s32 v13, v9  }
0x21b: {  	v8 =	vadd.s32 v2, v7;
	v11 =	vadd.s32 v3, v6;
	v5 =	vld [tilespmem:s12+$0x10];
	v10 =	vadd.s32 v12, v9  }
0x21c: {  	v6 =	vld [tilespmem:s12+$0x20]  }
0x21d: {  	v12 =	vld [tilespmem:s12+$0xFFFFFC40];
	v2 =	vmov v19  }
0x21e: {  	v7 =	vld [tilespmem:s12+$0xFFFFFC50];
	v3 =	vmov v15  }
0x21f: {  	v13 =	vld [tilespmem:s12+$0xFFFFFC00]  }
0x220: {  	s11 =	sadd.s32 $0x4, s11;
	v9 =	vld [tilespmem:s12+$0xFFFFFC60]  }
0x221: {  	p0 =	slt.u32 s11, $0x1C;
	v15 =	vld [tilespmem:s12+$0xFFFFFC10]  }
.Ltmp14:
0x222: {  	v16 =	vld [tilespmem:s12+$0xFFFFFC20];
	(pc) =	sbr.rel @p0 .LBB2_31-.Ltmp14, $4  }
0x223: {  	v17 =	vld [tilespmem:s12+$0xFFFFFC30]  }
0x224: {  	v13 =	vadd.s32 v18, v13;
	v14 =	vld [tilespmem:s12+$0xFFFFFC70]  }
0x225: {  	v12 =	vadd.s32 v12, v13;
	v13 =	vld [tilespmem:s12+$0x30]  }
0x226: {  	v18 =	vadd.s32 v20, v12;
	v12 =	vld [tilespmem:s12+$0x70];
	s12 =	sadd.s32 $0x800, s12  }
0x227: {  	v8 =	vadd.s32 v8, v15  }
0x228: {  	v4 =	vadd.s32 v4, v18;
	v11 =	vadd.s32 v11, v16;
	v7 =	vadd.s32 v7, v8  }
0x229: {  	v60 =	vadd.s32 v10, v17;
	v9 =	vadd.s32 v9, v11;
	v5 =	vadd.s32 v5, v7  }
0x22a: {  	v61 =	vadd.s32 v14, v60;
	v6 =	vadd.s32 v6, v9;
	v2 =	vadd.s32 v2, v5  }
0x22b: {  	v62 =	vadd.s32 v13, v61;
	v3 =	vadd.s32 v3, v6;
	v2 =	vadd.s32 v4, v2  }
0x22c: {  	v63 =	vadd.s32 v12, v62;
	v2 =	vadd.s32 v3, v2  }
0x22d: {  	v2 =	vadd.s32 v63, v2  }
0x22e: {  	v3 =	vshrl.u32 v2, $0x8  }
0x22f: {  	v2 =	vand.u32 $0xFF00FF, v2;
	v3 =	vand.u32 $0xFF00FF, v3  }
0x230: {  	v2 =	vadd.s32 v2, v3  }
0x231: {  	v3 =	vand.u32 $0x1FF, v2;
	v2 =	vshrl.u32 v2, $0x10  }
0x232: {  	v2 =	vadd.s32 v2, v3  }
0x233: {  	[tilespmem:$0xC080] =	vst v2  }
0x234: {  	v3 =	vld [tilespmem:$0xC088];
	_ =	sdelay $0x4  }
0x235: {  	v2 =	vadd.s32 v2, v3  }
0x236: {  	[tilespmem:$0xC080] =	vst v2  }
0x237: {  	v3 =	vld [tilespmem:$0xC084];
	_ =	sdelay $0x4  }
0x238: {  	v2 =	vadd.s32 v2, v3  }
0x239: {  	[tilespmem:$0xC080] =	vst v2  }
0x23a: {  	v3 =	vld [tilespmem:$0xC082];
	_ =	sdelay $0x4  }
0x23b: {  	v2 =	vadd.s32 v2, v3  }
0x23c: {  	(v2sf) =	vpush v2, $0x0  }
0x23d: {  	(v2sf) =	vpush v2, $0x1;
	_ =	sdelay $0xa  }
0x23e: {  	s12 =	sor.u32 $0x8, s9;
	s9 =	sadd.s32 $0x1, s9  }
0x23f: {  	p0 =	sne.s32 s9, $0x8  }
.Ltmp15:
0x240: {  	_ = 	snop;
	(pc) =	sbr.rel @p0 .LBB2_30-.Ltmp15, $4  }
0x241: {  	s11 =	spop (v2sf)  }
0x242: {  	v2 =	vmov s12;
	s14 =	spop (v2sf)  }
0x243: {  	vm0 =	veq.s32 v2, v0;
	s11 =	sadd.s32 s14, s11  }
0x244: {  	s10 =	sadd.s32 $0x80, s10;
	v1 =	vsel vm0, s11, v1  }
0x245: {  	vm0 =	veq.s32 v1, $0x0;
	v1 =	vadd.s32 $0xFFFFFFFF, v1  }
0x246: {  	v1 =	vsel vm0, $0x207F, v1  }
0x247: {  	[tilespmem:$0xC030] =	vst v1  }
0x248: {  	_ =	swait.ge [sflag:s5], $0x4000  }
0x249: {  	[sflag:s5] =	ssyncset.done $0x0  }
0x24a: {  	s9 =	simm.s32 $0x0;
	s10 =	simm.s32 $0x400;
	[sflag:s5] =	ssyncadd.s32 $0xFFFFC000  }
0x24b: {  	v2 =	vimm.s32 $0x0;
	v1 =	vimm.s32 $0x0;
	[tilespmem:s6], [sflag:$0x2] =	stream.linear.gather [hbm4b:s15+s9], $0x4000, $0x38;
	[tilespmem:$0x1E700] =	vst v63  }
.LBB2_34:
0x24c: {  	v5 =	vld [tilespmem:s10+$0x40]  }
0x24d: {  	v3 =	vld [tilespmem:s10+$0x50]  }
0x24e: {  	v4 =	vld [tilespmem:s10+$0x60]  }
0x24f: {  	v10 =	vld [tilespmem:s10+$0x0]  }
0x250: {  	v6 =	vld [tilespmem:s10+$0x10]  }
0x251: {  	v7 =	vld [tilespmem:s10+$0x20]  }
0x252: {  	v11 =	vld [tilespmem:s10+$0xFFFFFC40]  }
0x253: {  	v12 =	vld [tilespmem:s10+$0xFFFFFC00]  }
0x254: {  	v8 =	vld [tilespmem:s10+$0xFFFFFC50]  }
0x255: {  	v9 =	vld [tilespmem:s10+$0xFFFFFC60]  }
0x256: {  	v16 =	vld [tilespmem:s10+$0xFFFFFC10]  }
0x257: {  	v17 =	vld [tilespmem:s10+$0xFFFFFC20]  }
0x258: {  	v18 =	vld [tilespmem:s10+$0xFFFFFC30]  }
0x259: {  	v15 =	vld [tilespmem:s10+$0xFFFFFC70];
	v12 =	vadd.s32 v2, v12  }
0x25a: {  	v14 =	vld [tilespmem:s10+$0x30];
	v13 =	vimm.s32 $0x0;
	v11 =	vadd.s32 v11, v12  }
0x25b: {  	s11 =	simm.s32 $0x0;
	s12 =	sadd.s32 $0x800, s10;
	v12 =	vld [tilespmem:s10+$0x70];
	v19 =	vadd.s32 v10, v11;
	v11 =	vimm.s32 $0x0;
	v10 =	vimm.s32 $0x0  }
.LBB2_35:
0x25c: {  	v19 =	vadd.s32 v5, v19;
	v5 =	vld [tilespmem:s12+$0x40]  }
0x25d: {  	v13 =	vadd.s32 v13, v16;
	v11 =	vadd.s32 v11, v17;
	v20 =	vld [tilespmem:s12+$0x50];
	v10 =	vadd.s32 v10, v18  }
0x25e: {  	v8 =	vadd.s32 v8, v13;
	v9 =	vadd.s32 v9, v11;
	v16 =	vld [tilespmem:s12+$0x60];
	v10 =	vadd.s32 v15, v10  }
0x25f: {  	v8 =	vadd.s32 v6, v8;
	v7 =	vadd.s32 v7, v9;
	v21 =	vld [tilespmem:s12+$0x0];
	v9 =	vadd.s32 v14, v10  }
0x260: {  	v13 =	vadd.s32 v3, v8;
	v11 =	vadd.s32 v4, v7;
	v6 =	vld [tilespmem:s12+$0x10];
	v10 =	vadd.s32 v12, v9  }
0x261: {  	v7 =	vld [tilespmem:s12+$0x20]  }
0x262: {  	v12 =	vld [tilespmem:s12+$0xFFFFFC40];
	v3 =	vmov v20  }
0x263: {  	v8 =	vld [tilespmem:s12+$0xFFFFFC50];
	v4 =	vmov v16  }
0x264: {  	v14 =	vld [tilespmem:s12+$0xFFFFFC00]  }
0x265: {  	s11 =	sadd.s32 $0x4, s11;
	v9 =	vld [tilespmem:s12+$0xFFFFFC60]  }
0x266: {  	p0 =	slt.u32 s11, $0x1C;
	v16 =	vld [tilespmem:s12+$0xFFFFFC10]  }
.Ltmp16:
0x267: {  	v17 =	vld [tilespmem:s12+$0xFFFFFC20];
	(pc) =	sbr.rel @p0 .LBB2_35-.Ltmp16, $4  }
0x268: {  	v18 =	vld [tilespmem:s12+$0xFFFFFC30]  }
0x269: {  	v14 =	vadd.s32 v19, v14;
	v15 =	vld [tilespmem:s12+$0xFFFFFC70]  }
0x26a: {  	v12 =	vadd.s32 v12, v14;
	v14 =	vld [tilespmem:s12+$0x30]  }
0x26b: {  	v19 =	vadd.s32 v21, v12;
	v12 =	vld [tilespmem:s12+$0x70];
	s12 =	sadd.s32 $0x800, s12  }
0x26c: {  	v13 =	vadd.s32 v13, v16  }
0x26d: {  	v5 =	vadd.s32 v5, v19;
	v11 =	vadd.s32 v11, v17;
	v8 =	vadd.s32 v8, v13  }
0x26e: {  	v10 =	vadd.s32 v10, v18;
	v9 =	vadd.s32 v9, v11;
	v6 =	vadd.s32 v6, v8  }
0x26f: {  	v57 =	vadd.s32 v15, v10;
	v7 =	vadd.s32 v7, v9;
	v3 =	vadd.s32 v3, v6  }
0x270: {  	v58 =	vadd.s32 v14, v57;
	v4 =	vadd.s32 v4, v7;
	v3 =	vadd.s32 v5, v3  }
0x271: {  	v59 =	vadd.s32 v12, v58;
	v3 =	vadd.s32 v4, v3  }
0x272: {  	v3 =	vadd.s32 v59, v3  }
0x273: {  	v60 =	vshrl.u32 v3, $0x8  }
0x274: {  	v3 =	vand.u32 $0xFF00FF, v3;
	v4 =	vand.u32 $0xFF00FF, v60  }
0x275: {  	v3 =	vadd.s32 v3, v4  }
0x276: {  	v4 =	vand.u32 $0x1FF, v3;
	v3 =	vshrl.u32 v3, $0x10  }
0x277: {  	v3 =	vadd.s32 v3, v4  }
0x278: {  	[tilespmem:$0xC080] =	vst v3  }
0x279: {  	v61 =	vld [tilespmem:$0xC088];
	_ =	sdelay $0x4  }
0x27a: {  	v3 =	vadd.s32 v3, v61  }
0x27b: {  	[tilespmem:$0xC080] =	vst v3  }
0x27c: {  	v62 =	vld [tilespmem:$0xC084];
	_ =	sdelay $0x4  }
0x27d: {  	v3 =	vadd.s32 v3, v62  }
0x27e: {  	[tilespmem:$0xC080] =	vst v3  }
0x27f: {  	v63 =	vld [tilespmem:$0xC082];
	_ =	sdelay $0x4  }
0x280: {  	v3 =	vadd.s32 v3, v63  }
0x281: {  	(v2sf) =	vpush v3, $0x0  }
0x282: {  	(v2sf) =	vpush v3, $0x1;
	_ =	sdelay $0xa  }
0x283: {  	v3 =	vmov s9;
	s9 =	sadd.s32 $0x1, s9  }
0x284: {  	p0 =	sne.s32 s9, $0x8  }
.Ltmp17:
0x285: {  	_ = 	snop;
	(pc) =	sbr.rel @p0 .LBB2_34-.Ltmp17, $4  }
0x286: {  	s11 =	spop (v2sf)  }
0x287: {  	s12 =	spop (v2sf)  }
0x288: {  	vm0 =	veq.s32 v3, v0;
	s11 =	sadd.s32 s12, s11  }
0x289: {  	s10 =	sadd.s32 $0x80, s10;
	v1 =	vsel vm0, s11, v1  }
0x28a: {  	_ =	swait.ge [sflag:s7], $0x4000  }
0x28b: {  	[sflag:s7] =	ssyncset.done $0x0  }
0x28c: {  	s9 =	simm.s32 $0x0;
	s10 =	simm.s32 $0x4400;
	[sflag:s7] =	ssyncadd.s32 $0xFFFFC000  }
0x28d: {  	[tilespmem:s9], [sflag:$0x1] =	stream.linear.gather [hbm4b:s16+s9], $0x4000, $0x38;
	[tilespmem:$0x1E700] =	vst v63  }
.LBB2_38:
0x28e: {  	v4 =	vld [tilespmem:s10+$0x40]  }
0x28f: {  	v2 =	vld [tilespmem:s10+$0x50]  }
0x290: {  	v3 =	vld [tilespmem:s10+$0x60]  }
0x291: {  	v10 =	vld [tilespmem:s10+$0x0]  }
0x292: {  	v5 =	vld [tilespmem:s10+$0x10]  }
0x293: {  	v6 =	vld [tilespmem:s10+$0x20]  }
0x294: {  	v11 =	vld [tilespmem:s10+$0xFFFFFC40]  }
0x295: {  	v7 =	vld [tilespmem:s10+$0xFFFFFC50]  }
0x296: {  	v12 =	vld [tilespmem:s10+$0xFFFFFC00]  }
0x297: {  	v9 =	vld [tilespmem:s10+$0xFFFFFC60]  }
0x298: {  	v15 =	vld [tilespmem:s10+$0xFFFFFC10]  }
0x299: {  	v16 =	vld [tilespmem:s10+$0xFFFFFC20]  }
0x29a: {  	v8 =	vimm.s32 $0x0;
	v17 =	vld [tilespmem:s10+$0xFFFFFC30]  }
0x29b: {  	v14 =	vld [tilespmem:s10+$0xFFFFFC70];
	v12 =	vadd.s32 v8, v12  }
0x29c: {  	v13 =	vld [tilespmem:s10+$0x30];
	v11 =	vadd.s32 v11, v12  }
0x29d: {  	s11 =	simm.s32 $0x0;
	s12 =	sadd.s32 $0x800, s10;
	v12 =	vld [tilespmem:s10+$0x70];
	v18 =	vadd.s32 v10, v11;
	v11 =	vimm.s32 $0x0;
	v10 =	vimm.s32 $0x0  }
.LBB2_39:
0x29e: {  	v18 =	vadd.s32 v4, v18;
	v4 =	vld [tilespmem:s12+$0x40]  }
0x29f: {  	v8 =	vadd.s32 v8, v15;
	v11 =	vadd.s32 v11, v16;
	v19 =	vld [tilespmem:s12+$0x50];
	v10 =	vadd.s32 v10, v17  }
0x2a0: {  	v7 =	vadd.s32 v7, v8;
	v8 =	vadd.s32 v9, v11;
	v15 =	vld [tilespmem:s12+$0x60];
	v9 =	vadd.s32 v14, v10  }
0x2a1: {  	v7 =	vadd.s32 v5, v7;
	v6 =	vadd.s32 v6, v8;
	v20 =	vld [tilespmem:s12+$0x0];
	v9 =	vadd.s32 v13, v9  }
0x2a2: {  	v8 =	vadd.s32 v2, v7;
	v11 =	vadd.s32 v3, v6;
	v5 =	vld [tilespmem:s12+$0x10];
	v10 =	vadd.s32 v12, v9  }
0x2a3: {  	v6 =	vld [tilespmem:s12+$0x20]  }
0x2a4: {  	v12 =	vld [tilespmem:s12+$0xFFFFFC40];
	v2 =	vmov v19  }
0x2a5: {  	v7 =	vld [tilespmem:s12+$0xFFFFFC50];
	v3 =	vmov v15  }
0x2a6: {  	v13 =	vld [tilespmem:s12+$0xFFFFFC00]  }
0x2a7: {  	s11 =	sadd.s32 $0x4, s11;
	v9 =	vld [tilespmem:s12+$0xFFFFFC60]  }
0x2a8: {  	p0 =	slt.u32 s11, $0x1C;
	v15 =	vld [tilespmem:s12+$0xFFFFFC10]  }
.Ltmp18:
0x2a9: {  	v16 =	vld [tilespmem:s12+$0xFFFFFC20];
	(pc) =	sbr.rel @p0 .LBB2_39-.Ltmp18, $4  }
0x2aa: {  	v17 =	vld [tilespmem:s12+$0xFFFFFC30]  }
0x2ab: {  	v13 =	vadd.s32 v18, v13;
	v14 =	vld [tilespmem:s12+$0xFFFFFC70]  }
0x2ac: {  	v12 =	vadd.s32 v12, v13;
	v13 =	vld [tilespmem:s12+$0x30]  }
0x2ad: {  	v18 =	vadd.s32 v20, v12;
	v12 =	vld [tilespmem:s12+$0x70];
	s12 =	sadd.s32 $0x800, s12  }
0x2ae: {  	v8 =	vadd.s32 v8, v15  }
0x2af: {  	v4 =	vadd.s32 v4, v18;
	v11 =	vadd.s32 v11, v16;
	v7 =	vadd.s32 v7, v8  }
0x2b0: {  	v60 =	vadd.s32 v10, v17;
	v9 =	vadd.s32 v9, v11;
	v5 =	vadd.s32 v5, v7  }
0x2b1: {  	v61 =	vadd.s32 v14, v60;
	v6 =	vadd.s32 v6, v9;
	v2 =	vadd.s32 v2, v5  }
0x2b2: {  	v62 =	vadd.s32 v13, v61;
	v3 =	vadd.s32 v3, v6;
	v2 =	vadd.s32 v4, v2  }
0x2b3: {  	v63 =	vadd.s32 v12, v62;
	v2 =	vadd.s32 v3, v2  }
0x2b4: {  	v2 =	vadd.s32 v63, v2  }
0x2b5: {  	v3 =	vshrl.u32 v2, $0x8  }
0x2b6: {  	v2 =	vand.u32 $0xFF00FF, v2;
	v3 =	vand.u32 $0xFF00FF, v3  }
0x2b7: {  	v2 =	vadd.s32 v2, v3  }
0x2b8: {  	v3 =	vand.u32 $0x1FF, v2;
	v2 =	vshrl.u32 v2, $0x10  }
0x2b9: {  	v2 =	vadd.s32 v2, v3  }
0x2ba: {  	[tilespmem:$0xC080] =	vst v2  }
0x2bb: {  	v3 =	vld [tilespmem:$0xC088];
	_ =	sdelay $0x4  }
0x2bc: {  	v2 =	vadd.s32 v2, v3  }
0x2bd: {  	[tilespmem:$0xC080] =	vst v2  }
0x2be: {  	v3 =	vld [tilespmem:$0xC084];
	_ =	sdelay $0x4  }
0x2bf: {  	v2 =	vadd.s32 v2, v3  }
0x2c0: {  	[tilespmem:$0xC080] =	vst v2  }
0x2c1: {  	v3 =	vld [tilespmem:$0xC082];
	_ =	sdelay $0x4  }
0x2c2: {  	v2 =	vadd.s32 v2, v3  }
0x2c3: {  	(v2sf) =	vpush v2, $0x0  }
0x2c4: {  	(v2sf) =	vpush v2, $0x1;
	_ =	sdelay $0xa  }
0x2c5: {  	s12 =	sor.u32 $0x8, s9;
	s9 =	sadd.s32 $0x1, s9  }
0x2c6: {  	p0 =	sne.s32 s9, $0x8  }
.Ltmp19:
0x2c7: {  	_ = 	snop;
	(pc) =	sbr.rel @p0 .LBB2_38-.Ltmp19, $4  }
0x2c8: {  	s11 =	spop (v2sf)  }
0x2c9: {  	v2 =	vmov s12;
	s14 =	spop (v2sf)  }
0x2ca: {  	vm0 =	veq.s32 v2, v0;
	s11 =	sadd.s32 s14, s11  }
0x2cb: {  	s10 =	sadd.s32 $0x80, s10;
	v1 =	vsel vm0, s11, v1  }
0x2cc: {  	vm0 =	veq.s32 v1, $0x0;
	v1 =	vadd.s32 $0xFFFFFFFF, v1  }
0x2cd: {  	v1 =	vsel vm0, $0x207F, v1  }
0x2ce: {  	[tilespmem:$0xC040] =	vst v1  }
0x2cf: {  	_ =	swait.ge [sflag:s5], $0x4000  }
0x2d0: {  	[sflag:s5] =	ssyncset.done $0x0  }
0x2d1: {  	s9 =	simm.s32 $0x0;
	s10 =	simm.s32 $0x400;
	[sflag:s5] =	ssyncadd.s32 $0xFFFFC000  }
0x2d2: {  	v2 =	vimm.s32 $0x0;
	v1 =	vimm.s32 $0x0;
	[tilespmem:s6], [sflag:$0x2] =	stream.linear.gather [hbm4b:s17+s9], $0x4000, $0x38;
	[tilespmem:$0x1E700] =	vst v63  }
.LBB2_42:
0x2d3: {  	v5 =	vld [tilespmem:s10+$0x40]  }
0x2d4: {  	v3 =	vld [tilespmem:s10+$0x50]  }
0x2d5: {  	v4 =	vld [tilespmem:s10+$0x60]  }
0x2d6: {  	v10 =	vld [tilespmem:s10+$0x0]  }
0x2d7: {  	v6 =	vld [tilespmem:s10+$0x10]  }
0x2d8: {  	v7 =	vld [tilespmem:s10+$0x20]  }
0x2d9: {  	v11 =	vld [tilespmem:s10+$0xFFFFFC40]  }
0x2da: {  	v12 =	vld [tilespmem:s10+$0xFFFFFC00]  }
0x2db: {  	v8 =	vld [tilespmem:s10+$0xFFFFFC50]  }
0x2dc: {  	v9 =	vld [tilespmem:s10+$0xFFFFFC60]  }
0x2dd: {  	v16 =	vld [tilespmem:s10+$0xFFFFFC10]  }
0x2de: {  	v17 =	vld [tilespmem:s10+$0xFFFFFC20]  }
0x2df: {  	v18 =	vld [tilespmem:s10+$0xFFFFFC30]  }
0x2e0: {  	v15 =	vld [tilespmem:s10+$0xFFFFFC70];
	v12 =	vadd.s32 v2, v12  }
0x2e1: {  	v14 =	vld [tilespmem:s10+$0x30];
	v13 =	vimm.s32 $0x0;
	v11 =	vadd.s32 v11, v12  }
0x2e2: {  	s11 =	simm.s32 $0x0;
	s12 =	sadd.s32 $0x800, s10;
	v12 =	vld [tilespmem:s10+$0x70];
	v19 =	vadd.s32 v10, v11;
	v11 =	vimm.s32 $0x0;
	v10 =	vimm.s32 $0x0  }
.LBB2_43:
0x2e3: {  	v19 =	vadd.s32 v5, v19;
	v5 =	vld [tilespmem:s12+$0x40]  }
0x2e4: {  	v13 =	vadd.s32 v13, v16;
	v11 =	vadd.s32 v11, v17;
	v20 =	vld [tilespmem:s12+$0x50];
	v10 =	vadd.s32 v10, v18  }
0x2e5: {  	v8 =	vadd.s32 v8, v13;
	v9 =	vadd.s32 v9, v11;
	v16 =	vld [tilespmem:s12+$0x60];
	v10 =	vadd.s32 v15, v10  }
0x2e6: {  	v8 =	vadd.s32 v6, v8;
	v7 =	vadd.s32 v7, v9;
	v21 =	vld [tilespmem:s12+$0x0];
	v9 =	vadd.s32 v14, v10  }
0x2e7: {  	v13 =	vadd.s32 v3, v8;
	v11 =	vadd.s32 v4, v7;
	v6 =	vld [tilespmem:s12+$0x10];
	v10 =	vadd.s32 v12, v9  }
0x2e8: {  	v7 =	vld [tilespmem:s12+$0x20]  }
0x2e9: {  	v12 =	vld [tilespmem:s12+$0xFFFFFC40];
	v3 =	vmov v20  }
0x2ea: {  	v8 =	vld [tilespmem:s12+$0xFFFFFC50];
	v4 =	vmov v16  }
0x2eb: {  	v14 =	vld [tilespmem:s12+$0xFFFFFC00]  }
0x2ec: {  	s11 =	sadd.s32 $0x4, s11;
	v9 =	vld [tilespmem:s12+$0xFFFFFC60]  }
0x2ed: {  	p0 =	slt.u32 s11, $0x1C;
	v16 =	vld [tilespmem:s12+$0xFFFFFC10]  }
.Ltmp20:
0x2ee: {  	v17 =	vld [tilespmem:s12+$0xFFFFFC20];
	(pc) =	sbr.rel @p0 .LBB2_43-.Ltmp20, $4  }
0x2ef: {  	v18 =	vld [tilespmem:s12+$0xFFFFFC30]  }
0x2f0: {  	v14 =	vadd.s32 v19, v14;
	v15 =	vld [tilespmem:s12+$0xFFFFFC70]  }
0x2f1: {  	v12 =	vadd.s32 v12, v14;
	v14 =	vld [tilespmem:s12+$0x30]  }
0x2f2: {  	v19 =	vadd.s32 v21, v12;
	v12 =	vld [tilespmem:s12+$0x70];
	s12 =	sadd.s32 $0x800, s12  }
0x2f3: {  	v13 =	vadd.s32 v13, v16  }
0x2f4: {  	v5 =	vadd.s32 v5, v19;
	v11 =	vadd.s32 v11, v17;
	v8 =	vadd.s32 v8, v13  }
0x2f5: {  	v10 =	vadd.s32 v10, v18;
	v9 =	vadd.s32 v9, v11;
	v6 =	vadd.s32 v6, v8  }
0x2f6: {  	v57 =	vadd.s32 v15, v10;
	v7 =	vadd.s32 v7, v9;
	v3 =	vadd.s32 v3, v6  }
0x2f7: {  	v58 =	vadd.s32 v14, v57;
	v4 =	vadd.s32 v4, v7;
	v3 =	vadd.s32 v5, v3  }
0x2f8: {  	v59 =	vadd.s32 v12, v58;
	v3 =	vadd.s32 v4, v3  }
0x2f9: {  	v3 =	vadd.s32 v59, v3  }
0x2fa: {  	v60 =	vshrl.u32 v3, $0x8  }
0x2fb: {  	v3 =	vand.u32 $0xFF00FF, v3;
	v4 =	vand.u32 $0xFF00FF, v60  }
0x2fc: {  	v3 =	vadd.s32 v3, v4  }
0x2fd: {  	v4 =	vand.u32 $0x1FF, v3;
	v3 =	vshrl.u32 v3, $0x10  }
0x2fe: {  	v3 =	vadd.s32 v3, v4  }
0x2ff: {  	[tilespmem:$0xC080] =	vst v3  }
0x300: {  	v61 =	vld [tilespmem:$0xC088];
	_ =	sdelay $0x4  }
0x301: {  	v3 =	vadd.s32 v3, v61  }
0x302: {  	[tilespmem:$0xC080] =	vst v3  }
0x303: {  	v62 =	vld [tilespmem:$0xC084];
	_ =	sdelay $0x4  }
0x304: {  	v3 =	vadd.s32 v3, v62  }
0x305: {  	[tilespmem:$0xC080] =	vst v3  }
0x306: {  	v63 =	vld [tilespmem:$0xC082];
	_ =	sdelay $0x4  }
0x307: {  	v3 =	vadd.s32 v3, v63  }
0x308: {  	(v2sf) =	vpush v3, $0x0  }
0x309: {  	(v2sf) =	vpush v3, $0x1;
	_ =	sdelay $0xa  }
0x30a: {  	v3 =	vmov s9;
	s9 =	sadd.s32 $0x1, s9  }
0x30b: {  	p0 =	sne.s32 s9, $0x8  }
.Ltmp21:
0x30c: {  	_ = 	snop;
	(pc) =	sbr.rel @p0 .LBB2_42-.Ltmp21, $4  }
0x30d: {  	s11 =	spop (v2sf)  }
0x30e: {  	s12 =	spop (v2sf)  }
0x30f: {  	vm0 =	veq.s32 v3, v0;
	s11 =	sadd.s32 s12, s11  }
0x310: {  	s10 =	sadd.s32 $0x80, s10;
	v1 =	vsel vm0, s11, v1  }
0x311: {  	_ =	swait.ge [sflag:s7], $0x4000  }
0x312: {  	[sflag:s7] =	ssyncset.done $0x0  }
0x313: {  	s9 =	simm.s32 $0x0;
	s10 =	simm.s32 $0x4400;
	[sflag:s7] =	ssyncadd.s32 $0xFFFFC000  }
0x314: {  	[tilespmem:s9], [sflag:$0x1] =	stream.linear.gather [hbm4b:s18+s9], $0x4000, $0x38;
	[tilespmem:$0x1E700] =	vst v63  }
.LBB2_46:
0x315: {  	v4 =	vld [tilespmem:s10+$0x40]  }
0x316: {  	v2 =	vld [tilespmem:s10+$0x50]  }
0x317: {  	v3 =	vld [tilespmem:s10+$0x60]  }
0x318: {  	v10 =	vld [tilespmem:s10+$0x0]  }
0x319: {  	v5 =	vld [tilespmem:s10+$0x10]  }
0x31a: {  	v6 =	vld [tilespmem:s10+$0x20]  }
0x31b: {  	v11 =	vld [tilespmem:s10+$0xFFFFFC40]  }
0x31c: {  	v7 =	vld [tilespmem:s10+$0xFFFFFC50]  }
0x31d: {  	v12 =	vld [tilespmem:s10+$0xFFFFFC00]  }
0x31e: {  	v9 =	vld [tilespmem:s10+$0xFFFFFC60]  }
0x31f: {  	v15 =	vld [tilespmem:s10+$0xFFFFFC10]  }
0x320: {  	v16 =	vld [tilespmem:s10+$0xFFFFFC20]  }
0x321: {  	v8 =	vimm.s32 $0x0;
	v17 =	vld [tilespmem:s10+$0xFFFFFC30]  }
0x322: {  	v14 =	vld [tilespmem:s10+$0xFFFFFC70];
	v12 =	vadd.s32 v8, v12  }
0x323: {  	v13 =	vld [tilespmem:s10+$0x30];
	v11 =	vadd.s32 v11, v12  }
0x324: {  	s11 =	simm.s32 $0x0;
	s12 =	sadd.s32 $0x800, s10;
	v12 =	vld [tilespmem:s10+$0x70];
	v18 =	vadd.s32 v10, v11;
	v11 =	vimm.s32 $0x0;
	v10 =	vimm.s32 $0x0  }
.LBB2_47:
0x325: {  	v18 =	vadd.s32 v4, v18;
	v4 =	vld [tilespmem:s12+$0x40]  }
0x326: {  	v8 =	vadd.s32 v8, v15;
	v11 =	vadd.s32 v11, v16;
	v19 =	vld [tilespmem:s12+$0x50];
	v10 =	vadd.s32 v10, v17  }
0x327: {  	v7 =	vadd.s32 v7, v8;
	v8 =	vadd.s32 v9, v11;
	v15 =	vld [tilespmem:s12+$0x60];
	v9 =	vadd.s32 v14, v10  }
0x328: {  	v7 =	vadd.s32 v5, v7;
	v6 =	vadd.s32 v6, v8;
	v20 =	vld [tilespmem:s12+$0x0];
	v9 =	vadd.s32 v13, v9  }
0x329: {  	v8 =	vadd.s32 v2, v7;
	v11 =	vadd.s32 v3, v6;
	v5 =	vld [tilespmem:s12+$0x10];
	v10 =	vadd.s32 v12, v9  }
0x32a: {  	v6 =	vld [tilespmem:s12+$0x20]  }
0x32b: {  	v12 =	vld [tilespmem:s12+$0xFFFFFC40];
	v2 =	vmov v19  }
0x32c: {  	v7 =	vld [tilespmem:s12+$0xFFFFFC50];
	v3 =	vmov v15  }
0x32d: {  	v13 =	vld [tilespmem:s12+$0xFFFFFC00]  }
0x32e: {  	s11 =	sadd.s32 $0x4, s11;
	v9 =	vld [tilespmem:s12+$0xFFFFFC60]  }
0x32f: {  	p0 =	slt.u32 s11, $0x1C;
	v15 =	vld [tilespmem:s12+$0xFFFFFC10]  }
.Ltmp22:
0x330: {  	v16 =	vld [tilespmem:s12+$0xFFFFFC20];
	(pc) =	sbr.rel @p0 .LBB2_47-.Ltmp22, $4  }
0x331: {  	v17 =	vld [tilespmem:s12+$0xFFFFFC30]  }
0x332: {  	v13 =	vadd.s32 v18, v13;
	v14 =	vld [tilespmem:s12+$0xFFFFFC70]  }
0x333: {  	v12 =	vadd.s32 v12, v13;
	v13 =	vld [tilespmem:s12+$0x30]  }
0x334: {  	v18 =	vadd.s32 v20, v12;
	v12 =	vld [tilespmem:s12+$0x70];
	s12 =	sadd.s32 $0x800, s12  }
0x335: {  	v8 =	vadd.s32 v8, v15  }
0x336: {  	v4 =	vadd.s32 v4, v18;
	v11 =	vadd.s32 v11, v16;
	v7 =	vadd.s32 v7, v8  }
0x337: {  	v60 =	vadd.s32 v10, v17;
	v9 =	vadd.s32 v9, v11;
	v5 =	vadd.s32 v5, v7  }
0x338: {  	v61 =	vadd.s32 v14, v60;
	v6 =	vadd.s32 v6, v9;
	v2 =	vadd.s32 v2, v5  }
0x339: {  	v62 =	vadd.s32 v13, v61;
	v3 =	vadd.s32 v3, v6;
	v2 =	vadd.s32 v4, v2  }
0x33a: {  	v63 =	vadd.s32 v12, v62;
	v2 =	vadd.s32 v3, v2  }
0x33b: {  	v2 =	vadd.s32 v63, v2  }
0x33c: {  	v3 =	vshrl.u32 v2, $0x8  }
0x33d: {  	v2 =	vand.u32 $0xFF00FF, v2;
	v3 =	vand.u32 $0xFF00FF, v3  }
0x33e: {  	v2 =	vadd.s32 v2, v3  }
0x33f: {  	v3 =	vand.u32 $0x1FF, v2;
	v2 =	vshrl.u32 v2, $0x10  }
0x340: {  	v2 =	vadd.s32 v2, v3  }
0x341: {  	[tilespmem:$0xC080] =	vst v2  }
0x342: {  	v3 =	vld [tilespmem:$0xC088];
	_ =	sdelay $0x4  }
0x343: {  	v2 =	vadd.s32 v2, v3  }
0x344: {  	[tilespmem:$0xC080] =	vst v2  }
0x345: {  	v3 =	vld [tilespmem:$0xC084];
	_ =	sdelay $0x4  }
0x346: {  	v2 =	vadd.s32 v2, v3  }
0x347: {  	[tilespmem:$0xC080] =	vst v2  }
0x348: {  	v3 =	vld [tilespmem:$0xC082];
	_ =	sdelay $0x4  }
0x349: {  	v2 =	vadd.s32 v2, v3  }
0x34a: {  	(v2sf) =	vpush v2, $0x0  }
0x34b: {  	(v2sf) =	vpush v2, $0x1;
	_ =	sdelay $0xa  }
0x34c: {  	s12 =	sor.u32 $0x8, s9;
	s9 =	sadd.s32 $0x1, s9  }
0x34d: {  	p0 =	sne.s32 s9, $0x8  }
.Ltmp23:
0x34e: {  	_ = 	snop;
	(pc) =	sbr.rel @p0 .LBB2_46-.Ltmp23, $4  }
0x34f: {  	s11 =	spop (v2sf)  }
0x350: {  	v2 =	vmov s12;
	s14 =	spop (v2sf)  }
0x351: {  	vm0 =	veq.s32 v2, v0;
	s11 =	sadd.s32 s14, s11  }
0x352: {  	s10 =	sadd.s32 $0x80, s10;
	v1 =	vsel vm0, s11, v1  }
0x353: {  	vm0 =	veq.s32 v1, $0x0;
	v1 =	vadd.s32 $0xFFFFFFFF, v1  }
0x354: {  	v1 =	vsel vm0, $0x207F, v1  }
0x355: {  	[tilespmem:$0xC050] =	vst v1  }
0x356: {  	_ =	swait.ge [sflag:s5], $0x4000  }
0x357: {  	[sflag:s5] =	ssyncset.done $0x0  }
0x358: {  	s9 =	simm.s32 $0x0;
	s10 =	simm.s32 $0x400;
	[sflag:s5] =	ssyncadd.s32 $0xFFFFC000  }
0x359: {  	v2 =	vimm.s32 $0x0;
	v1 =	vimm.s32 $0x0;
	[tilespmem:s6], [sflag:$0x2] =	stream.linear.gather [hbm4b:s20+s9], $0x4000, $0x38;
	[tilespmem:$0x1E700] =	vst v63  }
.LBB2_50:
0x35a: {  	v5 =	vld [tilespmem:s10+$0x40]  }
0x35b: {  	v3 =	vld [tilespmem:s10+$0x50]  }
0x35c: {  	v4 =	vld [tilespmem:s10+$0x60]  }
0x35d: {  	v10 =	vld [tilespmem:s10+$0x0]  }
0x35e: {  	v6 =	vld [tilespmem:s10+$0x10]  }
0x35f: {  	v7 =	vld [tilespmem:s10+$0x20]  }
0x360: {  	v11 =	vld [tilespmem:s10+$0xFFFFFC40]  }
0x361: {  	v12 =	vld [tilespmem:s10+$0xFFFFFC00]  }
0x362: {  	v8 =	vld [tilespmem:s10+$0xFFFFFC50]  }
0x363: {  	v9 =	vld [tilespmem:s10+$0xFFFFFC60]  }
0x364: {  	v16 =	vld [tilespmem:s10+$0xFFFFFC10]  }
0x365: {  	v17 =	vld [tilespmem:s10+$0xFFFFFC20]  }
0x366: {  	v18 =	vld [tilespmem:s10+$0xFFFFFC30]  }
0x367: {  	v15 =	vld [tilespmem:s10+$0xFFFFFC70];
	v12 =	vadd.s32 v2, v12  }
0x368: {  	v14 =	vld [tilespmem:s10+$0x30];
	v13 =	vimm.s32 $0x0;
	v11 =	vadd.s32 v11, v12  }
0x369: {  	s11 =	simm.s32 $0x0;
	s12 =	sadd.s32 $0x800, s10;
	v12 =	vld [tilespmem:s10+$0x70];
	v19 =	vadd.s32 v10, v11;
	v11 =	vimm.s32 $0x0;
	v10 =	vimm.s32 $0x0  }
.LBB2_51:
0x36a: {  	v19 =	vadd.s32 v5, v19;
	v5 =	vld [tilespmem:s12+$0x40]  }
0x36b: {  	v13 =	vadd.s32 v13, v16;
	v11 =	vadd.s32 v11, v17;
	v20 =	vld [tilespmem:s12+$0x50];
	v10 =	vadd.s32 v10, v18  }
0x36c: {  	v8 =	vadd.s32 v8, v13;
	v9 =	vadd.s32 v9, v11;
	v16 =	vld [tilespmem:s12+$0x60];
	v10 =	vadd.s32 v15, v10  }
0x36d: {  	v8 =	vadd.s32 v6, v8;
	v7 =	vadd.s32 v7, v9;
	v21 =	vld [tilespmem:s12+$0x0];
	v9 =	vadd.s32 v14, v10  }
0x36e: {  	v13 =	vadd.s32 v3, v8;
	v11 =	vadd.s32 v4, v7;
	v6 =	vld [tilespmem:s12+$0x10];
	v10 =	vadd.s32 v12, v9  }
0x36f: {  	v7 =	vld [tilespmem:s12+$0x20]  }
0x370: {  	v12 =	vld [tilespmem:s12+$0xFFFFFC40];
	v3 =	vmov v20  }
0x371: {  	v8 =	vld [tilespmem:s12+$0xFFFFFC50];
	v4 =	vmov v16  }
0x372: {  	v14 =	vld [tilespmem:s12+$0xFFFFFC00]  }
0x373: {  	s11 =	sadd.s32 $0x4, s11;
	v9 =	vld [tilespmem:s12+$0xFFFFFC60]  }
0x374: {  	p0 =	slt.u32 s11, $0x1C;
	v16 =	vld [tilespmem:s12+$0xFFFFFC10]  }
.Ltmp24:
0x375: {  	v17 =	vld [tilespmem:s12+$0xFFFFFC20];
	(pc) =	sbr.rel @p0 .LBB2_51-.Ltmp24, $4  }
0x376: {  	v18 =	vld [tilespmem:s12+$0xFFFFFC30]  }
0x377: {  	v14 =	vadd.s32 v19, v14;
	v15 =	vld [tilespmem:s12+$0xFFFFFC70]  }
0x378: {  	v12 =	vadd.s32 v12, v14;
	v14 =	vld [tilespmem:s12+$0x30]  }
0x379: {  	v19 =	vadd.s32 v21, v12;
	v12 =	vld [tilespmem:s12+$0x70];
	s12 =	sadd.s32 $0x800, s12  }
0x37a: {  	v13 =	vadd.s32 v13, v16  }
0x37b: {  	v5 =	vadd.s32 v5, v19;
	v11 =	vadd.s32 v11, v17;
	v8 =	vadd.s32 v8, v13  }
0x37c: {  	v10 =	vadd.s32 v10, v18;
	v9 =	vadd.s32 v9, v11;
	v6 =	vadd.s32 v6, v8  }
0x37d: {  	v57 =	vadd.s32 v15, v10;
	v7 =	vadd.s32 v7, v9;
	v3 =	vadd.s32 v3, v6  }
0x37e: {  	v58 =	vadd.s32 v14, v57;
	v4 =	vadd.s32 v4, v7;
	v3 =	vadd.s32 v5, v3  }
0x37f: {  	v59 =	vadd.s32 v12, v58;
	v3 =	vadd.s32 v4, v3  }
0x380: {  	v3 =	vadd.s32 v59, v3  }
0x381: {  	v60 =	vshrl.u32 v3, $0x8  }
0x382: {  	v3 =	vand.u32 $0xFF00FF, v3;
	v4 =	vand.u32 $0xFF00FF, v60  }
0x383: {  	v3 =	vadd.s32 v3, v4  }
0x384: {  	v4 =	vand.u32 $0x1FF, v3;
	v3 =	vshrl.u32 v3, $0x10  }
0x385: {  	v3 =	vadd.s32 v3, v4  }
0x386: {  	[tilespmem:$0xC080] =	vst v3  }
0x387: {  	v61 =	vld [tilespmem:$0xC088];
	_ =	sdelay $0x4  }
0x388: {  	v3 =	vadd.s32 v3, v61  }
0x389: {  	[tilespmem:$0xC080] =	vst v3  }
0x38a: {  	v62 =	vld [tilespmem:$0xC084];
	_ =	sdelay $0x4  }
0x38b: {  	v3 =	vadd.s32 v3, v62  }
0x38c: {  	[tilespmem:$0xC080] =	vst v3  }
0x38d: {  	v63 =	vld [tilespmem:$0xC082];
	_ =	sdelay $0x4  }
0x38e: {  	v3 =	vadd.s32 v3, v63  }
0x38f: {  	(v2sf) =	vpush v3, $0x0  }
0x390: {  	(v2sf) =	vpush v3, $0x1;
	_ =	sdelay $0xa  }
0x391: {  	v3 =	vmov s9;
	s9 =	sadd.s32 $0x1, s9  }
0x392: {  	p0 =	sne.s32 s9, $0x8  }
.Ltmp25:
0x393: {  	_ = 	snop;
	(pc) =	sbr.rel @p0 .LBB2_50-.Ltmp25, $4  }
0x394: {  	s11 =	spop (v2sf)  }
0x395: {  	s12 =	spop (v2sf)  }
0x396: {  	vm0 =	veq.s32 v3, v0;
	s11 =	sadd.s32 s12, s11  }
0x397: {  	s10 =	sadd.s32 $0x80, s10;
	v1 =	vsel vm0, s11, v1  }
0x398: {  	_ =	swait.ge [sflag:s7], $0x4000  }
0x399: {  	[sflag:s7] =	ssyncset.done $0x0  }
0x39a: {  	s9 =	simm.s32 $0x0;
	s10 =	simm.s32 $0x4400;
	[sflag:s7] =	ssyncadd.s32 $0xFFFFC000  }
0x39b: {  	[tilespmem:s9], [sflag:$0x1] =	stream.linear.gather [hbm4b:s21+s9], $0x4000, $0x38;
	[tilespmem:$0x1E700] =	vst v63  }
.LBB2_54:
0x39c: {  	v4 =	vld [tilespmem:s10+$0x40]  }
0x39d: {  	v2 =	vld [tilespmem:s10+$0x50]  }
0x39e: {  	v3 =	vld [tilespmem:s10+$0x60]  }
0x39f: {  	v10 =	vld [tilespmem:s10+$0x0]  }
0x3a0: {  	v5 =	vld [tilespmem:s10+$0x10]  }
0x3a1: {  	v6 =	vld [tilespmem:s10+$0x20]  }
0x3a2: {  	v11 =	vld [tilespmem:s10+$0xFFFFFC40]  }
0x3a3: {  	v7 =	vld [tilespmem:s10+$0xFFFFFC50]  }
0x3a4: {  	v12 =	vld [tilespmem:s10+$0xFFFFFC00]  }
0x3a5: {  	v9 =	vld [tilespmem:s10+$0xFFFFFC60]  }
0x3a6: {  	v15 =	vld [tilespmem:s10+$0xFFFFFC10]  }
0x3a7: {  	v16 =	vld [tilespmem:s10+$0xFFFFFC20]  }
0x3a8: {  	v8 =	vimm.s32 $0x0;
	v17 =	vld [tilespmem:s10+$0xFFFFFC30]  }
0x3a9: {  	v14 =	vld [tilespmem:s10+$0xFFFFFC70];
	v12 =	vadd.s32 v8, v12  }
0x3aa: {  	v13 =	vld [tilespmem:s10+$0x30];
	v11 =	vadd.s32 v11, v12  }
0x3ab: {  	s11 =	simm.s32 $0x0;
	s12 =	sadd.s32 $0x800, s10;
	v12 =	vld [tilespmem:s10+$0x70];
	v18 =	vadd.s32 v10, v11;
	v11 =	vimm.s32 $0x0;
	v10 =	vimm.s32 $0x0  }
.LBB2_55:
0x3ac: {  	v18 =	vadd.s32 v4, v18;
	v4 =	vld [tilespmem:s12+$0x40]  }
0x3ad: {  	v8 =	vadd.s32 v8, v15;
	v11 =	vadd.s32 v11, v16;
	v19 =	vld [tilespmem:s12+$0x50];
	v10 =	vadd.s32 v10, v17  }
0x3ae: {  	v7 =	vadd.s32 v7, v8;
	v8 =	vadd.s32 v9, v11;
	v15 =	vld [tilespmem:s12+$0x60];
	v9 =	vadd.s32 v14, v10  }
0x3af: {  	v7 =	vadd.s32 v5, v7;
	v6 =	vadd.s32 v6, v8;
	v20 =	vld [tilespmem:s12+$0x0];
	v9 =	vadd.s32 v13, v9  }
0x3b0: {  	v8 =	vadd.s32 v2, v7;
	v11 =	vadd.s32 v3, v6;
	v5 =	vld [tilespmem:s12+$0x10];
	v10 =	vadd.s32 v12, v9  }
0x3b1: {  	v6 =	vld [tilespmem:s12+$0x20]  }
0x3b2: {  	v12 =	vld [tilespmem:s12+$0xFFFFFC40];
	v2 =	vmov v19  }
0x3b3: {  	v7 =	vld [tilespmem:s12+$0xFFFFFC50];
	v3 =	vmov v15  }
0x3b4: {  	v13 =	vld [tilespmem:s12+$0xFFFFFC00]  }
0x3b5: {  	s11 =	sadd.s32 $0x4, s11;
	v9 =	vld [tilespmem:s12+$0xFFFFFC60]  }
0x3b6: {  	p0 =	slt.u32 s11, $0x1C;
	v15 =	vld [tilespmem:s12+$0xFFFFFC10]  }
.Ltmp26:
0x3b7: {  	v16 =	vld [tilespmem:s12+$0xFFFFFC20];
	(pc) =	sbr.rel @p0 .LBB2_55-.Ltmp26, $4  }
0x3b8: {  	v17 =	vld [tilespmem:s12+$0xFFFFFC30]  }
0x3b9: {  	v13 =	vadd.s32 v18, v13;
	v14 =	vld [tilespmem:s12+$0xFFFFFC70]  }
0x3ba: {  	v12 =	vadd.s32 v12, v13;
	v13 =	vld [tilespmem:s12+$0x30]  }
0x3bb: {  	v18 =	vadd.s32 v20, v12;
	v12 =	vld [tilespmem:s12+$0x70];
	s12 =	sadd.s32 $0x800, s12  }
0x3bc: {  	v8 =	vadd.s32 v8, v15  }
0x3bd: {  	v4 =	vadd.s32 v4, v18;
	v11 =	vadd.s32 v11, v16;
	v7 =	vadd.s32 v7, v8  }
0x3be: {  	v60 =	vadd.s32 v10, v17;
	v9 =	vadd.s32 v9, v11;
	v5 =	vadd.s32 v5, v7  }
0x3bf: {  	v61 =	vadd.s32 v14, v60;
	v6 =	vadd.s32 v6, v9;
	v2 =	vadd.s32 v2, v5  }
0x3c0: {  	v62 =	vadd.s32 v13, v61;
	v3 =	vadd.s32 v3, v6;
	v2 =	vadd.s32 v4, v2  }
0x3c1: {  	v63 =	vadd.s32 v12, v62;
	v2 =	vadd.s32 v3, v2  }
0x3c2: {  	v2 =	vadd.s32 v63, v2  }
0x3c3: {  	v3 =	vshrl.u32 v2, $0x8  }
0x3c4: {  	v2 =	vand.u32 $0xFF00FF, v2;
	v3 =	vand.u32 $0xFF00FF, v3  }
0x3c5: {  	v2 =	vadd.s32 v2, v3  }
0x3c6: {  	v3 =	vand.u32 $0x1FF, v2;
	v2 =	vshrl.u32 v2, $0x10  }
0x3c7: {  	v2 =	vadd.s32 v2, v3  }
0x3c8: {  	[tilespmem:$0xC080] =	vst v2  }
0x3c9: {  	v3 =	vld [tilespmem:$0xC088];
	_ =	sdelay $0x4  }
0x3ca: {  	v2 =	vadd.s32 v2, v3  }
0x3cb: {  	[tilespmem:$0xC080] =	vst v2  }
0x3cc: {  	v3 =	vld [tilespmem:$0xC084];
	_ =	sdelay $0x4  }
0x3cd: {  	v2 =	vadd.s32 v2, v3  }
0x3ce: {  	[tilespmem:$0xC080] =	vst v2  }
0x3cf: {  	v3 =	vld [tilespmem:$0xC082];
	_ =	sdelay $0x4  }
0x3d0: {  	v2 =	vadd.s32 v2, v3  }
0x3d1: {  	(v2sf) =	vpush v2, $0x0  }
0x3d2: {  	(v2sf) =	vpush v2, $0x1;
	_ =	sdelay $0xa  }
0x3d3: {  	s12 =	sor.u32 $0x8, s9;
	s9 =	sadd.s32 $0x1, s9  }
0x3d4: {  	p0 =	sne.s32 s9, $0x8  }
.Ltmp27:
0x3d5: {  	_ = 	snop;
	(pc) =	sbr.rel @p0 .LBB2_54-.Ltmp27, $4  }
0x3d6: {  	s11 =	spop (v2sf)  }
0x3d7: {  	v2 =	vmov s12;
	s14 =	spop (v2sf)  }
0x3d8: {  	vm0 =	veq.s32 v2, v0;
	s11 =	sadd.s32 s14, s11  }
0x3d9: {  	s10 =	sadd.s32 $0x80, s10;
	v1 =	vsel vm0, s11, v1  }
0x3da: {  	vm0 =	veq.s32 v1, $0x0;
	v1 =	vadd.s32 $0xFFFFFFFF, v1  }
0x3db: {  	v1 =	vsel vm0, $0x207F, v1  }
0x3dc: {  	[tilespmem:$0xC060] =	vst v1  }
0x3dd: {  	_ =	swait.ge [sflag:s5], $0x4000  }
0x3de: {  	[sflag:s5] =	ssyncset.done $0x0  }
0x3df: {  	s9 =	simm.s32 $0x0;
	s10 =	simm.s32 $0x400;
	[sflag:s5] =	ssyncadd.s32 $0xFFFFC000  }
0x3e0: {  	v2 =	vimm.s32 $0x0;
	v1 =	vimm.s32 $0x0;
	[tilespmem:s6], [sflag:$0x2] =	stream.linear.gather [hbm4b:s22+s9], $0x4000, $0x38;
	[tilespmem:$0x1E700] =	vst v63  }
.LBB2_58:
0x3e1: {  	v5 =	vld [tilespmem:s10+$0x40]  }
0x3e2: {  	v3 =	vld [tilespmem:s10+$0x50]  }
0x3e3: {  	v4 =	vld [tilespmem:s10+$0x60]  }
0x3e4: {  	v10 =	vld [tilespmem:s10+$0x0]  }
0x3e5: {  	v6 =	vld [tilespmem:s10+$0x10]  }
0x3e6: {  	v7 =	vld [tilespmem:s10+$0x20]  }
0x3e7: {  	v11 =	vld [tilespmem:s10+$0xFFFFFC40]  }
0x3e8: {  	v12 =	vld [tilespmem:s10+$0xFFFFFC00]  }
0x3e9: {  	v8 =	vld [tilespmem:s10+$0xFFFFFC50]  }
0x3ea: {  	v9 =	vld [tilespmem:s10+$0xFFFFFC60]  }
0x3eb: {  	v16 =	vld [tilespmem:s10+$0xFFFFFC10]  }
0x3ec: {  	v17 =	vld [tilespmem:s10+$0xFFFFFC20]  }
0x3ed: {  	v18 =	vld [tilespmem:s10+$0xFFFFFC30]  }
0x3ee: {  	v15 =	vld [tilespmem:s10+$0xFFFFFC70];
	v12 =	vadd.s32 v2, v12  }
0x3ef: {  	v14 =	vld [tilespmem:s10+$0x30];
	v13 =	vimm.s32 $0x0;
	v11 =	vadd.s32 v11, v12  }
0x3f0: {  	s11 =	simm.s32 $0x0;
	s12 =	sadd.s32 $0x800, s10;
	v12 =	vld [tilespmem:s10+$0x70];
	v19 =	vadd.s32 v10, v11;
	v11 =	vimm.s32 $0x0;
	v10 =	vimm.s32 $0x0  }
.LBB2_59:
0x3f1: {  	v19 =	vadd.s32 v5, v19;
	v5 =	vld [tilespmem:s12+$0x40]  }
0x3f2: {  	v13 =	vadd.s32 v13, v16;
	v11 =	vadd.s32 v11, v17;
	v20 =	vld [tilespmem:s12+$0x50];
	v10 =	vadd.s32 v10, v18  }
0x3f3: {  	v8 =	vadd.s32 v8, v13;
	v9 =	vadd.s32 v9, v11;
	v16 =	vld [tilespmem:s12+$0x60];
	v10 =	vadd.s32 v15, v10  }
0x3f4: {  	v8 =	vadd.s32 v6, v8;
	v7 =	vadd.s32 v7, v9;
	v21 =	vld [tilespmem:s12+$0x0];
	v9 =	vadd.s32 v14, v10  }
0x3f5: {  	v13 =	vadd.s32 v3, v8;
	v11 =	vadd.s32 v4, v7;
	v6 =	vld [tilespmem:s12+$0x10];
	v10 =	vadd.s32 v12, v9  }
0x3f6: {  	v7 =	vld [tilespmem:s12+$0x20]  }
0x3f7: {  	v12 =	vld [tilespmem:s12+$0xFFFFFC40];
	v3 =	vmov v20  }
0x3f8: {  	v8 =	vld [tilespmem:s12+$0xFFFFFC50];
	v4 =	vmov v16  }
0x3f9: {  	v14 =	vld [tilespmem:s12+$0xFFFFFC00]  }
0x3fa: {  	s11 =	sadd.s32 $0x4, s11;
	v9 =	vld [tilespmem:s12+$0xFFFFFC60]  }
0x3fb: {  	p0 =	slt.u32 s11, $0x1C;
	v16 =	vld [tilespmem:s12+$0xFFFFFC10]  }
.Ltmp28:
0x3fc: {  	v17 =	vld [tilespmem:s12+$0xFFFFFC20];
	(pc) =	sbr.rel @p0 .LBB2_59-.Ltmp28, $4  }
0x3fd: {  	v18 =	vld [tilespmem:s12+$0xFFFFFC30]  }
0x3fe: {  	v14 =	vadd.s32 v19, v14;
	v15 =	vld [tilespmem:s12+$0xFFFFFC70]  }
0x3ff: {  	v12 =	vadd.s32 v12, v14;
	v14 =	vld [tilespmem:s12+$0x30]  }
0x400: {  	v19 =	vadd.s32 v21, v12;
	v12 =	vld [tilespmem:s12+$0x70];
	s12 =	sadd.s32 $0x800, s12  }
0x401: {  	v13 =	vadd.s32 v13, v16  }
0x402: {  	v5 =	vadd.s32 v5, v19;
	v11 =	vadd.s32 v11, v17;
	v8 =	vadd.s32 v8, v13  }
0x403: {  	v10 =	vadd.s32 v10, v18;
	v9 =	vadd.s32 v9, v11;
	v6 =	vadd.s32 v6, v8  }
0x404: {  	v57 =	vadd.s32 v15, v10;
	v7 =	vadd.s32 v7, v9;
	v3 =	vadd.s32 v3, v6  }
0x405: {  	v58 =	vadd.s32 v14, v57;
	v4 =	vadd.s32 v4, v7;
	v3 =	vadd.s32 v5, v3  }
0x406: {  	v59 =	vadd.s32 v12, v58;
	v3 =	vadd.s32 v4, v3  }
0x407: {  	v3 =	vadd.s32 v59, v3  }
0x408: {  	v60 =	vshrl.u32 v3, $0x8  }
0x409: {  	v3 =	vand.u32 $0xFF00FF, v3;
	v4 =	vand.u32 $0xFF00FF, v60  }
0x40a: {  	v3 =	vadd.s32 v3, v4  }
0x40b: {  	v4 =	vand.u32 $0x1FF, v3;
	v3 =	vshrl.u32 v3, $0x10  }
0x40c: {  	v3 =	vadd.s32 v3, v4  }
0x40d: {  	[tilespmem:$0xC080] =	vst v3  }
0x40e: {  	v61 =	vld [tilespmem:$0xC088];
	_ =	sdelay $0x4  }
0x40f: {  	v3 =	vadd.s32 v3, v61  }
0x410: {  	[tilespmem:$0xC080] =	vst v3  }
0x411: {  	v62 =	vld [tilespmem:$0xC084];
	_ =	sdelay $0x4  }
0x412: {  	v3 =	vadd.s32 v3, v62  }
0x413: {  	[tilespmem:$0xC080] =	vst v3  }
0x414: {  	v63 =	vld [tilespmem:$0xC082];
	_ =	sdelay $0x4  }
0x415: {  	v3 =	vadd.s32 v3, v63  }
0x416: {  	(v2sf) =	vpush v3, $0x0  }
0x417: {  	(v2sf) =	vpush v3, $0x1;
	_ =	sdelay $0xa  }
0x418: {  	v3 =	vmov s9;
	s9 =	sadd.s32 $0x1, s9  }
0x419: {  	p0 =	sne.s32 s9, $0x8  }
.Ltmp29:
0x41a: {  	_ = 	snop;
	(pc) =	sbr.rel @p0 .LBB2_58-.Ltmp29, $4  }
0x41b: {  	s11 =	spop (v2sf)  }
0x41c: {  	s12 =	spop (v2sf)  }
0x41d: {  	vm0 =	veq.s32 v3, v0;
	s11 =	sadd.s32 s12, s11  }
0x41e: {  	s10 =	sadd.s32 $0x80, s10;
	v1 =	vsel vm0, s11, v1  }
0x41f: {  	_ =	swait.ge [sflag:s7], $0x4000  }
0x420: {  	[sflag:s7] =	ssyncset.done $0x0  }
0x421: {  	s9 =	simm.s32 $0x0;
	s10 =	simm.s32 $0x4400;
	[sflag:s7] =	ssyncadd.s32 $0xFFFFC000  }
.LBB2_62:
0x422: {  	v4 =	vld [tilespmem:s10+$0x40]  }
0x423: {  	v2 =	vld [tilespmem:s10+$0x50]  }
0x424: {  	v3 =	vld [tilespmem:s10+$0x60]  }
0x425: {  	v10 =	vld [tilespmem:s10+$0x0]  }
0x426: {  	v5 =	vld [tilespmem:s10+$0x10]  }
0x427: {  	v6 =	vld [tilespmem:s10+$0x20]  }
0x428: {  	v11 =	vld [tilespmem:s10+$0xFFFFFC40]  }
0x429: {  	v7 =	vld [tilespmem:s10+$0xFFFFFC50]  }
0x42a: {  	v12 =	vld [tilespmem:s10+$0xFFFFFC00]  }
0x42b: {  	v9 =	vld [tilespmem:s10+$0xFFFFFC60]  }
0x42c: {  	v15 =	vld [tilespmem:s10+$0xFFFFFC10]  }
0x42d: {  	v16 =	vld [tilespmem:s10+$0xFFFFFC20]  }
0x42e: {  	v8 =	vimm.s32 $0x0;
	v17 =	vld [tilespmem:s10+$0xFFFFFC30]  }
0x42f: {  	v14 =	vld [tilespmem:s10+$0xFFFFFC70];
	v12 =	vadd.s32 v8, v12  }
0x430: {  	v13 =	vld [tilespmem:s10+$0x30];
	v11 =	vadd.s32 v11, v12  }
0x431: {  	s11 =	simm.s32 $0x0;
	s12 =	sadd.s32 $0x800, s10;
	v12 =	vld [tilespmem:s10+$0x70];
	v18 =	vadd.s32 v10, v11;
	v11 =	vimm.s32 $0x0;
	v10 =	vimm.s32 $0x0  }
.LBB2_63:
0x432: {  	v18 =	vadd.s32 v4, v18;
	v4 =	vld [tilespmem:s12+$0x40]  }
0x433: {  	v8 =	vadd.s32 v8, v15;
	v11 =	vadd.s32 v11, v16;
	v19 =	vld [tilespmem:s12+$0x50];
	v10 =	vadd.s32 v10, v17  }
0x434: {  	v7 =	vadd.s32 v7, v8;
	v8 =	vadd.s32 v9, v11;
	v15 =	vld [tilespmem:s12+$0x60];
	v9 =	vadd.s32 v14, v10  }
0x435: {  	v7 =	vadd.s32 v5, v7;
	v6 =	vadd.s32 v6, v8;
	v20 =	vld [tilespmem:s12+$0x0];
	v9 =	vadd.s32 v13, v9  }
0x436: {  	v8 =	vadd.s32 v2, v7;
	v11 =	vadd.s32 v3, v6;
	v5 =	vld [tilespmem:s12+$0x10];
	v10 =	vadd.s32 v12, v9  }
0x437: {  	v6 =	vld [tilespmem:s12+$0x20]  }
0x438: {  	v12 =	vld [tilespmem:s12+$0xFFFFFC40];
	v2 =	vmov v19  }
0x439: {  	v7 =	vld [tilespmem:s12+$0xFFFFFC50];
	v3 =	vmov v15  }
0x43a: {  	v13 =	vld [tilespmem:s12+$0xFFFFFC00]  }
0x43b: {  	s11 =	sadd.s32 $0x4, s11;
	v9 =	vld [tilespmem:s12+$0xFFFFFC60]  }
0x43c: {  	p0 =	slt.u32 s11, $0x1C;
	v15 =	vld [tilespmem:s12+$0xFFFFFC10]  }
.Ltmp30:
0x43d: {  	v16 =	vld [tilespmem:s12+$0xFFFFFC20];
	(pc) =	sbr.rel @p0 .LBB2_63-.Ltmp30, $4  }
0x43e: {  	v17 =	vld [tilespmem:s12+$0xFFFFFC30]  }
0x43f: {  	v13 =	vadd.s32 v18, v13;
	v14 =	vld [tilespmem:s12+$0xFFFFFC70]  }
0x440: {  	v12 =	vadd.s32 v12, v13;
	v13 =	vld [tilespmem:s12+$0x30]  }
0x441: {  	v18 =	vadd.s32 v20, v12;
	v12 =	vld [tilespmem:s12+$0x70];
	s12 =	sadd.s32 $0x800, s12  }
0x442: {  	v8 =	vadd.s32 v8, v15  }
0x443: {  	v4 =	vadd.s32 v4, v18;
	v11 =	vadd.s32 v11, v16;
	v7 =	vadd.s32 v7, v8  }
0x444: {  	v60 =	vadd.s32 v10, v17;
	v9 =	vadd.s32 v9, v11;
	v5 =	vadd.s32 v5, v7  }
0x445: {  	v61 =	vadd.s32 v14, v60;
	v6 =	vadd.s32 v6, v9;
	v2 =	vadd.s32 v2, v5  }
0x446: {  	v62 =	vadd.s32 v13, v61;
	v3 =	vadd.s32 v3, v6;
	v2 =	vadd.s32 v4, v2  }
0x447: {  	v63 =	vadd.s32 v12, v62;
	v2 =	vadd.s32 v3, v2  }
0x448: {  	v2 =	vadd.s32 v63, v2  }
0x449: {  	v3 =	vshrl.u32 v2, $0x8  }
0x44a: {  	v2 =	vand.u32 $0xFF00FF, v2;
	v3 =	vand.u32 $0xFF00FF, v3  }
0x44b: {  	v2 =	vadd.s32 v2, v3  }
0x44c: {  	v3 =	vand.u32 $0x1FF, v2;
	v2 =	vshrl.u32 v2, $0x10  }
0x44d: {  	v2 =	vadd.s32 v2, v3  }
0x44e: {  	[tilespmem:$0xC080] =	vst v2  }
0x44f: {  	v3 =	vld [tilespmem:$0xC088];
	_ =	sdelay $0x4  }
0x450: {  	v2 =	vadd.s32 v2, v3  }
0x451: {  	[tilespmem:$0xC080] =	vst v2  }
0x452: {  	v3 =	vld [tilespmem:$0xC084];
	_ =	sdelay $0x4  }
0x453: {  	v2 =	vadd.s32 v2, v3  }
0x454: {  	[tilespmem:$0xC080] =	vst v2  }
0x455: {  	v3 =	vld [tilespmem:$0xC082];
	_ =	sdelay $0x4  }
0x456: {  	v2 =	vadd.s32 v2, v3  }
0x457: {  	(v2sf) =	vpush v2, $0x0  }
0x458: {  	(v2sf) =	vpush v2, $0x1;
	_ =	sdelay $0xa  }
0x459: {  	s12 =	sor.u32 $0x8, s9;
	s9 =	sadd.s32 $0x1, s9  }
0x45a: {  	p0 =	sne.s32 s9, $0x8  }
.Ltmp31:
0x45b: {  	_ = 	snop;
	(pc) =	sbr.rel @p0 .LBB2_62-.Ltmp31, $4  }
0x45c: {  	s11 =	spop (v2sf)  }
0x45d: {  	v2 =	vmov s12;
	s14 =	spop (v2sf)  }
0x45e: {  	vm0 =	veq.s32 v2, v0;
	s11 =	sadd.s32 s14, s11  }
0x45f: {  	s10 =	sadd.s32 $0x80, s10;
	v1 =	vsel vm0, s11, v1  }
0x460: {  	vm0 =	veq.s32 v1, $0x0;
	v1 =	vadd.s32 $0xFFFFFFFF, v1  }
0x461: {  	v1 =	vsel vm0, $0x207F, v1  }
0x462: {  	[tilespmem:$0xC070] =	vst v1  }
0x463: {  	[bflag:$0x0] =	sbarrier.arrive $0xFFFF  }
0x464: {  	s10 =	simm.s32 $0x80;
	s11 =	simm.s32 $0xC000;
	s9 =	rddreg [dreg:$0x1]  }
0x465: {  	[spmem:s9] =	stream.indirect.scatter.add.f32 [tilespmem:s13], [sflag:$0x3], $0x80, s11, s10, $0xb8;
	[tilespmem:$0x1E700] =	vst v63  }
0x466: {  	_ =	swait.ge [sflag:s4], $0x4000  }
0x467: {  	[sflag:s4] =	ssyncset.done $0x0  }
0x468: {  	[sflag:s4] =	ssyncadd.s32 $0xFFFFC000  }
0x469: {  	s9 =	simm.s32 $0xC100;
	[bflag:$0x0] =	sbarrier.arrive $0xFFFF  }
0x46a: {  	[tilespmem:s9], [sflag:$0x3] =	stream.linear.gather [spmem:s23], $0x2000, $0x38;
	[tilespmem:$0x1E700] =	vst v63  }
0x46b: {  	_ =	swait.ge [sflag:s4], $0x2000  }
0x46c: {  	[sflag:s4] =	ssyncset.done $0x0  }
0x46d: {  	s10 =	simm.s32 $0x0;
	s11 =	simm.s32 $0x0;
	[sflag:s4] =	ssyncadd.s32 $0xFFFFE000  }
.LBB2_66:
0x46e: {  	v2 =	vld.msk [tilespmem:s9+$0x0 ss:$0x0], $0xffff;
	_ =	sdelay $0x2  }
0x46f: {  	v3 =	vmov s10  }
0x470: {  	v1 =	vimm.f32 $0.0e+00;
	s12 =	simm.s32 $0x1;
	s13 =	sadd.s32 $0x80, s9;
	vm0 =	veq.s32 v3, v0  }
.LBB2_67:
0x471: {  	p0 =	sne.s32 s12, $0xF;
	v1 =	vsel vm0, v2, v1;
	v2 =	vld.msk [tilespmem:s13+$0x0 ss:$0x0], $0xffff;
	s14 =	smov.u32 s12;
	s12 =	sadd.s32 $0x1, s12  }
.Ltmp32:
0x472: {  	(pc) =	sbr.rel @p0 .LBB2_67-.Ltmp32, $3  }
0x473: {  	_ =	sdelay $0x1  }
0x474: {  	v3 =	vmov s14  }
0x475: {  	s13 =	sadd.s32 $0x80, s13;
	vm0 =	veq.s32 v3, v0  }
0x476: {  	s12 =	sshll.u32 s11, $0x4;
	s11 =	sadd.s32 $0x1, s11  }
0x477: {  	p0 =	sne.s32 s11, $0x4  }
.Ltmp33:
0x478: {  	_ = 	snop;
	(pc) =	sbr.rel @p0 .LBB2_66-.Ltmp33, $3  }
0x479: {  	_ =	sdelay $0x1  }
0x47a: {  	v1 =	vsel vm0, v2, v1;
	s12 =	sand.u32 $0x3FFFFFF0, s12  }
0x47b: {  	s9 =	sadd.s32 $0x800, s9;
	[tilespmem:s12+$0xE100] =	vst v1  }
0x47c: {  	s9 =	simm.s32 $0xC100  }
0x47d: {  	[tilespmem:s9], [sflag:$0x3] =	stream.linear.gather [spmem:s28], $0x2000, $0x38;
	[tilespmem:$0x1E700] =	vst v63  }
0x47e: {  	_ =	swait.ge [sflag:s4], $0x2000  }
0x47f: {  	[sflag:s4] =	ssyncset.done $0x0  }
0x480: {  	s10 =	simm.s32 $0x0;
	s11 =	simm.s32 $0x0;
	[sflag:s4] =	ssyncadd.s32 $0xFFFFE000  }
.LBB2_70:
0x481: {  	v2 =	vld.msk [tilespmem:s9+$0x0 ss:$0x0], $0xffff;
	_ =	sdelay $0x2  }
0x482: {  	v3 =	vmov s10  }
0x483: {  	v1 =	vimm.f32 $0.0e+00;
	s12 =	simm.s32 $0x1;
	s13 =	sadd.s32 $0x80, s9;
	vm0 =	veq.s32 v3, v0  }
.LBB2_71:
0x484: {  	p0 =	sne.s32 s12, $0xF;
	v1 =	vsel vm0, v2, v1;
	v2 =	vld.msk [tilespmem:s13+$0x0 ss:$0x0], $0xffff;
	s14 =	smov.u32 s12;
	s12 =	sadd.s32 $0x1, s12  }
.Ltmp34:
0x485: {  	(pc) =	sbr.rel @p0 .LBB2_71-.Ltmp34, $3  }
0x486: {  	_ =	sdelay $0x1  }
0x487: {  	v3 =	vmov s14  }
0x488: {  	s13 =	sadd.s32 $0x80, s13;
	vm0 =	veq.s32 v3, v0  }
0x489: {  	s12 =	sshll.u32 s11, $0x4;
	s11 =	sadd.s32 $0x1, s11  }
0x48a: {  	p0 =	sne.s32 s11, $0x4  }
.Ltmp35:
0x48b: {  	_ = 	snop;
	(pc) =	sbr.rel @p0 .LBB2_70-.Ltmp35, $3  }
0x48c: {  	_ =	sdelay $0x1  }
0x48d: {  	v1 =	vsel vm0, v2, v1;
	s12 =	sand.u32 $0x3FFFFFF0, s12  }
0x48e: {  	s9 =	sadd.s32 $0x800, s9;
	[tilespmem:s12+$0xE140] =	vst v1  }
0x48f: {  	s9 =	simm.s32 $0xC100  }
0x490: {  	[tilespmem:s9], [sflag:$0x3] =	stream.linear.gather [spmem:s29], $0x2000, $0x38;
	[tilespmem:$0x1E700] =	vst v63  }
0x491: {  	_ =	swait.ge [sflag:s4], $0x2000  }
0x492: {  	[sflag:s4] =	ssyncset.done $0x0  }
0x493: {  	s10 =	simm.s32 $0x0;
	s11 =	simm.s32 $0x0;
	[sflag:s4] =	ssyncadd.s32 $0xFFFFE000  }
.LBB2_74:
0x494: {  	v2 =	vld.msk [tilespmem:s9+$0x0 ss:$0x0], $0xffff;
	_ =	sdelay $0x2  }
0x495: {  	v3 =	vmov s10  }
0x496: {  	v1 =	vimm.f32 $0.0e+00;
	s12 =	simm.s32 $0x1;
	s13 =	sadd.s32 $0x80, s9;
	vm0 =	veq.s32 v3, v0  }
.LBB2_75:
0x497: {  	p0 =	sne.s32 s12, $0xF;
	v1 =	vsel vm0, v2, v1;
	v2 =	vld.msk [tilespmem:s13+$0x0 ss:$0x0], $0xffff;
	s14 =	smov.u32 s12;
	s12 =	sadd.s32 $0x1, s12  }
.Ltmp36:
0x498: {  	(pc) =	sbr.rel @p0 .LBB2_75-.Ltmp36, $3  }
0x499: {  	_ =	sdelay $0x1  }
0x49a: {  	v3 =	vmov s14  }
0x49b: {  	s13 =	sadd.s32 $0x80, s13;
	vm0 =	veq.s32 v3, v0  }
0x49c: {  	s12 =	sshll.u32 s11, $0x4;
	s11 =	sadd.s32 $0x1, s11  }
0x49d: {  	p0 =	sne.s32 s11, $0x4  }
.Ltmp37:
0x49e: {  	_ = 	snop;
	(pc) =	sbr.rel @p0 .LBB2_74-.Ltmp37, $3  }
0x49f: {  	_ =	sdelay $0x1  }
0x4a0: {  	v1 =	vsel vm0, v2, v1;
	s12 =	sand.u32 $0x3FFFFFF0, s12  }
0x4a1: {  	s9 =	sadd.s32 $0x800, s9;
	[tilespmem:s12+$0xE180] =	vst v1  }
0x4a2: {  	s9 =	simm.s32 $0xC100  }
0x4a3: {  	[tilespmem:s9], [sflag:$0x3] =	stream.linear.gather [spmem:s30], $0x2000, $0x38;
	[tilespmem:$0x1E700] =	vst v63  }
0x4a4: {  	_ =	swait.ge [sflag:s4], $0x2000  }
0x4a5: {  	[sflag:s4] =	ssyncset.done $0x0  }
0x4a6: {  	s10 =	simm.s32 $0x0;
	s11 =	simm.s32 $0x0;
	[sflag:s4] =	ssyncadd.s32 $0xFFFFE000  }
.LBB2_78:
0x4a7: {  	v2 =	vld.msk [tilespmem:s9+$0x0 ss:$0x0], $0xffff;
	_ =	sdelay $0x2  }
0x4a8: {  	v3 =	vmov s10  }
0x4a9: {  	v1 =	vimm.f32 $0.0e+00;
	s12 =	simm.s32 $0x1;
	s13 =	sadd.s32 $0x80, s9;
	vm0 =	veq.s32 v3, v0  }
.LBB2_79:
0x4aa: {  	p0 =	sne.s32 s12, $0xF;
	v1 =	vsel vm0, v2, v1;
	v2 =	vld.msk [tilespmem:s13+$0x0 ss:$0x0], $0xffff;
	s14 =	smov.u32 s12;
	s12 =	sadd.s32 $0x1, s12  }
.Ltmp38:
0x4ab: {  	(pc) =	sbr.rel @p0 .LBB2_79-.Ltmp38, $3  }
0x4ac: {  	_ =	sdelay $0x1  }
0x4ad: {  	v3 =	vmov s14  }
0x4ae: {  	s13 =	sadd.s32 $0x80, s13;
	vm0 =	veq.s32 v3, v0  }
0x4af: {  	s12 =	sshll.u32 s11, $0x4;
	s11 =	sadd.s32 $0x1, s11  }
0x4b0: {  	p0 =	sne.s32 s11, $0x4  }
.Ltmp39:
0x4b1: {  	_ = 	snop;
	(pc) =	sbr.rel @p0 .LBB2_78-.Ltmp39, $3  }
0x4b2: {  	_ =	sdelay $0x1  }
0x4b3: {  	v1 =	vsel vm0, v2, v1;
	s12 =	sand.u32 $0x3FFFFFF0, s12  }
0x4b4: {  	s9 =	sadd.s32 $0x800, s9;
	[tilespmem:s12+$0xE1C0] =	vst v1  }
0x4b5: {  	s9 =	simm.s32 $0xC100  }
0x4b6: {  	[tilespmem:s9], [sflag:$0x3] =	stream.linear.gather [spmem:s31], $0x2000, $0x38;
	[tilespmem:$0x1E700] =	vst v63  }
0x4b7: {  	_ =	swait.ge [sflag:s4], $0x2000  }
0x4b8: {  	[sflag:s4] =	ssyncset.done $0x0  }
0x4b9: {  	s10 =	simm.s32 $0x0;
	s11 =	simm.s32 $0x0;
	[sflag:s4] =	ssyncadd.s32 $0xFFFFE000  }
.LBB2_82:
0x4ba: {  	v2 =	vld.msk [tilespmem:s9+$0x0 ss:$0x0], $0xffff;
	_ =	sdelay $0x2  }
0x4bb: {  	v3 =	vmov s10  }
0x4bc: {  	v1 =	vimm.f32 $0.0e+00;
	s12 =	simm.s32 $0x1;
	s13 =	sadd.s32 $0x80, s9;
	vm0 =	veq.s32 v3, v0  }
.LBB2_83:
0x4bd: {  	p0 =	sne.s32 s12, $0xF;
	v1 =	vsel vm0, v2, v1;
	v2 =	vld.msk [tilespmem:s13+$0x0 ss:$0x0], $0xffff;
	s14 =	smov.u32 s12;
	s12 =	sadd.s32 $0x1, s12  }
.Ltmp40:
0x4be: {  	(pc) =	sbr.rel @p0 .LBB2_83-.Ltmp40, $3  }
0x4bf: {  	_ =	sdelay $0x1  }
0x4c0: {  	v3 =	vmov s14  }
0x4c1: {  	s13 =	sadd.s32 $0x80, s13;
	vm0 =	veq.s32 v3, v0  }
0x4c2: {  	s12 =	sshll.u32 s11, $0x4;
	s11 =	sadd.s32 $0x1, s11  }
0x4c3: {  	p0 =	sne.s32 s11, $0x4  }
.Ltmp41:
0x4c4: {  	_ = 	snop;
	(pc) =	sbr.rel @p0 .LBB2_82-.Ltmp41, $3  }
0x4c5: {  	_ =	sdelay $0x1  }
0x4c6: {  	v1 =	vsel vm0, v2, v1;
	s12 =	sand.u32 $0x3FFFFFF0, s12  }
0x4c7: {  	s9 =	sadd.s32 $0x800, s9;
	[tilespmem:s12+$0xE200] =	vst v1  }
0x4c8: {  	s9 =	simm.s32 $0xC100  }
0x4c9: {  	[tilespmem:s9], [sflag:$0x3] =	stream.linear.gather [spmem:s0], $0x2000, $0x38;
	[tilespmem:$0x1E700] =	vst v63  }
0x4ca: {  	_ =	swait.ge [sflag:s4], $0x2000  }
0x4cb: {  	[sflag:s4] =	ssyncset.done $0x0  }
0x4cc: {  	s10 =	simm.s32 $0x0;
	s11 =	simm.s32 $0x0;
	[sflag:s4] =	ssyncadd.s32 $0xFFFFE000  }
.LBB2_86:
0x4cd: {  	v2 =	vld.msk [tilespmem:s9+$0x0 ss:$0x0], $0xffff;
	_ =	sdelay $0x2  }
0x4ce: {  	v3 =	vmov s10  }
0x4cf: {  	v1 =	vimm.f32 $0.0e+00;
	s12 =	simm.s32 $0x1;
	s13 =	sadd.s32 $0x80, s9;
	vm0 =	veq.s32 v3, v0  }
.LBB2_87:
0x4d0: {  	p0 =	sne.s32 s12, $0xF;
	v1 =	vsel vm0, v2, v1;
	v2 =	vld.msk [tilespmem:s13+$0x0 ss:$0x0], $0xffff;
	s14 =	smov.u32 s12;
	s12 =	sadd.s32 $0x1, s12  }
.Ltmp42:
0x4d1: {  	(pc) =	sbr.rel @p0 .LBB2_87-.Ltmp42, $3  }
0x4d2: {  	_ =	sdelay $0x1  }
0x4d3: {  	v3 =	vmov s14  }
0x4d4: {  	s13 =	sadd.s32 $0x80, s13;
	vm0 =	veq.s32 v3, v0  }
0x4d5: {  	s12 =	sshll.u32 s11, $0x4;
	s11 =	sadd.s32 $0x1, s11  }
0x4d6: {  	p0 =	sne.s32 s11, $0x4  }
.Ltmp43:
0x4d7: {  	_ = 	snop;
	(pc) =	sbr.rel @p0 .LBB2_86-.Ltmp43, $3  }
0x4d8: {  	_ =	sdelay $0x1  }
0x4d9: {  	v1 =	vsel vm0, v2, v1;
	s12 =	sand.u32 $0x3FFFFFF0, s12  }
0x4da: {  	s9 =	sadd.s32 $0x800, s9;
	[tilespmem:s12+$0xE240] =	vst v1  }
0x4db: {  	s9 =	simm.s32 $0xC100  }
0x4dc: {  	[tilespmem:s9], [sflag:$0x3] =	stream.linear.gather [spmem:s1], $0x2000, $0x38;
	[tilespmem:$0x1E700] =	vst v63  }
0x4dd: {  	_ =	swait.ge [sflag:s4], $0x2000  }
0x4de: {  	[sflag:s4] =	ssyncset.done $0x0  }
0x4df: {  	s10 =	simm.s32 $0x0;
	s11 =	simm.s32 $0x0;
	[sflag:s4] =	ssyncadd.s32 $0xFFFFE000  }
.LBB2_90:
0x4e0: {  	v2 =	vld.msk [tilespmem:s9+$0x0 ss:$0x0], $0xffff;
	_ =	sdelay $0x2  }
0x4e1: {  	v3 =	vmov s10  }
0x4e2: {  	v1 =	vimm.f32 $0.0e+00;
	s12 =	simm.s32 $0x1;
	s13 =	sadd.s32 $0x80, s9;
	vm0 =	veq.s32 v3, v0  }
.LBB2_91:
0x4e3: {  	p0 =	sne.s32 s12, $0xF;
	v1 =	vsel vm0, v2, v1;
	v2 =	vld.msk [tilespmem:s13+$0x0 ss:$0x0], $0xffff;
	s14 =	smov.u32 s12;
	s12 =	sadd.s32 $0x1, s12  }
.Ltmp44:
0x4e4: {  	(pc) =	sbr.rel @p0 .LBB2_91-.Ltmp44, $3  }
0x4e5: {  	_ =	sdelay $0x1  }
0x4e6: {  	v3 =	vmov s14  }
0x4e7: {  	s13 =	sadd.s32 $0x80, s13;
	vm0 =	veq.s32 v3, v0  }
0x4e8: {  	s12 =	sshll.u32 s11, $0x4;
	s11 =	sadd.s32 $0x1, s11  }
0x4e9: {  	p0 =	sne.s32 s11, $0x4  }
.Ltmp45:
0x4ea: {  	_ = 	snop;
	(pc) =	sbr.rel @p0 .LBB2_90-.Ltmp45, $3  }
0x4eb: {  	_ =	sdelay $0x1  }
0x4ec: {  	v1 =	vsel vm0, v2, v1;
	s12 =	sand.u32 $0x3FFFFFF0, s12  }
0x4ed: {  	s9 =	sadd.s32 $0x800, s9;
	[tilespmem:s12+$0xE280] =	vst v1  }
0x4ee: {  	s9 =	simm.s32 $0xC100  }
0x4ef: {  	[tilespmem:s9], [sflag:$0x3] =	stream.linear.gather [spmem:s2], $0x2000, $0x38;
	[tilespmem:$0x1E700] =	vst v63  }
0x4f0: {  	_ =	swait.ge [sflag:s4], $0x2000  }
0x4f1: {  	[sflag:s4] =	ssyncset.done $0x0  }
0x4f2: {  	s10 =	simm.s32 $0x0;
	s11 =	simm.s32 $0x0;
	[sflag:s4] =	ssyncadd.s32 $0xFFFFE000  }
.LBB2_94:
0x4f3: {  	v2 =	vld.msk [tilespmem:s9+$0x0 ss:$0x0], $0xffff;
	_ =	sdelay $0x2  }
0x4f4: {  	v3 =	vmov s10  }
0x4f5: {  	v1 =	vimm.f32 $0.0e+00;
	s12 =	simm.s32 $0x1;
	s13 =	sadd.s32 $0x80, s9;
	vm0 =	veq.s32 v3, v0  }
.LBB2_95:
0x4f6: {  	p0 =	sne.s32 s12, $0xF;
	v1 =	vsel vm0, v2, v1;
	v2 =	vld.msk [tilespmem:s13+$0x0 ss:$0x0], $0xffff;
	s14 =	smov.u32 s12;
	s12 =	sadd.s32 $0x1, s12  }
.Ltmp46:
0x4f7: {  	(pc) =	sbr.rel @p0 .LBB2_95-.Ltmp46, $3  }
0x4f8: {  	_ =	sdelay $0x1  }
0x4f9: {  	v3 =	vmov s14  }
0x4fa: {  	s13 =	sadd.s32 $0x80, s13;
	vm0 =	veq.s32 v3, v0  }
0x4fb: {  	s12 =	sshll.u32 s11, $0x4;
	s11 =	sadd.s32 $0x1, s11  }
0x4fc: {  	p0 =	sne.s32 s11, $0x4  }
.Ltmp47:
0x4fd: {  	_ = 	snop;
	(pc) =	sbr.rel @p0 .LBB2_94-.Ltmp47, $3  }
0x4fe: {  	_ =	sdelay $0x1  }
0x4ff: {  	v1 =	vsel vm0, v2, v1;
	s12 =	sand.u32 $0x3FFFFFF0, s12  }
0x500: {  	s9 =	sadd.s32 $0x800, s9;
	[tilespmem:s12+$0xE2C0] =	vst v1  }
0x501: {  	s8 =	sadd.s32 $0x1, s8  }
0x502: {  	p0 =	sne.s32 s8, s25  }
.Ltmp48:
0x503: {  	s9 =	simm.s32 $0xE100;
	(pc) =	sbr.rel @p0 .LBB2_1-.Ltmp48, $4  }
0x504: {  	[hbm4b:s24+s3] =	stream.linear.scatter [tilespmem:s9], [sflag:$0x3], $0x200, $0x38;
	[tilespmem:$0x1E700] =	vst v63  }
0x505: {  	_ =	swait.ge [sflag:s4], $0x200  }
0x506: {  	[sflag:s4] =	ssyncset.done $0x0  }
0x507: {  	s13 =	simm.s32 $0x8000;
	[sflag:s4] =	ssyncadd.s32 $0xFFFFFE00  }
0x508: {  	_ =	sfence.sel $0x180000  }
0x509: {  	[bflag:$0x0] =	sbarrier.arrive $0xFFFF  }
0x50a: {  	_ =	strace $0x9000004D  }
0x50b: {  	s0 =	stileid.u32;
	[bflag:$0x2] =	sbarrier.arrive $0xFFFF  }
0x50c: {  	p0 =	sne.s32 s0, $0x0;
	s0 =	rddreg [dreg:$0x2]  }
0x50d: {  	s0 =	sadd.s32 @!p0 $0x100000, s0  }
0x50e: {  	[sflag:s0] =	ssyncadd.tile.s32 @!p0 $0x1;
	_ =	shalt  }
.Lfunc_end2:
_tile_overlayer_lowered:
.L_overlay_start_2:
0x50f: {  	(tag) =	ssettag $0x2  }
0x510: {  	s0 =	rddreg [dreg:$0x0];
	s2 =	stileid.u32  }
0x511: {  	s1 =	rddreg [dreg:$0x1];
	p0 =	sne.s32 s2, $0x0  }
0x512: {  	s3 =	rddreg [dreg:$0x2];
	[bflag:$0x3] =	sbarrier.arrive $0xFFFF;
	s2 =	simm.s32 @!p0 $0x1C03  }
0x513: {  	[timem:s3], [sflag:s2] =	dma.local @!p0 [hbm:s0], s1  }
0x514: {  	s0 =	simm.s32 @!p0 $0x3  }
0x515: {  	_ =	swait.ge @!p0 [sflag:s0], s1  }
0x516: {  	s1 =	ssub.s32 @!p0 $0x0, s1;
	[sflag:s0] =	ssyncset.done @!p0 $0x0  }
0x517: {  	[sflag:s0] =	ssyncadd.s32 @!p0 s1  }
0x518: {  	[bflag:$0x3] =	sbarrier.arrive $0xFFFF  }
0x519: {  	_ =	shalt  }

// kernel: sparse-core-data-format-call.1.cloned.1.call-start
scs
called_computation.1_lowered:
.L_overlay_start_0:
0x0: {  	s1 =	sld [smem:$0x3FD9]  }
0x1: {  	s2 =	sld [smem:$0x3FFE];
	_ =	sdelay $0x1  }
0x2: {  	s3 =	srdreg.scid  }
0x3: {  	s0 =	sand.u32 $0x1, s3  }
0x4: {  	s17 =	sshll.u32 s0, $0xA;
	s1 =	sadd.s32 s2, s1  }
0x5: {  	s1 =	sadd.s32 s1, s17  }
0x6: {  	[smem:$0x3FC6] =	sst s1  }
0x7: {  	_ = 	snop  }
0x8: {  	(tm) =	ssettm $0x1  }
0x9: {  	s18 =	sld [smem:$0x3FFB];
	_ =	sdelay $0x3  }
0xa: {  	_ =	strace s18  }
0xb: {  	s1 =	sld [smem:$0x3FFC];
	_ =	sdelay $0x3  }
0xc: {  	_ =	strace s1  }
0xd: {  	s1 =	sld [smem:$0x3FFD];
	_ =	sdelay $0x3  }
0xe: {  	_ =	strace s1  }
0xf: {  	_ =	strace $0x8FFFFFFF  }
0x10: {  	s19 =	sld [smem:$0x3FDB];
	_ =	sdelay $0x1  }
0x11: {  	s20 =	simm.s32 $_scs_section_size  }
0x12: {  	s4 =	simm.s32 $_size__tile_overlayer_lowered;
	s5 =	simm.s32 $_tile_overlayer_lowered  }
0x13: {  	s23 =	simm.s32 $0x1BFF;
	s22 =	sshll.u32 s5, $0x1;
	s1 =	sadd.s32 s20, s19  }
0x14: {  	s6 =	simm.s32 $0x0;
	s21 =	sshll.u32 s4, $0x1;
	s4 =	sadd.s32 s22, s1  }
0x15: {  	[timem:s6], [sflag:s23] =	dma.local [hbm:s4], s21  }
0x16: {  	_ =	swait.ge [sflag:s23], s21  }
0x17: {  	s2 =	ssub.s32 $0x0, s21;
	[sflag:s23] =	ssyncset.done $0x0  }
0x18: {  	[sflag:s23] =	ssyncadd.s32 s2;
	_ =	sdelay $0x1  }
0x19: {  	s24 =	simm.s32 $0x1B8B  }
0x1a: {  	_ =	swait.ge [sflag:s24], $0x1  }
0x1b: {  	[sflag:s24] =	ssyncset.done $0x0  }
0x1c: {  	s26 =	simm.s32 $0x1B8E;
	s25 =	sld [smem:$0x3FFE];
	[sflag:s24] =	ssyncadd.s32 $0xFFFFFFFF  }
0x1d: {  	s27 =	simm.s32 $execute0_lowered;
	[smem:$0x3FD2] =	sst s26  }
0x1e: {  	s4 =	sshll.u32 s27, $0x1;
	_ =	strace $0x80000046;
	[dreg:$0x1] =	wrdreg $0xFFFFFFFF  }
0x1f: {  	s28 =	simm.s32 $_size_execute0_lowered;
	s1 =	sadd.s32 s1, s4;
	[dreg:$0x0] =	wrdreg $0x0  }
0x20: {  	s4 =	sshll.u32 s28, $0x1;
	[dreg:$0x2] =	wrdreg s1  }
0x21: {  	[dreg:$0x3] =	wrdreg s4  }
0x22: {  	[dreg:$0x4] =	wrdreg $0xC0  }
0x23: {  	_ =	task [dreg:s6], $0x5FFFF  }
0x24: {  	[dreg:$0x1] =	wrdreg $0xFFFFFFFF  }
0x25: {  	[dreg:$0x0] =	wrdreg $0x60  }
0x26: {  	[dreg:$0x2] =	wrdreg s25  }
0x27: {  	[dreg:$0x3] =	wrdreg $0x9  }
0x28: {  	_ =	task.clear_ibuf [dreg:s6], $0x4FFFF;
	_ =	strace $0x90000046  }
0x29: {  	s29 =	simm.s32 $0x9;
	_ =	strace $0x80000048  }
0x2a: {  	_ =	swait.ge [sflag:s29], $0x1  }
0x2b: {  	[sflag:s29] =	ssyncadd.s32 $0xFFFFFFFF  }
0x2c: {  	_ =	strace $0x90000048  }
0x2d: {  	_ =	sfence  }
0x2e: {  	s30 =	sld [smem:$0x0];
	_ =	sdelay $0x2  }
0x2f: {  	s31 =	sshll.u32 s3, $0xD;
	s3 =	sshrl.u32 s3, $0x2  }
0x30: {  	s2 =	sand.u32 $0x4000, s31;
	s1 =	sadd.s32 s3, s30  }
0x31: {  	s0 =	sor.u32 s2, s0;
	s1 =	sshll.u32 s1, $0x11  }
0x32: {  	s0 =	sor.u32 s1, s0  }
0x33: {  	s0 =	sadd.s32 $0x8F2B, s0  }
0x34: {  	[sflag:s0] =	ssyncadd.remote.s32 $0x1  }
0x35: {  	_ =	sfence.sel $0xFFFF  }
0x36: {  	[dreg:$0x0] =	wrdreg $0xFFFFFFFF;
	(pc) =	sbr.abs _section_cstart, $3  }
0x37: {  	[dreg:$0x1] =	wrdreg $0xFFFFFFFF  }
0x38: {  	_ =	task.clear_ibuf [dreg:s6], $0x2FFFF;
	_ =	strace $0x9FFFFFFF  }
0x39: {  	(tm) =	ssettm $0x7FFFFFFF  }
tec
execute0_lowered:
.L_overlay_start_1:
0x0: {  	(tag) =	ssettag $0x1  }
0x1: {  	s0 =	srdreg.scid  }
0x2: {  	s1 =	sshll.u32 s0, $0x4  }
0x3: {  	s6 =	rddreg [dreg:$0x0];
	s0 =	stileid.u32;
	s1 =	sand.u32 $0x10, s1  }
0x4: {  	s5 =	simm.s32 $0x1;
	s31 =	simm.s32 $0x2;
	s1 =	sor.u32 s0, s1  }
0x5: {  	s13 =	simm.s32 $0x0;
	s8 =	simm.s32 $0x8000;
	s2 =	sshll.u32 s1, $0x7  }
0x6: {  	s12 =	simm.s32 $0x0;
	s9 =	simm.s32 $0x0;
	s3 =	ssub.s32 $0x1000, s2  }
0x7: {  	s11 =	simm.s32 $0x0;
	s1 =	rddreg [dreg:$0x1];
	s4 =	sand.u32 $0xF80, s3  }
.Ltmp0:
0x8: {  	_ =	strace $0x80000047;
	p0 =	sne.s32 s4, $0x0;
	(pc) =	sbr.rel .LBB1_1-.Ltmp0, $4  }
0x9: {  	s10 =	smov.u32 s2;
	s7 =	sshrl.u32 s3, $0xC;
	s5 =	simm.s32 @!p0 $0x0  }
0xa: {  	s3 =	sadd.s32 $0xC00, s6;
	s4 =	simm.s32 $0x1;
	s5 =	sadd.s32 s5, s7  }
0xb: {  	s6 =	sadd.s32 $0x400C00, s6;
	[sflag:s4] =	ssyncpa.u1 $0x0;
	s5 =	sshll.u32 s5, $0x6  }
0xc: {  	p0 =	por $0x0, $0x0;
	[sflag:s31] =	ssyncpa.u1 $0x0;
	s7 =	sor.u32 $0x1, s5  }
.LBB1_4:
0xd: {  	v5 =	vld [tilespmem:s16+$0xFFFFFFD0]  }
0xe: {  	[tilespmem:s17+$0x2040 ss:$0x81] =	vst.msk $0xffff, v1;
	v58 =	vld [tilespmem:s16+$0xFFFFFFE0]  }
0xf: {  	[tilespmem:s17+$0x2850 ss:$0x81] =	vst.msk $0xffff, v2;
	v59 =	vld [tilespmem:s16+$0xFFFFFFF0]  }
0x10: {  	s18 =	sshra.s32 s18, $0x2;
	[tilespmem:s17+$0x3060 ss:$0x81] =	vst.msk $0xffff, v3;
	v60 =	vld [tilespmem:s16+$0x0]  }
0x11: {  	[tilespmem:s17+$0x0 ss:$0x81] =	vst.msk $0xffff, v0;
	v61 =	vld [tilespmem:s16+$0x10];
	s15 =	sadd.s32 s18, s15  }
0x12: {  	s26 =	sshll.u32 s13, $0xC;
	v62 =	vld [tilespmem:s16+$0x20];
	[tilespmem:s15+$0x3870 ss:$0x81] =	vst.msk $0xffff, v4  }
0x13: {  	s27 =	sand.u32 $0x78, s12;
	s19 =	sshll.u32 s12, $0x3;
	v63 =	vld [tilespmem:s16+$0xFFFFFFC0];
	s29 =	sshll.u32 s13, $0x7;
	[tilespmem:s15+$0x810 ss:$0x81] =	vst.msk $0xffff, v5  }
0x14: {  	s17 =	sand.u32 $0x1FF8000, s26;
	s28 =	sand.u32 $0x1FFFC00, s19;
	s19 =	sand.u32 $0xC00, s19;
	[tilespmem:s15+$0x1020 ss:$0x81] =	vst.msk $0xffff, v58  }
0x15: {  	s13 =	sand.u32 $0x380, s29;
	s16 =	sadd.s32 s28, s17;
	s30 =	sor.u32 s27, s19;
	[tilespmem:s15+$0x1830 ss:$0x81] =	vst.msk $0xffff, v59  }
0x16: {  	s16 =	sand.u32 $0x1FFF000, s16;
	s13 =	sor.u32 s13, s30;
	[tilespmem:s15+$0x2040 ss:$0x81] =	vst.msk $0xffff, v60  }
0x17: {  	s31 =	sand.u32 $0x7, s12;
	s13 =	sor.u32 s16, s13;
	[tilespmem:s15+$0x2850 ss:$0x81] =	vst.msk $0xffff, v61  }
0x18: {  	s12 =	sshll.u32 s31, $0x12;
	[tilespmem:s15+$0x3060 ss:$0x81] =	vst.msk $0xffff, v62;
	s13 =	sshrl.u32 s13, $0x3  }
0x19: {  	s12 =	sor.u32 $0x400, s12;
	[tilespmem:s15+$0x0 ss:$0x81] =	vst.msk $0xffff, v63;
	s13 =	sadd.s32 s6, s13  }
0x1a: {  	[hbm4b:s13+s12] =	stream.strided.scatter [tilespmem:s14], [sflag:$0x2], $0x4000, s8, s12, $0x20;
	[tilespmem:$0x10100] =	vst v63  }
.LBB1_5:
0x1b: {  	s14 =	sadd.s32 $0x80, s9  }
0x1c: {  	s12 =	sadd.s32 $0x1000, s10;
	s16 =	smov.u32 s10;
	p2 =	sgt.s32 s14, $0x1FFF  }
0x1d: {  	s16 =	smov.u32 @p2 s12  }
0x1e: {  	s14 =	simm.s32 @p2 $0x0;
	p2 =	sgt.s32 s16, $0xFFF  }
0x1f: {  	s16 =	smov.u32 @p2 s2;
	p2 =	sne.s32 s11, s7  }
.Ltmp1:
0x20: {  	p1 =	slt.u32 s11, $0x2;
	(pc) =	sbr.rel @!p2 .LBB1_6-.Ltmp1, $4  }
0x21: {  	s15 =	simm.s32 @!p1 $0x2  }
0x22: {  	s13 =	smov.u32 s9;
	p0 =	por !p0, !p0;
	_ =	swait.ge @!p1 [sflag:s15], $0x4000  }
0x23: {  	s12 =	smov.u32 s10;
	[sflag:s15] =	ssyncset.done @!p1 $0x0;
	s9 =	smov.u32 s14  }
0x24: {  	s11 =	sadd.s32 $0x1, s11;
	[sflag:s15] =	ssyncadd.s32 @!p1 $0xFFFFC000;
	s10 =	smov.u32 s16  }
.LBB1_1:
0x25: {  	p1 =	sge.u32 s11, s5;
	s31 =	sadd.s32 $0xFFFFFFFF, s11  }
0x26: {  	s14 =	sand.u32 @!p1 $0x78, s9;
	s15 =	sshll.u32 @!p1 s10, $0xD;
	s16 =	sshll.u32 @!p1 s10, $0x7  }
0x27: {  	s17 =	sshll.u32 @!p1 s9, $0x3;
	s15 =	sand.u32 @!p1 $0x1FF0000, s15;
	s16 =	sand.u32 @!p1 $0x380, s16  }
0x28: {  	s15 =	sadd.s32 @!p1 s15, s17;
	s17 =	sand.u32 @!p1 $0x1C00, s17;
	s14 =	sor.u32 @!p1 s16, s14  }
0x29: {  	s16 =	sxor.u32 @!p1 $0xFFFFFFFF, s11;
	s15 =	sand.u32 @!p1 $0x1FFE000, s15;
	s14 =	sor.u32 @!p1 s17, s14  }
0x2a: {  	s16 =	sshll.u32 @!p1 s16, $0xE;
	s14 =	sor.u32 @!p1 s15, s14;
	s15 =	sand.u32 @!p1 $0x7, s9  }
0x2b: {  	s17 =	simm.s32 @!p1 $0x10000;
	s14 =	sshrl.u32 @!p1 s14, $0x3;
	s15 =	sshll.u32 @!p1 s15, $0x12  }
0x2c: {  	s16 =	sand.u32 @!p1 $0x4000, s16;
	s14 =	sadd.s32 @!p1 s3, s14;
	s15 =	sor.u32 @!p1 $0x400, s15  }
0x2d: {  	[tilespmem:s16], [sflag:$0x1] =	stream.strided.gather @!p1 [hbm4b:s14+s15], $0x4000, s17, s15, $0x38;
	[tilespmem:$0x10100] =	vst v63  }
0x2e: {  	p1 =	sge.u32 s31, s5  }
.Ltmp2:
0x2f: {  	_ = 	snop;
	(pc) =	sbr.rel @p1 .LBB1_5-.Ltmp2, $1  }
0x30: {  	_ =	sdelay $0x3  }
0x31: {  	s14 =	simm.s32 $0x1  }
0x32: {  	_ =	swait.ge [sflag:s4], $0x4000;
	s14 =	simm.s32 @!p0 $0x0  }
0x33: {  	[sflag:s4] =	ssyncset.done $0x0;
	s15 =	sshll.u32 s14, $0xE  }
0x34: {  	[sflag:s4] =	ssyncadd.s32 $0xFFFFC000;
	s16 =	sor.u32 $0x40, s15  }
0x35: {  	s14 =	smul.u32 $0x10200, s14;
	v0 =	vld [tilespmem:s16+$0x30]  }
0x36: {  	v3 =	vld [tilespmem:s16+$0xFFFFFFD0]  }
0x37: {  	s14 =	sshrl.u32 s14, $0x2;
	v4 =	vld [tilespmem:s16+$0xFFFFFFE0]  }
0x38: {  	v5 =	vld [tilespmem:s16+$0xFFFFFFF0];
	s15 =	sor.u32 $0x8000, s14  }
0x39: {  	s31 =	sand.u32 $0x1, s11;
	v1 =	vld [tilespmem:s16+$0x0];
	s17 =	sadd.s32 $0x0, s15  }
0x3a: {  	v2 =	vld [tilespmem:s16+$0x10];
	s14 =	smul.u32 $0x10200, s31;
	[tilespmem:s17+$0x3870 ss:$0x81] =	vst.msk $0xffff, v0  }
0x3b: {  	[tilespmem:s17+$0x810 ss:$0x81] =	vst.msk $0xffff, v3;
	v3 =	vld [tilespmem:s16+$0x20]  }
0x3c: {  	s14 =	sshrl.u32 s14, $0x2;
	v0 =	vld [tilespmem:s16+$0xFFFFFFC0];
	[tilespmem:s17+$0x1020 ss:$0x81] =	vst.msk $0xffff, v4;
	s16 =	sadd.s32 $0x80, s16  }
0x3d: {  	s18 =	simm.s32 $0x4;
	s19 =	simm.s32 $0x8;
	s14 =	sor.u32 $0x8000, s14;
	[tilespmem:s17+$0x1830 ss:$0x81] =	vst.msk $0xffff, v5;
	v4 =	vld [tilespmem:s16+$0x30]  }
.LBB1_3:
0x3e: {  	p1 =	sne.s32 s19, $0x1FC;
	v5 =	vld [tilespmem:s16+$0xFFFFFFD0];
	[tilespmem:s17+$0x2040 ss:$0x81] =	vst.msk $0xffff, v1  }
0x3f: {  	v6 =	vld [tilespmem:s16+$0xFFFFFFE0];
	[tilespmem:s17+$0x2850 ss:$0x81] =	vst.msk $0xffff, v2  }
0x40: {  	s20 =	sshra.s32 s18, $0x2;
	s18 =	smov.u32 s19;
	v7 =	vld [tilespmem:s16+$0xFFFFFFF0];
	[tilespmem:s17+$0x3060 ss:$0x81] =	vst.msk $0xffff, v3  }
.Ltmp3:
0x41: {  	v1 =	vld [tilespmem:s16+$0x0];
	[tilespmem:s17+$0x0 ss:$0x81] =	vst.msk $0xffff, v0;
	s17 =	sadd.s32 s20, s15;
	(pc) =	sbr.rel @p1 .LBB1_3-.Ltmp3, $4  }
0x42: {  	v2 =	vld [tilespmem:s16+$0x10];
	[tilespmem:s17+$0x3870 ss:$0x81] =	vst.msk $0xffff, v4  }
0x43: {  	[tilespmem:s17+$0x810 ss:$0x81] =	vst.msk $0xffff, v5;
	v3 =	vld [tilespmem:s16+$0x20]  }
0x44: {  	v0 =	vld [tilespmem:s16+$0xFFFFFFC0];
	[tilespmem:s17+$0x1020 ss:$0x81] =	vst.msk $0xffff, v6;
	s16 =	sadd.s32 $0x80, s16  }
0x45: {  	s19 =	sadd.s32 $0x4, s19;
	v4 =	vld [tilespmem:s16+$0x30];
	[tilespmem:s17+$0x1830 ss:$0x81] =	vst.msk $0xffff, v7  }
.Ltmp4:
0x46: {  	_ = 	snop;
	(pc) =	sbr.rel .LBB1_4-.Ltmp4, $1  }
0x47: {  	_ =	sdelay $0x3  }
.LBB1_6:
0x48: {  	_ =	sfence.sel $0x180000  }
0x49: {  	s2 =	simm.s32 $0x1;
	[bflag:$0x0] =	sbarrier.arrive $0xFFFF  }
0x4a: {  	s31 =	simm.s32 $0x2;
	[sflag:s2] =	ssyncpa.u1 $0x1  }
0x4b: {  	[sflag:s31] =	ssyncpa.u1 $0x1  }
0x4c: {  	p0 =	sne.s32 s0, $0x0;
	_ =	strace $0x90000047  }
0x4d: {  	s0 =	sadd.s32 @!p0 $0x100000, s1;
	[bflag:$0x2] =	sbarrier.arrive $0xFFFF  }
0x4e: {  	[sflag:s0] =	ssyncadd.tile.s32 @!p0 $0x1;
	_ =	shalt  }
.Lfunc_end1:
_tile_overlayer_lowered:
.L_overlay_start_2:
0x4f: {  	(tag) =	ssettag $0x2  }
0x50: {  	s0 =	rddreg [dreg:$0x0];
	s2 =	stileid.u32  }
0x51: {  	s1 =	rddreg [dreg:$0x1];
	p0 =	sne.s32 s2, $0x0  }
0x52: {  	s3 =	rddreg [dreg:$0x2];
	[bflag:$0x3] =	sbarrier.arrive $0xFFFF;
	s2 =	simm.s32 @!p0 $0x1C01  }
0x53: {  	[timem:s3], [sflag:s2] =	dma.local @!p0 [hbm:s0], s1  }
0x54: {  	s0 =	simm.s32 @!p0 $0x1  }
0x55: {  	_ =	swait.ge @!p0 [sflag:s0], s1  }
0x56: {  	s1 =	ssub.s32 @!p0 $0x0, s1;
	[sflag:s0] =	ssyncset.done @!p0 $0x0  }
0x57: {  	[sflag:s0] =	ssyncadd.s32 @!p0 s1  }
0x58: {  	[bflag:$0x3] =	sbarrier.arrive $0xFFFF  }
0x59: {  	_ =	shalt  }

// kernel: sparse-core-data-format-call.cloned.1.call-start
scs
called_computation_lowered:
.L_overlay_start_0:
0x0: {  	s1 =	sld [smem:$0x3FD9]  }
0x1: {  	s2 =	sld [smem:$0x3FFE];
	_ =	sdelay $0x1  }
0x2: {  	s3 =	srdreg.scid  }
0x3: {  	s0 =	sand.u32 $0x1, s3  }
0x4: {  	s17 =	sshll.u32 s0, $0xA;
	s1 =	sadd.s32 s2, s1  }
0x5: {  	s1 =	sadd.s32 s1, s17  }
0x6: {  	[smem:$0x3FC6] =	sst s1  }
0x7: {  	_ = 	snop  }
0x8: {  	(tm) =	ssettm $0x1  }
0x9: {  	s18 =	sld [smem:$0x3FFB];
	_ =	sdelay $0x3  }
0xa: {  	_ =	strace s18  }
0xb: {  	s1 =	sld [smem:$0x3FFC];
	_ =	sdelay $0x3  }
0xc: {  	_ =	strace s1  }
0xd: {  	s1 =	sld [smem:$0x3FFD];
	_ =	sdelay $0x3  }
0xe: {  	_ =	strace s1  }
0xf: {  	_ =	strace $0x8FFFFFFF  }
0x10: {  	s19 =	sld [smem:$0x3FDB];
	_ =	sdelay $0x1  }
0x11: {  	s20 =	simm.s32 $_scs_section_size  }
0x12: {  	s4 =	simm.s32 $_size__tile_overlayer_lowered;
	s5 =	simm.s32 $_tile_overlayer_lowered  }
0x13: {  	s23 =	simm.s32 $0x1BFF;
	s22 =	sshll.u32 s5, $0x1;
	s1 =	sadd.s32 s20, s19  }
0x14: {  	s6 =	simm.s32 $0x0;
	s21 =	sshll.u32 s4, $0x1;
	s4 =	sadd.s32 s22, s1  }
0x15: {  	[timem:s6], [sflag:s23] =	dma.local [hbm:s4], s21  }
0x16: {  	_ =	swait.ge [sflag:s23], s21  }
0x17: {  	s2 =	ssub.s32 $0x0, s21;
	[sflag:s23] =	ssyncset.done $0x0  }
0x18: {  	[sflag:s23] =	ssyncadd.s32 s2;
	_ =	sdelay $0x1  }
0x19: {  	s24 =	simm.s32 $0x1B8B  }
0x1a: {  	_ =	swait.ge [sflag:s24], $0x1  }
0x1b: {  	[sflag:s24] =	ssyncset.done $0x0  }
0x1c: {  	s26 =	simm.s32 $0x1B8E;
	s25 =	sld [smem:$0x3FFE];
	[sflag:s24] =	ssyncadd.s32 $0xFFFFFFFF  }
0x1d: {  	s27 =	simm.s32 $execute0_lowered;
	[smem:$0x3FD2] =	sst s26  }
0x1e: {  	s4 =	sshll.u32 s27, $0x1;
	_ =	strace $0x80000049;
	[dreg:$0x1] =	wrdreg $0xFFFFFFFF  }
0x1f: {  	s28 =	simm.s32 $_size_execute0_lowered;
	s1 =	sadd.s32 s1, s4;
	[dreg:$0x0] =	wrdreg $0x0  }
0x20: {  	s4 =	sshll.u32 s28, $0x1;
	[dreg:$0x2] =	wrdreg s1  }
0x21: {  	[dreg:$0x3] =	wrdreg s4  }
0x22: {  	[dreg:$0x4] =	wrdreg $0xC0  }
0x23: {  	_ =	task [dreg:s6], $0x5FFFF  }
0x24: {  	[dreg:$0x1] =	wrdreg $0xFFFFFFFF  }
0x25: {  	[dreg:$0x0] =	wrdreg $0x60  }
0x26: {  	[dreg:$0x2] =	wrdreg s25  }
0x27: {  	[dreg:$0x3] =	wrdreg $0x9  }
0x28: {  	_ =	task.clear_ibuf [dreg:s6], $0x4FFFF;
	_ =	strace $0x90000049  }
0x29: {  	s29 =	simm.s32 $0x9;
	_ =	strace $0x8000004B  }
0x2a: {  	_ =	swait.ge [sflag:s29], $0x1  }
0x2b: {  	[sflag:s29] =	ssyncadd.s32 $0xFFFFFFFF  }
0x2c: {  	_ =	strace $0x9000004B  }
0x2d: {  	_ =	sfence  }
0x2e: {  	s30 =	sld [smem:$0x0];
	_ =	sdelay $0x2  }
0x2f: {  	s31 =	sshll.u32 s3, $0xD;
	s3 =	sshrl.u32 s3, $0x2  }
0x30: {  	s2 =	sand.u32 $0x4000, s31;
	s1 =	sadd.s32 s3, s30  }
0x31: {  	s0 =	sor.u32 s2, s0;
	s1 =	sshll.u32 s1, $0x11  }
0x32: {  	s0 =	sor.u32 s1, s0  }
0x33: {  	s0 =	sadd.s32 $0x8F2B, s0  }
0x34: {  	[sflag:s0] =	ssyncadd.remote.s32 $0x1  }
0x35: {  	_ =	sfence.sel $0xFFFF  }
0x36: {  	[dreg:$0x0] =	wrdreg $0xFFFFFFFF;
	(pc) =	sbr.abs _section_cstart, $3  }
0x37: {  	[dreg:$0x1] =	wrdreg $0xFFFFFFFF  }
0x38: {  	_ =	task.clear_ibuf [dreg:s6], $0x2FFFF;
	_ =	strace $0x9FFFFFFF  }
0x39: {  	(tm) =	ssettm $0x7FFFFFFF  }
tec
execute0_lowered:
.L_overlay_start_1:
0x0: {  	(tag) =	ssettag $0x1  }
0x1: {  	s7 =	rddreg [dreg:$0x0]  }
0x2: {  	s1 =	stileid.u32;
	s3 =	srdreg.scid  }
0x3: {  	s0 =	rddreg [dreg:$0x1];
	_ =	strace $0x8000004A;
	s8 =	simm.s32 $0x1  }
0x4: {  	s31 =	simm.s32 $0x2;
	s14 =	simm.s32 $0x0;
	s13 =	simm.s32 $0x0  }
0x5: {  	s12 =	simm.s32 $0x0;
	s2 =	sshll.u32 s1, $0x7;
	s3 =	sshll.u32 s3, $0x7  }
0x6: {  	s3 =	sand.u32 $0x80, s3;
	s4 =	ssub.s32 $0x800, s2;
	s11 =	smov.u32 s2  }
0x7: {  	s5 =	sshrl.u32 s4, $0xB;
	s4 =	sand.u32 $0x780, s4;
	s6 =	ssub.s32 $0x1000, s3  }
0x8: {  	p0 =	sne.s32 s4, $0x0;
	s30 =	sshrl.u32 s6, $0x7;
	s6 =	sshrl.u32 s6, $0x8  }
.Ltmp0:
0x9: {  	s8 =	simm.s32 @!p0 $0x0;
	s9 =	sand.u32 $0x1, s30;
	(pc) =	sbr.rel .LBB1_1-.Ltmp0, $4  }
0xa: {  	s4 =	simm.s32 $0x1;
	s5 =	sadd.s32 s8, s5;
	s6 =	sadd.s32 s6, s9  }
0xb: {  	s10 =	smov.u32 s3;
	[sflag:s4] =	ssyncpa.u1 $0x0;
	s5 =	smul.u32 s5, s6  }
0xc: {  	p0 =	por $0x0, $0x0;
	[sflag:s31] =	ssyncpa.u1 $0x0;
	s9 =	simm.s32 $0x4000  }
0xd: {  	s6 =	sadd.s32 $0x400C00, s7;
	s7 =	sadd.s32 $0xC00, s7;
	s8 =	sadd.s32 $0x1, s5  }
.LBB1_4:
0xe: {  	v5 =	vld [tilespmem:s17+$0xFFFFFFD0]  }
0xf: {  	[tilespmem:s18+$0x2040 ss:$0x81] =	vst.msk $0xffff, v1;
	v58 =	vld [tilespmem:s17+$0xFFFFFFE0]  }
0x10: {  	[tilespmem:s18+$0x2850 ss:$0x81] =	vst.msk $0xffff, v2;
	v59 =	vld [tilespmem:s17+$0xFFFFFFF0]  }
0x11: {  	s19 =	sshra.s32 s19, $0x2;
	[tilespmem:s18+$0x3060 ss:$0x81] =	vst.msk $0xffff, v3;
	v60 =	vld [tilespmem:s17+$0x0]  }
0x12: {  	[tilespmem:s18+$0x0 ss:$0x81] =	vst.msk $0xffff, v0;
	v61 =	vld [tilespmem:s17+$0x10];
	s16 =	sadd.s32 s19, s16  }
0x13: {  	s26 =	sshll.u32 s14, $0xB;
	v62 =	vld [tilespmem:s17+$0x20];
	[tilespmem:s16+$0x3870 ss:$0x81] =	vst.msk $0xffff, v4  }
0x14: {  	s27 =	sand.u32 $0x78, s13;
	s20 =	sshll.u32 s13, $0x3;
	v63 =	vld [tilespmem:s17+$0xFFFFFFC0];
	s29 =	sshll.u32 s14, $0x7;
	[tilespmem:s16+$0x810 ss:$0x81] =	vst.msk $0xffff, v5  }
0x15: {  	s18 =	sand.u32 $0x7FC000, s26;
	s28 =	sand.u32 $0x7FFC00, s20;
	s20 =	sand.u32 $0x400, s20;
	[tilespmem:s16+$0x1020 ss:$0x81] =	vst.msk $0xffff, v58  }
0x16: {  	s14 =	sand.u32 $0x380, s29;
	s17 =	sadd.s32 s28, s18;
	s30 =	sor.u32 s27, s20;
	[tilespmem:s16+$0x1830 ss:$0x81] =	vst.msk $0xffff, v59  }
0x17: {  	s17 =	sand.u32 $0x7FF800, s17;
	s14 =	sor.u32 s14, s30;
	[tilespmem:s16+$0x2040 ss:$0x81] =	vst.msk $0xffff, v60  }
0x18: {  	s31 =	sand.u32 $0x7, s13;
	s14 =	sor.u32 s17, s14;
	[tilespmem:s16+$0x2850 ss:$0x81] =	vst.msk $0xffff, v61  }
0x19: {  	s13 =	sshll.u32 s31, $0x12;
	[tilespmem:s16+$0x3060 ss:$0x81] =	vst.msk $0xffff, v62;
	s14 =	sshrl.u32 s14, $0x3  }
0x1a: {  	s13 =	sor.u32 $0x400, s13;
	[tilespmem:s16+$0x0 ss:$0x81] =	vst.msk $0xffff, v63;
	s14 =	sadd.s32 s7, s14  }
0x1b: {  	[hbm4b:s14+s13] =	stream.strided.scatter [tilespmem:s15], [sflag:$0x2], $0x4000, s9, s13, $0x20;
	[tilespmem:$0x10100] =	vst v63  }
.LBB1_5:
0x1c: {  	s15 =	sadd.s32 $0x100, s10  }
0x1d: {  	s13 =	sadd.s32 $0x800, s11;
	s17 =	smov.u32 s11;
	p2 =	sgt.s32 s15, $0xFFF  }
0x1e: {  	s17 =	smov.u32 @p2 s13  }
0x1f: {  	s15 =	smov.u32 @p2 s3;
	p2 =	sgt.s32 s17, $0x7FF  }
0x20: {  	s17 =	smov.u32 @p2 s2;
	p2 =	sne.s32 s12, s8  }
.Ltmp1:
0x21: {  	p1 =	slt.u32 s12, $0x2;
	(pc) =	sbr.rel @!p2 .LBB1_6-.Ltmp1, $4  }
0x22: {  	s16 =	simm.s32 @!p1 $0x2  }
0x23: {  	s14 =	smov.u32 s10;
	p0 =	por !p0, !p0;
	_ =	swait.ge @!p1 [sflag:s16], $0x4000  }
0x24: {  	s13 =	smov.u32 s11;
	[sflag:s16] =	ssyncset.done @!p1 $0x0;
	s10 =	smov.u32 s15  }
0x25: {  	s12 =	sadd.s32 $0x1, s12;
	[sflag:s16] =	ssyncadd.s32 @!p1 $0xFFFFC000;
	s11 =	smov.u32 s17  }
.LBB1_1:
0x26: {  	p1 =	sge.u32 s12, s5;
	s31 =	sadd.s32 $0xFFFFFFFF, s12  }
0x27: {  	s15 =	sand.u32 @!p1 $0x78, s10;
	s16 =	sshll.u32 @!p1 s11, $0xC;
	s17 =	sshll.u32 @!p1 s11, $0x7  }
0x28: {  	s18 =	sshll.u32 @!p1 s10, $0x3;
	s16 =	sand.u32 @!p1 $0x7F8000, s16;
	s17 =	sand.u32 @!p1 $0x380, s17  }
0x29: {  	s16 =	sadd.s32 @!p1 s16, s18;
	s18 =	sand.u32 @!p1 $0xC00, s18;
	s15 =	sor.u32 @!p1 s17, s15  }
0x2a: {  	s17 =	sxor.u32 @!p1 $0xFFFFFFFF, s12;
	s16 =	sand.u32 @!p1 $0x7FF000, s16;
	s15 =	sor.u32 @!p1 s18, s15  }
0x2b: {  	s17 =	sshll.u32 @!p1 s17, $0xE;
	s15 =	sor.u32 @!p1 s16, s15;
	s16 =	sand.u32 @!p1 $0x7, s10  }
0x2c: {  	s18 =	simm.s32 @!p1 $0x8000;
	s15 =	sshrl.u32 @!p1 s15, $0x3;
	s16 =	sshll.u32 @!p1 s16, $0x12  }
0x2d: {  	s17 =	sand.u32 @!p1 $0x4000, s17;
	s15 =	sadd.s32 @!p1 s6, s15;
	s16 =	sor.u32 @!p1 $0x400, s16  }
0x2e: {  	[tilespmem:s17], [sflag:$0x1] =	stream.strided.gather @!p1 [hbm4b:s15+s16], $0x4000, s18, s16, $0x38;
	[tilespmem:$0x10100] =	vst v63  }
0x2f: {  	p1 =	sge.u32 s31, s5  }
.Ltmp2:
0x30: {  	_ = 	snop;
	(pc) =	sbr.rel @p1 .LBB1_5-.Ltmp2, $1  }
0x31: {  	_ =	sdelay $0x3  }
0x32: {  	s15 =	simm.s32 $0x1  }
0x33: {  	_ =	swait.ge [sflag:s4], $0x4000;
	s15 =	simm.s32 @!p0 $0x0  }
0x34: {  	[sflag:s4] =	ssyncset.done $0x0;
	s16 =	sshll.u32 s15, $0xE  }
0x35: {  	[sflag:s4] =	ssyncadd.s32 $0xFFFFC000;
	s17 =	sor.u32 $0x40, s16  }
0x36: {  	s15 =	smul.u32 $0x10200, s15;
	v0 =	vld [tilespmem:s17+$0x30]  }
0x37: {  	v3 =	vld [tilespmem:s17+$0xFFFFFFD0]  }
0x38: {  	s15 =	sshrl.u32 s15, $0x2;
	v4 =	vld [tilespmem:s17+$0xFFFFFFE0]  }
0x39: {  	v5 =	vld [tilespmem:s17+$0xFFFFFFF0];
	s16 =	sor.u32 $0x8000, s15  }
0x3a: {  	s31 =	sand.u32 $0x1, s12;
	v1 =	vld [tilespmem:s17+$0x0];
	s18 =	sadd.s32 $0x0, s16  }
0x3b: {  	v2 =	vld [tilespmem:s17+$0x10];
	s15 =	smul.u32 $0x10200, s31;
	[tilespmem:s18+$0x3870 ss:$0x81] =	vst.msk $0xffff, v0  }
0x3c: {  	[tilespmem:s18+$0x810 ss:$0x81] =	vst.msk $0xffff, v3;
	v3 =	vld [tilespmem:s17+$0x20]  }
0x3d: {  	s15 =	sshrl.u32 s15, $0x2;
	v0 =	vld [tilespmem:s17+$0xFFFFFFC0];
	[tilespmem:s18+$0x1020 ss:$0x81] =	vst.msk $0xffff, v4;
	s17 =	sadd.s32 $0x80, s17  }
0x3e: {  	s19 =	simm.s32 $0x4;
	s20 =	simm.s32 $0x8;
	s15 =	sor.u32 $0x8000, s15;
	[tilespmem:s18+$0x1830 ss:$0x81] =	vst.msk $0xffff, v5;
	v4 =	vld [tilespmem:s17+$0x30]  }
.LBB1_3:
0x3f: {  	p1 =	sne.s32 s20, $0x1FC;
	v5 =	vld [tilespmem:s17+$0xFFFFFFD0];
	[tilespmem:s18+$0x2040 ss:$0x81] =	vst.msk $0xffff, v1  }
0x40: {  	v6 =	vld [tilespmem:s17+$0xFFFFFFE0];
	[tilespmem:s18+$0x2850 ss:$0x81] =	vst.msk $0xffff, v2  }
0x41: {  	s21 =	sshra.s32 s19, $0x2;
	s19 =	smov.u32 s20;
	v7 =	vld [tilespmem:s17+$0xFFFFFFF0];
	[tilespmem:s18+$0x3060 ss:$0x81] =	vst.msk $0xffff, v3  }
.Ltmp3:
0x42: {  	v1 =	vld [tilespmem:s17+$0x0];
	[tilespmem:s18+$0x0 ss:$0x81] =	vst.msk $0xffff, v0;
	s18 =	sadd.s32 s21, s16;
	(pc) =	sbr.rel @p1 .LBB1_3-.Ltmp3, $4  }
0x43: {  	v2 =	vld [tilespmem:s17+$0x10];
	[tilespmem:s18+$0x3870 ss:$0x81] =	vst.msk $0xffff, v4  }
0x44: {  	[tilespmem:s18+$0x810 ss:$0x81] =	vst.msk $0xffff, v5;
	v3 =	vld [tilespmem:s17+$0x20]  }
0x45: {  	v0 =	vld [tilespmem:s17+$0xFFFFFFC0];
	[tilespmem:s18+$0x1020 ss:$0x81] =	vst.msk $0xffff, v6;
	s17 =	sadd.s32 $0x80, s17  }
0x46: {  	s20 =	sadd.s32 $0x4, s20;
	v4 =	vld [tilespmem:s17+$0x30];
	[tilespmem:s18+$0x1830 ss:$0x81] =	vst.msk $0xffff, v7  }
.Ltmp4:
0x47: {  	_ = 	snop;
	(pc) =	sbr.rel .LBB1_4-.Ltmp4, $1  }
0x48: {  	_ =	sdelay $0x3  }
.LBB1_6:
0x49: {  	_ =	sfence.sel $0x180000  }
0x4a: {  	s2 =	simm.s32 $0x1;
	[bflag:$0x0] =	sbarrier.arrive $0xFFFF  }
0x4b: {  	s31 =	simm.s32 $0x2;
	[sflag:s2] =	ssyncpa.u1 $0x1  }
0x4c: {  	[sflag:s31] =	ssyncpa.u1 $0x1  }
0x4d: {  	p0 =	sne.s32 s1, $0x0;
	_ =	strace $0x9000004A  }
0x4e: {  	s0 =	sadd.s32 @!p0 $0x100000, s0;
	[bflag:$0x2] =	sbarrier.arrive $0xFFFF  }
0x4f: {  	[sflag:s0] =	ssyncadd.tile.s32 @!p0 $0x1;
	_ =	shalt  }
.Lfunc_end1:
_tile_overlayer_lowered:
.L_overlay_start_2:
0x50: {  	(tag) =	ssettag $0x2  }
0x51: {  	s0 =	rddreg [dreg:$0x0];
	s2 =	stileid.u32  }
0x52: {  	s1 =	rddreg [dreg:$0x1];
	p0 =	sne.s32 s2, $0x0  }
0x53: {  	s3 =	rddreg [dreg:$0x2];
	[bflag:$0x3] =	sbarrier.arrive $0xFFFF;
	s2 =	simm.s32 @!p0 $0x1C01  }
0x54: {  	[timem:s3], [sflag:s2] =	dma.local @!p0 [hbm:s0], s1  }
0x55: {  	s0 =	simm.s32 @!p0 $0x1  }
0x56: {  	_ =	swait.ge @!p0 [sflag:s0], s1  }
0x57: {  	s1 =	ssub.s32 @!p0 $0x0, s1;
	[sflag:s0] =	ssyncset.done @!p0 $0x0  }
0x58: {  	[sflag:s0] =	ssyncadd.s32 @!p0 s1  }
0x59: {  	[bflag:$0x3] =	sbarrier.arrive $0xFFFF  }
0x5a: {  	_ =	shalt  }

</sc_bundles>
